<compile_context>
chip_gen: v7x
topology: tpu7x:2x2x1
jax: 0.10.2.dev20260603
libtpu: 0.0.44.dev20260713+nightly
codegen_flags: <defaults>
</compile_context>

<pallas_src>
import dataclasses
import functools

import jax
import jax.numpy as jnp
from jax import lax
from jax.experimental import pallas as pl
from jax.experimental.pallas import tpu as pltpu
from jax.experimental.pallas import tpu_sc as plsc

NC = 2
NS = 16
LANES = 16


def _sc_compiler_params():
    cp = pltpu.CompilerParams()
    if "needs_layout_passes" in pltpu.CompilerParams.__dataclass_fields__:
        cp = dataclasses.replace(cp, needs_layout_passes=False)
    return cp


def _mm1(X, W1):
    N, D = X.shape
    H = W1.shape[1]
    Hh = H // 2
    BLK = 1000

    def body(x_ref, w_ref, o0_ref, o1_ref):
        acc = jnp.dot(x_ref[...], w_ref[...], preferred_element_type=jnp.float32)
        o0_ref[...] = acc[:, :Hh]
        o1_ref[...] = acc[:, Hh:]

    return pl.pallas_call(
        body,
        grid=(N // BLK,),
        in_specs=[
            pl.BlockSpec((BLK, D), lambda i: (i, 0)),
            pl.BlockSpec((D, H), lambda i: (0, 0)),
        ],
        out_specs=[
            pl.BlockSpec((BLK, Hh), lambda i: (i, 0)),
            pl.BlockSpec((BLK, Hh), lambda i: (i, 0)),
        ],
        out_shape=[jax.ShapeDtypeStruct((N, Hh), jnp.float32)] * 2,
    )(X, W1)


def _spmm1(A0, A1, src, dst, vals, b1):
    N, Hh = A0.shape
    EB = 96
    E = src.shape[0]
    per_tile = -(-(E // NS) // EB) * EB
    pad = per_tile * NS - E
    spread = (jnp.arange(pad, dtype=jnp.int32) * 8) % N
    src = jnp.concatenate([src, spread])
    dst = jnp.concatenate([dst, spread])
    vals = jnp.concatenate([vals, jnp.zeros((pad,), jnp.float32)])
    NB = per_tile // EB
    ZR = 40
    n_chunks = N // ZR
    mesh = plsc.VectorSubcoreMesh(core_axis_name="c", subcore_axis_name="s")

    @functools.partial(
        pl.kernel,
        out_type=[jax.ShapeDtypeStruct((N, Hh), jnp.float32)] * 2,
        mesh=mesh,
        scratch_types=(
            [pltpu.VMEM_SHARED((N, Hh), jnp.float32)]
            + [pltpu.VMEM((per_tile,), jnp.int32)]
            + [pltpu.VMEM((EB,), jnp.int32)] * 3
            + [pltpu.VMEM((EB,), jnp.float32)] * 3
            + [pltpu.VMEM((EB, Hh), jnp.float32)] * 3
            + [pltpu.VMEM((Hh,), jnp.float32)]
            + [pltpu.SemaphoreType.DMA] * 4
        ),
        compiler_params=_sc_compiler_params(),
    )
    def k(a0_hbm, a1_hbm, src_hbm, dst_hbm, vals_hbm, b1_hbm, h0_hbm, h1_hbm,
          acc, sidx, d0, d1, d2, v0, v1, v2,
          r0, r1, r2, b1v, io0, io1, io2, ssem):
        didxs, vvs = [d0, d1, d2], [v0, v1, v2]
        rowss, iosem = [r0, r1, r2], [io0, io1, io2]
        c = lax.axis_index("c")
        s = lax.axis_index("s")
        base0 = s * per_tile

        pltpu.sync_copy(src_hbm.at[pl.ds(base0, per_tile)], sidx)

        pltpu.sync_copy(b1_hbm.at[pl.ds(c * Hh, Hh)], b1v)

        @pl.loop(0, ZR)
        def _(r):
            for h in range(0, Hh, LANES):
                r0[r, pl.ds(h, LANES)] = b1v[pl.ds(h, LANES)]

        @pl.loop(s, n_chunks, step=NS)
        def _(i):
            pltpu.sync_copy(r0.at[pl.ds(0, ZR)], acc.at[pl.ds(i * ZR, ZR)])

        plsc.subcore_barrier()

        def fetch_start(b, p):
            base = base0 + b * EB
            pltpu.async_copy(dst_hbm.at[pl.ds(base, EB)], didxs[p], iosem[p])
            pltpu.async_copy(vals_hbm.at[pl.ds(base, EB)], vvs[p], iosem[p])

            @pl.when(c == 0)
            def _():
                pltpu.async_copy(
                    a0_hbm.at[sidx.at[pl.ds(b * EB, EB)]], rowss[p], iosem[p])

            @pl.when(c == 1)
            def _():
                pltpu.async_copy(
                    a1_hbm.at[sidx.at[pl.ds(b * EB, EB)]], rowss[p], iosem[p])

        def fetch_wait(p):
            pltpu.make_async_copy(
                dst_hbm.at[pl.ds(0, EB)], didxs[p], iosem[p]).wait()
            pltpu.make_async_copy(
                vals_hbm.at[pl.ds(0, EB)], vvs[p], iosem[p]).wait()
            pltpu.make_async_copy(
                a0_hbm.at[sidx.at[pl.ds(0, EB)]], rowss[p], iosem[p]).wait()

        def scale(p):
            @pl.loop(0, EB, unroll=8)
            def _(j):
                jv = jnp.broadcast_to(j, (LANES,)).astype(jnp.int32)
                sv = plsc.load_gather(vvs[p], [jv])
                for h in range(0, Hh, LANES):
                    rowss[p][j, pl.ds(h, LANES)] = (
                        rowss[p][j, pl.ds(h, LANES)] * sv)

        def scatter_wait():
            pltpu.make_async_copy(rowss[0], acc.at[didxs[0]], ssem).wait()

        fetch_start(0, 0)
        fetch_start(1, 1)

        @pl.loop(0, (NB + 2) // 3)
        def _(g):
            for q in range(3):
                b = 3 * g + q

                @pl.when(b < NB)
                def _(b=b, p=q):
                    fetch_wait(p)
                    scale(p)

                    @pl.when(b >= 1)
                    def _():
                        scatter_wait()

                    pltpu.async_copy(
                        rowss[p], acc.at[didxs[p]], ssem, add=True)

                    @pl.when(b + 2 < NB)
                    def _():
                        fetch_start(b + 2, (p + 2) % 3)

        scatter_wait()
        plsc.subcore_barrier()

        @pl.loop(s, n_chunks, step=NS)
        def _(i):
            r = i * ZR

            @pl.when(c == 0)
            def _():
                pltpu.sync_copy(acc.at[pl.ds(r, ZR)], h0_hbm.at[pl.ds(r, ZR)])

            @pl.when(c == 1)
            def _():
                pltpu.sync_copy(acc.at[pl.ds(r, ZR)], h1_hbm.at[pl.ds(r, ZR)])

    return k(A0, A1, src, dst, vals, b1)


def _mm2(H0, H1, W2):
    N, Hh = H0.shape
    C = W2.shape[1]
    BLK = 1000

    def body(h0_ref, h1_ref, w_ref, o_ref):
        a = jnp.maximum(h0_ref[...], 0.0)
        b = jnp.maximum(h1_ref[...], 0.0)
        s = (jnp.dot(a, w_ref[:Hh, :], preferred_element_type=jnp.float32)
             + jnp.dot(b, w_ref[Hh:, :], preferred_element_type=jnp.float32))
        o_ref[...] = jnp.concatenate(
            [s, jnp.zeros((BLK, 128 - C), jnp.float32)], axis=1)

    return pl.pallas_call(
        body,
        grid=(N // BLK,),
        in_specs=[
            pl.BlockSpec((BLK, Hh), lambda i: (i, 0)),
            pl.BlockSpec((BLK, Hh), lambda i: (i, 0)),
            pl.BlockSpec((2 * Hh, C), lambda i: (0, 0)),
        ],
        out_specs=pl.BlockSpec((BLK, 128), lambda i: (i, 0)),
        out_shape=jax.ShapeDtypeStruct((N, 128), jnp.float32),
    )(H0, H1, W2)


def _spmm2(S2, src, dst, vals, node_ids, Cr):
    N, C = S2.shape
    Q = node_ids.shape[0]
    EB = 96
    E = src.shape[0]
    per_tile = -(-(E // (NC * NS)) // EB) * EB
    E2 = per_tile * NC * NS
    pad = E2 - E
    spread = (jnp.arange(pad, dtype=jnp.int32) * 8) % N
    src = jnp.concatenate([src, spread])
    dst = jnp.concatenate([dst, spread])
    vals = jnp.concatenate([vals, jnp.zeros((pad,), jnp.float32)])
    NB = per_tile // EB
    ZR = 40
    n_chunks = N // ZR
    q_per_tile = Q // NS
    mesh = plsc.VectorSubcoreMesh(core_axis_name="c", subcore_axis_name="s")

    @functools.partial(
        pl.kernel,
        out_type=jax.ShapeDtypeStruct((NC, Q, C), jnp.float32),
        mesh=mesh,
        scratch_types=(
            [pltpu.VMEM_SHARED((N, C), jnp.float32)]
            + [pltpu.VMEM((ZR, C), jnp.float32)]
            + [pltpu.VMEM((per_tile,), jnp.int32)]
            + [pltpu.VMEM((EB,), jnp.int32)] * 3
            + [pltpu.VMEM((EB,), jnp.float32)] * 3
            + [pltpu.VMEM((EB, C), jnp.float32)] * 3
            + [pltpu.SemaphoreType.DMA] * 4
        ),
        compiler_params=_sc_compiler_params(),
    )
    def k(s2_hbm, src_hbm, dst_hbm, vals_hbm, nid_hbm, out_hbm,
          acc, zr, sidx, d0, d1, d2, v0, v1, v2,
          r0, r1, r2, io0, io1, io2, ssem):
        didxs, vvs = [d0, d1, d2], [v0, v1, v2]
        rowss, iosem = [r0, r1, r2], [io0, io1, io2]
        c = lax.axis_index("c")
        s = lax.axis_index("s")
        base0 = (c * NS + s) * per_tile

        pltpu.sync_copy(src_hbm.at[pl.ds(base0, per_tile)], sidx)

        @pl.loop(0, ZR)
        def _(r):
            for h in range(0, C, LANES):
                zr[r, pl.ds(h, LANES)] = jnp.zeros((LANES,), jnp.float32)

        @pl.loop(s, n_chunks, step=NS)
        def _(i):
            pltpu.sync_copy(zr, acc.at[pl.ds(i * ZR, ZR)])

        plsc.subcore_barrier()

        def fetch_start(b, p):
            base = base0 + b * EB
            pltpu.async_copy(dst_hbm.at[pl.ds(base, EB)], didxs[p], iosem[p])
            pltpu.async_copy(vals_hbm.at[pl.ds(base, EB)], vvs[p], iosem[p])
            pltpu.async_copy(
                s2_hbm.at[sidx.at[pl.ds(b * EB, EB)]], rowss[p], iosem[p])

        def fetch_wait(p):
            pltpu.make_async_copy(
                dst_hbm.at[pl.ds(0, EB)], didxs[p], iosem[p]).wait()
            pltpu.make_async_copy(
                vals_hbm.at[pl.ds(0, EB)], vvs[p], iosem[p]).wait()
            pltpu.make_async_copy(
                s2_hbm.at[sidx.at[pl.ds(0, EB)]], rowss[p], iosem[p]).wait()

        def scale(p):
            @pl.loop(0, EB, unroll=8)
            def _(j):
                jv = jnp.broadcast_to(j, (LANES,)).astype(jnp.int32)
                sv = plsc.load_gather(vvs[p], [jv])
                for h in range(0, Cr, LANES):
                    rowss[p][j, pl.ds(h, LANES)] = (
                        rowss[p][j, pl.ds(h, LANES)] * sv)

        def scatter_wait():
            pltpu.make_async_copy(rowss[0], acc.at[didxs[0]], ssem).wait()

        fetch_start(0, 0)
        fetch_start(1, 1)

        @pl.loop(0, (NB + 2) // 3)
        def _(g):
            for q in range(3):
                b = 3 * g + q

                @pl.when(b < NB)
                def _(b=b, p=q):
                    fetch_wait(p)
                    scale(p)

                    @pl.when(b >= 1)
                    def _():
                        scatter_wait()

                    pltpu.async_copy(
                        rowss[p], acc.at[didxs[p]], ssem, add=True)

                    @pl.when(b + 2 < NB)
                    def _():
                        fetch_start(b + 2, (p + 2) % 3)

        scatter_wait()
        plsc.subcore_barrier()

        pltpu.sync_copy(nid_hbm.at[pl.ds(s * q_per_tile, q_per_tile)],
                        didxs[1].at[pl.ds(0, q_per_tile)])
        pltpu.async_copy(acc.at[didxs[1].at[pl.ds(0, q_per_tile)]],
                         rowss[1].at[pl.ds(0, q_per_tile)], io0).wait()
        pltpu.sync_copy(rowss[1].at[pl.ds(0, q_per_tile)],
                        out_hbm.at[c, pl.ds(s * q_per_tile, q_per_tile)])

    return k(S2, src, dst, vals, node_ids)


def _final(P, b2):
    _, Q, _ = P.shape
    C = b2.shape[0]

    def body(p_ref, b2_ref, o_ref):
        o_ref[...] = p_ref[0, :, :C] + p_ref[1, :, :C] + b2_ref[...]

    return pl.pallas_call(
        body,
        out_shape=jax.ShapeDtypeStruct((Q, C), jnp.float32),
    )(P, b2.reshape(1, C))


def kernel(X, edge_index, adj_vals, W1, b1, W2, b2, node_ids):
    dst = edge_index[0].astype(jnp.int32)
    src = edge_index[1].astype(jnp.int32)
    node_ids = node_ids.astype(jnp.int32)

    A0, A1 = _mm1(X, W1)
    H0, H1 = _spmm1(A0, A1, src, dst, adj_vals, b1)
    S2 = _mm2(H0, H1, W2)
    P = _spmm2(S2, src, dst, adj_vals, node_ids, W2.shape[1])
    return _final(P, b2)

# --- scband reference (transcript-rebuilt; emitter-appended) ---
"""Pipeline reference for scband-gcn-22230750724312 (READ-ONLY COPY).

The authoritative reference and input builder live on the scoring server;
editing this copy changes nothing except your own understanding.
"""

import jax, jax.numpy as jnp
import numpy as np

N = 10000
E = 160000
D = 256
H = 256
C = 64
Q = 1024


def setup_inputs(seed: int = 0) -> dict:
    key = jax.random.key(seed)
    ks = jax.random.split(key, 8)
    X = jax.random.normal(ks[0], (N, D), dtype=jnp.float32)
    edge_index = jax.random.randint(ks[1], (2, E), 0, N, dtype=jnp.int64) if jax.config.jax_enable_x64 else jax.random.randint(ks[1], (2, E), 0, N, dtype=jnp.int32)
    # normalized adjacency values (roughly 1/deg scale)
    adj_vals = jax.random.uniform(ks[2], (E,), dtype=jnp.float32) / 16.0
    stdv1 = 1.0 / np.sqrt(H)
    W1 = jax.random.uniform(ks[3], (D, H), minval=-stdv1, maxval=stdv1, dtype=jnp.float32)
    b1 = jax.random.uniform(ks[4], (H,), minval=-stdv1, maxval=stdv1, dtype=jnp.float32)
    stdv2 = 1.0 / np.sqrt(C)
    W2 = jax.random.uniform(ks[5], (H, C), minval=-stdv2, maxval=stdv2, dtype=jnp.float32)
    b2 = jax.random.uniform(ks[6], (C,), minval=-stdv2, maxval=stdv2, dtype=jnp.float32)
    node_ids = jax.random.randint(ks[7], (Q,), 0, N)
    return {
        "X": X,
        "edge_index": edge_index,
        "adj_vals": adj_vals,
        "W1": W1,
        "b1": b1,
        "W2": W2,
        "b2": b2,
        "node_ids": node_ids,
    }


def _spmm(edge_index, vals, mat):
    # sparse A (COO: row=dst, col=src) times dense mat
    dst = edge_index[0]
    src = edge_index[1]
    msgs = vals[:, None] * jnp.take(mat, src, axis=0)
    return jax.ops.segment_sum(msgs, dst, num_segments=N)


def reference(X, edge_index, adj_vals, W1, b1, W2, b2, node_ids):
    # gc1: support = X @ W1 ; output = spmm(An, support) + b1
    support1 = X @ W1
    h1 = _spmm(edge_index, adj_vals, support1) + b1
    # with_relu=True
    h1 = jax.nn.relu(h1)
    # gc2 with add_bias=False, then bias added afterwards (with_relu branch)
    support2 = h1 @ W2
    logits = _spmm(edge_index, adj_vals, support2)
    logits = logits + b2
    # gather only requested node logits
    logits_gather = jnp.take(logits, node_ids, axis=0)
    return logits_gather

if __name__ == "__main__":
    import jax
    _d = setup_inputs()
    print(jax.jit(kernel)(*tuple(_d.values())))

</pallas_src>

<mosaic_0001>
#map = affine_map<(d0, d1) -> (0, 0)>
#map1 = affine_map<(d0, d1) -> (0)>
#map2 = affine_map<(d0, d1) -> (0, 0, 0)>
module attributes {stable_mosaic.version = 14 : i64} {
  func.func @k(%arg0: i32, %arg1: i32, %arg2: memref<10000x128xf32, #tpu.memory_space<hbm>>, %arg3: memref<162816xi32, #tpu.memory_space<hbm>>, %arg4: memref<162816xi32, #tpu.memory_space<hbm>>, %arg5: memref<162816xf32, #tpu.memory_space<hbm>>, %arg6: memref<1024xi32, #tpu.memory_space<hbm>>, %arg7: memref<2x1024x128xf32, #tpu.memory_space<hbm>>, %arg8: memref<10000x128xf32, #tpu.memory_space<vmem_shared>>, %arg9: memref<40x128xf32, #tpu.memory_space<vmem>>, %arg10: memref<5088xi32, #tpu.memory_space<vmem>>, %arg11: memref<96xi32, #tpu.memory_space<vmem>>, %arg12: memref<96xi32, #tpu.memory_space<vmem>>, %arg13: memref<96xi32, #tpu.memory_space<vmem>>, %arg14: memref<96xf32, #tpu.memory_space<vmem>>, %arg15: memref<96xf32, #tpu.memory_space<vmem>>, %arg16: memref<96xf32, #tpu.memory_space<vmem>>, %arg17: memref<96x128xf32, #tpu.memory_space<vmem>>, %arg18: memref<96x128xf32, #tpu.memory_space<vmem>>, %arg19: memref<96x128xf32, #tpu.memory_space<vmem>>, %arg20: memref<!tpu.dma_semaphore, #tpu.memory_space<semaphore_mem>>, %arg21: memref<!tpu.dma_semaphore, #tpu.memory_space<semaphore_mem>>, %arg22: memref<!tpu.dma_semaphore, #tpu.memory_space<semaphore_mem>>, %arg23: memref<!tpu.dma_semaphore, #tpu.memory_space<semaphore_mem>>) attributes {dimension_semantics = [#tpu.dimension_semantics<core_parallel>, #tpu.dimension_semantics<subcore_parallel>], iteration_bounds = array<i64: 2, 16>, scalar_prefetch = 0 : i64, scratch_operands = 16 : i64, tpu.core_type = #tpu.core_type<sc_vector_subcore>, window_params = [{transform_indices = #map}, {transform_indices = #map1}, {transform_indices = #map1}, {transform_indices = #map1}, {transform_indices = #map1}, {transform_indices = #map2}]} {
    %mul3A = arith.constant 16 : i32
    %mul3A_0 = arith.muli %arg0, %mul3A : i32
    %add3A = arith.addi %mul3A_0, %arg1 : i32
    %mul3A_1 = arith.constant 5088 : i32
    %mul3A_2 = arith.muli %add3A, %mul3A_1 : i32
    "tpu.region"() ({
      %run_scoped3A = tpu.sem_alloc : memref<!tpu.dma_semaphore, #tpu.memory_space<semaphore_mem>>
      %dma_start3A_71 = tpu.memref_slice %arg3[%mul3A_2] : memref<162816xi32, #tpu.memory_space<hbm>> -> memref<5088xi32, #tpu.memory_space<hbm>>
      %dma_start3A_72 = tpu.memref_slice %arg3[%mul3A_2] : memref<162816xi32, #tpu.memory_space<hbm>> -> memref<5088xi32, #tpu.memory_space<hbm>>
      tpu.enqueue_dma source(%dma_start3A_72 : memref<5088xi32, #tpu.memory_space<hbm>>) target(%arg10 : memref<5088xi32, #tpu.memory_space<vmem>>) target_semaphore(%run_scoped3A : memref<!tpu.dma_semaphore, #tpu.memory_space<semaphore_mem>>)
      %dma_wait3A_73 = tpu.memref_slice %arg3[%mul3A_2] : memref<162816xi32, #tpu.memory_space<hbm>> -> memref<5088xi32, #tpu.memory_space<hbm>>
      %dma_wait3A_74 = tpu.memref_slice %arg3[%mul3A_2] : memref<162816xi32, #tpu.memory_space<hbm>> -> memref<5088xi32, #tpu.memory_space<hbm>>
      tpu.wait_dma2 semaphore(%run_scoped3A : memref<!tpu.dma_semaphore, #tpu.memory_space<semaphore_mem>>) src(%dma_wait3A_74 : memref<5088xi32, #tpu.memory_space<hbm>>) dst(%arg10 : memref<5088xi32, #tpu.memory_space<vmem>>)
      tpu.yield
    }) : () -> ()
    %scan3A = arith.constant 0 : i32
    %scan3A_3 = arith.constant 40 : i32
    %scan3A_4 = arith.addi %scan3A, %scan3A_3 : i32
    %scan3A_5 = arith.constant 1 : i32
    scf.for %scan3A_71 = %scan3A to %scan3A_4 step %scan3A_5  : i32 {
      %mul3A_72 = arith.constant 1 : i32
      %mul3A_73 = arith.muli %scan3A_71, %mul3A_72 : i32
      %add3A_74 = arith.constant 0 : i32
      %add3A_75 = arith.addi %add3A_74, %mul3A_73 : i32
      %broadcast_in_dim3A = arith.constant 0.000000e+00 : f32
      %broadcast_in_dim3A_76 = vector.broadcast %broadcast_in_dim3A : f32 to vector<16xf32>
      %swap3A = arith.index_cast %add3A_75 : i32 to index
      %swap3A_77 = arith.constant 0 : index
      %swap3A_78 = tpu.vector_load %arg9[%swap3A, %swap3A_77] {strides = array<i32>} : memref<40x128xf32, #tpu.memory_space<vmem>>, vector<16xf32>,
      tpu.vector_store %arg9[%swap3A, %swap3A_77], %broadcast_in_dim3A_76 {strides = array<i32>} : memref<40x128xf32, #tpu.memory_space<vmem>>, vector<16xf32>,
      %broadcast_in_dim3A_79 = arith.constant 0.000000e+00 : f32
      %broadcast_in_dim3A_80 = vector.broadcast %broadcast_in_dim3A_79 : f32 to vector<16xf32>
      %swap3A_81 = arith.index_cast %add3A_75 : i32 to index
      %swap3A_82 = arith.constant 16 : index
      %swap3A_83 = tpu.vector_load %arg9[%swap3A_81, %swap3A_82] {strides = array<i32>} : memref<40x128xf32, #tpu.memory_space<vmem>>, vector<16xf32>,
      tpu.vector_store %arg9[%swap3A_81, %swap3A_82], %broadcast_in_dim3A_80 {strides = array<i32>} : memref<40x128xf32, #tpu.memory_space<vmem>>, vector<16xf32>,
      %broadcast_in_dim3A_84 = arith.constant 0.000000e+00 : f32
      %broadcast_in_dim3A_85 = vector.broadcast %broadcast_in_dim3A_84 : f32 to vector<16xf32>
      %swap3A_86 = arith.index_cast %add3A_75 : i32 to index
      %swap3A_87 = arith.constant 32 : index
      %swap3A_88 = tpu.vector_load %arg9[%swap3A_86, %swap3A_87] {strides = array<i32>} : memref<40x128xf32, #tpu.memory_space<vmem>>, vector<16xf32>,
      tpu.vector_store %arg9[%swap3A_86, %swap3A_87], %broadcast_in_dim3A_85 {strides = array<i32>} : memref<40x128xf32, #tpu.memory_space<vmem>>, vector<16xf32>,
      %broadcast_in_dim3A_89 = arith.constant 0.000000e+00 : f32
      %broadcast_in_dim3A_90 = vector.broadcast %broadcast_in_dim3A_89 : f32 to vector<16xf32>
      %swap3A_91 = arith.index_cast %add3A_75 : i32 to index
      %swap3A_92 = arith.constant 48 : index
      %swap3A_93 = tpu.vector_load %arg9[%swap3A_91, %swap3A_92] {strides = array<i32>} : memref<40x128xf32, #tpu.memory_space<vmem>>, vector<16xf32>,
      tpu.vector_store %arg9[%swap3A_91, %swap3A_92], %broadcast_in_dim3A_90 {strides = array<i32>} : memref<40x128xf32, #tpu.memory_space<vmem>>, vector<16xf32>,
      %broadcast_in_dim3A_94 = arith.constant 0.000000e+00 : f32
      %broadcast_in_dim3A_95 = vector.broadcast %broadcast_in_dim3A_94 : f32 to vector<16xf32>
      %swap3A_96 = arith.index_cast %add3A_75 : i32 to index
      %swap3A_97 = arith.constant 64 : index
      %swap3A_98 = tpu.vector_load %arg9[%swap3A_96, %swap3A_97] {strides = array<i32>} : memref<40x128xf32, #tpu.memory_space<vmem>>, vector<16xf32>,
      tpu.vector_store %arg9[%swap3A_96, %swap3A_97], %broadcast_in_dim3A_95 {strides = array<i32>} : memref<40x128xf32, #tpu.memory_space<vmem>>, vector<16xf32>,
      %broadcast_in_dim3A_99 = arith.constant 0.000000e+00 : f32
      %broadcast_in_dim3A_100 = vector.broadcast %broadcast_in_dim3A_99 : f32 to vector<16xf32>
      %swap3A_101 = arith.index_cast %add3A_75 : i32 to index
      %swap3A_102 = arith.constant 80 : index
      %swap3A_103 = tpu.vector_load %arg9[%swap3A_101, %swap3A_102] {strides = array<i32>} : memref<40x128xf32, #tpu.memory_space<vmem>>, vector<16xf32>,
      tpu.vector_store %arg9[%swap3A_101, %swap3A_102], %broadcast_in_dim3A_100 {strides = array<i32>} : memref<40x128xf32, #tpu.memory_space<vmem>>, vector<16xf32>,
      %broadcast_in_dim3A_104 = arith.constant 0.000000e+00 : f32
      %broadcast_in_dim3A_105 = vector.broadcast %broadcast_in_dim3A_104 : f32 to vector<16xf32>
      %swap3A_106 = arith.index_cast %add3A_75 : i32 to index
      %swap3A_107 = arith.constant 96 : index
      %swap3A_108 = tpu.vector_load %arg9[%swap3A_106, %swap3A_107] {strides = array<i32>} : memref<40x128xf32, #tpu.memory_space<vmem>>, vector<16xf32>,
      tpu.vector_store %arg9[%swap3A_106, %swap3A_107], %broadcast_in_dim3A_105 {strides = array<i32>} : memref<40x128xf32, #tpu.memory_space<vmem>>, vector<16xf32>,
      %broadcast_in_dim3A_109 = arith.constant 0.000000e+00 : f32
      %broadcast_in_dim3A_110 = vector.broadcast %broadcast_in_dim3A_109 : f32 to vector<16xf32>
      %swap3A_111 = arith.index_cast %add3A_75 : i32 to index
      %swap3A_112 = arith.constant 112 : index
      %swap3A_113 = tpu.vector_load %arg9[%swap3A_111, %swap3A_112] {strides = array<i32>} : memref<40x128xf32, #tpu.memory_space<vmem>>, vector<16xf32>,
      tpu.vector_store %arg9[%swap3A_111, %swap3A_112], %broadcast_in_dim3A_110 {strides = array<i32>} : memref<40x128xf32, #tpu.memory_space<vmem>>, vector<16xf32>,
    }
    %scan3A_6 = arith.constant 40 : i32
    %sub3A = arith.constant 250 : i32
    %sub3A_7 = arith.subi %sub3A, %arg1 : i32
    %sub3A_8 = arith.constant 16 : i32
    %sub3A_9 = arith.constant 1 : i32
    %sub3A_10 = arith.subi %sub3A_8, %sub3A_9 : i32
    %add3A_11 = arith.addi %sub3A_7, %sub3A_10 : i32
    %div3A = arith.constant 16 : i32
    %div3A_12 = arith.divsi %add3A_11, %div3A : i32
    %while3A = arith.constant 16 : i32
    %while3A_13 = arith.constant 0 : i32
    %while3A_14 = arith.subi %div3A_12, %while3A_13 : i32
    %while3A_15 = arith.addi %while3A_13, %while3A_14 : i32
    %while3A_16 = arith.constant 1 : i32
    %while3A_17 = arith.divsi %while3A_14, %while3A_16 : i32
    %while3A_18 = arith.muli %while3A_17, %while3A_16 : i32
    %while3A_19 = arith.addi %while3A_13, %while3A_18 : i32
    %while3A_20 = arith.constant 1 : i32
    scf.for %while3A_71 = %while3A_13 to %while3A_19 step %while3A_20  : i32 {
      %mul3A_72 = arith.muli %while3A_71, %while3A : i32
      %add3A_73 = arith.addi %arg1, %mul3A_72 : i32
      %mul3A_74 = arith.constant 40 : i32
      %mul3A_75 = arith.muli %add3A_73, %mul3A_74 : i32
      "tpu.region"() ({
        %run_scoped3A = tpu.sem_alloc : memref<!tpu.dma_semaphore, #tpu.memory_space<semaphore_mem>>
        %dma_start3A_76 = arith.constant 0 : i32
        %dma_start3A_77 = tpu.memref_slice %arg8[%mul3A_75, %dma_start3A_76] : memref<10000x128xf32, #tpu.memory_space<vmem_shared>> -> memref<40x128xf32, #tpu.memory_space<vmem_shared>>
        %dma_start3A_78 = arith.constant 0 : i32
        %dma_start3A_79 = tpu.memref_slice %arg8[%mul3A_75, %dma_start3A_78] : memref<10000x128xf32, #tpu.memory_space<vmem_shared>> -> memref<40x128xf32, #tpu.memory_space<vmem_shared>>
        tpu.enqueue_dma source(%arg9 : memref<40x128xf32, #tpu.memory_space<vmem>>) target(%dma_start3A_79 : memref<40x128xf32, #tpu.memory_space<vmem_shared>>) target_semaphore(%run_scoped3A : memref<!tpu.dma_semaphore, #tpu.memory_space<semaphore_mem>>)
        %dma_wait3A_80 = arith.constant 0 : i32
        %dma_wait3A_81 = tpu.memref_slice %arg8[%mul3A_75, %dma_wait3A_80] : memref<10000x128xf32, #tpu.memory_space<vmem_shared>> -> memref<40x128xf32, #tpu.memory_space<vmem_shared>>
        %dma_wait3A_82 = arith.constant 0 : i32
        %dma_wait3A_83 = tpu.memref_slice %arg8[%mul3A_75, %dma_wait3A_82] : memref<10000x128xf32, #tpu.memory_space<vmem_shared>> -> memref<40x128xf32, #tpu.memory_space<vmem_shared>>
        tpu.wait_dma2 semaphore(%run_scoped3A : memref<!tpu.dma_semaphore, #tpu.memory_space<semaphore_mem>>) src(%arg9 : memref<40x128xf32, #tpu.memory_space<vmem>>) dst(%dma_wait3A_83 : memref<40x128xf32, #tpu.memory_space<vmem_shared>>)
        tpu.yield
      }) : () -> ()
    }
    %while3A_21 = arith.constant 1 : i32
    scf.for %while3A_71 = %while3A_19 to %while3A_15 step %while3A_21  : i32 {
      %mul3A_72 = arith.muli %while3A_71, %while3A : i32
      %add3A_73 = arith.addi %arg1, %mul3A_72 : i32
      %mul3A_74 = arith.constant 40 : i32
      %mul3A_75 = arith.muli %add3A_73, %mul3A_74 : i32
      "tpu.region"() ({
        %run_scoped3A = tpu.sem_alloc : memref<!tpu.dma_semaphore, #tpu.memory_space<semaphore_mem>>
        %dma_start3A_76 = arith.constant 0 : i32
        %dma_start3A_77 = tpu.memref_slice %arg8[%mul3A_75, %dma_start3A_76] : memref<10000x128xf32, #tpu.memory_space<vmem_shared>> -> memref<40x128xf32, #tpu.memory_space<vmem_shared>>
        %dma_start3A_78 = arith.constant 0 : i32
        %dma_start3A_79 = tpu.memref_slice %arg8[%mul3A_75, %dma_start3A_78] : memref<10000x128xf32, #tpu.memory_space<vmem_shared>> -> memref<40x128xf32, #tpu.memory_space<vmem_shared>>
        tpu.enqueue_dma source(%arg9 : memref<40x128xf32, #tpu.memory_space<vmem>>) target(%dma_start3A_79 : memref<40x128xf32, #tpu.memory_space<vmem_shared>>) target_semaphore(%run_scoped3A : memref<!tpu.dma_semaphore, #tpu.memory_space<semaphore_mem>>)
        %dma_wait3A_80 = arith.constant 0 : i32
        %dma_wait3A_81 = tpu.memref_slice %arg8[%mul3A_75, %dma_wait3A_80] : memref<10000x128xf32, #tpu.memory_space<vmem_shared>> -> memref<40x128xf32, #tpu.memory_space<vmem_shared>>
        %dma_wait3A_82 = arith.constant 0 : i32
        %dma_wait3A_83 = tpu.memref_slice %arg8[%mul3A_75, %dma_wait3A_82] : memref<10000x128xf32, #tpu.memory_space<vmem_shared>> -> memref<40x128xf32, #tpu.memory_space<vmem_shared>>
        tpu.wait_dma2 semaphore(%run_scoped3A : memref<!tpu.dma_semaphore, #tpu.memory_space<semaphore_mem>>) src(%arg9 : memref<40x128xf32, #tpu.memory_space<vmem>>) dst(%dma_wait3A_83 : memref<40x128xf32, #tpu.memory_space<vmem_shared>>)
        tpu.yield
      }) : () -> ()
    }
    %barrier3A = arith.constant 0 : index
    tpu.barrier barrier_id(%barrier3A)
    %add3A_22 = arith.constant 0 : i32
    %add3A_23 = arith.addi %mul3A_2, %add3A_22 : i32
    %dma_start3A = tpu.memref_slice %arg4[%add3A_23] : memref<162816xi32, #tpu.memory_space<hbm>> -> memref<96xi32, #tpu.memory_space<hbm>>
    %dma_start3A_24 = tpu.memref_slice %arg4[%add3A_23] : memref<162816xi32, #tpu.memory_space<hbm>> -> memref<96xi32, #tpu.memory_space<hbm>>
    tpu.enqueue_dma source(%dma_start3A_24 : memref<96xi32, #tpu.memory_space<hbm>>) target(%arg11 : memref<96xi32, #tpu.memory_space<vmem>>) target_semaphore(%arg20 : memref<!tpu.dma_semaphore, #tpu.memory_space<semaphore_mem>>)
    %dma_start3A_25 = tpu.memref_slice %arg5[%add3A_23] : memref<162816xf32, #tpu.memory_space<hbm>> -> memref<96xf32, #tpu.memory_space<hbm>>
    %dma_start3A_26 = tpu.memref_slice %arg5[%add3A_23] : memref<162816xf32, #tpu.memory_space<hbm>> -> memref<96xf32, #tpu.memory_space<hbm>>
    tpu.enqueue_dma source(%dma_start3A_26 : memref<96xf32, #tpu.memory_space<hbm>>) target(%arg14 : memref<96xf32, #tpu.memory_space<vmem>>) target_semaphore(%arg20 : memref<!tpu.dma_semaphore, #tpu.memory_space<semaphore_mem>>)
    %dma_start3A_27 = arith.constant 0 : i32
    %dma_start3A_28 = tpu.memref_slice %arg10[%dma_start3A_27] : memref<5088xi32, #tpu.memory_space<vmem>> -> memref<96xi32, #tpu.memory_space<vmem>>
    %dma_start3A_29 = arith.constant 0 : i32
    %dma_start3A_30 = arith.constant 0 : i32
    %dma_start3A_31 = tpu.memref_slice %arg2[%dma_start3A_29, %dma_start3A_30] : memref<10000x128xf32, #tpu.memory_space<hbm>> -> memref<10000x128xf32, #tpu.memory_space<hbm>>
    tpu.enqueue_indirect_dma source(%dma_start3A_31 : memref<10000x128xf32, #tpu.memory_space<hbm>>) target(%arg17 : memref<96x128xf32, #tpu.memory_space<vmem>>) offsets(%dma_start3A_28 : memref<96xi32, #tpu.memory_space<vmem>>) semaphore(%arg20 : memref<!tpu.dma_semaphore, #tpu.memory_space<semaphore_mem>>)
    %add3A_32 = arith.constant 96 : i32
    %add3A_33 = arith.addi %mul3A_2, %add3A_32 : i32
    %dma_start3A_34 = tpu.memref_slice %arg4[%add3A_33] : memref<162816xi32, #tpu.memory_space<hbm>> -> memref<96xi32, #tpu.memory_space<hbm>>
    %dma_start3A_35 = tpu.memref_slice %arg4[%add3A_33] : memref<162816xi32, #tpu.memory_space<hbm>> -> memref<96xi32, #tpu.memory_space<hbm>>
    tpu.enqueue_dma source(%dma_start3A_35 : memref<96xi32, #tpu.memory_space<hbm>>) target(%arg12 : memref<96xi32, #tpu.memory_space<vmem>>) target_semaphore(%arg21 : memref<!tpu.dma_semaphore, #tpu.memory_space<semaphore_mem>>)
    %dma_start3A_36 = tpu.memref_slice %arg5[%add3A_33] : memref<162816xf32, #tpu.memory_space<hbm>> -> memref<96xf32, #tpu.memory_space<hbm>>
    %dma_start3A_37 = tpu.memref_slice %arg5[%add3A_33] : memref<162816xf32, #tpu.memory_space<hbm>> -> memref<96xf32, #tpu.memory_space<hbm>>
    tpu.enqueue_dma source(%dma_start3A_37 : memref<96xf32, #tpu.memory_space<hbm>>) target(%arg15 : memref<96xf32, #tpu.memory_space<vmem>>) target_semaphore(%arg21 : memref<!tpu.dma_semaphore, #tpu.memory_space<semaphore_mem>>)
    %dma_start3A_38 = arith.constant 96 : i32
    %dma_start3A_39 = tpu.memref_slice %arg10[%dma_start3A_38] : memref<5088xi32, #tpu.memory_space<vmem>> -> memref<96xi32, #tpu.memory_space<vmem>>
    %dma_start3A_40 = arith.constant 0 : i32
    %dma_start3A_41 = arith.constant 0 : i32
    %dma_start3A_42 = tpu.memref_slice %arg2[%dma_start3A_40, %dma_start3A_41] : memref<10000x128xf32, #tpu.memory_space<hbm>> -> memref<10000x128xf32, #tpu.memory_space<hbm>>
    tpu.enqueue_indirect_dma source(%dma_start3A_42 : memref<10000x128xf32, #tpu.memory_space<hbm>>) target(%arg18 : memref<96x128xf32, #tpu.memory_space<vmem>>) offsets(%dma_start3A_39 : memref<96xi32, #tpu.memory_space<vmem>>) semaphore(%arg21 : memref<!tpu.dma_semaphore, #tpu.memory_space<semaphore_mem>>)
    %scan3A_43 = arith.constant 0 : i32
    %scan3A_44 = arith.constant 18 : i32
    %scan3A_45 = arith.addi %scan3A_43, %scan3A_44 : i32
    %scan3A_46 = arith.constant 1 : i32
    scf.for %scan3A_71 = %scan3A_43 to %scan3A_45 step %scan3A_46  : i32 {
      %mul3A_72 = arith.constant 1 : i32
      %mul3A_73 = arith.muli %scan3A_71, %mul3A_72 : i32
      %add3A_74 = arith.constant 0 : i32
      %add3A_75 = arith.addi %add3A_74, %mul3A_73 : i32
      %mul3A_76 = arith.constant 3 : i32
      %mul3A_77 = arith.muli %mul3A_76, %add3A_75 : i32
      %add3A_78 = arith.constant 0 : i32
      %add3A_79 = arith.addi %mul3A_77, %add3A_78 : i32
      %lt3A = arith.constant 53 : i32
      %lt3A_80 = arith.cmpi slt, %add3A_79, %lt3A : i32
      %convert_element_type3A = arith.extui %lt3A_80 : i1 to i32
      %cond3A = arith.constant 0 : i32
      %cond3A_81 = arith.cmpi ne, %convert_element_type3A, %cond3A : i32
      scf.if %cond3A_81 {
        %dma_wait3A_100 = arith.constant 0 : i32
        %dma_wait3A_101 = tpu.memref_slice %arg4[%dma_wait3A_100] : memref<162816xi32, #tpu.memory_space<hbm>> -> memref<96xi32, #tpu.memory_space<hbm>>
        %dma_wait3A_102 = arith.constant 0 : i32
        %dma_wait3A_103 = tpu.memref_slice %arg4[%dma_wait3A_102] : memref<162816xi32, #tpu.memory_space<hbm>> -> memref<96xi32, #tpu.memory_space<hbm>>
        tpu.wait_dma2 semaphore(%arg20 : memref<!tpu.dma_semaphore, #tpu.memory_space<semaphore_mem>>) src(%dma_wait3A_103 : memref<96xi32, #tpu.memory_space<hbm>>) dst(%arg11 : memref<96xi32, #tpu.memory_space<vmem>>)
        %dma_wait3A_104 = arith.constant 0 : i32
        %dma_wait3A_105 = tpu.memref_slice %arg5[%dma_wait3A_104] : memref<162816xf32, #tpu.memory_space<hbm>> -> memref<96xf32, #tpu.memory_space<hbm>>
        %dma_wait3A_106 = arith.constant 0 : i32
        %dma_wait3A_107 = tpu.memref_slice %arg5[%dma_wait3A_106] : memref<162816xf32, #tpu.memory_space<hbm>> -> memref<96xf32, #tpu.memory_space<hbm>>
        tpu.wait_dma2 semaphore(%arg20 : memref<!tpu.dma_semaphore, #tpu.memory_space<semaphore_mem>>) src(%dma_wait3A_107 : memref<96xf32, #tpu.memory_space<hbm>>) dst(%arg14 : memref<96xf32, #tpu.memory_space<vmem>>)
        %dma_wait3A_108 = arith.constant 0 : i32
        %dma_wait3A_109 = tpu.memref_slice %arg10[%dma_wait3A_108] : memref<5088xi32, #tpu.memory_space<vmem>> -> memref<96xi32, #tpu.memory_space<vmem>>
        %dma_wait3A_110 = arith.constant 0 : i32
        %dma_wait3A_111 = arith.constant 0 : i32
        %dma_wait3A_112 = tpu.memref_slice %arg2[%dma_wait3A_110, %dma_wait3A_111] : memref<10000x128xf32, #tpu.memory_space<hbm>> -> memref<10000x128xf32, #tpu.memory_space<hbm>>
        tpu.wait_indirect_dma semaphore(%arg20 : memref<!tpu.dma_semaphore, #tpu.memory_space<semaphore_mem>>) src(%dma_wait3A_112 : memref<10000x128xf32, #tpu.memory_space<hbm>>) dst(%arg17 : memref<96x128xf32, #tpu.memory_space<vmem>>)
        %scan3A_113 = arith.constant 0 : i32
        %scan3A_114 = arith.constant 96 : i32
        %scan3A_115 = arith.addi %scan3A_113, %scan3A_114 : i32
        %scan3A_116 = arith.constant 8 : i32
        scf.for %scan3A_132 = %scan3A_113 to %scan3A_115 step %scan3A_116  : i32 {
          %mul3A_133 = arith.constant 1 : i32
          %mul3A_134 = arith.muli %scan3A_132, %mul3A_133 : i32
          %add3A_135 = arith.constant 0 : i32
          %add3A_136 = arith.addi %add3A_135, %mul3A_134 : i32
          %broadcast_in_dim3A = vector.broadcast %add3A_136 : i32 to vector<16xi32>
          %gather3A = tpu.vector_load_idx %arg14[%broadcast_in_dim3A] : memref<96xf32, #tpu.memory_space<vmem>>[vector<16xi32>], vector<16xf32>,
          %get3A = arith.index_cast %add3A_136 : i32 to index
          %get3A_137 = arith.constant 0 : index
          %get3A_138 = tpu.vector_load %arg17[%get3A, %get3A_137] {strides = array<i32>} : memref<96x128xf32, #tpu.memory_space<vmem>>, vector<16xf32>,
          %mul3A_139 = arith.mulf %get3A_138, %gather3A : vector<16xf32>
          %swap3A = arith.index_cast %add3A_136 : i32 to index
          %swap3A_140 = arith.constant 0 : index
          %swap3A_141 = tpu.vector_load %arg17[%swap3A, %swap3A_140] {strides = array<i32>} : memref<96x128xf32, #tpu.memory_space<vmem>>, vector<16xf32>,
          tpu.vector_store %arg17[%swap3A, %swap3A_140], %mul3A_139 {strides = array<i32>} : memref<96x128xf32, #tpu.memory_space<vmem>>, vector<16xf32>,
          %get3A_142 = arith.index_cast %add3A_136 : i32 to index
          %get3A_143 = arith.constant 16 : index
          %get3A_144 = tpu.vector_load %arg17[%get3A_142, %get3A_143] {strides = array<i32>} : memref<96x128xf32, #tpu.memory_space<vmem>>, vector<16xf32>,
          %mul3A_145 = arith.mulf %get3A_144, %gather3A : vector<16xf32>
          %swap3A_146 = arith.index_cast %add3A_136 : i32 to index
          %swap3A_147 = arith.constant 16 : index
          %swap3A_148 = tpu.vector_load %arg17[%swap3A_146, %swap3A_147] {strides = array<i32>} : memref<96x128xf32, #tpu.memory_space<vmem>>, vector<16xf32>,
          tpu.vector_store %arg17[%swap3A_146, %swap3A_147], %mul3A_145 {strides = array<i32>} : memref<96x128xf32, #tpu.memory_space<vmem>>, vector<16xf32>,
          %get3A_149 = arith.index_cast %add3A_136 : i32 to index
          %get3A_150 = arith.constant 32 : index
          %get3A_151 = tpu.vector_load %arg17[%get3A_149, %get3A_150] {strides = array<i32>} : memref<96x128xf32, #tpu.memory_space<vmem>>, vector<16xf32>,
          %mul3A_152 = arith.mulf %get3A_151, %gather3A : vector<16xf32>
          %swap3A_153 = arith.index_cast %add3A_136 : i32 to index
          %swap3A_154 = arith.constant 32 : index
          %swap3A_155 = tpu.vector_load %arg17[%swap3A_153, %swap3A_154] {strides = array<i32>} : memref<96x128xf32, #tpu.memory_space<vmem>>, vector<16xf32>,
          tpu.vector_store %arg17[%swap3A_153, %swap3A_154], %mul3A_152 {strides = array<i32>} : memref<96x128xf32, #tpu.memory_space<vmem>>, vector<16xf32>,
          %get3A_156 = arith.index_cast %add3A_136 : i32 to index
          %get3A_157 = arith.constant 48 : index
          %get3A_158 = tpu.vector_load %arg17[%get3A_156, %get3A_157] {strides = array<i32>} : memref<96x128xf32, #tpu.memory_space<vmem>>, vector<16xf32>,
          %mul3A_159 = arith.mulf %get3A_158, %gather3A : vector<16xf32>
          %swap3A_160 = arith.index_cast %add3A_136 : i32 to index
          %swap3A_161 = arith.constant 48 : index
          %swap3A_162 = tpu.vector_load %arg17[%swap3A_160, %swap3A_161] {strides = array<i32>} : memref<96x128xf32, #tpu.memory_space<vmem>>, vector<16xf32>,
          tpu.vector_store %arg17[%swap3A_160, %swap3A_161], %mul3A_159 {strides = array<i32>} : memref<96x128xf32, #tpu.memory_space<vmem>>, vector<16xf32>,
          %scan3A_163 = arith.constant 1 : i32
          %scan3A_164 = arith.addi %scan3A_132, %scan3A_163 : i32
          %mul3A_165 = arith.constant 1 : i32
          %mul3A_166 = arith.muli %scan3A_164, %mul3A_165 : i32
          %add3A_167 = arith.constant 0 : i32
          %add3A_168 = arith.addi %add3A_167, %mul3A_166 : i32
          %broadcast_in_dim3A_169 = vector.broadcast %add3A_168 : i32 to vector<16xi32>
          %gather3A_170 = tpu.vector_load_idx %arg14[%broadcast_in_dim3A_169] : memref<96xf32, #tpu.memory_space<vmem>>[vector<16xi32>], vector<16xf32>,
          %get3A_171 = arith.index_cast %add3A_168 : i32 to index
          %get3A_172 = arith.constant 0 : index
          %get3A_173 = tpu.vector_load %arg17[%get3A_171, %get3A_172] {strides = array<i32>} : memref<96x128xf32, #tpu.memory_space<vmem>>, vector<16xf32>,
          %mul3A_174 = arith.mulf %get3A_173, %gather3A_170 : vector<16xf32>
          %swap3A_175 = arith.index_cast %add3A_168 : i32 to index
          %swap3A_176 = arith.constant 0 : index
          %swap3A_177 = tpu.vector_load %arg17[%swap3A_175, %swap3A_176] {strides = array<i32>} : memref<96x128xf32, #tpu.memory_space<vmem>>, vector<16xf32>,
          tpu.vector_store %arg17[%swap3A_175, %swap3A_176], %mul3A_174 {strides = array<i32>} : memref<96x128xf32, #tpu.memory_space<vmem>>, vector<16xf32>,
          %get3A_178 = arith.index_cast %add3A_168 : i32 to index
          %get3A_179 = arith.constant 16 : index
          %get3A_180 = tpu.vector_load %arg17[%get3A_178, %get3A_179] {strides = array<i32>} : memref<96x128xf32, #tpu.memory_space<vmem>>, vector<16xf32>,
          %mul3A_181 = arith.mulf %get3A_180, %gather3A_170 : vector<16xf32>
          %swap3A_182 = arith.index_cast %add3A_168 : i32 to index
          %swap3A_183 = arith.constant 16 : index
          %swap3A_184 = tpu.vector_load %arg17[%swap3A_182, %swap3A_183] {strides = array<i32>} : memref<96x128xf32, #tpu.memory_space<vmem>>, vector<16xf32>,
          tpu.vector_store %arg17[%swap3A_182, %swap3A_183], %mul3A_181 {strides = array<i32>} : memref<96x128xf32, #tpu.memory_space<vmem>>, vector<16xf32>,
          %get3A_185 = arith.index_cast %add3A_168 : i32 to index
          %get3A_186 = arith.constant 32 : index
          %get3A_187 = tpu.vector_load %arg17[%get3A_185, %get3A_186] {strides = array<i32>} : memref<96x128xf32, #tpu.memory_space<vmem>>, vector<16xf32>,
          %mul3A_188 = arith.mulf %get3A_187, %gather3A_170 : vector<16xf32>
          %swap3A_189 = arith.index_cast %add3A_168 : i32 to index
          %swap3A_190 = arith.constant 32 : index
          %swap3A_191 = tpu.vector_load %arg17[%swap3A_189, %swap3A_190] {strides = array<i32>} : memref<96x128xf32, #tpu.memory_space<vmem>>, vector<16xf32>,
          tpu.vector_store %arg17[%swap3A_189, %swap3A_190], %mul3A_188 {strides = array<i32>} : memref<96x128xf32, #tpu.memory_space<vmem>>, vector<16xf32>,
          %get3A_192 = arith.index_cast %add3A_168 : i32 to index
          %get3A_193 = arith.constant 48 : index
          %get3A_194 = tpu.vector_load %arg17[%get3A_192, %get3A_193] {strides = array<i32>} : memref<96x128xf32, #tpu.memory_space<vmem>>, vector<16xf32>,
          %mul3A_195 = arith.mulf %get3A_194, %gather3A_170 : vector<16xf32>
          %swap3A_196 = arith.index_cast %add3A_168 : i32 to index
          %swap3A_197 = arith.constant 48 : index
          %swap3A_198 = tpu.vector_load %arg17[%swap3A_196, %swap3A_197] {strides = array<i32>} : memref<96x128xf32, #tpu.memory_space<vmem>>, vector<16xf32>,
          tpu.vector_store %arg17[%swap3A_196, %swap3A_197], %mul3A_195 {strides = array<i32>} : memref<96x128xf32, #tpu.memory_space<vmem>>, vector<16xf32>,
          %scan3A_199 = arith.constant 2 : i32
          %scan3A_200 = arith.addi %scan3A_132, %scan3A_199 : i32
          %mul3A_201 = arith.constant 1 : i32
          %mul3A_202 = arith.muli %scan3A_200, %mul3A_201 : i32
          %add3A_203 = arith.constant 0 : i32
          %add3A_204 = arith.addi %add3A_203, %mul3A_202 : i32
          %broadcast_in_dim3A_205 = vector.broadcast %add3A_204 : i32 to vector<16xi32>
          %gather3A_206 = tpu.vector_load_idx %arg14[%broadcast_in_dim3A_205] : memref<96xf32, #tpu.memory_space<vmem>>[vector<16xi32>], vector<16xf32>,
          %get3A_207 = arith.index_cast %add3A_204 : i32 to index
          %get3A_208 = arith.constant 0 : index
          %get3A_209 = tpu.vector_load %arg17[%get3A_207, %get3A_208] {strides = array<i32>} : memref<96x128xf32, #tpu.memory_space<vmem>>, vector<16xf32>,
          %mul3A_210 = arith.mulf %get3A_209, %gather3A_206 : vector<16xf32>
          %swap3A_211 = arith.index_cast %add3A_204 : i32 to index
          %swap3A_212 = arith.constant 0 : index
          %swap3A_213 = tpu.vector_load %arg17[%swap3A_211, %swap3A_212] {strides = array<i32>} : memref<96x128xf32, #tpu.memory_space<vmem>>, vector<16xf32>,
          tpu.vector_store %arg17[%swap3A_211, %swap3A_212], %mul3A_210 {strides = array<i32>} : memref<96x128xf32, #tpu.memory_space<vmem>>, vector<16xf32>,
          %get3A_214 = arith.index_cast %add3A_204 : i32 to index
          %get3A_215 = arith.constant 16 : index
          %get3A_216 = tpu.vector_load %arg17[%get3A_214, %get3A_215] {strides = array<i32>} : memref<96x128xf32, #tpu.memory_space<vmem>>, vector<16xf32>,
          %mul3A_217 = arith.mulf %get3A_216, %gather3A_206 : vector<16xf32>
          %swap3A_218 = arith.index_cast %add3A_204 : i32 to index
          %swap3A_219 = arith.constant 16 : index
          %swap3A_220 = tpu.vector_load %arg17[%swap3A_218, %swap3A_219] {strides = array<i32>} : memref<96x128xf32, #tpu.memory_space<vmem>>, vector<16xf32>,
          tpu.vector_store %arg17[%swap3A_218, %swap3A_219], %mul3A_217 {strides = array<i32>} : memref<96x128xf32, #tpu.memory_space<vmem>>, vector<16xf32>,
          %get3A_221 = arith.index_cast %add3A_204 : i32 to index
          %get3A_222 = arith.constant 32 : index
          %get3A_223 = tpu.vector_load %arg17[%get3A_221, %get3A_222] {strides = array<i32>} : memref<96x128xf32, #tpu.memory_space<vmem>>, vector<16xf32>,
          %mul3A_224 = arith.mulf %get3A_223, %gather3A_206 : vector<16xf32>
          %swap3A_225 = arith.index_cast %add3A_204 : i32 to index
          %swap3A_226 = arith.constant 32 : index
          %swap3A_227 = tpu.vector_load %arg17[%swap3A_225, %swap3A_226] {strides = array<i32>} : memref<96x128xf32, #tpu.memory_space<vmem>>, vector<16xf32>,
          tpu.vector_store %arg17[%swap3A_225, %swap3A_226], %mul3A_224 {strides = array<i32>} : memref<96x128xf32, #tpu.memory_space<vmem>>, vector<16xf32>,
          %get3A_228 = arith.index_cast %add3A_204 : i32 to index
          %get3A_229 = arith.constant 48 : index
          %get3A_230 = tpu.vector_load %arg17[%get3A_228, %get3A_229] {strides = array<i32>} : memref<96x128xf32, #tpu.memory_space<vmem>>, vector<16xf32>,
          %mul3A_231 = arith.mulf %get3A_230, %gather3A_206 : vector<16xf32>
          %swap3A_232 = arith.index_cast %add3A_204 : i32 to index
          %swap3A_233 = arith.constant 48 : index
          %swap3A_234 = tpu.vector_load %arg17[%swap3A_232, %swap3A_233] {strides = array<i32>} : memref<96x128xf32, #tpu.memory_space<vmem>>, vector<16xf32>,
          tpu.vector_store %arg17[%swap3A_232, %swap3A_233], %mul3A_231 {strides = array<i32>} : memref<96x128xf32, #tpu.memory_space<vmem>>, vector<16xf32>,
          %scan3A_235 = arith.constant 3 : i32
          %scan3A_236 = arith.addi %scan3A_132, %scan3A_235 : i32
          %mul3A_237 = arith.constant 1 : i32
          %mul3A_238 = arith.muli %scan3A_236, %mul3A_237 : i32
          %add3A_239 = arith.constant 0 : i32
          %add3A_240 = arith.addi %add3A_239, %mul3A_238 : i32
          %broadcast_in_dim3A_241 = vector.broadcast %add3A_240 : i32 to vector<16xi32>
          %gather3A_242 = tpu.vector_load_idx %arg14[%broadcast_in_dim3A_241] : memref<96xf32, #tpu.memory_space<vmem>>[vector<16xi32>], vector<16xf32>,
          %get3A_243 = arith.index_cast %add3A_240 : i32 to index
          %get3A_244 = arith.constant 0 : index
          %get3A_245 = tpu.vector_load %arg17[%get3A_243, %get3A_244] {strides = array<i32>} : memref<96x128xf32, #tpu.memory_space<vmem>>, vector<16xf32>,
          %mul3A_246 = arith.mulf %get3A_245, %gather3A_242 : vector<16xf32>
          %swap3A_247 = arith.index_cast %add3A_240 : i32 to index
          %swap3A_248 = arith.constant 0 : index
          %swap3A_249 = tpu.vector_load %arg17[%swap3A_247, %swap3A_248] {strides = array<i32>} : memref<96x128xf32, #tpu.memory_space<vmem>>, vector<16xf32>,
          tpu.vector_store %arg17[%swap3A_247, %swap3A_248], %mul3A_246 {strides = array<i32>} : memref<96x128xf32, #tpu.memory_space<vmem>>, vector<16xf32>,
          %get3A_250 = arith.index_cast %add3A_240 : i32 to index
          %get3A_251 = arith.constant 16 : index
          %get3A_252 = tpu.vector_load %arg17[%get3A_250, %get3A_251] {strides = array<i32>} : memref<96x128xf32, #tpu.memory_space<vmem>>, vector<16xf32>,
          %mul3A_253 = arith.mulf %get3A_252, %gather3A_242 : vector<16xf32>
          %swap3A_254 = arith.index_cast %add3A_240 : i32 to index
          %swap3A_255 = arith.constant 16 : index
          %swap3A_256 = tpu.vector_load %arg17[%swap3A_254, %swap3A_255] {strides = array<i32>} : memref<96x128xf32, #tpu.memory_space<vmem>>, vector<16xf32>,
          tpu.vector_store %arg17[%swap3A_254, %swap3A_255], %mul3A_253 {strides = array<i32>} : memref<96x128xf32, #tpu.memory_space<vmem>>, vector<16xf32>,
          %get3A_257 = arith.index_cast %add3A_240 : i32 to index
          %get3A_258 = arith.constant 32 : index
          %get3A_259 = tpu.vector_load %arg17[%get3A_257, %get3A_258] {strides = array<i32>} : memref<96x128xf32, #tpu.memory_space<vmem>>, vector<16xf32>,
          %mul3A_260 = arith.mulf %get3A_259, %gather3A_242 : vector<16xf32>
          %swap3A_261 = arith.index_cast %add3A_240 : i32 to index
          %swap3A_262 = arith.constant 32 : index
          %swap3A_263 = tpu.vector_load %arg17[%swap3A_261, %swap3A_262] {strides = array<i32>} : memref<96x128xf32, #tpu.memory_space<vmem>>, vector<16xf32>,
          tpu.vector_store %arg17[%swap3A_261, %swap3A_262], %mul3A_260 {strides = array<i32>} : memref<96x128xf32, #tpu.memory_space<vmem>>, vector<16xf32>,
          %get3A_264 = arith.index_cast %add3A_240 : i32 to index
          %get3A_265 = arith.constant 48 : index
          %get3A_266 = tpu.vector_load %arg17[%get3A_264, %get3A_265] {strides = array<i32>} : memref<96x128xf32, #tpu.memory_space<vmem>>, vector<16xf32>,
          %mul3A_267 = arith.mulf %get3A_266, %gather3A_242 : vector<16xf32>
          %swap3A_268 = arith.index_cast %add3A_240 : i32 to index
          %swap3A_269 = arith.constant 48 : index
          %swap3A_270 = tpu.vector_load %arg17[%swap3A_268, %swap3A_269] {strides = array<i32>} : memref<96x128xf32, #tpu.memory_space<vmem>>, vector<16xf32>,
          tpu.vector_store %arg17[%swap3A_268, %swap3A_269], %mul3A_267 {strides = array<i32>} : memref<96x128xf32, #tpu.memory_space<vmem>>, vector<16xf32>,
          %scan3A_271 = arith.constant 4 : i32
          %scan3A_272 = arith.addi %scan3A_132, %scan3A_271 : i32
          %mul3A_273 = arith.constant 1 : i32
          %mul3A_274 = arith.muli %scan3A_272, %mul3A_273 : i32
          %add3A_275 = arith.constant 0 : i32
          %add3A_276 = arith.addi %add3A_275, %mul3A_274 : i32
          %broadcast_in_dim3A_277 = vector.broadcast %add3A_276 : i32 to vector<16xi32>
          %gather3A_278 = tpu.vector_load_idx %arg14[%broadcast_in_dim3A_277] : memref<96xf32, #tpu.memory_space<vmem>>[vector<16xi32>], vector<16xf32>,
          %get3A_279 = arith.index_cast %add3A_276 : i32 to index
          %get3A_280 = arith.constant 0 : index
          %get3A_281 = tpu.vector_load %arg17[%get3A_279, %get3A_280] {strides = array<i32>} : memref<96x128xf32, #tpu.memory_space<vmem>>, vector<16xf32>,
          %mul3A_282 = arith.mulf %get3A_281, %gather3A_278 : vector<16xf32>
          %swap3A_283 = arith.index_cast %add3A_276 : i32 to index
          %swap3A_284 = arith.constant 0 : index
          %swap3A_285 = tpu.vector_load %arg17[%swap3A_283, %swap3A_284] {strides = array<i32>} : memref<96x128xf32, #tpu.memory_space<vmem>>, vector<16xf32>,
          tpu.vector_store %arg17[%swap3A_283, %swap3A_284], %mul3A_282 {strides = array<i32>} : memref<96x128xf32, #tpu.memory_space<vmem>>, vector<16xf32>,
          %get3A_286 = arith.index_cast %add3A_276 : i32 to index
          %get3A_287 = arith.constant 16 : index
          %get3A_288 = tpu.vector_load %arg17[%get3A_286, %get3A_287] {strides = array<i32>} : memref<96x128xf32, #tpu.memory_space<vmem>>, vector<16xf32>,
          %mul3A_289 = arith.mulf %get3A_288, %gather3A_278 : vector<16xf32>
          %swap3A_290 = arith.index_cast %add3A_276 : i32 to index
          %swap3A_291 = arith.constant 16 : index
          %swap3A_292 = tpu.vector_load %arg17[%swap3A_290, %swap3A_291] {strides = array<i32>} : memref<96x128xf32, #tpu.memory_space<vmem>>, vector<16xf32>,
          tpu.vector_store %arg17[%swap3A_290, %swap3A_291], %mul3A_289 {strides = array<i32>} : memref<96x128xf32, #tpu.memory_space<vmem>>, vector<16xf32>,
          %get3A_293 = arith.index_cast %add3A_276 : i32 to index
          %get3A_294 = arith.constant 32 : index
          %get3A_295 = tpu.vector_load %arg17[%get3A_293, %get3A_294] {strides = array<i32>} : memref<96x128xf32, #tpu.memory_space<vmem>>, vector<16xf32>,
          %mul3A_296 = arith.mulf %get3A_295, %gather3A_278 : vector<16xf32>
          %swap3A_297 = arith.index_cast %add3A_276 : i32 to index
          %swap3A_298 = arith.constant 32 : index
          %swap3A_299 = tpu.vector_load %arg17[%swap3A_297, %swap3A_298] {strides = array<i32>} : memref<96x128xf32, #tpu.memory_space<vmem>>, vector<16xf32>,
          tpu.vector_store %arg17[%swap3A_297, %swap3A_298], %mul3A_296 {strides = array<i32>} : memref<96x128xf32, #tpu.memory_space<vmem>>, vector<16xf32>,
          %get3A_300 = arith.index_cast %add3A_276 : i32 to index
          %get3A_301 = arith.constant 48 : index
          %get3A_302 = tpu.vector_load %arg17[%get3A_300, %get3A_301] {strides = array<i32>} : memref<96x128xf32, #tpu.memory_space<vmem>>, vector<16xf32>,
          %mul3A_303 = arith.mulf %get3A_302, %gather3A_278 : vector<16xf32>
          %swap3A_304 = arith.index_cast %add3A_276 : i32 to index
          %swap3A_305 = arith.constant 48 : index
          %swap3A_306 = tpu.vector_load %arg17[%swap3A_304, %swap3A_305] {strides = array<i32>} : memref<96x128xf32, #tpu.memory_space<vmem>>, vector<16xf32>,
          tpu.vector_store %arg17[%swap3A_304, %swap3A_305], %mul3A_303 {strides = array<i32>} : memref<96x128xf32, #tpu.memory_space<vmem>>, vector<16xf32>,
          %scan3A_307 = arith.constant 5 : i32
          %scan3A_308 = arith.addi %scan3A_132, %scan3A_307 : i32
          %mul3A_309 = arith.constant 1 : i32
          %mul3A_310 = arith.muli %scan3A_308, %mul3A_309 : i32
          %add3A_311 = arith.constant 0 : i32
          %add3A_312 = arith.addi %add3A_311, %mul3A_310 : i32
          %broadcast_in_dim3A_313 = vector.broadcast %add3A_312 : i32 to vector<16xi32>
          %gather3A_314 = tpu.vector_load_idx %arg14[%broadcast_in_dim3A_313] : memref<96xf32, #tpu.memory_space<vmem>>[vector<16xi32>], vector<16xf32>,
          %get3A_315 = arith.index_cast %add3A_312 : i32 to index
          %get3A_316 = arith.constant 0 : index
          %get3A_317 = tpu.vector_load %arg17[%get3A_315, %get3A_316] {strides = array<i32>} : memref<96x128xf32, #tpu.memory_space<vmem>>, vector<16xf32>,
          %mul3A_318 = arith.mulf %get3A_317, %gather3A_314 : vector<16xf32>
          %swap3A_319 = arith.index_cast %add3A_312 : i32 to index
          %swap3A_320 = arith.constant 0 : index
          %swap3A_321 = tpu.vector_load %arg17[%swap3A_319, %swap3A_320] {strides = array<i32>} : memref<96x128xf32, #tpu.memory_space<vmem>>, vector<16xf32>,
          tpu.vector_store %arg17[%swap3A_319, %swap3A_320], %mul3A_318 {strides = array<i32>} : memref<96x128xf32, #tpu.memory_space<vmem>>, vector<16xf32>,
          %get3A_322 = arith.index_cast %add3A_312 : i32 to index
          %get3A_323 = arith.constant 16 : index
          %get3A_324 = tpu.vector_load %arg17[%get3A_322, %get3A_323] {strides = array<i32>} : memref<96x128xf32, #tpu.memory_space<vmem>>, vector<16xf32>,
          %mul3A_325 = arith.mulf %get3A_324, %gather3A_314 : vector<16xf32>
          %swap3A_326 = arith.index_cast %add3A_312 : i32 to index
          %swap3A_327 = arith.constant 16 : index
          %swap3A_328 = tpu.vector_load %arg17[%swap3A_326, %swap3A_327] {strides = array<i32>} : memref<96x128xf32, #tpu.memory_space<vmem>>, vector<16xf32>,
          tpu.vector_store %arg17[%swap3A_326, %swap3A_327], %mul3A_325 {strides = array<i32>} : memref<96x128xf32, #tpu.memory_space<vmem>>, vector<16xf32>,
          %get3A_329 = arith.index_cast %add3A_312 : i32 to index
          %get3A_330 = arith.constant 32 : index
          %get3A_331 = tpu.vector_load %arg17[%get3A_329, %get3A_330] {strides = array<i32>} : memref<96x128xf32, #tpu.memory_space<vmem>>, vector<16xf32>,
          %mul3A_332 = arith.mulf %get3A_331, %gather3A_314 : vector<16xf32>
          %swap3A_333 = arith.index_cast %add3A_312 : i32 to index
          %swap3A_334 = arith.constant 32 : index
          %swap3A_335 = tpu.vector_load %arg17[%swap3A_333, %swap3A_334] {strides = array<i32>} : memref<96x128xf32, #tpu.memory_space<vmem>>, vector<16xf32>,
          tpu.vector_store %arg17[%swap3A_333, %swap3A_334], %mul3A_332 {strides = array<i32>} : memref<96x128xf32, #tpu.memory_space<vmem>>, vector<16xf32>,
          %get3A_336 = arith.index_cast %add3A_312 : i32 to index
          %get3A_337 = arith.constant 48 : index
          %get3A_338 = tpu.vector_load %arg17[%get3A_336, %get3A_337] {strides = array<i32>} : memref<96x128xf32, #tpu.memory_space<vmem>>, vector<16xf32>,
          %mul3A_339 = arith.mulf %get3A_338, %gather3A_314 : vector<16xf32>
          %swap3A_340 = arith.index_cast %add3A_312 : i32 to index
          %swap3A_341 = arith.constant 48 : index
          %swap3A_342 = tpu.vector_load %arg17[%swap3A_340, %swap3A_341] {strides = array<i32>} : memref<96x128xf32, #tpu.memory_space<vmem>>, vector<16xf32>,
          tpu.vector_store %arg17[%swap3A_340, %swap3A_341], %mul3A_339 {strides = array<i32>} : memref<96x128xf32, #tpu.memory_space<vmem>>, vector<16xf32>,
          %scan3A_343 = arith.constant 6 : i32
          %scan3A_344 = arith.addi %scan3A_132, %scan3A_343 : i32
          %mul3A_345 = arith.constant 1 : i32
          %mul3A_346 = arith.muli %scan3A_344, %mul3A_345 : i32
          %add3A_347 = arith.constant 0 : i32
          %add3A_348 = arith.addi %add3A_347, %mul3A_346 : i32
          %broadcast_in_dim3A_349 = vector.broadcast %add3A_348 : i32 to vector<16xi32>
          %gather3A_350 = tpu.vector_load_idx %arg14[%broadcast_in_dim3A_349] : memref<96xf32, #tpu.memory_space<vmem>>[vector<16xi32>], vector<16xf32>,
          %get3A_351 = arith.index_cast %add3A_348 : i32 to index
          %get3A_352 = arith.constant 0 : index
          %get3A_353 = tpu.vector_load %arg17[%get3A_351, %get3A_352] {strides = array<i32>} : memref<96x128xf32, #tpu.memory_space<vmem>>, vector<16xf32>,
          %mul3A_354 = arith.mulf %get3A_353, %gather3A_350 : vector<16xf32>
          %swap3A_355 = arith.index_cast %add3A_348 : i32 to index
          %swap3A_356 = arith.constant 0 : index
          %swap3A_357 = tpu.vector_load %arg17[%swap3A_355, %swap3A_356] {strides = array<i32>} : memref<96x128xf32, #tpu.memory_space<vmem>>, vector<16xf32>,
          tpu.vector_store %arg17[%swap3A_355, %swap3A_356], %mul3A_354 {strides = array<i32>} : memref<96x128xf32, #tpu.memory_space<vmem>>, vector<16xf32>,
          %get3A_358 = arith.index_cast %add3A_348 : i32 to index
          %get3A_359 = arith.constant 16 : index
          %get3A_360 = tpu.vector_load %arg17[%get3A_358, %get3A_359] {strides = array<i32>} : memref<96x128xf32, #tpu.memory_space<vmem>>, vector<16xf32>,
          %mul3A_361 = arith.mulf %get3A_360, %gather3A_350 : vector<16xf32>
          %swap3A_362 = arith.index_cast %add3A_348 : i32 to index
          %swap3A_363 = arith.constant 16 : index
          %swap3A_364 = tpu.vector_load %arg17[%swap3A_362, %swap3A_363] {strides = array<i32>} : memref<96x128xf32, #tpu.memory_space<vmem>>, vector<16xf32>,
          tpu.vector_store %arg17[%swap3A_362, %swap3A_363], %mul3A_361 {strides = array<i32>} : memref<96x128xf32, #tpu.memory_space<vmem>>, vector<16xf32>,
          %get3A_365 = arith.index_cast %add3A_348 : i32 to index
          %get3A_366 = arith.constant 32 : index
          %get3A_367 = tpu.vector_load %arg17[%get3A_365, %get3A_366] {strides = array<i32>} : memref<96x128xf32, #tpu.memory_space<vmem>>, vector<16xf32>,
          %mul3A_368 = arith.mulf %get3A_367, %gather3A_350 : vector<16xf32>
          %swap3A_369 = arith.index_cast %add3A_348 : i32 to index
          %swap3A_370 = arith.constant 32 : index
          %swap3A_371 = tpu.vector_load %arg17[%swap3A_369, %swap3A_370] {strides = array<i32>} : memref<96x128xf32, #tpu.memory_space<vmem>>, vector<16xf32>,
          tpu.vector_store %arg17[%swap3A_369, %swap3A_370], %mul3A_368 {strides = array<i32>} : memref<96x128xf32, #tpu.memory_space<vmem>>, vector<16xf32>,
          %get3A_372 = arith.index_cast %add3A_348 : i32 to index
          %get3A_373 = arith.constant 48 : index
          %get3A_374 = tpu.vector_load %arg17[%get3A_372, %get3A_373] {strides = array<i32>} : memref<96x128xf32, #tpu.memory_space<vmem>>, vector<16xf32>,
          %mul3A_375 = arith.mulf %get3A_374, %gather3A_350 : vector<16xf32>
          %swap3A_376 = arith.index_cast %add3A_348 : i32 to index
          %swap3A_377 = arith.constant 48 : index
          %swap3A_378 = tpu.vector_load %arg17[%swap3A_376, %swap3A_377] {strides = array<i32>} : memref<96x128xf32, #tpu.memory_space<vmem>>, vector<16xf32>,
          tpu.vector_store %arg17[%swap3A_376, %swap3A_377], %mul3A_375 {strides = array<i32>} : memref<96x128xf32, #tpu.memory_space<vmem>>, vector<16xf32>,
          %scan3A_379 = arith.constant 7 : i32
          %scan3A_380 = arith.addi %scan3A_132, %scan3A_379 : i32
          %mul3A_381 = arith.constant 1 : i32
          %mul3A_382 = arith.muli %scan3A_380, %mul3A_381 : i32
          %add3A_383 = arith.constant 0 : i32
          %add3A_384 = arith.addi %add3A_383, %mul3A_382 : i32
          %broadcast_in_dim3A_385 = vector.broadcast %add3A_384 : i32 to vector<16xi32>
          %gather3A_386 = tpu.vector_load_idx %arg14[%broadcast_in_dim3A_385] : memref<96xf32, #tpu.memory_space<vmem>>[vector<16xi32>], vector<16xf32>,
          %get3A_387 = arith.index_cast %add3A_384 : i32 to index
          %get3A_388 = arith.constant 0 : index
          %get3A_389 = tpu.vector_load %arg17[%get3A_387, %get3A_388] {strides = array<i32>} : memref<96x128xf32, #tpu.memory_space<vmem>>, vector<16xf32>,
          %mul3A_390 = arith.mulf %get3A_389, %gather3A_386 : vector<16xf32>
          %swap3A_391 = arith.index_cast %add3A_384 : i32 to index
          %swap3A_392 = arith.constant 0 : index
          %swap3A_393 = tpu.vector_load %arg17[%swap3A_391, %swap3A_392] {strides = array<i32>} : memref<96x128xf32, #tpu.memory_space<vmem>>, vector<16xf32>,
          tpu.vector_store %arg17[%swap3A_391, %swap3A_392], %mul3A_390 {strides = array<i32>} : memref<96x128xf32, #tpu.memory_space<vmem>>, vector<16xf32>,
          %get3A_394 = arith.index_cast %add3A_384 : i32 to index
          %get3A_395 = arith.constant 16 : index
          %get3A_396 = tpu.vector_load %arg17[%get3A_394, %get3A_395] {strides = array<i32>} : memref<96x128xf32, #tpu.memory_space<vmem>>, vector<16xf32>,
          %mul3A_397 = arith.mulf %get3A_396, %gather3A_386 : vector<16xf32>
          %swap3A_398 = arith.index_cast %add3A_384 : i32 to index
          %swap3A_399 = arith.constant 16 : index
          %swap3A_400 = tpu.vector_load %arg17[%swap3A_398, %swap3A_399] {strides = array<i32>} : memref<96x128xf32, #tpu.memory_space<vmem>>, vector<16xf32>,
          tpu.vector_store %arg17[%swap3A_398, %swap3A_399], %mul3A_397 {strides = array<i32>} : memref<96x128xf32, #tpu.memory_space<vmem>>, vector<16xf32>,
          %get3A_401 = arith.index_cast %add3A_384 : i32 to index
          %get3A_402 = arith.constant 32 : index
          %get3A_403 = tpu.vector_load %arg17[%get3A_401, %get3A_402] {strides = array<i32>} : memref<96x128xf32, #tpu.memory_space<vmem>>, vector<16xf32>,
          %mul3A_404 = arith.mulf %get3A_403, %gather3A_386 : vector<16xf32>
          %swap3A_405 = arith.index_cast %add3A_384 : i32 to index
          %swap3A_406 = arith.constant 32 : index
          %swap3A_407 = tpu.vector_load %arg17[%swap3A_405, %swap3A_406] {strides = array<i32>} : memref<96x128xf32, #tpu.memory_space<vmem>>, vector<16xf32>,
          tpu.vector_store %arg17[%swap3A_405, %swap3A_406], %mul3A_404 {strides = array<i32>} : memref<96x128xf32, #tpu.memory_space<vmem>>, vector<16xf32>,
          %get3A_408 = arith.index_cast %add3A_384 : i32 to index
          %get3A_409 = arith.constant 48 : index
          %get3A_410 = tpu.vector_load %arg17[%get3A_408, %get3A_409] {strides = array<i32>} : memref<96x128xf32, #tpu.memory_space<vmem>>, vector<16xf32>,
          %mul3A_411 = arith.mulf %get3A_410, %gather3A_386 : vector<16xf32>
          %swap3A_412 = arith.index_cast %add3A_384 : i32 to index
          %swap3A_413 = arith.constant 48 : index
          %swap3A_414 = tpu.vector_load %arg17[%swap3A_412, %swap3A_413] {strides = array<i32>} : memref<96x128xf32, #tpu.memory_space<vmem>>, vector<16xf32>,
          tpu.vector_store %arg17[%swap3A_412, %swap3A_413], %mul3A_411 {strides = array<i32>} : memref<96x128xf32, #tpu.memory_space<vmem>>, vector<16xf32>,
        }
        %scan3A_117 = arith.constant 96 : i32
        %ge3A = arith.constant 1 : i32
        %ge3A_118 = arith.cmpi sge, %add3A_79, %ge3A : i32
        %convert_element_type3A_119 = arith.extui %ge3A_118 : i1 to i32
        %cond3A_120 = arith.constant 0 : i32
        %cond3A_121 = arith.cmpi ne, %convert_element_type3A_119, %cond3A_120 : i32
        scf.if %cond3A_121 {
          %dma_wait3A_132 = arith.constant 0 : i32
          %dma_wait3A_133 = arith.constant 0 : i32
          %dma_wait3A_134 = tpu.memref_slice %arg8[%dma_wait3A_132, %dma_wait3A_133] : memref<10000x128xf32, #tpu.memory_space<vmem_shared>> -> memref<10000x128xf32, #tpu.memory_space<vmem_shared>>
          tpu.wait_indirect_dma semaphore(%arg23 : memref<!tpu.dma_semaphore, #tpu.memory_space<semaphore_mem>>) src(%arg17 : memref<96x128xf32, #tpu.memory_space<vmem>>) dst(%dma_wait3A_134 : memref<10000x128xf32, #tpu.memory_space<vmem_shared>>)
        } else {
        }
        %dma_start3A_122 = arith.constant 0 : i32
        %dma_start3A_123 = arith.constant 0 : i32
        %dma_start3A_124 = tpu.memref_slice %arg8[%dma_start3A_122, %dma_start3A_123] : memref<10000x128xf32, #tpu.memory_space<vmem_shared>> -> memref<10000x128xf32, #tpu.memory_space<vmem_shared>>
        tpu.enqueue_indirect_dma source(%arg17 : memref<96x128xf32, #tpu.memory_space<vmem>>) target(%dma_start3A_124 : memref<10000x128xf32, #tpu.memory_space<vmem_shared>>) offsets(%arg11 : memref<96xi32, #tpu.memory_space<vmem>>) semaphore(%arg23 : memref<!tpu.dma_semaphore, #tpu.memory_space<semaphore_mem>>) {add = true}
        %add3A_125 = arith.constant 2 : i32
        %add3A_126 = arith.addi %add3A_79, %add3A_125 : i32
        %lt3A_127 = arith.constant 53 : i32
        %lt3A_128 = arith.cmpi slt, %add3A_126, %lt3A_127 : i32
        %convert_element_type3A_129 = arith.extui %lt3A_128 : i1 to i32
        %cond3A_130 = arith.constant 0 : i32
        %cond3A_131 = arith.cmpi ne, %convert_element_type3A_129, %cond3A_130 : i32
        scf.if %cond3A_131 {
          %add3A_132 = arith.constant 2 : i32
          %add3A_133 = arith.addi %add3A_79, %add3A_132 : i32
          %mul3A_134 = arith.constant 96 : i32
          %mul3A_135 = arith.muli %add3A_133, %mul3A_134 : i32
          %add3A_136 = arith.addi %mul3A_2, %mul3A_135 : i32
          %dma_start3A_137 = tpu.memref_slice %arg4[%add3A_136] : memref<162816xi32, #tpu.memory_space<hbm>> -> memref<96xi32, #tpu.memory_space<hbm>>
          %dma_start3A_138 = tpu.memref_slice %arg4[%add3A_136] : memref<162816xi32, #tpu.memory_space<hbm>> -> memref<96xi32, #tpu.memory_space<hbm>>
          tpu.enqueue_dma source(%dma_start3A_138 : memref<96xi32, #tpu.memory_space<hbm>>) target(%arg13 : memref<96xi32, #tpu.memory_space<vmem>>) target_semaphore(%arg22 : memref<!tpu.dma_semaphore, #tpu.memory_space<semaphore_mem>>)
          %dma_start3A_139 = tpu.memref_slice %arg5[%add3A_136] : memref<162816xf32, #tpu.memory_space<hbm>> -> memref<96xf32, #tpu.memory_space<hbm>>
          %dma_start3A_140 = tpu.memref_slice %arg5[%add3A_136] : memref<162816xf32, #tpu.memory_space<hbm>> -> memref<96xf32, #tpu.memory_space<hbm>>
          tpu.enqueue_dma source(%dma_start3A_140 : memref<96xf32, #tpu.memory_space<hbm>>) target(%arg16 : memref<96xf32, #tpu.memory_space<vmem>>) target_semaphore(%arg22 : memref<!tpu.dma_semaphore, #tpu.memory_space<semaphore_mem>>)
          %mul3A_141 = arith.constant 96 : i32
          %mul3A_142 = arith.muli %add3A_133, %mul3A_141 : i32
          %dma_start3A_143 = tpu.memref_slice %arg10[%mul3A_142] : memref<5088xi32, #tpu.memory_space<vmem>> -> memref<96xi32, #tpu.memory_space<vmem>>
          %dma_start3A_144 = arith.constant 0 : i32
          %dma_start3A_145 = arith.constant 0 : i32
          %dma_start3A_146 = tpu.memref_slice %arg2[%dma_start3A_144, %dma_start3A_145] : memref<10000x128xf32, #tpu.memory_space<hbm>> -> memref<10000x128xf32, #tpu.memory_space<hbm>>
          tpu.enqueue_indirect_dma source(%dma_start3A_146 : memref<10000x128xf32, #tpu.memory_space<hbm>>) target(%arg19 : memref<96x128xf32, #tpu.memory_space<vmem>>) offsets(%dma_start3A_143 : memref<96xi32, #tpu.memory_space<vmem>>) semaphore(%arg22 : memref<!tpu.dma_semaphore, #tpu.memory_space<semaphore_mem>>)
        } else {
        }
      } else {
      }
      %mul3A_82 = arith.constant 3 : i32
      %mul3A_83 = arith.muli %mul3A_82, %add3A_75 : i32
      %add3A_84 = arith.constant 1 : i32
      %add3A_85 = arith.addi %mul3A_83, %add3A_84 : i32
      %lt3A_86 = arith.constant 53 : i32
      %lt3A_87 = arith.cmpi slt, %add3A_85, %lt3A_86 : i32
      %convert_element_type3A_88 = arith.extui %lt3A_87 : i1 to i32
      %cond3A_89 = arith.constant 0 : i32
      %cond3A_90 = arith.cmpi ne, %convert_element_type3A_88, %cond3A_89 : i32
      scf.if %cond3A_90 {
        %dma_wait3A_100 = arith.constant 0 : i32
        %dma_wait3A_101 = tpu.memref_slice %arg4[%dma_wait3A_100] : memref<162816xi32, #tpu.memory_space<hbm>> -> memref<96xi32, #tpu.memory_space<hbm>>
        %dma_wait3A_102 = arith.constant 0 : i32
        %dma_wait3A_103 = tpu.memref_slice %arg4[%dma_wait3A_102] : memref<162816xi32, #tpu.memory_space<hbm>> -> memref<96xi32, #tpu.memory_space<hbm>>
        tpu.wait_dma2 semaphore(%arg21 : memref<!tpu.dma_semaphore, #tpu.memory_space<semaphore_mem>>) src(%dma_wait3A_103 : memref<96xi32, #tpu.memory_space<hbm>>) dst(%arg12 : memref<96xi32, #tpu.memory_space<vmem>>)
        %dma_wait3A_104 = arith.constant 0 : i32
        %dma_wait3A_105 = tpu.memref_slice %arg5[%dma_wait3A_104] : memref<162816xf32, #tpu.memory_space<hbm>> -> memref<96xf32, #tpu.memory_space<hbm>>
        %dma_wait3A_106 = arith.constant 0 : i32
        %dma_wait3A_107 = tpu.memref_slice %arg5[%dma_wait3A_106] : memref<162816xf32, #tpu.memory_space<hbm>> -> memref<96xf32, #tpu.memory_space<hbm>>
        tpu.wait_dma2 semaphore(%arg21 : memref<!tpu.dma_semaphore, #tpu.memory_space<semaphore_mem>>) src(%dma_wait3A_107 : memref<96xf32, #tpu.memory_space<hbm>>) dst(%arg15 : memref<96xf32, #tpu.memory_space<vmem>>)
        %dma_wait3A_108 = arith.constant 0 : i32
        %dma_wait3A_109 = tpu.memref_slice %arg10[%dma_wait3A_108] : memref<5088xi32, #tpu.memory_space<vmem>> -> memref<96xi32, #tpu.memory_space<vmem>>
        %dma_wait3A_110 = arith.constant 0 : i32
        %dma_wait3A_111 = arith.constant 0 : i32
        %dma_wait3A_112 = tpu.memref_slice %arg2[%dma_wait3A_110, %dma_wait3A_111] : memref<10000x128xf32, #tpu.memory_space<hbm>> -> memref<10000x128xf32, #tpu.memory_space<hbm>>
        tpu.wait_indirect_dma semaphore(%arg21 : memref<!tpu.dma_semaphore, #tpu.memory_space<semaphore_mem>>) src(%dma_wait3A_112 : memref<10000x128xf32, #tpu.memory_space<hbm>>) dst(%arg18 : memref<96x128xf32, #tpu.memory_space<vmem>>)
        %scan3A_113 = arith.constant 0 : i32
        %scan3A_114 = arith.constant 96 : i32
        %scan3A_115 = arith.addi %scan3A_113, %scan3A_114 : i32
        %scan3A_116 = arith.constant 8 : i32
        scf.for %scan3A_132 = %scan3A_113 to %scan3A_115 step %scan3A_116  : i32 {
          %mul3A_133 = arith.constant 1 : i32
          %mul3A_134 = arith.muli %scan3A_132, %mul3A_133 : i32
          %add3A_135 = arith.constant 0 : i32
          %add3A_136 = arith.addi %add3A_135, %mul3A_134 : i32
          %broadcast_in_dim3A = vector.broadcast %add3A_136 : i32 to vector<16xi32>
          %gather3A = tpu.vector_load_idx %arg15[%broadcast_in_dim3A] : memref<96xf32, #tpu.memory_space<vmem>>[vector<16xi32>], vector<16xf32>,
          %get3A = arith.index_cast %add3A_136 : i32 to index
          %get3A_137 = arith.constant 0 : index
          %get3A_138 = tpu.vector_load %arg18[%get3A, %get3A_137] {strides = array<i32>} : memref<96x128xf32, #tpu.memory_space<vmem>>, vector<16xf32>,
          %mul3A_139 = arith.mulf %get3A_138, %gather3A : vector<16xf32>
          %swap3A = arith.index_cast %add3A_136 : i32 to index
          %swap3A_140 = arith.constant 0 : index
          %swap3A_141 = tpu.vector_load %arg18[%swap3A, %swap3A_140] {strides = array<i32>} : memref<96x128xf32, #tpu.memory_space<vmem>>, vector<16xf32>,
          tpu.vector_store %arg18[%swap3A, %swap3A_140], %mul3A_139 {strides = array<i32>} : memref<96x128xf32, #tpu.memory_space<vmem>>, vector<16xf32>,
          %get3A_142 = arith.index_cast %add3A_136 : i32 to index
          %get3A_143 = arith.constant 16 : index
          %get3A_144 = tpu.vector_load %arg18[%get3A_142, %get3A_143] {strides = array<i32>} : memref<96x128xf32, #tpu.memory_space<vmem>>, vector<16xf32>,
          %mul3A_145 = arith.mulf %get3A_144, %gather3A : vector<16xf32>
          %swap3A_146 = arith.index_cast %add3A_136 : i32 to index
          %swap3A_147 = arith.constant 16 : index
          %swap3A_148 = tpu.vector_load %arg18[%swap3A_146, %swap3A_147] {strides = array<i32>} : memref<96x128xf32, #tpu.memory_space<vmem>>, vector<16xf32>,
          tpu.vector_store %arg18[%swap3A_146, %swap3A_147], %mul3A_145 {strides = array<i32>} : memref<96x128xf32, #tpu.memory_space<vmem>>, vector<16xf32>,
          %get3A_149 = arith.index_cast %add3A_136 : i32 to index
          %get3A_150 = arith.constant 32 : index
          %get3A_151 = tpu.vector_load %arg18[%get3A_149, %get3A_150] {strides = array<i32>} : memref<96x128xf32, #tpu.memory_space<vmem>>, vector<16xf32>,
          %mul3A_152 = arith.mulf %get3A_151, %gather3A : vector<16xf32>
          %swap3A_153 = arith.index_cast %add3A_136 : i32 to index
          %swap3A_154 = arith.constant 32 : index
          %swap3A_155 = tpu.vector_load %arg18[%swap3A_153, %swap3A_154] {strides = array<i32>} : memref<96x128xf32, #tpu.memory_space<vmem>>, vector<16xf32>,
          tpu.vector_store %arg18[%swap3A_153, %swap3A_154], %mul3A_152 {strides = array<i32>} : memref<96x128xf32, #tpu.memory_space<vmem>>, vector<16xf32>,
          %get3A_156 = arith.index_cast %add3A_136 : i32 to index
          %get3A_157 = arith.constant 48 : index
          %get3A_158 = tpu.vector_load %arg18[%get3A_156, %get3A_157] {strides = array<i32>} : memref<96x128xf32, #tpu.memory_space<vmem>>, vector<16xf32>,
          %mul3A_159 = arith.mulf %get3A_158, %gather3A : vector<16xf32>
          %swap3A_160 = arith.index_cast %add3A_136 : i32 to index
          %swap3A_161 = arith.constant 48 : index
          %swap3A_162 = tpu.vector_load %arg18[%swap3A_160, %swap3A_161] {strides = array<i32>} : memref<96x128xf32, #tpu.memory_space<vmem>>, vector<16xf32>,
          tpu.vector_store %arg18[%swap3A_160, %swap3A_161], %mul3A_159 {strides = array<i32>} : memref<96x128xf32, #tpu.memory_space<vmem>>, vector<16xf32>,
          %scan3A_163 = arith.constant 1 : i32
          %scan3A_164 = arith.addi %scan3A_132, %scan3A_163 : i32
          %mul3A_165 = arith.constant 1 : i32
          %mul3A_166 = arith.muli %scan3A_164, %mul3A_165 : i32
          %add3A_167 = arith.constant 0 : i32
          %add3A_168 = arith.addi %add3A_167, %mul3A_166 : i32
          %broadcast_in_dim3A_169 = vector.broadcast %add3A_168 : i32 to vector<16xi32>
          %gather3A_170 = tpu.vector_load_idx %arg15[%broadcast_in_dim3A_169] : memref<96xf32, #tpu.memory_space<vmem>>[vector<16xi32>], vector<16xf32>,
          %get3A_171 = arith.index_cast %add3A_168 : i32 to index
          %get3A_172 = arith.constant 0 : index
          %get3A_173 = tpu.vector_load %arg18[%get3A_171, %get3A_172] {strides = array<i32>} : memref<96x128xf32, #tpu.memory_space<vmem>>, vector<16xf32>,
          %mul3A_174 = arith.mulf %get3A_173, %gather3A_170 : vector<16xf32>
          %swap3A_175 = arith.index_cast %add3A_168 : i32 to index
          %swap3A_176 = arith.constant 0 : index
          %swap3A_177 = tpu.vector_load %arg18[%swap3A_175, %swap3A_176] {strides = array<i32>} : memref<96x128xf32, #tpu.memory_space<vmem>>, vector<16xf32>,
          tpu.vector_store %arg18[%swap3A_175, %swap3A_176], %mul3A_174 {strides = array<i32>} : memref<96x128xf32, #tpu.memory_space<vmem>>, vector<16xf32>,
          %get3A_178 = arith.index_cast %add3A_168 : i32 to index
          %get3A_179 = arith.constant 16 : index
          %get3A_180 = tpu.vector_load %arg18[%get3A_178, %get3A_179] {strides = array<i32>} : memref<96x128xf32, #tpu.memory_space<vmem>>, vector<16xf32>,
          %mul3A_181 = arith.mulf %get3A_180, %gather3A_170 : vector<16xf32>
          %swap3A_182 = arith.index_cast %add3A_168 : i32 to index
          %swap3A_183 = arith.constant 16 : index
          %swap3A_184 = tpu.vector_load %arg18[%swap3A_182, %swap3A_183] {strides = array<i32>} : memref<96x128xf32, #tpu.memory_space<vmem>>, vector<16xf32>,
          tpu.vector_store %arg18[%swap3A_182, %swap3A_183], %mul3A_181 {strides = array<i32>} : memref<96x128xf32, #tpu.memory_space<vmem>>, vector<16xf32>,
          %get3A_185 = arith.index_cast %add3A_168 : i32 to index
          %get3A_186 = arith.constant 32 : index
          %get3A_187 = tpu.vector_load %arg18[%get3A_185, %get3A_186] {strides = array<i32>} : memref<96x128xf32, #tpu.memory_space<vmem>>, vector<16xf32>,
          %mul3A_188 = arith.mulf %get3A_187, %gather3A_170 : vector<16xf32>
          %swap3A_189 = arith.index_cast %add3A_168 : i32 to index
          %swap3A_190 = arith.constant 32 : index
          %swap3A_191 = tpu.vector_load %arg18[%swap3A_189, %swap3A_190] {strides = array<i32>} : memref<96x128xf32, #tpu.memory_space<vmem>>, vector<16xf32>,
          tpu.vector_store %arg18[%swap3A_189, %swap3A_190], %mul3A_188 {strides = array<i32>} : memref<96x128xf32, #tpu.memory_space<vmem>>, vector<16xf32>,
          %get3A_192 = arith.index_cast %add3A_168 : i32 to index
          %get3A_193 = arith.constant 48 : index
          %get3A_194 = tpu.vector_load %arg18[%get3A_192, %get3A_193] {strides = array<i32>} : memref<96x128xf32, #tpu.memory_space<vmem>>, vector<16xf32>,
          %mul3A_195 = arith.mulf %get3A_194, %gather3A_170 : vector<16xf32>
          %swap3A_196 = arith.index_cast %add3A_168 : i32 to index
          %swap3A_197 = arith.constant 48 : index
          %swap3A_198 = tpu.vector_load %arg18[%swap3A_196, %swap3A_197] {strides = array<i32>} : memref<96x128xf32, #tpu.memory_space<vmem>>, vector<16xf32>,
          tpu.vector_store %arg18[%swap3A_196, %swap3A_197], %mul3A_195 {strides = array<i32>} : memref<96x128xf32, #tpu.memory_space<vmem>>, vector<16xf32>,
          %scan3A_199 = arith.constant 2 : i32
          %scan3A_200 = arith.addi %scan3A_132, %scan3A_199 : i32
          %mul3A_201 = arith.constant 1 : i32
          %mul3A_202 = arith.muli %scan3A_200, %mul3A_201 : i32
          %add3A_203 = arith.constant 0 : i32
          %add3A_204 = arith.addi %add3A_203, %mul3A_202 : i32
          %broadcast_in_dim3A_205 = vector.broadcast %add3A_204 : i32 to vector<16xi32>
          %gather3A_206 = tpu.vector_load_idx %arg15[%broadcast_in_dim3A_205] : memref<96xf32, #tpu.memory_space<vmem>>[vector<16xi32>], vector<16xf32>,
          %get3A_207 = arith.index_cast %add3A_204 : i32 to index
          %get3A_208 = arith.constant 0 : index
          %get3A_209 = tpu.vector_load %arg18[%get3A_207, %get3A_208] {strides = array<i32>} : memref<96x128xf32, #tpu.memory_space<vmem>>, vector<16xf32>,
          %mul3A_210 = arith.mulf %get3A_209, %gather3A_206 : vector<16xf32>
          %swap3A_211 = arith.index_cast %add3A_204 : i32 to index
          %swap3A_212 = arith.constant 0 : index
          %swap3A_213 = tpu.vector_load %arg18[%swap3A_211, %swap3A_212] {strides = array<i32>} : memref<96x128xf32, #tpu.memory_space<vmem>>, vector<16xf32>,
          tpu.vector_store %arg18[%swap3A_211, %swap3A_212], %mul3A_210 {strides = array<i32>} : memref<96x128xf32, #tpu.memory_space<vmem>>, vector<16xf32>,
          %get3A_214 = arith.index_cast %add3A_204 : i32 to index
          %get3A_215 = arith.constant 16 : index
          %get3A_216 = tpu.vector_load %arg18[%get3A_214, %get3A_215] {strides = array<i32>} : memref<96x128xf32, #tpu.memory_space<vmem>>, vector<16xf32>,
          %mul3A_217 = arith.mulf %get3A_216, %gather3A_206 : vector<16xf32>
          %swap3A_218 = arith.index_cast %add3A_204 : i32 to index
          %swap3A_219 = arith.constant 16 : index
          %swap3A_220 = tpu.vector_load %arg18[%swap3A_218, %swap3A_219] {strides = array<i32>} : memref<96x128xf32, #tpu.memory_space<vmem>>, vector<16xf32>,
          tpu.vector_store %arg18[%swap3A_218, %swap3A_219], %mul3A_217 {strides = array<i32>} : memref<96x128xf32, #tpu.memory_space<vmem>>, vector<16xf32>,
          %get3A_221 = arith.index_cast %add3A_204 : i32 to index
          %get3A_222 = arith.constant 32 : index
          %get3A_223 = tpu.vector_load %arg18[%get3A_221, %get3A_222] {strides = array<i32>} : memref<96x128xf32, #tpu.memory_space<vmem>>, vector<16xf32>,
          %mul3A_224 = arith.mulf %get3A_223, %gather3A_206 : vector<16xf32>
          %swap3A_225 = arith.index_cast %add3A_204 : i32 to index
          %swap3A_226 = arith.constant 32 : index
          %swap3A_227 = tpu.vector_load %arg18[%swap3A_225, %swap3A_226] {strides = array<i32>} : memref<96x128xf32, #tpu.memory_space<vmem>>, vector<16xf32>,
          tpu.vector_store %arg18[%swap3A_225, %swap3A_226], %mul3A_224 {strides = array<i32>} : memref<96x128xf32, #tpu.memory_space<vmem>>, vector<16xf32>,
          %get3A_228 = arith.index_cast %add3A_204 : i32 to index
          %get3A_229 = arith.constant 48 : index
          %get3A_230 = tpu.vector_load %arg18[%get3A_228, %get3A_229] {strides = array<i32>} : memref<96x128xf32, #tpu.memory_space<vmem>>, vector<16xf32>,
          %mul3A_231 = arith.mulf %get3A_230, %gather3A_206 : vector<16xf32>
          %swap3A_232 = arith.index_cast %add3A_204 : i32 to index
          %swap3A_233 = arith.constant 48 : index
          %swap3A_234 = tpu.vector_load %arg18[%swap3A_232, %swap3A_233] {strides = array<i32>} : memref<96x128xf32, #tpu.memory_space<vmem>>, vector<16xf32>,
          tpu.vector_store %arg18[%swap3A_232, %swap3A_233], %mul3A_231 {strides = array<i32>} : memref<96x128xf32, #tpu.memory_space<vmem>>, vector<16xf32>,
          %scan3A_235 = arith.constant 3 : i32
          %scan3A_236 = arith.addi %scan3A_132, %scan3A_235 : i32
          %mul3A_237 = arith.constant 1 : i32
          %mul3A_238 = arith.muli %scan3A_236, %mul3A_237 : i32
          %add3A_239 = arith.constant 0 : i32
          %add3A_240 = arith.addi %add3A_239, %mul3A_238 : i32
          %broadcast_in_dim3A_241 = vector.broadcast %add3A_240 : i32 to vector<16xi32>
          %gather3A_242 = tpu.vector_load_idx %arg15[%broadcast_in_dim3A_241] : memref<96xf32, #tpu.memory_space<vmem>>[vector<16xi32>], vector<16xf32>,
          %get3A_243 = arith.index_cast %add3A_240 : i32 to index
          %get3A_244 = arith.constant 0 : index
          %get3A_245 = tpu.vector_load %arg18[%get3A_243, %get3A_244] {strides = array<i32>} : memref<96x128xf32, #tpu.memory_space<vmem>>, vector<16xf32>,
          %mul3A_246 = arith.mulf %get3A_245, %gather3A_242 : vector<16xf32>
          %swap3A_247 = arith.index_cast %add3A_240 : i32 to index
          %swap3A_248 = arith.constant 0 : index
          %swap3A_249 = tpu.vector_load %arg18[%swap3A_247, %swap3A_248] {strides = array<i32>} : memref<96x128xf32, #tpu.memory_space<vmem>>, vector<16xf32>,
          tpu.vector_store %arg18[%swap3A_247, %swap3A_248], %mul3A_246 {strides = array<i32>} : memref<96x128xf32, #tpu.memory_space<vmem>>, vector<16xf32>,
          %get3A_250 = arith.index_cast %add3A_240 : i32 to index
          %get3A_251 = arith.constant 16 : index
          %get3A_252 = tpu.vector_load %arg18[%get3A_250, %get3A_251] {strides = array<i32>} : memref<96x128xf32, #tpu.memory_space<vmem>>, vector<16xf32>,
          %mul3A_253 = arith.mulf %get3A_252, %gather3A_242 : vector<16xf32>
          %swap3A_254 = arith.index_cast %add3A_240 : i32 to index
          %swap3A_255 = arith.constant 16 : index
          %swap3A_256 = tpu.vector_load %arg18[%swap3A_254, %swap3A_255] {strides = array<i32>} : memref<96x128xf32, #tpu.memory_space<vmem>>, vector<16xf32>,
          tpu.vector_store %arg18[%swap3A_254, %swap3A_255], %mul3A_253 {strides = array<i32>} : memref<96x128xf32, #tpu.memory_space<vmem>>, vector<16xf32>,
          %get3A_257 = arith.index_cast %add3A_240 : i32 to index
          %get3A_258 = arith.constant 32 : index
          %get3A_259 = tpu.vector_load %arg18[%get3A_257, %get3A_258] {strides = array<i32>} : memref<96x128xf32, #tpu.memory_space<vmem>>, vector<16xf32>,
          %mul3A_260 = arith.mulf %get3A_259, %gather3A_242 : vector<16xf32>
          %swap3A_261 = arith.index_cast %add3A_240 : i32 to index
          %swap3A_262 = arith.constant 32 : index
          %swap3A_263 = tpu.vector_load %arg18[%swap3A_261, %swap3A_262] {strides = array<i32>} : memref<96x128xf32, #tpu.memory_space<vmem>>, vector<16xf32>,
          tpu.vector_store %arg18[%swap3A_261, %swap3A_262], %mul3A_260 {strides = array<i32>} : memref<96x128xf32, #tpu.memory_space<vmem>>, vector<16xf32>,
          %get3A_264 = arith.index_cast %add3A_240 : i32 to index
          %get3A_265 = arith.constant 48 : index
          %get3A_266 = tpu.vector_load %arg18[%get3A_264, %get3A_265] {strides = array<i32>} : memref<96x128xf32, #tpu.memory_space<vmem>>, vector<16xf32>,
          %mul3A_267 = arith.mulf %get3A_266, %gather3A_242 : vector<16xf32>
          %swap3A_268 = arith.index_cast %add3A_240 : i32 to index
          %swap3A_269 = arith.constant 48 : index
          %swap3A_270 = tpu.vector_load %arg18[%swap3A_268, %swap3A_269] {strides = array<i32>} : memref<96x128xf32, #tpu.memory_space<vmem>>, vector<16xf32>,
          tpu.vector_store %arg18[%swap3A_268, %swap3A_269], %mul3A_267 {strides = array<i32>} : memref<96x128xf32, #tpu.memory_space<vmem>>, vector<16xf32>,
          %scan3A_271 = arith.constant 4 : i32
          %scan3A_272 = arith.addi %scan3A_132, %scan3A_271 : i32
          %mul3A_273 = arith.constant 1 : i32
          %mul3A_274 = arith.muli %scan3A_272, %mul3A_273 : i32
          %add3A_275 = arith.constant 0 : i32
          %add3A_276 = arith.addi %add3A_275, %mul3A_274 : i32
          %broadcast_in_dim3A_277 = vector.broadcast %add3A_276 : i32 to vector<16xi32>
          %gather3A_278 = tpu.vector_load_idx %arg15[%broadcast_in_dim3A_277] : memref<96xf32, #tpu.memory_space<vmem>>[vector<16xi32>], vector<16xf32>,
          %get3A_279 = arith.index_cast %add3A_276 : i32 to index
          %get3A_280 = arith.constant 0 : index
          %get3A_281 = tpu.vector_load %arg18[%get3A_279, %get3A_280] {strides = array<i32>} : memref<96x128xf32, #tpu.memory_space<vmem>>, vector<16xf32>,
          %mul3A_282 = arith.mulf %get3A_281, %gather3A_278 : vector<16xf32>
          %swap3A_283 = arith.index_cast %add3A_276 : i32 to index
          %swap3A_284 = arith.constant 0 : index
          %swap3A_285 = tpu.vector_load %arg18[%swap3A_283, %swap3A_284] {strides = array<i32>} : memref<96x128xf32, #tpu.memory_space<vmem>>, vector<16xf32>,
          tpu.vector_store %arg18[%swap3A_283, %swap3A_284], %mul3A_282 {strides = array<i32>} : memref<96x128xf32, #tpu.memory_space<vmem>>, vector<16xf32>,
          %get3A_286 = arith.index_cast %add3A_276 : i32 to index
          %get3A_287 = arith.constant 16 : index
          %get3A_288 = tpu.vector_load %arg18[%get3A_286, %get3A_287] {strides = array<i32>} : memref<96x128xf32, #tpu.memory_space<vmem>>, vector<16xf32>,
          %mul3A_289 = arith.mulf %get3A_288, %gather3A_278 : vector<16xf32>
          %swap3A_290 = arith.index_cast %add3A_276 : i32 to index
          %swap3A_291 = arith.constant 16 : index
          %swap3A_292 = tpu.vector_load %arg18[%swap3A_290, %swap3A_291] {strides = array<i32>} : memref<96x128xf32, #tpu.memory_space<vmem>>, vector<16xf32>,
          tpu.vector_store %arg18[%swap3A_290, %swap3A_291], %mul3A_289 {strides = array<i32>} : memref<96x128xf32, #tpu.memory_space<vmem>>, vector<16xf32>,
          %get3A_293 = arith.index_cast %add3A_276 : i32 to index
          %get3A_294 = arith.constant 32 : index
          %get3A_295 = tpu.vector_load %arg18[%get3A_293, %get3A_294] {strides = array<i32>} : memref<96x128xf32, #tpu.memory_space<vmem>>, vector<16xf32>,
          %mul3A_296 = arith.mulf %get3A_295, %gather3A_278 : vector<16xf32>
          %swap3A_297 = arith.index_cast %add3A_276 : i32 to index
          %swap3A_298 = arith.constant 32 : index
          %swap3A_299 = tpu.vector_load %arg18[%swap3A_297, %swap3A_298] {strides = array<i32>} : memref<96x128xf32, #tpu.memory_space<vmem>>, vector<16xf32>,
          tpu.vector_store %arg18[%swap3A_297, %swap3A_298], %mul3A_296 {strides = array<i32>} : memref<96x128xf32, #tpu.memory_space<vmem>>, vector<16xf32>,
          %get3A_300 = arith.index_cast %add3A_276 : i32 to index
          %get3A_301 = arith.constant 48 : index
          %get3A_302 = tpu.vector_load %arg18[%get3A_300, %get3A_301] {strides = array<i32>} : memref<96x128xf32, #tpu.memory_space<vmem>>, vector<16xf32>,
          %mul3A_303 = arith.mulf %get3A_302, %gather3A_278 : vector<16xf32>
          %swap3A_304 = arith.index_cast %add3A_276 : i32 to index
          %swap3A_305 = arith.constant 48 : index
          %swap3A_306 = tpu.vector_load %arg18[%swap3A_304, %swap3A_305] {strides = array<i32>} : memref<96x128xf32, #tpu.memory_space<vmem>>, vector<16xf32>,
          tpu.vector_store %arg18[%swap3A_304, %swap3A_305], %mul3A_303 {strides = array<i32>} : memref<96x128xf32, #tpu.memory_space<vmem>>, vector<16xf32>,
          %scan3A_307 = arith.constant 5 : i32
          %scan3A_308 = arith.addi %scan3A_132, %scan3A_307 : i32
          %mul3A_309 = arith.constant 1 : i32
          %mul3A_310 = arith.muli %scan3A_308, %mul3A_309 : i32
          %add3A_311 = arith.constant 0 : i32
          %add3A_312 = arith.addi %add3A_311, %mul3A_310 : i32
          %broadcast_in_dim3A_313 = vector.broadcast %add3A_312 : i32 to vector<16xi32>
          %gather3A_314 = tpu.vector_load_idx %arg15[%broadcast_in_dim3A_313] : memref<96xf32, #tpu.memory_space<vmem>>[vector<16xi32>], vector<16xf32>,
          %get3A_315 = arith.index_cast %add3A_312 : i32 to index
          %get3A_316 = arith.constant 0 : index
          %get3A_317 = tpu.vector_load %arg18[%get3A_315, %get3A_316] {strides = array<i32>} : memref<96x128xf32, #tpu.memory_space<vmem>>, vector<16xf32>,
          %mul3A_318 = arith.mulf %get3A_317, %gather3A_314 : vector<16xf32>
          %swap3A_319 = arith.index_cast %add3A_312 : i32 to index
          %swap3A_320 = arith.constant 0 : index
          %swap3A_321 = tpu.vector_load %arg18[%swap3A_319, %swap3A_320] {strides = array<i32>} : memref<96x128xf32, #tpu.memory_space<vmem>>, vector<16xf32>,
          tpu.vector_store %arg18[%swap3A_319, %swap3A_320], %mul3A_318 {strides = array<i32>} : memref<96x128xf32, #tpu.memory_space<vmem>>, vector<16xf32>,
          %get3A_322 = arith.index_cast %add3A_312 : i32 to index
          %get3A_323 = arith.constant 16 : index
          %get3A_324 = tpu.vector_load %arg18[%get3A_322, %get3A_323] {strides = array<i32>} : memref<96x128xf32, #tpu.memory_space<vmem>>, vector<16xf32>,
          %mul3A_325 = arith.mulf %get3A_324, %gather3A_314 : vector<16xf32>
          %swap3A_326 = arith.index_cast %add3A_312 : i32 to index
          %swap3A_327 = arith.constant 16 : index
          %swap3A_328 = tpu.vector_load %arg18[%swap3A_326, %swap3A_327] {strides = array<i32>} : memref<96x128xf32, #tpu.memory_space<vmem>>, vector<16xf32>,
          tpu.vector_store %arg18[%swap3A_326, %swap3A_327], %mul3A_325 {strides = array<i32>} : memref<96x128xf32, #tpu.memory_space<vmem>>, vector<16xf32>,
          %get3A_329 = arith.index_cast %add3A_312 : i32 to index
          %get3A_330 = arith.constant 32 : index
          %get3A_331 = tpu.vector_load %arg18[%get3A_329, %get3A_330] {strides = array<i32>} : memref<96x128xf32, #tpu.memory_space<vmem>>, vector<16xf32>,
          %mul3A_332 = arith.mulf %get3A_331, %gather3A_314 : vector<16xf32>
          %swap3A_333 = arith.index_cast %add3A_312 : i32 to index
          %swap3A_334 = arith.constant 32 : index
          %swap3A_335 = tpu.vector_load %arg18[%swap3A_333, %swap3A_334] {strides = array<i32>} : memref<96x128xf32, #tpu.memory_space<vmem>>, vector<16xf32>,
          tpu.vector_store %arg18[%swap3A_333, %swap3A_334], %mul3A_332 {strides = array<i32>} : memref<96x128xf32, #tpu.memory_space<vmem>>, vector<16xf32>,
          %get3A_336 = arith.index_cast %add3A_312 : i32 to index
          %get3A_337 = arith.constant 48 : index
          %get3A_338 = tpu.vector_load %arg18[%get3A_336, %get3A_337] {strides = array<i32>} : memref<96x128xf32, #tpu.memory_space<vmem>>, vector<16xf32>,
          %mul3A_339 = arith.mulf %get3A_338, %gather3A_314 : vector<16xf32>
          %swap3A_340 = arith.index_cast %add3A_312 : i32 to index
          %swap3A_341 = arith.constant 48 : index
          %swap3A_342 = tpu.vector_load %arg18[%swap3A_340, %swap3A_341] {strides = array<i32>} : memref<96x128xf32, #tpu.memory_space<vmem>>, vector<16xf32>,
          tpu.vector_store %arg18[%swap3A_340, %swap3A_341], %mul3A_339 {strides = array<i32>} : memref<96x128xf32, #tpu.memory_space<vmem>>, vector<16xf32>,
          %scan3A_343 = arith.constant 6 : i32
          %scan3A_344 = arith.addi %scan3A_132, %scan3A_343 : i32
          %mul3A_345 = arith.constant 1 : i32
          %mul3A_346 = arith.muli %scan3A_344, %mul3A_345 : i32
          %add3A_347 = arith.constant 0 : i32
          %add3A_348 = arith.addi %add3A_347, %mul3A_346 : i32
          %broadcast_in_dim3A_349 = vector.broadcast %add3A_348 : i32 to vector<16xi32>
          %gather3A_350 = tpu.vector_load_idx %arg15[%broadcast_in_dim3A_349] : memref<96xf32, #tpu.memory_space<vmem>>[vector<16xi32>], vector<16xf32>,
          %get3A_351 = arith.index_cast %add3A_348 : i32 to index
          %get3A_352 = arith.constant 0 : index
          %get3A_353 = tpu.vector_load %arg18[%get3A_351, %get3A_352] {strides = array<i32>} : memref<96x128xf32, #tpu.memory_space<vmem>>, vector<16xf32>,
          %mul3A_354 = arith.mulf %get3A_353, %gather3A_350 : vector<16xf32>
          %swap3A_355 = arith.index_cast %add3A_348 : i32 to index
          %swap3A_356 = arith.constant 0 : index
          %swap3A_357 = tpu.vector_load %arg18[%swap3A_355, %swap3A_356] {strides = array<i32>} : memref<96x128xf32, #tpu.memory_space<vmem>>, vector<16xf32>,
          tpu.vector_store %arg18[%swap3A_355, %swap3A_356], %mul3A_354 {strides = array<i32>} : memref<96x128xf32, #tpu.memory_space<vmem>>, vector<16xf32>,
          %get3A_358 = arith.index_cast %add3A_348 : i32 to index
          %get3A_359 = arith.constant 16 : index
          %get3A_360 = tpu.vector_load %arg18[%get3A_358, %get3A_359] {strides = array<i32>} : memref<96x128xf32, #tpu.memory_space<vmem>>, vector<16xf32>,
          %mul3A_361 = arith.mulf %get3A_360, %gather3A_350 : vector<16xf32>
          %swap3A_362 = arith.index_cast %add3A_348 : i32 to index
          %swap3A_363 = arith.constant 16 : index
          %swap3A_364 = tpu.vector_load %arg18[%swap3A_362, %swap3A_363] {strides = array<i32>} : memref<96x128xf32, #tpu.memory_space<vmem>>, vector<16xf32>,
          tpu.vector_store %arg18[%swap3A_362, %swap3A_363], %mul3A_361 {strides = array<i32>} : memref<96x128xf32, #tpu.memory_space<vmem>>, vector<16xf32>,
          %get3A_365 = arith.index_cast %add3A_348 : i32 to index
          %get3A_366 = arith.constant 32 : index
          %get3A_367 = tpu.vector_load %arg18[%get3A_365, %get3A_366] {strides = array<i32>} : memref<96x128xf32, #tpu.memory_space<vmem>>, vector<16xf32>,
          %mul3A_368 = arith.mulf %get3A_367, %gather3A_350 : vector<16xf32>
          %swap3A_369 = arith.index_cast %add3A_348 : i32 to index
          %swap3A_370 = arith.constant 32 : index
          %swap3A_371 = tpu.vector_load %arg18[%swap3A_369, %swap3A_370] {strides = array<i32>} : memref<96x128xf32, #tpu.memory_space<vmem>>, vector<16xf32>,
          tpu.vector_store %arg18[%swap3A_369, %swap3A_370], %mul3A_368 {strides = array<i32>} : memref<96x128xf32, #tpu.memory_space<vmem>>, vector<16xf32>,
          %get3A_372 = arith.index_cast %add3A_348 : i32 to index
          %get3A_373 = arith.constant 48 : index
          %get3A_374 = tpu.vector_load %arg18[%get3A_372, %get3A_373] {strides = array<i32>} : memref<96x128xf32, #tpu.memory_space<vmem>>, vector<16xf32>,
          %mul3A_375 = arith.mulf %get3A_374, %gather3A_350 : vector<16xf32>
          %swap3A_376 = arith.index_cast %add3A_348 : i32 to index
          %swap3A_377 = arith.constant 48 : index
          %swap3A_378 = tpu.vector_load %arg18[%swap3A_376, %swap3A_377] {strides = array<i32>} : memref<96x128xf32, #tpu.memory_space<vmem>>, vector<16xf32>,
          tpu.vector_store %arg18[%swap3A_376, %swap3A_377], %mul3A_375 {strides = array<i32>} : memref<96x128xf32, #tpu.memory_space<vmem>>, vector<16xf32>,
          %scan3A_379 = arith.constant 7 : i32
          %scan3A_380 = arith.addi %scan3A_132, %scan3A_379 : i32
          %mul3A_381 = arith.constant 1 : i32
          %mul3A_382 = arith.muli %scan3A_380, %mul3A_381 : i32
          %add3A_383 = arith.constant 0 : i32
          %add3A_384 = arith.addi %add3A_383, %mul3A_382 : i32
          %broadcast_in_dim3A_385 = vector.broadcast %add3A_384 : i32 to vector<16xi32>
          %gather3A_386 = tpu.vector_load_idx %arg15[%broadcast_in_dim3A_385] : memref<96xf32, #tpu.memory_space<vmem>>[vector<16xi32>], vector<16xf32>,
          %get3A_387 = arith.index_cast %add3A_384 : i32 to index
          %get3A_388 = arith.constant 0 : index
          %get3A_389 = tpu.vector_load %arg18[%get3A_387, %get3A_388] {strides = array<i32>} : memref<96x128xf32, #tpu.memory_space<vmem>>, vector<16xf32>,
          %mul3A_390 = arith.mulf %get3A_389, %gather3A_386 : vector<16xf32>
          %swap3A_391 = arith.index_cast %add3A_384 : i32 to index
          %swap3A_392 = arith.constant 0 : index
          %swap3A_393 = tpu.vector_load %arg18[%swap3A_391, %swap3A_392] {strides = array<i32>} : memref<96x128xf32, #tpu.memory_space<vmem>>, vector<16xf32>,
          tpu.vector_store %arg18[%swap3A_391, %swap3A_392], %mul3A_390 {strides = array<i32>} : memref<96x128xf32, #tpu.memory_space<vmem>>, vector<16xf32>,
          %get3A_394 = arith.index_cast %add3A_384 : i32 to index
          %get3A_395 = arith.constant 16 : index
          %get3A_396 = tpu.vector_load %arg18[%get3A_394, %get3A_395] {strides = array<i32>} : memref<96x128xf32, #tpu.memory_space<vmem>>, vector<16xf32>,
          %mul3A_397 = arith.mulf %get3A_396, %gather3A_386 : vector<16xf32>
          %swap3A_398 = arith.index_cast %add3A_384 : i32 to index
          %swap3A_399 = arith.constant 16 : index
          %swap3A_400 = tpu.vector_load %arg18[%swap3A_398, %swap3A_399] {strides = array<i32>} : memref<96x128xf32, #tpu.memory_space<vmem>>, vector<16xf32>,
          tpu.vector_store %arg18[%swap3A_398, %swap3A_399], %mul3A_397 {strides = array<i32>} : memref<96x128xf32, #tpu.memory_space<vmem>>, vector<16xf32>,
          %get3A_401 = arith.index_cast %add3A_384 : i32 to index
          %get3A_402 = arith.constant 32 : index
          %get3A_403 = tpu.vector_load %arg18[%get3A_401, %get3A_402] {strides = array<i32>} : memref<96x128xf32, #tpu.memory_space<vmem>>, vector<16xf32>,
          %mul3A_404 = arith.mulf %get3A_403, %gather3A_386 : vector<16xf32>
          %swap3A_405 = arith.index_cast %add3A_384 : i32 to index
          %swap3A_406 = arith.constant 32 : index
          %swap3A_407 = tpu.vector_load %arg18[%swap3A_405, %swap3A_406] {strides = array<i32>} : memref<96x128xf32, #tpu.memory_space<vmem>>, vector<16xf32>,
          tpu.vector_store %arg18[%swap3A_405, %swap3A_406], %mul3A_404 {strides = array<i32>} : memref<96x128xf32, #tpu.memory_space<vmem>>, vector<16xf32>,
          %get3A_408 = arith.index_cast %add3A_384 : i32 to index
          %get3A_409 = arith.constant 48 : index
          %get3A_410 = tpu.vector_load %arg18[%get3A_408, %get3A_409] {strides = array<i32>} : memref<96x128xf32, #tpu.memory_space<vmem>>, vector<16xf32>,
          %mul3A_411 = arith.mulf %get3A_410, %gather3A_386 : vector<16xf32>
          %swap3A_412 = arith.index_cast %add3A_384 : i32 to index
          %swap3A_413 = arith.constant 48 : index
          %swap3A_414 = tpu.vector_load %arg18[%swap3A_412, %swap3A_413] {strides = array<i32>} : memref<96x128xf32, #tpu.memory_space<vmem>>, vector<16xf32>,
          tpu.vector_store %arg18[%swap3A_412, %swap3A_413], %mul3A_411 {strides = array<i32>} : memref<96x128xf32, #tpu.memory_space<vmem>>, vector<16xf32>,
        }
        %scan3A_117 = arith.constant 96 : i32
        %ge3A = arith.constant 1 : i32
        %ge3A_118 = arith.cmpi sge, %add3A_85, %ge3A : i32
        %convert_element_type3A_119 = arith.extui %ge3A_118 : i1 to i32
        %cond3A_120 = arith.constant 0 : i32
        %cond3A_121 = arith.cmpi ne, %convert_element_type3A_119, %cond3A_120 : i32
        scf.if %cond3A_121 {
          %dma_wait3A_132 = arith.constant 0 : i32
          %dma_wait3A_133 = arith.constant 0 : i32
          %dma_wait3A_134 = tpu.memref_slice %arg8[%dma_wait3A_132, %dma_wait3A_133] : memref<10000x128xf32, #tpu.memory_space<vmem_shared>> -> memref<10000x128xf32, #tpu.memory_space<vmem_shared>>
          tpu.wait_indirect_dma semaphore(%arg23 : memref<!tpu.dma_semaphore, #tpu.memory_space<semaphore_mem>>) src(%arg17 : memref<96x128xf32, #tpu.memory_space<vmem>>) dst(%dma_wait3A_134 : memref<10000x128xf32, #tpu.memory_space<vmem_shared>>)
        } else {
        }
        %dma_start3A_122 = arith.constant 0 : i32
        %dma_start3A_123 = arith.constant 0 : i32
        %dma_start3A_124 = tpu.memref_slice %arg8[%dma_start3A_122, %dma_start3A_123] : memref<10000x128xf32, #tpu.memory_space<vmem_shared>> -> memref<10000x128xf32, #tpu.memory_space<vmem_shared>>
        tpu.enqueue_indirect_dma source(%arg18 : memref<96x128xf32, #tpu.memory_space<vmem>>) target(%dma_start3A_124 : memref<10000x128xf32, #tpu.memory_space<vmem_shared>>) offsets(%arg12 : memref<96xi32, #tpu.memory_space<vmem>>) semaphore(%arg23 : memref<!tpu.dma_semaphore, #tpu.memory_space<semaphore_mem>>) {add = true}
        %add3A_125 = arith.constant 2 : i32
        %add3A_126 = arith.addi %add3A_85, %add3A_125 : i32
        %lt3A_127 = arith.constant 53 : i32
        %lt3A_128 = arith.cmpi slt, %add3A_126, %lt3A_127 : i32
        %convert_element_type3A_129 = arith.extui %lt3A_128 : i1 to i32
        %cond3A_130 = arith.constant 0 : i32
        %cond3A_131 = arith.cmpi ne, %convert_element_type3A_129, %cond3A_130 : i32
        scf.if %cond3A_131 {
          %add3A_132 = arith.constant 2 : i32
          %add3A_133 = arith.addi %add3A_85, %add3A_132 : i32
          %mul3A_134 = arith.constant 96 : i32
          %mul3A_135 = arith.muli %add3A_133, %mul3A_134 : i32
          %add3A_136 = arith.addi %mul3A_2, %mul3A_135 : i32
          %dma_start3A_137 = tpu.memref_slice %arg4[%add3A_136] : memref<162816xi32, #tpu.memory_space<hbm>> -> memref<96xi32, #tpu.memory_space<hbm>>
          %dma_start3A_138 = tpu.memref_slice %arg4[%add3A_136] : memref<162816xi32, #tpu.memory_space<hbm>> -> memref<96xi32, #tpu.memory_space<hbm>>
          tpu.enqueue_dma source(%dma_start3A_138 : memref<96xi32, #tpu.memory_space<hbm>>) target(%arg11 : memref<96xi32, #tpu.memory_space<vmem>>) target_semaphore(%arg20 : memref<!tpu.dma_semaphore, #tpu.memory_space<semaphore_mem>>)
          %dma_start3A_139 = tpu.memref_slice %arg5[%add3A_136] : memref<162816xf32, #tpu.memory_space<hbm>> -> memref<96xf32, #tpu.memory_space<hbm>>
          %dma_start3A_140 = tpu.memref_slice %arg5[%add3A_136] : memref<162816xf32, #tpu.memory_space<hbm>> -> memref<96xf32, #tpu.memory_space<hbm>>
          tpu.enqueue_dma source(%dma_start3A_140 : memref<96xf32, #tpu.memory_space<hbm>>) target(%arg14 : memref<96xf32, #tpu.memory_space<vmem>>) target_semaphore(%arg20 : memref<!tpu.dma_semaphore, #tpu.memory_space<semaphore_mem>>)
          %mul3A_141 = arith.constant 96 : i32
          %mul3A_142 = arith.muli %add3A_133, %mul3A_141 : i32
          %dma_start3A_143 = tpu.memref_slice %arg10[%mul3A_142] : memref<5088xi32, #tpu.memory_space<vmem>> -> memref<96xi32, #tpu.memory_space<vmem>>
          %dma_start3A_144 = arith.constant 0 : i32
          %dma_start3A_145 = arith.constant 0 : i32
          %dma_start3A_146 = tpu.memref_slice %arg2[%dma_start3A_144, %dma_start3A_145] : memref<10000x128xf32, #tpu.memory_space<hbm>> -> memref<10000x128xf32, #tpu.memory_space<hbm>>
          tpu.enqueue_indirect_dma source(%dma_start3A_146 : memref<10000x128xf32, #tpu.memory_space<hbm>>) target(%arg17 : memref<96x128xf32, #tpu.memory_space<vmem>>) offsets(%dma_start3A_143 : memref<96xi32, #tpu.memory_space<vmem>>) semaphore(%arg20 : memref<!tpu.dma_semaphore, #tpu.memory_space<semaphore_mem>>)
        } else {
        }
      } else {
      }
      %mul3A_91 = arith.constant 3 : i32
      %mul3A_92 = arith.muli %mul3A_91, %add3A_75 : i32
      %add3A_93 = arith.constant 2 : i32
      %add3A_94 = arith.addi %mul3A_92, %add3A_93 : i32
      %lt3A_95 = arith.constant 53 : i32
      %lt3A_96 = arith.cmpi slt, %add3A_94, %lt3A_95 : i32
      %convert_element_type3A_97 = arith.extui %lt3A_96 : i1 to i32
      %cond3A_98 = arith.constant 0 : i32
      %cond3A_99 = arith.cmpi ne, %convert_element_type3A_97, %cond3A_98 : i32
      scf.if %cond3A_99 {
        %dma_wait3A_100 = arith.constant 0 : i32
        %dma_wait3A_101 = tpu.memref_slice %arg4[%dma_wait3A_100] : memref<162816xi32, #tpu.memory_space<hbm>> -> memref<96xi32, #tpu.memory_space<hbm>>
        %dma_wait3A_102 = arith.constant 0 : i32
        %dma_wait3A_103 = tpu.memref_slice %arg4[%dma_wait3A_102] : memref<162816xi32, #tpu.memory_space<hbm>> -> memref<96xi32, #tpu.memory_space<hbm>>
        tpu.wait_dma2 semaphore(%arg22 : memref<!tpu.dma_semaphore, #tpu.memory_space<semaphore_mem>>) src(%dma_wait3A_103 : memref<96xi32, #tpu.memory_space<hbm>>) dst(%arg13 : memref<96xi32, #tpu.memory_space<vmem>>)
        %dma_wait3A_104 = arith.constant 0 : i32
        %dma_wait3A_105 = tpu.memref_slice %arg5[%dma_wait3A_104] : memref<162816xf32, #tpu.memory_space<hbm>> -> memref<96xf32, #tpu.memory_space<hbm>>
        %dma_wait3A_106 = arith.constant 0 : i32
        %dma_wait3A_107 = tpu.memref_slice %arg5[%dma_wait3A_106] : memref<162816xf32, #tpu.memory_space<hbm>> -> memref<96xf32, #tpu.memory_space<hbm>>
        tpu.wait_dma2 semaphore(%arg22 : memref<!tpu.dma_semaphore, #tpu.memory_space<semaphore_mem>>) src(%dma_wait3A_107 : memref<96xf32, #tpu.memory_space<hbm>>) dst(%arg16 : memref<96xf32, #tpu.memory_space<vmem>>)
        %dma_wait3A_108 = arith.constant 0 : i32
        %dma_wait3A_109 = tpu.memref_slice %arg10[%dma_wait3A_108] : memref<5088xi32, #tpu.memory_space<vmem>> -> memref<96xi32, #tpu.memory_space<vmem>>
        %dma_wait3A_110 = arith.constant 0 : i32
        %dma_wait3A_111 = arith.constant 0 : i32
        %dma_wait3A_112 = tpu.memref_slice %arg2[%dma_wait3A_110, %dma_wait3A_111] : memref<10000x128xf32, #tpu.memory_space<hbm>> -> memref<10000x128xf32, #tpu.memory_space<hbm>>
        tpu.wait_indirect_dma semaphore(%arg22 : memref<!tpu.dma_semaphore, #tpu.memory_space<semaphore_mem>>) src(%dma_wait3A_112 : memref<10000x128xf32, #tpu.memory_space<hbm>>) dst(%arg19 : memref<96x128xf32, #tpu.memory_space<vmem>>)
        %scan3A_113 = arith.constant 0 : i32
        %scan3A_114 = arith.constant 96 : i32
        %scan3A_115 = arith.addi %scan3A_113, %scan3A_114 : i32
        %scan3A_116 = arith.constant 8 : i32
        scf.for %scan3A_132 = %scan3A_113 to %scan3A_115 step %scan3A_116  : i32 {
          %mul3A_133 = arith.constant 1 : i32
          %mul3A_134 = arith.muli %scan3A_132, %mul3A_133 : i32
          %add3A_135 = arith.constant 0 : i32
          %add3A_136 = arith.addi %add3A_135, %mul3A_134 : i32
          %broadcast_in_dim3A = vector.broadcast %add3A_136 : i32 to vector<16xi32>
          %gather3A = tpu.vector_load_idx %arg16[%broadcast_in_dim3A] : memref<96xf32, #tpu.memory_space<vmem>>[vector<16xi32>], vector<16xf32>,
          %get3A = arith.index_cast %add3A_136 : i32 to index
          %get3A_137 = arith.constant 0 : index
          %get3A_138 = tpu.vector_load %arg19[%get3A, %get3A_137] {strides = array<i32>} : memref<96x128xf32, #tpu.memory_space<vmem>>, vector<16xf32>,
          %mul3A_139 = arith.mulf %get3A_138, %gather3A : vector<16xf32>
          %swap3A = arith.index_cast %add3A_136 : i32 to index
          %swap3A_140 = arith.constant 0 : index
          %swap3A_141 = tpu.vector_load %arg19[%swap3A, %swap3A_140] {strides = array<i32>} : memref<96x128xf32, #tpu.memory_space<vmem>>, vector<16xf32>,
          tpu.vector_store %arg19[%swap3A, %swap3A_140], %mul3A_139 {strides = array<i32>} : memref<96x128xf32, #tpu.memory_space<vmem>>, vector<16xf32>,
          %get3A_142 = arith.index_cast %add3A_136 : i32 to index
          %get3A_143 = arith.constant 16 : index
          %get3A_144 = tpu.vector_load %arg19[%get3A_142, %get3A_143] {strides = array<i32>} : memref<96x128xf32, #tpu.memory_space<vmem>>, vector<16xf32>,
          %mul3A_145 = arith.mulf %get3A_144, %gather3A : vector<16xf32>
          %swap3A_146 = arith.index_cast %add3A_136 : i32 to index
          %swap3A_147 = arith.constant 16 : index
          %swap3A_148 = tpu.vector_load %arg19[%swap3A_146, %swap3A_147] {strides = array<i32>} : memref<96x128xf32, #tpu.memory_space<vmem>>, vector<16xf32>,
          tpu.vector_store %arg19[%swap3A_146, %swap3A_147], %mul3A_145 {strides = array<i32>} : memref<96x128xf32, #tpu.memory_space<vmem>>, vector<16xf32>,
          %get3A_149 = arith.index_cast %add3A_136 : i32 to index
          %get3A_150 = arith.constant 32 : index
          %get3A_151 = tpu.vector_load %arg19[%get3A_149, %get3A_150] {strides = array<i32>} : memref<96x128xf32, #tpu.memory_space<vmem>>, vector<16xf32>,
          %mul3A_152 = arith.mulf %get3A_151, %gather3A : vector<16xf32>
          %swap3A_153 = arith.index_cast %add3A_136 : i32 to index
          %swap3A_154 = arith.constant 32 : index
          %swap3A_155 = tpu.vector_load %arg19[%swap3A_153, %swap3A_154] {strides = array<i32>} : memref<96x128xf32, #tpu.memory_space<vmem>>, vector<16xf32>,
          tpu.vector_store %arg19[%swap3A_153, %swap3A_154], %mul3A_152 {strides = array<i32>} : memref<96x128xf32, #tpu.memory_space<vmem>>, vector<16xf32>,
          %get3A_156 = arith.index_cast %add3A_136 : i32 to index
          %get3A_157 = arith.constant 48 : index
          %get3A_158 = tpu.vector_load %arg19[%get3A_156, %get3A_157] {strides = array<i32>} : memref<96x128xf32, #tpu.memory_space<vmem>>, vector<16xf32>,
          %mul3A_159 = arith.mulf %get3A_158, %gather3A : vector<16xf32>
          %swap3A_160 = arith.index_cast %add3A_136 : i32 to index
          %swap3A_161 = arith.constant 48 : index
          %swap3A_162 = tpu.vector_load %arg19[%swap3A_160, %swap3A_161] {strides = array<i32>} : memref<96x128xf32, #tpu.memory_space<vmem>>, vector<16xf32>,
          tpu.vector_store %arg19[%swap3A_160, %swap3A_161], %mul3A_159 {strides = array<i32>} : memref<96x128xf32, #tpu.memory_space<vmem>>, vector<16xf32>,
          %scan3A_163 = arith.constant 1 : i32
          %scan3A_164 = arith.addi %scan3A_132, %scan3A_163 : i32
          %mul3A_165 = arith.constant 1 : i32
          %mul3A_166 = arith.muli %scan3A_164, %mul3A_165 : i32
          %add3A_167 = arith.constant 0 : i32
          %add3A_168 = arith.addi %add3A_167, %mul3A_166 : i32
          %broadcast_in_dim3A_169 = vector.broadcast %add3A_168 : i32 to vector<16xi32>
          %gather3A_170 = tpu.vector_load_idx %arg16[%broadcast_in_dim3A_169] : memref<96xf32, #tpu.memory_space<vmem>>[vector<16xi32>], vector<16xf32>,
          %get3A_171 = arith.index_cast %add3A_168 : i32 to index
          %get3A_172 = arith.constant 0 : index
          %get3A_173 = tpu.vector_load %arg19[%get3A_171, %get3A_172] {strides = array<i32>} : memref<96x128xf32, #tpu.memory_space<vmem>>, vector<16xf32>,
          %mul3A_174 = arith.mulf %get3A_173, %gather3A_170 : vector<16xf32>
          %swap3A_175 = arith.index_cast %add3A_168 : i32 to index
          %swap3A_176 = arith.constant 0 : index
          %swap3A_177 = tpu.vector_load %arg19[%swap3A_175, %swap3A_176] {strides = array<i32>} : memref<96x128xf32, #tpu.memory_space<vmem>>, vector<16xf32>,
          tpu.vector_store %arg19[%swap3A_175, %swap3A_176], %mul3A_174 {strides = array<i32>} : memref<96x128xf32, #tpu.memory_space<vmem>>, vector<16xf32>,
          %get3A_178 = arith.index_cast %add3A_168 : i32 to index
          %get3A_179 = arith.constant 16 : index
          %get3A_180 = tpu.vector_load %arg19[%get3A_178, %get3A_179] {strides = array<i32>} : memref<96x128xf32, #tpu.memory_space<vmem>>, vector<16xf32>,
          %mul3A_181 = arith.mulf %get3A_180, %gather3A_170 : vector<16xf32>
          %swap3A_182 = arith.index_cast %add3A_168 : i32 to index
          %swap3A_183 = arith.constant 16 : index
          %swap3A_184 = tpu.vector_load %arg19[%swap3A_182, %swap3A_183] {strides = array<i32>} : memref<96x128xf32, #tpu.memory_space<vmem>>, vector<16xf32>,
          tpu.vector_store %arg19[%swap3A_182, %swap3A_183], %mul3A_181 {strides = array<i32>} : memref<96x128xf32, #tpu.memory_space<vmem>>, vector<16xf32>,
          %get3A_185 = arith.index_cast %add3A_168 : i32 to index
          %get3A_186 = arith.constant 32 : index
          %get3A_187 = tpu.vector_load %arg19[%get3A_185, %get3A_186] {strides = array<i32>} : memref<96x128xf32, #tpu.memory_space<vmem>>, vector<16xf32>,
          %mul3A_188 = arith.mulf %get3A_187, %gather3A_170 : vector<16xf32>
          %swap3A_189 = arith.index_cast %add3A_168 : i32 to index
          %swap3A_190 = arith.constant 32 : index
          %swap3A_191 = tpu.vector_load %arg19[%swap3A_189, %swap3A_190] {strides = array<i32>} : memref<96x128xf32, #tpu.memory_space<vmem>>, vector<16xf32>,
          tpu.vector_store %arg19[%swap3A_189, %swap3A_190], %mul3A_188 {strides = array<i32>} : memref<96x128xf32, #tpu.memory_space<vmem>>, vector<16xf32>,
          %get3A_192 = arith.index_cast %add3A_168 : i32 to index
          %get3A_193 = arith.constant 48 : index
          %get3A_194 = tpu.vector_load %arg19[%get3A_192, %get3A_193] {strides = array<i32>} : memref<96x128xf32, #tpu.memory_space<vmem>>, vector<16xf32>,
          %mul3A_195 = arith.mulf %get3A_194, %gather3A_170 : vector<16xf32>
          %swap3A_196 = arith.index_cast %add3A_168 : i32 to index
          %swap3A_197 = arith.constant 48 : index
          %swap3A_198 = tpu.vector_load %arg19[%swap3A_196, %swap3A_197] {strides = array<i32>} : memref<96x128xf32, #tpu.memory_space<vmem>>, vector<16xf32>,
          tpu.vector_store %arg19[%swap3A_196, %swap3A_197], %mul3A_195 {strides = array<i32>} : memref<96x128xf32, #tpu.memory_space<vmem>>, vector<16xf32>,
          %scan3A_199 = arith.constant 2 : i32
          %scan3A_200 = arith.addi %scan3A_132, %scan3A_199 : i32
          %mul3A_201 = arith.constant 1 : i32
          %mul3A_202 = arith.muli %scan3A_200, %mul3A_201 : i32
          %add3A_203 = arith.constant 0 : i32
          %add3A_204 = arith.addi %add3A_203, %mul3A_202 : i32
          %broadcast_in_dim3A_205 = vector.broadcast %add3A_204 : i32 to vector<16xi32>
          %gather3A_206 = tpu.vector_load_idx %arg16[%broadcast_in_dim3A_205] : memref<96xf32, #tpu.memory_space<vmem>>[vector<16xi32>], vector<16xf32>,
          %get3A_207 = arith.index_cast %add3A_204 : i32 to index
          %get3A_208 = arith.constant 0 : index
          %get3A_209 = tpu.vector_load %arg19[%get3A_207, %get3A_208] {strides = array<i32>} : memref<96x128xf32, #tpu.memory_space<vmem>>, vector<16xf32>,
          %mul3A_210 = arith.mulf %get3A_209, %gather3A_206 : vector<16xf32>
          %swap3A_211 = arith.index_cast %add3A_204 : i32 to index
          %swap3A_212 = arith.constant 0 : index
          %swap3A_213 = tpu.vector_load %arg19[%swap3A_211, %swap3A_212] {strides = array<i32>} : memref<96x128xf32, #tpu.memory_space<vmem>>, vector<16xf32>,
          tpu.vector_store %arg19[%swap3A_211, %swap3A_212], %mul3A_210 {strides = array<i32>} : memref<96x128xf32, #tpu.memory_space<vmem>>, vector<16xf32>,
          %get3A_214 = arith.index_cast %add3A_204 : i32 to index
          %get3A_215 = arith.constant 16 : index
          %get3A_216 = tpu.vector_load %arg19[%get3A_214, %get3A_215] {strides = array<i32>} : memref<96x128xf32, #tpu.memory_space<vmem>>, vector<16xf32>,
          %mul3A_217 = arith.mulf %get3A_216, %gather3A_206 : vector<16xf32>
          %swap3A_218 = arith.index_cast %add3A_204 : i32 to index
          %swap3A_219 = arith.constant 16 : index
          %swap3A_220 = tpu.vector_load %arg19[%swap3A_218, %swap3A_219] {strides = array<i32>} : memref<96x128xf32, #tpu.memory_space<vmem>>, vector<16xf32>,
          tpu.vector_store %arg19[%swap3A_218, %swap3A_219], %mul3A_217 {strides = array<i32>} : memref<96x128xf32, #tpu.memory_space<vmem>>, vector<16xf32>,
          %get3A_221 = arith.index_cast %add3A_204 : i32 to index
          %get3A_222 = arith.constant 32 : index
          %get3A_223 = tpu.vector_load %arg19[%get3A_221, %get3A_222] {strides = array<i32>} : memref<96x128xf32, #tpu.memory_space<vmem>>, vector<16xf32>,
          %mul3A_224 = arith.mulf %get3A_223, %gather3A_206 : vector<16xf32>
          %swap3A_225 = arith.index_cast %add3A_204 : i32 to index
          %swap3A_226 = arith.constant 32 : index
          %swap3A_227 = tpu.vector_load %arg19[%swap3A_225, %swap3A_226] {strides = array<i32>} : memref<96x128xf32, #tpu.memory_space<vmem>>, vector<16xf32>,
          tpu.vector_store %arg19[%swap3A_225, %swap3A_226], %mul3A_224 {strides = array<i32>} : memref<96x128xf32, #tpu.memory_space<vmem>>, vector<16xf32>,
          %get3A_228 = arith.index_cast %add3A_204 : i32 to index
          %get3A_229 = arith.constant 48 : index
          %get3A_230 = tpu.vector_load %arg19[%get3A_228, %get3A_229] {strides = array<i32>} : memref<96x128xf32, #tpu.memory_space<vmem>>, vector<16xf32>,
          %mul3A_231 = arith.mulf %get3A_230, %gather3A_206 : vector<16xf32>
          %swap3A_232 = arith.index_cast %add3A_204 : i32 to index
          %swap3A_233 = arith.constant 48 : index
          %swap3A_234 = tpu.vector_load %arg19[%swap3A_232, %swap3A_233] {strides = array<i32>} : memref<96x128xf32, #tpu.memory_space<vmem>>, vector<16xf32>,
          tpu.vector_store %arg19[%swap3A_232, %swap3A_233], %mul3A_231 {strides = array<i32>} : memref<96x128xf32, #tpu.memory_space<vmem>>, vector<16xf32>,
          %scan3A_235 = arith.constant 3 : i32
          %scan3A_236 = arith.addi %scan3A_132, %scan3A_235 : i32
          %mul3A_237 = arith.constant 1 : i32
          %mul3A_238 = arith.muli %scan3A_236, %mul3A_237 : i32
          %add3A_239 = arith.constant 0 : i32
          %add3A_240 = arith.addi %add3A_239, %mul3A_238 : i32
          %broadcast_in_dim3A_241 = vector.broadcast %add3A_240 : i32 to vector<16xi32>
          %gather3A_242 = tpu.vector_load_idx %arg16[%broadcast_in_dim3A_241] : memref<96xf32, #tpu.memory_space<vmem>>[vector<16xi32>], vector<16xf32>,
          %get3A_243 = arith.index_cast %add3A_240 : i32 to index
          %get3A_244 = arith.constant 0 : index
          %get3A_245 = tpu.vector_load %arg19[%get3A_243, %get3A_244] {strides = array<i32>} : memref<96x128xf32, #tpu.memory_space<vmem>>, vector<16xf32>,
          %mul3A_246 = arith.mulf %get3A_245, %gather3A_242 : vector<16xf32>
          %swap3A_247 = arith.index_cast %add3A_240 : i32 to index
          %swap3A_248 = arith.constant 0 : index
          %swap3A_249 = tpu.vector_load %arg19[%swap3A_247, %swap3A_248] {strides = array<i32>} : memref<96x128xf32, #tpu.memory_space<vmem>>, vector<16xf32>,
          tpu.vector_store %arg19[%swap3A_247, %swap3A_248], %mul3A_246 {strides = array<i32>} : memref<96x128xf32, #tpu.memory_space<vmem>>, vector<16xf32>,
          %get3A_250 = arith.index_cast %add3A_240 : i32 to index
          %get3A_251 = arith.constant 16 : index
          %get3A_252 = tpu.vector_load %arg19[%get3A_250, %get3A_251] {strides = array<i32>} : memref<96x128xf32, #tpu.memory_space<vmem>>, vector<16xf32>,
          %mul3A_253 = arith.mulf %get3A_252, %gather3A_242 : vector<16xf32>
          %swap3A_254 = arith.index_cast %add3A_240 : i32 to index
          %swap3A_255 = arith.constant 16 : index
          %swap3A_256 = tpu.vector_load %arg19[%swap3A_254, %swap3A_255] {strides = array<i32>} : memref<96x128xf32, #tpu.memory_space<vmem>>, vector<16xf32>,
          tpu.vector_store %arg19[%swap3A_254, %swap3A_255], %mul3A_253 {strides = array<i32>} : memref<96x128xf32, #tpu.memory_space<vmem>>, vector<16xf32>,
          %get3A_257 = arith.index_cast %add3A_240 : i32 to index
          %get3A_258 = arith.constant 32 : index
          %get3A_259 = tpu.vector_load %arg19[%get3A_257, %get3A_258] {strides = array<i32>} : memref<96x128xf32, #tpu.memory_space<vmem>>, vector<16xf32>,
          %mul3A_260 = arith.mulf %get3A_259, %gather3A_242 : vector<16xf32>
          %swap3A_261 = arith.index_cast %add3A_240 : i32 to index
          %swap3A_262 = arith.constant 32 : index
          %swap3A_263 = tpu.vector_load %arg19[%swap3A_261, %swap3A_262] {strides = array<i32>} : memref<96x128xf32, #tpu.memory_space<vmem>>, vector<16xf32>,
          tpu.vector_store %arg19[%swap3A_261, %swap3A_262], %mul3A_260 {strides = array<i32>} : memref<96x128xf32, #tpu.memory_space<vmem>>, vector<16xf32>,
          %get3A_264 = arith.index_cast %add3A_240 : i32 to index
          %get3A_265 = arith.constant 48 : index
          %get3A_266 = tpu.vector_load %arg19[%get3A_264, %get3A_265] {strides = array<i32>} : memref<96x128xf32, #tpu.memory_space<vmem>>, vector<16xf32>,
          %mul3A_267 = arith.mulf %get3A_266, %gather3A_242 : vector<16xf32>
          %swap3A_268 = arith.index_cast %add3A_240 : i32 to index
          %swap3A_269 = arith.constant 48 : index
          %swap3A_270 = tpu.vector_load %arg19[%swap3A_268, %swap3A_269] {strides = array<i32>} : memref<96x128xf32, #tpu.memory_space<vmem>>, vector<16xf32>,
          tpu.vector_store %arg19[%swap3A_268, %swap3A_269], %mul3A_267 {strides = array<i32>} : memref<96x128xf32, #tpu.memory_space<vmem>>, vector<16xf32>,
          %scan3A_271 = arith.constant 4 : i32
          %scan3A_272 = arith.addi %scan3A_132, %scan3A_271 : i32
          %mul3A_273 = arith.constant 1 : i32
          %mul3A_274 = arith.muli %scan3A_272, %mul3A_273 : i32
          %add3A_275 = arith.constant 0 : i32
          %add3A_276 = arith.addi %add3A_275, %mul3A_274 : i32
          %broadcast_in_dim3A_277 = vector.broadcast %add3A_276 : i32 to vector<16xi32>
          %gather3A_278 = tpu.vector_load_idx %arg16[%broadcast_in_dim3A_277] : memref<96xf32, #tpu.memory_space<vmem>>[vector<16xi32>], vector<16xf32>,
          %get3A_279 = arith.index_cast %add3A_276 : i32 to index
          %get3A_280 = arith.constant 0 : index
          %get3A_281 = tpu.vector_load %arg19[%get3A_279, %get3A_280] {strides = array<i32>} : memref<96x128xf32, #tpu.memory_space<vmem>>, vector<16xf32>,
          %mul3A_282 = arith.mulf %get3A_281, %gather3A_278 : vector<16xf32>
          %swap3A_283 = arith.index_cast %add3A_276 : i32 to index
          %swap3A_284 = arith.constant 0 : index
          %swap3A_285 = tpu.vector_load %arg19[%swap3A_283, %swap3A_284] {strides = array<i32>} : memref<96x128xf32, #tpu.memory_space<vmem>>, vector<16xf32>,
          tpu.vector_store %arg19[%swap3A_283, %swap3A_284], %mul3A_282 {strides = array<i32>} : memref<96x128xf32, #tpu.memory_space<vmem>>, vector<16xf32>,
          %get3A_286 = arith.index_cast %add3A_276 : i32 to index
          %get3A_287 = arith.constant 16 : index
          %get3A_288 = tpu.vector_load %arg19[%get3A_286, %get3A_287] {strides = array<i32>} : memref<96x128xf32, #tpu.memory_space<vmem>>, vector<16xf32>,
          %mul3A_289 = arith.mulf %get3A_288, %gather3A_278 : vector<16xf32>
          %swap3A_290 = arith.index_cast %add3A_276 : i32 to index
          %swap3A_291 = arith.constant 16 : index
          %swap3A_292 = tpu.vector_load %arg19[%swap3A_290, %swap3A_291] {strides = array<i32>} : memref<96x128xf32, #tpu.memory_space<vmem>>, vector<16xf32>,
          tpu.vector_store %arg19[%swap3A_290, %swap3A_291], %mul3A_289 {strides = array<i32>} : memref<96x128xf32, #tpu.memory_space<vmem>>, vector<16xf32>,
          %get3A_293 = arith.index_cast %add3A_276 : i32 to index
          %get3A_294 = arith.constant 32 : index
          %get3A_295 = tpu.vector_load %arg19[%get3A_293, %get3A_294] {strides = array<i32>} : memref<96x128xf32, #tpu.memory_space<vmem>>, vector<16xf32>,
          %mul3A_296 = arith.mulf %get3A_295, %gather3A_278 : vector<16xf32>
          %swap3A_297 = arith.index_cast %add3A_276 : i32 to index
          %swap3A_298 = arith.constant 32 : index
          %swap3A_299 = tpu.vector_load %arg19[%swap3A_297, %swap3A_298] {strides = array<i32>} : memref<96x128xf32, #tpu.memory_space<vmem>>, vector<16xf32>,
          tpu.vector_store %arg19[%swap3A_297, %swap3A_298], %mul3A_296 {strides = array<i32>} : memref<96x128xf32, #tpu.memory_space<vmem>>, vector<16xf32>,
          %get3A_300 = arith.index_cast %add3A_276 : i32 to index
          %get3A_301 = arith.constant 48 : index
          %get3A_302 = tpu.vector_load %arg19[%get3A_300, %get3A_301] {strides = array<i32>} : memref<96x128xf32, #tpu.memory_space<vmem>>, vector<16xf32>,
          %mul3A_303 = arith.mulf %get3A_302, %gather3A_278 : vector<16xf32>
          %swap3A_304 = arith.index_cast %add3A_276 : i32 to index
          %swap3A_305 = arith.constant 48 : index
          %swap3A_306 = tpu.vector_load %arg19[%swap3A_304, %swap3A_305] {strides = array<i32>} : memref<96x128xf32, #tpu.memory_space<vmem>>, vector<16xf32>,
          tpu.vector_store %arg19[%swap3A_304, %swap3A_305], %mul3A_303 {strides = array<i32>} : memref<96x128xf32, #tpu.memory_space<vmem>>, vector<16xf32>,
          %scan3A_307 = arith.constant 5 : i32
          %scan3A_308 = arith.addi %scan3A_132, %scan3A_307 : i32
          %mul3A_309 = arith.constant 1 : i32
          %mul3A_310 = arith.muli %scan3A_308, %mul3A_309 : i32
          %add3A_311 = arith.constant 0 : i32
          %add3A_312 = arith.addi %add3A_311, %mul3A_310 : i32
          %broadcast_in_dim3A_313 = vector.broadcast %add3A_312 : i32 to vector<16xi32>
          %gather3A_314 = tpu.vector_load_idx %arg16[%broadcast_in_dim3A_313] : memref<96xf32, #tpu.memory_space<vmem>>[vector<16xi32>], vector<16xf32>,
          %get3A_315 = arith.index_cast %add3A_312 : i32 to index
          %get3A_316 = arith.constant 0 : index
          %get3A_317 = tpu.vector_load %arg19[%get3A_315, %get3A_316] {strides = array<i32>} : memref<96x128xf32, #tpu.memory_space<vmem>>, vector<16xf32>,
          %mul3A_318 = arith.mulf %get3A_317, %gather3A_314 : vector<16xf32>
          %swap3A_319 = arith.index_cast %add3A_312 : i32 to index
          %swap3A_320 = arith.constant 0 : index
          %swap3A_321 = tpu.vector_load %arg19[%swap3A_319, %swap3A_320] {strides = array<i32>} : memref<96x128xf32, #tpu.memory_space<vmem>>, vector<16xf32>,
          tpu.vector_store %arg19[%swap3A_319, %swap3A_320], %mul3A_318 {strides = array<i32>} : memref<96x128xf32, #tpu.memory_space<vmem>>, vector<16xf32>,
          %get3A_322 = arith.index_cast %add3A_312 : i32 to index
          %get3A_323 = arith.constant 16 : index
          %get3A_324 = tpu.vector_load %arg19[%get3A_322, %get3A_323] {strides = array<i32>} : memref<96x128xf32, #tpu.memory_space<vmem>>, vector<16xf32>,
          %mul3A_325 = arith.mulf %get3A_324, %gather3A_314 : vector<16xf32>
          %swap3A_326 = arith.index_cast %add3A_312 : i32 to index
          %swap3A_327 = arith.constant 16 : index
          %swap3A_328 = tpu.vector_load %arg19[%swap3A_326, %swap3A_327] {strides = array<i32>} : memref<96x128xf32, #tpu.memory_space<vmem>>, vector<16xf32>,
          tpu.vector_store %arg19[%swap3A_326, %swap3A_327], %mul3A_325 {strides = array<i32>} : memref<96x128xf32, #tpu.memory_space<vmem>>, vector<16xf32>,
          %get3A_329 = arith.index_cast %add3A_312 : i32 to index
          %get3A_330 = arith.constant 32 : index
          %get3A_331 = tpu.vector_load %arg19[%get3A_329, %get3A_330] {strides = array<i32>} : memref<96x128xf32, #tpu.memory_space<vmem>>, vector<16xf32>,
          %mul3A_332 = arith.mulf %get3A_331, %gather3A_314 : vector<16xf32>
          %swap3A_333 = arith.index_cast %add3A_312 : i32 to index
          %swap3A_334 = arith.constant 32 : index
          %swap3A_335 = tpu.vector_load %arg19[%swap3A_333, %swap3A_334] {strides = array<i32>} : memref<96x128xf32, #tpu.memory_space<vmem>>, vector<16xf32>,
          tpu.vector_store %arg19[%swap3A_333, %swap3A_334], %mul3A_332 {strides = array<i32>} : memref<96x128xf32, #tpu.memory_space<vmem>>, vector<16xf32>,
          %get3A_336 = arith.index_cast %add3A_312 : i32 to index
          %get3A_337 = arith.constant 48 : index
          %get3A_338 = tpu.vector_load %arg19[%get3A_336, %get3A_337] {strides = array<i32>} : memref<96x128xf32, #tpu.memory_space<vmem>>, vector<16xf32>,
          %mul3A_339 = arith.mulf %get3A_338, %gather3A_314 : vector<16xf32>
          %swap3A_340 = arith.index_cast %add3A_312 : i32 to index
          %swap3A_341 = arith.constant 48 : index
          %swap3A_342 = tpu.vector_load %arg19[%swap3A_340, %swap3A_341] {strides = array<i32>} : memref<96x128xf32, #tpu.memory_space<vmem>>, vector<16xf32>,
          tpu.vector_store %arg19[%swap3A_340, %swap3A_341], %mul3A_339 {strides = array<i32>} : memref<96x128xf32, #tpu.memory_space<vmem>>, vector<16xf32>,
          %scan3A_343 = arith.constant 6 : i32
          %scan3A_344 = arith.addi %scan3A_132, %scan3A_343 : i32
          %mul3A_345 = arith.constant 1 : i32
          %mul3A_346 = arith.muli %scan3A_344, %mul3A_345 : i32
          %add3A_347 = arith.constant 0 : i32
          %add3A_348 = arith.addi %add3A_347, %mul3A_346 : i32
          %broadcast_in_dim3A_349 = vector.broadcast %add3A_348 : i32 to vector<16xi32>
          %gather3A_350 = tpu.vector_load_idx %arg16[%broadcast_in_dim3A_349] : memref<96xf32, #tpu.memory_space<vmem>>[vector<16xi32>], vector<16xf32>,
          %get3A_351 = arith.index_cast %add3A_348 : i32 to index
          %get3A_352 = arith.constant 0 : index
          %get3A_353 = tpu.vector_load %arg19[%get3A_351, %get3A_352] {strides = array<i32>} : memref<96x128xf32, #tpu.memory_space<vmem>>, vector<16xf32>,
          %mul3A_354 = arith.mulf %get3A_353, %gather3A_350 : vector<16xf32>
          %swap3A_355 = arith.index_cast %add3A_348 : i32 to index
          %swap3A_356 = arith.constant 0 : index
          %swap3A_357 = tpu.vector_load %arg19[%swap3A_355, %swap3A_356] {strides = array<i32>} : memref<96x128xf32, #tpu.memory_space<vmem>>, vector<16xf32>,
          tpu.vector_store %arg19[%swap3A_355, %swap3A_356], %mul3A_354 {strides = array<i32>} : memref<96x128xf32, #tpu.memory_space<vmem>>, vector<16xf32>,
          %get3A_358 = arith.index_cast %add3A_348 : i32 to index
          %get3A_359 = arith.constant 16 : index
          %get3A_360 = tpu.vector_load %arg19[%get3A_358, %get3A_359] {strides = array<i32>} : memref<96x128xf32, #tpu.memory_space<vmem>>, vector<16xf32>,
          %mul3A_361 = arith.mulf %get3A_360, %gather3A_350 : vector<16xf32>
          %swap3A_362 = arith.index_cast %add3A_348 : i32 to index
          %swap3A_363 = arith.constant 16 : index
          %swap3A_364 = tpu.vector_load %arg19[%swap3A_362, %swap3A_363] {strides = array<i32>} : memref<96x128xf32, #tpu.memory_space<vmem>>, vector<16xf32>,
          tpu.vector_store %arg19[%swap3A_362, %swap3A_363], %mul3A_361 {strides = array<i32>} : memref<96x128xf32, #tpu.memory_space<vmem>>, vector<16xf32>,
          %get3A_365 = arith.index_cast %add3A_348 : i32 to index
          %get3A_366 = arith.constant 32 : index
          %get3A_367 = tpu.vector_load %arg19[%get3A_365, %get3A_366] {strides = array<i32>} : memref<96x128xf32, #tpu.memory_space<vmem>>, vector<16xf32>,
          %mul3A_368 = arith.mulf %get3A_367, %gather3A_350 : vector<16xf32>
          %swap3A_369 = arith.index_cast %add3A_348 : i32 to index
          %swap3A_370 = arith.constant 32 : index
          %swap3A_371 = tpu.vector_load %arg19[%swap3A_369, %swap3A_370] {strides = array<i32>} : memref<96x128xf32, #tpu.memory_space<vmem>>, vector<16xf32>,
          tpu.vector_store %arg19[%swap3A_369, %swap3A_370], %mul3A_368 {strides = array<i32>} : memref<96x128xf32, #tpu.memory_space<vmem>>, vector<16xf32>,
          %get3A_372 = arith.index_cast %add3A_348 : i32 to index
          %get3A_373 = arith.constant 48 : index
          %get3A_374 = tpu.vector_load %arg19[%get3A_372, %get3A_373] {strides = array<i32>} : memref<96x128xf32, #tpu.memory_space<vmem>>, vector<16xf32>,
          %mul3A_375 = arith.mulf %get3A_374, %gather3A_350 : vector<16xf32>
          %swap3A_376 = arith.index_cast %add3A_348 : i32 to index
          %swap3A_377 = arith.constant 48 : index
          %swap3A_378 = tpu.vector_load %arg19[%swap3A_376, %swap3A_377] {strides = array<i32>} : memref<96x128xf32, #tpu.memory_space<vmem>>, vector<16xf32>,
          tpu.vector_store %arg19[%swap3A_376, %swap3A_377], %mul3A_375 {strides = array<i32>} : memref<96x128xf32, #tpu.memory_space<vmem>>, vector<16xf32>,
          %scan3A_379 = arith.constant 7 : i32
          %scan3A_380 = arith.addi %scan3A_132, %scan3A_379 : i32
          %mul3A_381 = arith.constant 1 : i32
          %mul3A_382 = arith.muli %scan3A_380, %mul3A_381 : i32
          %add3A_383 = arith.constant 0 : i32
          %add3A_384 = arith.addi %add3A_383, %mul3A_382 : i32
          %broadcast_in_dim3A_385 = vector.broadcast %add3A_384 : i32 to vector<16xi32>
          %gather3A_386 = tpu.vector_load_idx %arg16[%broadcast_in_dim3A_385] : memref<96xf32, #tpu.memory_space<vmem>>[vector<16xi32>], vector<16xf32>,
          %get3A_387 = arith.index_cast %add3A_384 : i32 to index
          %get3A_388 = arith.constant 0 : index
          %get3A_389 = tpu.vector_load %arg19[%get3A_387, %get3A_388] {strides = array<i32>} : memref<96x128xf32, #tpu.memory_space<vmem>>, vector<16xf32>,
          %mul3A_390 = arith.mulf %get3A_389, %gather3A_386 : vector<16xf32>
          %swap3A_391 = arith.index_cast %add3A_384 : i32 to index
          %swap3A_392 = arith.constant 0 : index
          %swap3A_393 = tpu.vector_load %arg19[%swap3A_391, %swap3A_392] {strides = array<i32>} : memref<96x128xf32, #tpu.memory_space<vmem>>, vector<16xf32>,
          tpu.vector_store %arg19[%swap3A_391, %swap3A_392], %mul3A_390 {strides = array<i32>} : memref<96x128xf32, #tpu.memory_space<vmem>>, vector<16xf32>,
          %get3A_394 = arith.index_cast %add3A_384 : i32 to index
          %get3A_395 = arith.constant 16 : index
          %get3A_396 = tpu.vector_load %arg19[%get3A_394, %get3A_395] {strides = array<i32>} : memref<96x128xf32, #tpu.memory_space<vmem>>, vector<16xf32>,
          %mul3A_397 = arith.mulf %get3A_396, %gather3A_386 : vector<16xf32>
          %swap3A_398 = arith.index_cast %add3A_384 : i32 to index
          %swap3A_399 = arith.constant 16 : index
          %swap3A_400 = tpu.vector_load %arg19[%swap3A_398, %swap3A_399] {strides = array<i32>} : memref<96x128xf32, #tpu.memory_space<vmem>>, vector<16xf32>,
          tpu.vector_store %arg19[%swap3A_398, %swap3A_399], %mul3A_397 {strides = array<i32>} : memref<96x128xf32, #tpu.memory_space<vmem>>, vector<16xf32>,
          %get3A_401 = arith.index_cast %add3A_384 : i32 to index
          %get3A_402 = arith.constant 32 : index
          %get3A_403 = tpu.vector_load %arg19[%get3A_401, %get3A_402] {strides = array<i32>} : memref<96x128xf32, #tpu.memory_space<vmem>>, vector<16xf32>,
          %mul3A_404 = arith.mulf %get3A_403, %gather3A_386 : vector<16xf32>
          %swap3A_405 = arith.index_cast %add3A_384 : i32 to index
          %swap3A_406 = arith.constant 32 : index
          %swap3A_407 = tpu.vector_load %arg19[%swap3A_405, %swap3A_406] {strides = array<i32>} : memref<96x128xf32, #tpu.memory_space<vmem>>, vector<16xf32>,
          tpu.vector_store %arg19[%swap3A_405, %swap3A_406], %mul3A_404 {strides = array<i32>} : memref<96x128xf32, #tpu.memory_space<vmem>>, vector<16xf32>,
          %get3A_408 = arith.index_cast %add3A_384 : i32 to index
          %get3A_409 = arith.constant 48 : index
          %get3A_410 = tpu.vector_load %arg19[%get3A_408, %get3A_409] {strides = array<i32>} : memref<96x128xf32, #tpu.memory_space<vmem>>, vector<16xf32>,
          %mul3A_411 = arith.mulf %get3A_410, %gather3A_386 : vector<16xf32>
          %swap3A_412 = arith.index_cast %add3A_384 : i32 to index
          %swap3A_413 = arith.constant 48 : index
          %swap3A_414 = tpu.vector_load %arg19[%swap3A_412, %swap3A_413] {strides = array<i32>} : memref<96x128xf32, #tpu.memory_space<vmem>>, vector<16xf32>,
          tpu.vector_store %arg19[%swap3A_412, %swap3A_413], %mul3A_411 {strides = array<i32>} : memref<96x128xf32, #tpu.memory_space<vmem>>, vector<16xf32>,
        }
        %scan3A_117 = arith.constant 96 : i32
        %ge3A = arith.constant 1 : i32
        %ge3A_118 = arith.cmpi sge, %add3A_94, %ge3A : i32
        %convert_element_type3A_119 = arith.extui %ge3A_118 : i1 to i32
        %cond3A_120 = arith.constant 0 : i32
        %cond3A_121 = arith.cmpi ne, %convert_element_type3A_119, %cond3A_120 : i32
        scf.if %cond3A_121 {
          %dma_wait3A_132 = arith.constant 0 : i32
          %dma_wait3A_133 = arith.constant 0 : i32
          %dma_wait3A_134 = tpu.memref_slice %arg8[%dma_wait3A_132, %dma_wait3A_133] : memref<10000x128xf32, #tpu.memory_space<vmem_shared>> -> memref<10000x128xf32, #tpu.memory_space<vmem_shared>>
          tpu.wait_indirect_dma semaphore(%arg23 : memref<!tpu.dma_semaphore, #tpu.memory_space<semaphore_mem>>) src(%arg17 : memref<96x128xf32, #tpu.memory_space<vmem>>) dst(%dma_wait3A_134 : memref<10000x128xf32, #tpu.memory_space<vmem_shared>>)
        } else {
        }
        %dma_start3A_122 = arith.constant 0 : i32
        %dma_start3A_123 = arith.constant 0 : i32
        %dma_start3A_124 = tpu.memref_slice %arg8[%dma_start3A_122, %dma_start3A_123] : memref<10000x128xf32, #tpu.memory_space<vmem_shared>> -> memref<10000x128xf32, #tpu.memory_space<vmem_shared>>
        tpu.enqueue_indirect_dma source(%arg19 : memref<96x128xf32, #tpu.memory_space<vmem>>) target(%dma_start3A_124 : memref<10000x128xf32, #tpu.memory_space<vmem_shared>>) offsets(%arg13 : memref<96xi32, #tpu.memory_space<vmem>>) semaphore(%arg23 : memref<!tpu.dma_semaphore, #tpu.memory_space<semaphore_mem>>) {add = true}
        %add3A_125 = arith.constant 2 : i32
        %add3A_126 = arith.addi %add3A_94, %add3A_125 : i32
        %lt3A_127 = arith.constant 53 : i32
        %lt3A_128 = arith.cmpi slt, %add3A_126, %lt3A_127 : i32
        %convert_element_type3A_129 = arith.extui %lt3A_128 : i1 to i32
        %cond3A_130 = arith.constant 0 : i32
        %cond3A_131 = arith.cmpi ne, %convert_element_type3A_129, %cond3A_130 : i32
        scf.if %cond3A_131 {
          %add3A_132 = arith.constant 2 : i32
          %add3A_133 = arith.addi %add3A_94, %add3A_132 : i32
          %mul3A_134 = arith.constant 96 : i32
          %mul3A_135 = arith.muli %add3A_133, %mul3A_134 : i32
          %add3A_136 = arith.addi %mul3A_2, %mul3A_135 : i32
          %dma_start3A_137 = tpu.memref_slice %arg4[%add3A_136] : memref<162816xi32, #tpu.memory_space<hbm>> -> memref<96xi32, #tpu.memory_space<hbm>>
          %dma_start3A_138 = tpu.memref_slice %arg4[%add3A_136] : memref<162816xi32, #tpu.memory_space<hbm>> -> memref<96xi32, #tpu.memory_space<hbm>>
          tpu.enqueue_dma source(%dma_start3A_138 : memref<96xi32, #tpu.memory_space<hbm>>) target(%arg12 : memref<96xi32, #tpu.memory_space<vmem>>) target_semaphore(%arg21 : memref<!tpu.dma_semaphore, #tpu.memory_space<semaphore_mem>>)
          %dma_start3A_139 = tpu.memref_slice %arg5[%add3A_136] : memref<162816xf32, #tpu.memory_space<hbm>> -> memref<96xf32, #tpu.memory_space<hbm>>
          %dma_start3A_140 = tpu.memref_slice %arg5[%add3A_136] : memref<162816xf32, #tpu.memory_space<hbm>> -> memref<96xf32, #tpu.memory_space<hbm>>
          tpu.enqueue_dma source(%dma_start3A_140 : memref<96xf32, #tpu.memory_space<hbm>>) target(%arg15 : memref<96xf32, #tpu.memory_space<vmem>>) target_semaphore(%arg21 : memref<!tpu.dma_semaphore, #tpu.memory_space<semaphore_mem>>)
          %mul3A_141 = arith.constant 96 : i32
          %mul3A_142 = arith.muli %add3A_133, %mul3A_141 : i32
          %dma_start3A_143 = tpu.memref_slice %arg10[%mul3A_142] : memref<5088xi32, #tpu.memory_space<vmem>> -> memref<96xi32, #tpu.memory_space<vmem>>
          %dma_start3A_144 = arith.constant 0 : i32
          %dma_start3A_145 = arith.constant 0 : i32
          %dma_start3A_146 = tpu.memref_slice %arg2[%dma_start3A_144, %dma_start3A_145] : memref<10000x128xf32, #tpu.memory_space<hbm>> -> memref<10000x128xf32, #tpu.memory_space<hbm>>
          tpu.enqueue_indirect_dma source(%dma_start3A_146 : memref<10000x128xf32, #tpu.memory_space<hbm>>) target(%arg18 : memref<96x128xf32, #tpu.memory_space<vmem>>) offsets(%dma_start3A_143 : memref<96xi32, #tpu.memory_space<vmem>>) semaphore(%arg21 : memref<!tpu.dma_semaphore, #tpu.memory_space<semaphore_mem>>)
        } else {
        }
      } else {
      }
    }
    %scan3A_47 = arith.constant 18 : i32
    %dma_wait3A = arith.constant 0 : i32
    %dma_wait3A_48 = arith.constant 0 : i32
    %dma_wait3A_49 = tpu.memref_slice %arg8[%dma_wait3A, %dma_wait3A_48] : memref<10000x128xf32, #tpu.memory_space<vmem_shared>> -> memref<10000x128xf32, #tpu.memory_space<vmem_shared>>
    tpu.wait_indirect_dma semaphore(%arg23 : memref<!tpu.dma_semaphore, #tpu.memory_space<semaphore_mem>>) src(%arg17 : memref<96x128xf32, #tpu.memory_space<vmem>>) dst(%dma_wait3A_49 : memref<10000x128xf32, #tpu.memory_space<vmem_shared>>)
    %barrier3A_50 = arith.constant 0 : index
    tpu.barrier barrier_id(%barrier3A_50)
    %mul3A_51 = arith.constant 64 : i32
    %mul3A_52 = arith.muli %arg1, %mul3A_51 : i32
    "tpu.region"() ({
      %run_scoped3A = tpu.sem_alloc : memref<!tpu.dma_semaphore, #tpu.memory_space<semaphore_mem>>
      %dma_start3A_71 = arith.constant 0 : i32
      %dma_start3A_72 = tpu.memref_slice %arg12[%dma_start3A_71] : memref<96xi32, #tpu.memory_space<vmem>> -> memref<64xi32, #tpu.memory_space<vmem>>
      %dma_start3A_73 = tpu.memref_slice %arg6[%mul3A_52] : memref<1024xi32, #tpu.memory_space<hbm>> -> memref<64xi32, #tpu.memory_space<hbm>>
      %dma_start3A_74 = arith.constant 0 : i32
      %dma_start3A_75 = tpu.memref_slice %arg12[%dma_start3A_74] : memref<96xi32, #tpu.memory_space<vmem>> -> memref<64xi32, #tpu.memory_space<vmem>>
      %dma_start3A_76 = tpu.memref_slice %arg6[%mul3A_52] : memref<1024xi32, #tpu.memory_space<hbm>> -> memref<64xi32, #tpu.memory_space<hbm>>
      tpu.enqueue_dma source(%dma_start3A_76 : memref<64xi32, #tpu.memory_space<hbm>>) target(%dma_start3A_75 : memref<64xi32, #tpu.memory_space<vmem>>) target_semaphore(%run_scoped3A : memref<!tpu.dma_semaphore, #tpu.memory_space<semaphore_mem>>)
      %dma_wait3A_77 = arith.constant 0 : i32
      %dma_wait3A_78 = tpu.memref_slice %arg12[%dma_wait3A_77] : memref<96xi32, #tpu.memory_space<vmem>> -> memref<64xi32, #tpu.memory_space<vmem>>
      %dma_wait3A_79 = tpu.memref_slice %arg6[%mul3A_52] : memref<1024xi32, #tpu.memory_space<hbm>> -> memref<64xi32, #tpu.memory_space<hbm>>
      %dma_wait3A_80 = arith.constant 0 : i32
      %dma_wait3A_81 = tpu.memref_slice %arg12[%dma_wait3A_80] : memref<96xi32, #tpu.memory_space<vmem>> -> memref<64xi32, #tpu.memory_space<vmem>>
      %dma_wait3A_82 = tpu.memref_slice %arg6[%mul3A_52] : memref<1024xi32, #tpu.memory_space<hbm>> -> memref<64xi32, #tpu.memory_space<hbm>>
      tpu.wait_dma2 semaphore(%run_scoped3A : memref<!tpu.dma_semaphore, #tpu.memory_space<semaphore_mem>>) src(%dma_wait3A_82 : memref<64xi32, #tpu.memory_space<hbm>>) dst(%dma_wait3A_81 : memref<64xi32, #tpu.memory_space<vmem>>)
      tpu.yield
    }) : () -> ()
    %dma_start3A_53 = arith.constant 0 : i32
    %dma_start3A_54 = arith.constant 0 : i32
    %dma_start3A_55 = tpu.memref_slice %arg18[%dma_start3A_53, %dma_start3A_54] : memref<96x128xf32, #tpu.memory_space<vmem>> -> memref<64x128xf32, #tpu.memory_space<vmem>>
    %dma_start3A_56 = arith.constant 0 : i32
    %dma_start3A_57 = tpu.memref_slice %arg12[%dma_start3A_56] : memref<96xi32, #tpu.memory_space<vmem>> -> memref<64xi32, #tpu.memory_space<vmem>>
    %dma_start3A_58 = arith.constant 0 : i32
    %dma_start3A_59 = arith.constant 0 : i32
    %dma_start3A_60 = tpu.memref_slice %arg8[%dma_start3A_58, %dma_start3A_59] : memref<10000x128xf32, #tpu.memory_space<vmem_shared>> -> memref<10000x128xf32, #tpu.memory_space<vmem_shared>>
    tpu.enqueue_indirect_dma source(%dma_start3A_60 : memref<10000x128xf32, #tpu.memory_space<vmem_shared>>) target(%dma_start3A_55 : memref<64x128xf32, #tpu.memory_space<vmem>>) offsets(%dma_start3A_57 : memref<64xi32, #tpu.memory_space<vmem>>) semaphore(%arg20 : memref<!tpu.dma_semaphore, #tpu.memory_space<semaphore_mem>>)
    %dma_wait3A_61 = arith.constant 0 : i32
    %dma_wait3A_62 = arith.constant 0 : i32
    %dma_wait3A_63 = tpu.memref_slice %arg18[%dma_wait3A_61, %dma_wait3A_62] : memref<96x128xf32, #tpu.memory_space<vmem>> -> memref<64x128xf32, #tpu.memory_space<vmem>>
    %dma_wait3A_64 = arith.constant 0 : i32
    %dma_wait3A_65 = tpu.memref_slice %arg12[%dma_wait3A_64] : memref<96xi32, #tpu.memory_space<vmem>> -> memref<64xi32, #tpu.memory_space<vmem>>
    %dma_wait3A_66 = arith.constant 0 : i32
    %dma_wait3A_67 = arith.constant 0 : i32
    %dma_wait3A_68 = tpu.memref_slice %arg8[%dma_wait3A_66, %dma_wait3A_67] : memref<10000x128xf32, #tpu.memory_space<vmem_shared>> -> memref<10000x128xf32, #tpu.memory_space<vmem_shared>>
    tpu.wait_indirect_dma semaphore(%arg20 : memref<!tpu.dma_semaphore, #tpu.memory_space<semaphore_mem>>) src(%dma_wait3A_68 : memref<10000x128xf32, #tpu.memory_space<vmem_shared>>) dst(%dma_wait3A_63 : memref<64x128xf32, #tpu.memory_space<vmem>>)
    %mul3A_69 = arith.constant 64 : i32
    %mul3A_70 = arith.muli %arg1, %mul3A_69 : i32
    "tpu.region"() ({
      %run_scoped3A = tpu.sem_alloc : memref<!tpu.dma_semaphore, #tpu.memory_space<semaphore_mem>>
      %dma_start3A_71 = arith.constant 0 : i32
      %dma_start3A_72 = arith.constant 0 : i32
      %dma_start3A_73 = tpu.memref_slice %arg18[%dma_start3A_71, %dma_start3A_72] : memref<96x128xf32, #tpu.memory_space<vmem>> -> memref<64x128xf32, #tpu.memory_space<vmem>>
      %dma_start3A_74 = arith.constant 0 : i32
      %dma_start3A_75 = tpu.memref_slice %arg7[%arg0, %mul3A_70, %dma_start3A_74] : memref<2x1024x128xf32, #tpu.memory_space<hbm>> -> memref<1x64x128xf32, #tpu.memory_space<hbm>>
      %dma_start3A_76 = tpu.memref_squeeze %dma_start3A_75 : memref<1x64x128xf32, #tpu.memory_space<hbm>> -> memref<64x128xf32, #tpu.memory_space<hbm>>
      %dma_start3A_77 = arith.constant 0 : i32
      %dma_start3A_78 = tpu.memref_slice %arg7[%arg0, %mul3A_70, %dma_start3A_77] : memref<2x1024x128xf32, #tpu.memory_space<hbm>> -> memref<1x64x128xf32, #tpu.memory_space<hbm>>
      %dma_start3A_79 = tpu.memref_squeeze %dma_start3A_78 : memref<1x64x128xf32, #tpu.memory_space<hbm>> -> memref<64x128xf32, #tpu.memory_space<hbm>>
      %dma_start3A_80 = arith.constant 0 : i32
      %dma_start3A_81 = arith.constant 0 : i32
      %dma_start3A_82 = tpu.memref_slice %arg18[%dma_start3A_80, %dma_start3A_81] : memref<96x128xf32, #tpu.memory_space<vmem>> -> memref<64x128xf32, #tpu.memory_space<vmem>>
      tpu.enqueue_dma source(%dma_start3A_82 : memref<64x128xf32, #tpu.memory_space<vmem>>) target(%dma_start3A_79 : memref<64x128xf32, #tpu.memory_space<hbm>>) target_semaphore(%run_scoped3A : memref<!tpu.dma_semaphore, #tpu.memory_space<semaphore_mem>>)
      %dma_wait3A_83 = arith.constant 0 : i32
      %dma_wait3A_84 = arith.constant 0 : i32
      %dma_wait3A_85 = tpu.memref_slice %arg18[%dma_wait3A_83, %dma_wait3A_84] : memref<96x128xf32, #tpu.memory_space<vmem>> -> memref<64x128xf32, #tpu.memory_space<vmem>>
      %dma_wait3A_86 = arith.constant 0 : i32
      %dma_wait3A_87 = tpu.memref_slice %arg7[%arg0, %mul3A_70, %dma_wait3A_86] : memref<2x1024x128xf32, #tpu.memory_space<hbm>> -> memref<1x64x128xf32, #tpu.memory_space<hbm>>
      %dma_wait3A_88 = tpu.memref_squeeze %dma_wait3A_87 : memref<1x64x128xf32, #tpu.memory_space<hbm>> -> memref<64x128xf32, #tpu.memory_space<hbm>>
      %dma_wait3A_89 = arith.constant 0 : i32
      %dma_wait3A_90 = tpu.memref_slice %arg7[%arg0, %mul3A_70, %dma_wait3A_89] : memref<2x1024x128xf32, #tpu.memory_space<hbm>> -> memref<1x64x128xf32, #tpu.memory_space<hbm>>
      %dma_wait3A_91 = tpu.memref_squeeze %dma_wait3A_90 : memref<1x64x128xf32, #tpu.memory_space<hbm>> -> memref<64x128xf32, #tpu.memory_space<hbm>>
      %dma_wait3A_92 = arith.constant 0 : i32
      %dma_wait3A_93 = arith.constant 0 : i32
      %dma_wait3A_94 = tpu.memref_slice %arg18[%dma_wait3A_92, %dma_wait3A_93] : memref<96x128xf32, #tpu.memory_space<vmem>> -> memref<64x128xf32, #tpu.memory_space<vmem>>
      tpu.wait_dma2 semaphore(%run_scoped3A : memref<!tpu.dma_semaphore, #tpu.memory_space<semaphore_mem>>) src(%dma_wait3A_94 : memref<64x128xf32, #tpu.memory_space<vmem>>) dst(%dma_wait3A_91 : memref<64x128xf32, #tpu.memory_space<hbm>>)
      tpu.yield
    }) : () -> ()
    return
  }
}

#map = affine_map<(d0, d1) -> (0, 0)>
#map1 = affine_map<(d0, d1) -> (0)>
module attributes {stable_mosaic.version = 14 : i64} {
  func.func @k(%arg0: i32, %arg1: i32, %arg2: memref<10000x128xf32, #tpu.memory_space<hbm>>, %arg3: memref<10000x128xf32, #tpu.memory_space<hbm>>, %arg4: memref<161280xi32, #tpu.memory_space<hbm>>, %arg5: memref<161280xi32, #tpu.memory_space<hbm>>, %arg6: memref<161280xf32, #tpu.memory_space<hbm>>, %arg7: memref<256xf32, #tpu.memory_space<hbm>>, %arg8: memref<10000x128xf32, #tpu.memory_space<hbm>>, %arg9: memref<10000x128xf32, #tpu.memory_space<hbm>>, %arg10: memref<10000x128xf32, #tpu.memory_space<vmem_shared>>, %arg11: memref<10080xi32, #tpu.memory_space<vmem>>, %arg12: memref<96xi32, #tpu.memory_space<vmem>>, %arg13: memref<96xi32, #tpu.memory_space<vmem>>, %arg14: memref<96xi32, #tpu.memory_space<vmem>>, %arg15: memref<96xf32, #tpu.memory_space<vmem>>, %arg16: memref<96xf32, #tpu.memory_space<vmem>>, %arg17: memref<96xf32, #tpu.memory_space<vmem>>, %arg18: memref<96x128xf32, #tpu.memory_space<vmem>>, %arg19: memref<96x128xf32, #tpu.memory_space<vmem>>, %arg20: memref<96x128xf32, #tpu.memory_space<vmem>>, %arg21: memref<128xf32, #tpu.memory_space<vmem>>, %arg22: memref<!tpu.dma_semaphore, #tpu.memory_space<semaphore_mem>>, %arg23: memref<!tpu.dma_semaphore, #tpu.memory_space<semaphore_mem>>, %arg24: memref<!tpu.dma_semaphore, #tpu.memory_space<semaphore_mem>>, %arg25: memref<!tpu.dma_semaphore, #tpu.memory_space<semaphore_mem>>) attributes {dimension_semantics = [#tpu.dimension_semantics<core_parallel>, #tpu.dimension_semantics<subcore_parallel>], iteration_bounds = array<i64: 2, 16>, scalar_prefetch = 0 : i64, scratch_operands = 16 : i64, tpu.core_type = #tpu.core_type<sc_vector_subcore>, window_params = [{transform_indices = #map}, {transform_indices = #map}, {transform_indices = #map1}, {transform_indices = #map1}, {transform_indices = #map1}, {transform_indices = #map1}, {transform_indices = #map}, {transform_indices = #map}]} {
    %mul3A = arith.constant 10080 : i32
    %mul3A_0 = arith.muli %arg1, %mul3A : i32
    "tpu.region"() ({
      %run_scoped3A = tpu.sem_alloc : memref<!tpu.dma_semaphore, #tpu.memory_space<semaphore_mem>>
      %dma_start3A_75 = tpu.memref_slice %arg4[%mul3A_0] : memref<161280xi32, #tpu.memory_space<hbm>> -> memref<10080xi32, #tpu.memory_space<hbm>>
      %dma_start3A_76 = tpu.memref_slice %arg4[%mul3A_0] : memref<161280xi32, #tpu.memory_space<hbm>> -> memref<10080xi32, #tpu.memory_space<hbm>>
      tpu.enqueue_dma source(%dma_start3A_76 : memref<10080xi32, #tpu.memory_space<hbm>>) target(%arg11 : memref<10080xi32, #tpu.memory_space<vmem>>) target_semaphore(%run_scoped3A : memref<!tpu.dma_semaphore, #tpu.memory_space<semaphore_mem>>)
      %dma_wait3A_77 = tpu.memref_slice %arg4[%mul3A_0] : memref<161280xi32, #tpu.memory_space<hbm>> -> memref<10080xi32, #tpu.memory_space<hbm>>
      %dma_wait3A_78 = tpu.memref_slice %arg4[%mul3A_0] : memref<161280xi32, #tpu.memory_space<hbm>> -> memref<10080xi32, #tpu.memory_space<hbm>>
      tpu.wait_dma2 semaphore(%run_scoped3A : memref<!tpu.dma_semaphore, #tpu.memory_space<semaphore_mem>>) src(%dma_wait3A_78 : memref<10080xi32, #tpu.memory_space<hbm>>) dst(%arg11 : memref<10080xi32, #tpu.memory_space<vmem>>)
      tpu.yield
    }) : () -> ()
    %mul3A_1 = arith.constant 128 : i32
    %mul3A_2 = arith.muli %arg0, %mul3A_1 : i32
    "tpu.region"() ({
      %run_scoped3A = tpu.sem_alloc : memref<!tpu.dma_semaphore, #tpu.memory_space<semaphore_mem>>
      %dma_start3A_75 = tpu.memref_slice %arg7[%mul3A_2] : memref<256xf32, #tpu.memory_space<hbm>> -> memref<128xf32, #tpu.memory_space<hbm>>
      %dma_start3A_76 = tpu.memref_slice %arg7[%mul3A_2] : memref<256xf32, #tpu.memory_space<hbm>> -> memref<128xf32, #tpu.memory_space<hbm>>
      tpu.enqueue_dma source(%dma_start3A_76 : memref<128xf32, #tpu.memory_space<hbm>>) target(%arg21 : memref<128xf32, #tpu.memory_space<vmem>>) target_semaphore(%run_scoped3A : memref<!tpu.dma_semaphore, #tpu.memory_space<semaphore_mem>>)
      %dma_wait3A_77 = tpu.memref_slice %arg7[%mul3A_2] : memref<256xf32, #tpu.memory_space<hbm>> -> memref<128xf32, #tpu.memory_space<hbm>>
      %dma_wait3A_78 = tpu.memref_slice %arg7[%mul3A_2] : memref<256xf32, #tpu.memory_space<hbm>> -> memref<128xf32, #tpu.memory_space<hbm>>
      tpu.wait_dma2 semaphore(%run_scoped3A : memref<!tpu.dma_semaphore, #tpu.memory_space<semaphore_mem>>) src(%dma_wait3A_78 : memref<128xf32, #tpu.memory_space<hbm>>) dst(%arg21 : memref<128xf32, #tpu.memory_space<vmem>>)
      tpu.yield
    }) : () -> ()
    %scan3A = arith.constant 0 : i32
    %scan3A_3 = arith.constant 40 : i32
    %scan3A_4 = arith.addi %scan3A, %scan3A_3 : i32
    %scan3A_5 = arith.constant 1 : i32
    scf.for %scan3A_75 = %scan3A to %scan3A_4 step %scan3A_5  : i32 {
      %mul3A_76 = arith.constant 1 : i32
      %mul3A_77 = arith.muli %scan3A_75, %mul3A_76 : i32
      %add3A_78 = arith.constant 0 : i32
      %add3A_79 = arith.addi %add3A_78, %mul3A_77 : i32
      %get3A = arith.constant 0 : index
      %get3A_80 = tpu.vector_load %arg21[%get3A] {strides = array<i32>} : memref<128xf32, #tpu.memory_space<vmem>>, vector<16xf32>,
      %swap3A = arith.index_cast %add3A_79 : i32 to index
      %swap3A_81 = arith.constant 0 : index
      %swap3A_82 = tpu.vector_load %arg18[%swap3A, %swap3A_81] {strides = array<i32>} : memref<96x128xf32, #tpu.memory_space<vmem>>, vector<16xf32>,
      tpu.vector_store %arg18[%swap3A, %swap3A_81], %get3A_80 {strides = array<i32>} : memref<96x128xf32, #tpu.memory_space<vmem>>, vector<16xf32>,
      %get3A_83 = arith.constant 16 : index
      %get3A_84 = tpu.vector_load %arg21[%get3A_83] {strides = array<i32>} : memref<128xf32, #tpu.memory_space<vmem>>, vector<16xf32>,
      %swap3A_85 = arith.index_cast %add3A_79 : i32 to index
      %swap3A_86 = arith.constant 16 : index
      %swap3A_87 = tpu.vector_load %arg18[%swap3A_85, %swap3A_86] {strides = array<i32>} : memref<96x128xf32, #tpu.memory_space<vmem>>, vector<16xf32>,
      tpu.vector_store %arg18[%swap3A_85, %swap3A_86], %get3A_84 {strides = array<i32>} : memref<96x128xf32, #tpu.memory_space<vmem>>, vector<16xf32>,
      %get3A_88 = arith.constant 32 : index
      %get3A_89 = tpu.vector_load %arg21[%get3A_88] {strides = array<i32>} : memref<128xf32, #tpu.memory_space<vmem>>, vector<16xf32>,
      %swap3A_90 = arith.index_cast %add3A_79 : i32 to index
      %swap3A_91 = arith.constant 32 : index
      %swap3A_92 = tpu.vector_load %arg18[%swap3A_90, %swap3A_91] {strides = array<i32>} : memref<96x128xf32, #tpu.memory_space<vmem>>, vector<16xf32>,
      tpu.vector_store %arg18[%swap3A_90, %swap3A_91], %get3A_89 {strides = array<i32>} : memref<96x128xf32, #tpu.memory_space<vmem>>, vector<16xf32>,
      %get3A_93 = arith.constant 48 : index
      %get3A_94 = tpu.vector_load %arg21[%get3A_93] {strides = array<i32>} : memref<128xf32, #tpu.memory_space<vmem>>, vector<16xf32>,
      %swap3A_95 = arith.index_cast %add3A_79 : i32 to index
      %swap3A_96 = arith.constant 48 : index
      %swap3A_97 = tpu.vector_load %arg18[%swap3A_95, %swap3A_96] {strides = array<i32>} : memref<96x128xf32, #tpu.memory_space<vmem>>, vector<16xf32>,
      tpu.vector_store %arg18[%swap3A_95, %swap3A_96], %get3A_94 {strides = array<i32>} : memref<96x128xf32, #tpu.memory_space<vmem>>, vector<16xf32>,
      %get3A_98 = arith.constant 64 : index
      %get3A_99 = tpu.vector_load %arg21[%get3A_98] {strides = array<i32>} : memref<128xf32, #tpu.memory_space<vmem>>, vector<16xf32>,
      %swap3A_100 = arith.index_cast %add3A_79 : i32 to index
      %swap3A_101 = arith.constant 64 : index
      %swap3A_102 = tpu.vector_load %arg18[%swap3A_100, %swap3A_101] {strides = array<i32>} : memref<96x128xf32, #tpu.memory_space<vmem>>, vector<16xf32>,
      tpu.vector_store %arg18[%swap3A_100, %swap3A_101], %get3A_99 {strides = array<i32>} : memref<96x128xf32, #tpu.memory_space<vmem>>, vector<16xf32>,
      %get3A_103 = arith.constant 80 : index
      %get3A_104 = tpu.vector_load %arg21[%get3A_103] {strides = array<i32>} : memref<128xf32, #tpu.memory_space<vmem>>, vector<16xf32>,
      %swap3A_105 = arith.index_cast %add3A_79 : i32 to index
      %swap3A_106 = arith.constant 80 : index
      %swap3A_107 = tpu.vector_load %arg18[%swap3A_105, %swap3A_106] {strides = array<i32>} : memref<96x128xf32, #tpu.memory_space<vmem>>, vector<16xf32>,
      tpu.vector_store %arg18[%swap3A_105, %swap3A_106], %get3A_104 {strides = array<i32>} : memref<96x128xf32, #tpu.memory_space<vmem>>, vector<16xf32>,
      %get3A_108 = arith.constant 96 : index
      %get3A_109 = tpu.vector_load %arg21[%get3A_108] {strides = array<i32>} : memref<128xf32, #tpu.memory_space<vmem>>, vector<16xf32>,
      %swap3A_110 = arith.index_cast %add3A_79 : i32 to index
      %swap3A_111 = arith.constant 96 : index
      %swap3A_112 = tpu.vector_load %arg18[%swap3A_110, %swap3A_111] {strides = array<i32>} : memref<96x128xf32, #tpu.memory_space<vmem>>, vector<16xf32>,
      tpu.vector_store %arg18[%swap3A_110, %swap3A_111], %get3A_109 {strides = array<i32>} : memref<96x128xf32, #tpu.memory_space<vmem>>, vector<16xf32>,
      %get3A_113 = arith.constant 112 : index
      %get3A_114 = tpu.vector_load %arg21[%get3A_113] {strides = array<i32>} : memref<128xf32, #tpu.memory_space<vmem>>, vector<16xf32>,
      %swap3A_115 = arith.index_cast %add3A_79 : i32 to index
      %swap3A_116 = arith.constant 112 : index
      %swap3A_117 = tpu.vector_load %arg18[%swap3A_115, %swap3A_116] {strides = array<i32>} : memref<96x128xf32, #tpu.memory_space<vmem>>, vector<16xf32>,
      tpu.vector_store %arg18[%swap3A_115, %swap3A_116], %get3A_114 {strides = array<i32>} : memref<96x128xf32, #tpu.memory_space<vmem>>, vector<16xf32>,
    }
    %scan3A_6 = arith.constant 40 : i32
    %sub3A = arith.constant 250 : i32
    %sub3A_7 = arith.subi %sub3A, %arg1 : i32
    %sub3A_8 = arith.constant 16 : i32
    %sub3A_9 = arith.constant 1 : i32
    %sub3A_10 = arith.subi %sub3A_8, %sub3A_9 : i32
    %add3A = arith.addi %sub3A_7, %sub3A_10 : i32
    %div3A = arith.constant 16 : i32
    %div3A_11 = arith.divsi %add3A, %div3A : i32
    %while3A = arith.constant 16 : i32
    %while3A_12 = arith.constant 0 : i32
    %while3A_13 = arith.subi %div3A_11, %while3A_12 : i32
    %while3A_14 = arith.addi %while3A_12, %while3A_13 : i32
    %while3A_15 = arith.constant 1 : i32
    %while3A_16 = arith.divsi %while3A_13, %while3A_15 : i32
    %while3A_17 = arith.muli %while3A_16, %while3A_15 : i32
    %while3A_18 = arith.addi %while3A_12, %while3A_17 : i32
    %while3A_19 = arith.constant 1 : i32
    scf.for %while3A_75 = %while3A_12 to %while3A_18 step %while3A_19  : i32 {
      %mul3A_76 = arith.muli %while3A_75, %while3A : i32
      %add3A_77 = arith.addi %arg1, %mul3A_76 : i32
      %mul3A_78 = arith.constant 40 : i32
      %mul3A_79 = arith.muli %add3A_77, %mul3A_78 : i32
      "tpu.region"() ({
        %run_scoped3A = tpu.sem_alloc : memref<!tpu.dma_semaphore, #tpu.memory_space<semaphore_mem>>
        %dma_start3A_80 = arith.constant 0 : i32
        %dma_start3A_81 = arith.constant 0 : i32
        %dma_start3A_82 = tpu.memref_slice %arg18[%dma_start3A_80, %dma_start3A_81] : memref<96x128xf32, #tpu.memory_space<vmem>> -> memref<40x128xf32, #tpu.memory_space<vmem>>
        %dma_start3A_83 = arith.constant 0 : i32
        %dma_start3A_84 = tpu.memref_slice %arg10[%mul3A_79, %dma_start3A_83] : memref<10000x128xf32, #tpu.memory_space<vmem_shared>> -> memref<40x128xf32, #tpu.memory_space<vmem_shared>>
        %dma_start3A_85 = arith.constant 0 : i32
        %dma_start3A_86 = tpu.memref_slice %arg10[%mul3A_79, %dma_start3A_85] : memref<10000x128xf32, #tpu.memory_space<vmem_shared>> -> memref<40x128xf32, #tpu.memory_space<vmem_shared>>
        %dma_start3A_87 = arith.constant 0 : i32
        %dma_start3A_88 = arith.constant 0 : i32
        %dma_start3A_89 = tpu.memref_slice %arg18[%dma_start3A_87, %dma_start3A_88] : memref<96x128xf32, #tpu.memory_space<vmem>> -> memref<40x128xf32, #tpu.memory_space<vmem>>
        tpu.enqueue_dma source(%dma_start3A_89 : memref<40x128xf32, #tpu.memory_space<vmem>>) target(%dma_start3A_86 : memref<40x128xf32, #tpu.memory_space<vmem_shared>>) target_semaphore(%run_scoped3A : memref<!tpu.dma_semaphore, #tpu.memory_space<semaphore_mem>>)
        %dma_wait3A_90 = arith.constant 0 : i32
        %dma_wait3A_91 = arith.constant 0 : i32
        %dma_wait3A_92 = tpu.memref_slice %arg18[%dma_wait3A_90, %dma_wait3A_91] : memref<96x128xf32, #tpu.memory_space<vmem>> -> memref<40x128xf32, #tpu.memory_space<vmem>>
        %dma_wait3A_93 = arith.constant 0 : i32
        %dma_wait3A_94 = tpu.memref_slice %arg10[%mul3A_79, %dma_wait3A_93] : memref<10000x128xf32, #tpu.memory_space<vmem_shared>> -> memref<40x128xf32, #tpu.memory_space<vmem_shared>>
        %dma_wait3A_95 = arith.constant 0 : i32
        %dma_wait3A_96 = tpu.memref_slice %arg10[%mul3A_79, %dma_wait3A_95] : memref<10000x128xf32, #tpu.memory_space<vmem_shared>> -> memref<40x128xf32, #tpu.memory_space<vmem_shared>>
        %dma_wait3A_97 = arith.constant 0 : i32
        %dma_wait3A_98 = arith.constant 0 : i32
        %dma_wait3A_99 = tpu.memref_slice %arg18[%dma_wait3A_97, %dma_wait3A_98] : memref<96x128xf32, #tpu.memory_space<vmem>> -> memref<40x128xf32, #tpu.memory_space<vmem>>
        tpu.wait_dma2 semaphore(%run_scoped3A : memref<!tpu.dma_semaphore, #tpu.memory_space<semaphore_mem>>) src(%dma_wait3A_99 : memref<40x128xf32, #tpu.memory_space<vmem>>) dst(%dma_wait3A_96 : memref<40x128xf32, #tpu.memory_space<vmem_shared>>)
        tpu.yield
      }) : () -> ()
    }
    %while3A_20 = arith.constant 1 : i32
    scf.for %while3A_75 = %while3A_18 to %while3A_14 step %while3A_20  : i32 {
      %mul3A_76 = arith.muli %while3A_75, %while3A : i32
      %add3A_77 = arith.addi %arg1, %mul3A_76 : i32
      %mul3A_78 = arith.constant 40 : i32
      %mul3A_79 = arith.muli %add3A_77, %mul3A_78 : i32
      "tpu.region"() ({
        %run_scoped3A = tpu.sem_alloc : memref<!tpu.dma_semaphore, #tpu.memory_space<semaphore_mem>>
        %dma_start3A_80 = arith.constant 0 : i32
        %dma_start3A_81 = arith.constant 0 : i32
        %dma_start3A_82 = tpu.memref_slice %arg18[%dma_start3A_80, %dma_start3A_81] : memref<96x128xf32, #tpu.memory_space<vmem>> -> memref<40x128xf32, #tpu.memory_space<vmem>>
        %dma_start3A_83 = arith.constant 0 : i32
        %dma_start3A_84 = tpu.memref_slice %arg10[%mul3A_79, %dma_start3A_83] : memref<10000x128xf32, #tpu.memory_space<vmem_shared>> -> memref<40x128xf32, #tpu.memory_space<vmem_shared>>
        %dma_start3A_85 = arith.constant 0 : i32
        %dma_start3A_86 = tpu.memref_slice %arg10[%mul3A_79, %dma_start3A_85] : memref<10000x128xf32, #tpu.memory_space<vmem_shared>> -> memref<40x128xf32, #tpu.memory_space<vmem_shared>>
        %dma_start3A_87 = arith.constant 0 : i32
        %dma_start3A_88 = arith.constant 0 : i32
        %dma_start3A_89 = tpu.memref_slice %arg18[%dma_start3A_87, %dma_start3A_88] : memref<96x128xf32, #tpu.memory_space<vmem>> -> memref<40x128xf32, #tpu.memory_space<vmem>>
        tpu.enqueue_dma source(%dma_start3A_89 : memref<40x128xf32, #tpu.memory_space<vmem>>) target(%dma_start3A_86 : memref<40x128xf32, #tpu.memory_space<vmem_shared>>) target_semaphore(%run_scoped3A : memref<!tpu.dma_semaphore, #tpu.memory_space<semaphore_mem>>)
        %dma_wait3A_90 = arith.constant 0 : i32
        %dma_wait3A_91 = arith.constant 0 : i32
        %dma_wait3A_92 = tpu.memref_slice %arg18[%dma_wait3A_90, %dma_wait3A_91] : memref<96x128xf32, #tpu.memory_space<vmem>> -> memref<40x128xf32, #tpu.memory_space<vmem>>
        %dma_wait3A_93 = arith.constant 0 : i32
        %dma_wait3A_94 = tpu.memref_slice %arg10[%mul3A_79, %dma_wait3A_93] : memref<10000x128xf32, #tpu.memory_space<vmem_shared>> -> memref<40x128xf32, #tpu.memory_space<vmem_shared>>
        %dma_wait3A_95 = arith.constant 0 : i32
        %dma_wait3A_96 = tpu.memref_slice %arg10[%mul3A_79, %dma_wait3A_95] : memref<10000x128xf32, #tpu.memory_space<vmem_shared>> -> memref<40x128xf32, #tpu.memory_space<vmem_shared>>
        %dma_wait3A_97 = arith.constant 0 : i32
        %dma_wait3A_98 = arith.constant 0 : i32
        %dma_wait3A_99 = tpu.memref_slice %arg18[%dma_wait3A_97, %dma_wait3A_98] : memref<96x128xf32, #tpu.memory_space<vmem>> -> memref<40x128xf32, #tpu.memory_space<vmem>>
        tpu.wait_dma2 semaphore(%run_scoped3A : memref<!tpu.dma_semaphore, #tpu.memory_space<semaphore_mem>>) src(%dma_wait3A_99 : memref<40x128xf32, #tpu.memory_space<vmem>>) dst(%dma_wait3A_96 : memref<40x128xf32, #tpu.memory_space<vmem_shared>>)
        tpu.yield
      }) : () -> ()
    }
    %barrier3A = arith.constant 0 : index
    tpu.barrier barrier_id(%barrier3A)
    %add3A_21 = arith.constant 0 : i32
    %add3A_22 = arith.addi %mul3A_0, %add3A_21 : i32
    %dma_start3A = tpu.memref_slice %arg5[%add3A_22] : memref<161280xi32, #tpu.memory_space<hbm>> -> memref<96xi32, #tpu.memory_space<hbm>>
    %dma_start3A_23 = tpu.memref_slice %arg5[%add3A_22] : memref<161280xi32, #tpu.memory_space<hbm>> -> memref<96xi32, #tpu.memory_space<hbm>>
    tpu.enqueue_dma source(%dma_start3A_23 : memref<96xi32, #tpu.memory_space<hbm>>) target(%arg12 : memref<96xi32, #tpu.memory_space<vmem>>) target_semaphore(%arg22 : memref<!tpu.dma_semaphore, #tpu.memory_space<semaphore_mem>>)
    %dma_start3A_24 = tpu.memref_slice %arg6[%add3A_22] : memref<161280xf32, #tpu.memory_space<hbm>> -> memref<96xf32, #tpu.memory_space<hbm>>
    %dma_start3A_25 = tpu.memref_slice %arg6[%add3A_22] : memref<161280xf32, #tpu.memory_space<hbm>> -> memref<96xf32, #tpu.memory_space<hbm>>
    tpu.enqueue_dma source(%dma_start3A_25 : memref<96xf32, #tpu.memory_space<hbm>>) target(%arg15 : memref<96xf32, #tpu.memory_space<vmem>>) target_semaphore(%arg22 : memref<!tpu.dma_semaphore, #tpu.memory_space<semaphore_mem>>)
    %eq3A = arith.constant 0 : i32
    %eq3A_26 = arith.cmpi eq, %arg0, %eq3A : i32
    %convert_element_type3A = arith.extui %eq3A_26 : i1 to i32
    %cond3A = arith.constant 0 : i32
    %cond3A_27 = arith.cmpi ne, %convert_element_type3A, %cond3A : i32
    scf.if %cond3A_27 {
      %dma_start3A_75 = arith.constant 0 : i32
      %dma_start3A_76 = tpu.memref_slice %arg11[%dma_start3A_75] : memref<10080xi32, #tpu.memory_space<vmem>> -> memref<96xi32, #tpu.memory_space<vmem>>
      %dma_start3A_77 = arith.constant 0 : i32
      %dma_start3A_78 = arith.constant 0 : i32
      %dma_start3A_79 = tpu.memref_slice %arg2[%dma_start3A_77, %dma_start3A_78] : memref<10000x128xf32, #tpu.memory_space<hbm>> -> memref<10000x128xf32, #tpu.memory_space<hbm>>
      tpu.enqueue_indirect_dma source(%dma_start3A_79 : memref<10000x128xf32, #tpu.memory_space<hbm>>) target(%arg18 : memref<96x128xf32, #tpu.memory_space<vmem>>) offsets(%dma_start3A_76 : memref<96xi32, #tpu.memory_space<vmem>>) semaphore(%arg22 : memref<!tpu.dma_semaphore, #tpu.memory_space<semaphore_mem>>)
    } else {
    }
    %eq3A_28 = arith.constant 1 : i32
    %eq3A_29 = arith.cmpi eq, %arg0, %eq3A_28 : i32
    %convert_element_type3A_30 = arith.extui %eq3A_29 : i1 to i32
    %cond3A_31 = arith.constant 0 : i32
    %cond3A_32 = arith.cmpi ne, %convert_element_type3A_30, %cond3A_31 : i32
    scf.if %cond3A_32 {
      %dma_start3A_75 = arith.constant 0 : i32
      %dma_start3A_76 = tpu.memref_slice %arg11[%dma_start3A_75] : memref<10080xi32, #tpu.memory_space<vmem>> -> memref<96xi32, #tpu.memory_space<vmem>>
      %dma_start3A_77 = arith.constant 0 : i32
      %dma_start3A_78 = arith.constant 0 : i32
      %dma_start3A_79 = tpu.memref_slice %arg3[%dma_start3A_77, %dma_start3A_78] : memref<10000x128xf32, #tpu.memory_space<hbm>> -> memref<10000x128xf32, #tpu.memory_space<hbm>>
      tpu.enqueue_indirect_dma source(%dma_start3A_79 : memref<10000x128xf32, #tpu.memory_space<hbm>>) target(%arg18 : memref<96x128xf32, #tpu.memory_space<vmem>>) offsets(%dma_start3A_76 : memref<96xi32, #tpu.memory_space<vmem>>) semaphore(%arg22 : memref<!tpu.dma_semaphore, #tpu.memory_space<semaphore_mem>>)
    } else {
    }
    %add3A_33 = arith.constant 96 : i32
    %add3A_34 = arith.addi %mul3A_0, %add3A_33 : i32
    %dma_start3A_35 = tpu.memref_slice %arg5[%add3A_34] : memref<161280xi32, #tpu.memory_space<hbm>> -> memref<96xi32, #tpu.memory_space<hbm>>
    %dma_start3A_36 = tpu.memref_slice %arg5[%add3A_34] : memref<161280xi32, #tpu.memory_space<hbm>> -> memref<96xi32, #tpu.memory_space<hbm>>
    tpu.enqueue_dma source(%dma_start3A_36 : memref<96xi32, #tpu.memory_space<hbm>>) target(%arg13 : memref<96xi32, #tpu.memory_space<vmem>>) target_semaphore(%arg23 : memref<!tpu.dma_semaphore, #tpu.memory_space<semaphore_mem>>)
    %dma_start3A_37 = tpu.memref_slice %arg6[%add3A_34] : memref<161280xf32, #tpu.memory_space<hbm>> -> memref<96xf32, #tpu.memory_space<hbm>>
    %dma_start3A_38 = tpu.memref_slice %arg6[%add3A_34] : memref<161280xf32, #tpu.memory_space<hbm>> -> memref<96xf32, #tpu.memory_space<hbm>>
    tpu.enqueue_dma source(%dma_start3A_38 : memref<96xf32, #tpu.memory_space<hbm>>) target(%arg16 : memref<96xf32, #tpu.memory_space<vmem>>) target_semaphore(%arg23 : memref<!tpu.dma_semaphore, #tpu.memory_space<semaphore_mem>>)
    %eq3A_39 = arith.constant 0 : i32
    %eq3A_40 = arith.cmpi eq, %arg0, %eq3A_39 : i32
    %convert_element_type3A_41 = arith.extui %eq3A_40 : i1 to i32
    %cond3A_42 = arith.constant 0 : i32
    %cond3A_43 = arith.cmpi ne, %convert_element_type3A_41, %cond3A_42 : i32
    scf.if %cond3A_43 {
      %dma_start3A_75 = arith.constant 96 : i32
      %dma_start3A_76 = tpu.memref_slice %arg11[%dma_start3A_75] : memref<10080xi32, #tpu.memory_space<vmem>> -> memref<96xi32, #tpu.memory_space<vmem>>
      %dma_start3A_77 = arith.constant 0 : i32
      %dma_start3A_78 = arith.constant 0 : i32
      %dma_start3A_79 = tpu.memref_slice %arg2[%dma_start3A_77, %dma_start3A_78] : memref<10000x128xf32, #tpu.memory_space<hbm>> -> memref<10000x128xf32, #tpu.memory_space<hbm>>
      tpu.enqueue_indirect_dma source(%dma_start3A_79 : memref<10000x128xf32, #tpu.memory_space<hbm>>) target(%arg19 : memref<96x128xf32, #tpu.memory_space<vmem>>) offsets(%dma_start3A_76 : memref<96xi32, #tpu.memory_space<vmem>>) semaphore(%arg23 : memref<!tpu.dma_semaphore, #tpu.memory_space<semaphore_mem>>)
    } else {
    }
    %eq3A_44 = arith.constant 1 : i32
    %eq3A_45 = arith.cmpi eq, %arg0, %eq3A_44 : i32
    %convert_element_type3A_46 = arith.extui %eq3A_45 : i1 to i32
    %cond3A_47 = arith.constant 0 : i32
    %cond3A_48 = arith.cmpi ne, %convert_element_type3A_46, %cond3A_47 : i32
    scf.if %cond3A_48 {
      %dma_start3A_75 = arith.constant 96 : i32
      %dma_start3A_76 = tpu.memref_slice %arg11[%dma_start3A_75] : memref<10080xi32, #tpu.memory_space<vmem>> -> memref<96xi32, #tpu.memory_space<vmem>>
      %dma_start3A_77 = arith.constant 0 : i32
      %dma_start3A_78 = arith.constant 0 : i32
      %dma_start3A_79 = tpu.memref_slice %arg3[%dma_start3A_77, %dma_start3A_78] : memref<10000x128xf32, #tpu.memory_space<hbm>> -> memref<10000x128xf32, #tpu.memory_space<hbm>>
      tpu.enqueue_indirect_dma source(%dma_start3A_79 : memref<10000x128xf32, #tpu.memory_space<hbm>>) target(%arg19 : memref<96x128xf32, #tpu.memory_space<vmem>>) offsets(%dma_start3A_76 : memref<96xi32, #tpu.memory_space<vmem>>) semaphore(%arg23 : memref<!tpu.dma_semaphore, #tpu.memory_space<semaphore_mem>>)
    } else {
    }
    %scan3A_49 = arith.constant 0 : i32
    %scan3A_50 = arith.constant 35 : i32
    %scan3A_51 = arith.addi %scan3A_49, %scan3A_50 : i32
    %scan3A_52 = arith.constant 1 : i32
    scf.for %scan3A_75 = %scan3A_49 to %scan3A_51 step %scan3A_52  : i32 {
      %mul3A_76 = arith.constant 1 : i32
      %mul3A_77 = arith.muli %scan3A_75, %mul3A_76 : i32
      %add3A_78 = arith.constant 0 : i32
      %add3A_79 = arith.addi %add3A_78, %mul3A_77 : i32
      %mul3A_80 = arith.constant 3 : i32
      %mul3A_81 = arith.muli %mul3A_80, %add3A_79 : i32
      %add3A_82 = arith.constant 0 : i32
      %add3A_83 = arith.addi %mul3A_81, %add3A_82 : i32
      %lt3A = arith.constant 105 : i32
      %lt3A_84 = arith.cmpi slt, %add3A_83, %lt3A : i32
      %convert_element_type3A_85 = arith.extui %lt3A_84 : i1 to i32
      %cond3A_86 = arith.constant 0 : i32
      %cond3A_87 = arith.cmpi ne, %convert_element_type3A_85, %cond3A_86 : i32
      scf.if %cond3A_87 {
        %dma_wait3A_106 = arith.constant 0 : i32
        %dma_wait3A_107 = tpu.memref_slice %arg5[%dma_wait3A_106] : memref<161280xi32, #tpu.memory_space<hbm>> -> memref<96xi32, #tpu.memory_space<hbm>>
        %dma_wait3A_108 = arith.constant 0 : i32
        %dma_wait3A_109 = tpu.memref_slice %arg5[%dma_wait3A_108] : memref<161280xi32, #tpu.memory_space<hbm>> -> memref<96xi32, #tpu.memory_space<hbm>>
        tpu.wait_dma2 semaphore(%arg22 : memref<!tpu.dma_semaphore, #tpu.memory_space<semaphore_mem>>) src(%dma_wait3A_109 : memref<96xi32, #tpu.memory_space<hbm>>) dst(%arg12 : memref<96xi32, #tpu.memory_space<vmem>>)
        %dma_wait3A_110 = arith.constant 0 : i32
        %dma_wait3A_111 = tpu.memref_slice %arg6[%dma_wait3A_110] : memref<161280xf32, #tpu.memory_space<hbm>> -> memref<96xf32, #tpu.memory_space<hbm>>
        %dma_wait3A_112 = arith.constant 0 : i32
        %dma_wait3A_113 = tpu.memref_slice %arg6[%dma_wait3A_112] : memref<161280xf32, #tpu.memory_space<hbm>> -> memref<96xf32, #tpu.memory_space<hbm>>
        tpu.wait_dma2 semaphore(%arg22 : memref<!tpu.dma_semaphore, #tpu.memory_space<semaphore_mem>>) src(%dma_wait3A_113 : memref<96xf32, #tpu.memory_space<hbm>>) dst(%arg15 : memref<96xf32, #tpu.memory_space<vmem>>)
        %dma_wait3A_114 = arith.constant 0 : i32
        %dma_wait3A_115 = tpu.memref_slice %arg11[%dma_wait3A_114] : memref<10080xi32, #tpu.memory_space<vmem>> -> memref<96xi32, #tpu.memory_space<vmem>>
        %dma_wait3A_116 = arith.constant 0 : i32
        %dma_wait3A_117 = arith.constant 0 : i32
        %dma_wait3A_118 = tpu.memref_slice %arg2[%dma_wait3A_116, %dma_wait3A_117] : memref<10000x128xf32, #tpu.memory_space<hbm>> -> memref<10000x128xf32, #tpu.memory_space<hbm>>
        tpu.wait_indirect_dma semaphore(%arg22 : memref<!tpu.dma_semaphore, #tpu.memory_space<semaphore_mem>>) src(%dma_wait3A_118 : memref<10000x128xf32, #tpu.memory_space<hbm>>) dst(%arg18 : memref<96x128xf32, #tpu.memory_space<vmem>>)
        %scan3A_119 = arith.constant 0 : i32
        %scan3A_120 = arith.constant 96 : i32
        %scan3A_121 = arith.addi %scan3A_119, %scan3A_120 : i32
        %scan3A_122 = arith.constant 8 : i32
        scf.for %scan3A_138 = %scan3A_119 to %scan3A_121 step %scan3A_122  : i32 {
          %mul3A_139 = arith.constant 1 : i32
          %mul3A_140 = arith.muli %scan3A_138, %mul3A_139 : i32
          %add3A_141 = arith.constant 0 : i32
          %add3A_142 = arith.addi %add3A_141, %mul3A_140 : i32
          %broadcast_in_dim3A = vector.broadcast %add3A_142 : i32 to vector<16xi32>
          %gather3A = tpu.vector_load_idx %arg15[%broadcast_in_dim3A] : memref<96xf32, #tpu.memory_space<vmem>>[vector<16xi32>], vector<16xf32>,
          %get3A = arith.index_cast %add3A_142 : i32 to index
          %get3A_143 = arith.constant 0 : index
          %get3A_144 = tpu.vector_load %arg18[%get3A, %get3A_143] {strides = array<i32>} : memref<96x128xf32, #tpu.memory_space<vmem>>, vector<16xf32>,
          %mul3A_145 = arith.mulf %get3A_144, %gather3A : vector<16xf32>
          %swap3A = arith.index_cast %add3A_142 : i32 to index
          %swap3A_146 = arith.constant 0 : index
          %swap3A_147 = tpu.vector_load %arg18[%swap3A, %swap3A_146] {strides = array<i32>} : memref<96x128xf32, #tpu.memory_space<vmem>>, vector<16xf32>,
          tpu.vector_store %arg18[%swap3A, %swap3A_146], %mul3A_145 {strides = array<i32>} : memref<96x128xf32, #tpu.memory_space<vmem>>, vector<16xf32>,
          %get3A_148 = arith.index_cast %add3A_142 : i32 to index
          %get3A_149 = arith.constant 16 : index
          %get3A_150 = tpu.vector_load %arg18[%get3A_148, %get3A_149] {strides = array<i32>} : memref<96x128xf32, #tpu.memory_space<vmem>>, vector<16xf32>,
          %mul3A_151 = arith.mulf %get3A_150, %gather3A : vector<16xf32>
          %swap3A_152 = arith.index_cast %add3A_142 : i32 to index
          %swap3A_153 = arith.constant 16 : index
          %swap3A_154 = tpu.vector_load %arg18[%swap3A_152, %swap3A_153] {strides = array<i32>} : memref<96x128xf32, #tpu.memory_space<vmem>>, vector<16xf32>,
          tpu.vector_store %arg18[%swap3A_152, %swap3A_153], %mul3A_151 {strides = array<i32>} : memref<96x128xf32, #tpu.memory_space<vmem>>, vector<16xf32>,
          %get3A_155 = arith.index_cast %add3A_142 : i32 to index
          %get3A_156 = arith.constant 32 : index
          %get3A_157 = tpu.vector_load %arg18[%get3A_155, %get3A_156] {strides = array<i32>} : memref<96x128xf32, #tpu.memory_space<vmem>>, vector<16xf32>,
          %mul3A_158 = arith.mulf %get3A_157, %gather3A : vector<16xf32>
          %swap3A_159 = arith.index_cast %add3A_142 : i32 to index
          %swap3A_160 = arith.constant 32 : index
          %swap3A_161 = tpu.vector_load %arg18[%swap3A_159, %swap3A_160] {strides = array<i32>} : memref<96x128xf32, #tpu.memory_space<vmem>>, vector<16xf32>,
          tpu.vector_store %arg18[%swap3A_159, %swap3A_160], %mul3A_158 {strides = array<i32>} : memref<96x128xf32, #tpu.memory_space<vmem>>, vector<16xf32>,
          %get3A_162 = arith.index_cast %add3A_142 : i32 to index
          %get3A_163 = arith.constant 48 : index
          %get3A_164 = tpu.vector_load %arg18[%get3A_162, %get3A_163] {strides = array<i32>} : memref<96x128xf32, #tpu.memory_space<vmem>>, vector<16xf32>,
          %mul3A_165 = arith.mulf %get3A_164, %gather3A : vector<16xf32>
          %swap3A_166 = arith.index_cast %add3A_142 : i32 to index
          %swap3A_167 = arith.constant 48 : index
          %swap3A_168 = tpu.vector_load %arg18[%swap3A_166, %swap3A_167] {strides = array<i32>} : memref<96x128xf32, #tpu.memory_space<vmem>>, vector<16xf32>,
          tpu.vector_store %arg18[%swap3A_166, %swap3A_167], %mul3A_165 {strides = array<i32>} : memref<96x128xf32, #tpu.memory_space<vmem>>, vector<16xf32>,
          %get3A_169 = arith.index_cast %add3A_142 : i32 to index
          %get3A_170 = arith.constant 64 : index
          %get3A_171 = tpu.vector_load %arg18[%get3A_169, %get3A_170] {strides = array<i32>} : memref<96x128xf32, #tpu.memory_space<vmem>>, vector<16xf32>,
          %mul3A_172 = arith.mulf %get3A_171, %gather3A : vector<16xf32>
          %swap3A_173 = arith.index_cast %add3A_142 : i32 to index
          %swap3A_174 = arith.constant 64 : index
          %swap3A_175 = tpu.vector_load %arg18[%swap3A_173, %swap3A_174] {strides = array<i32>} : memref<96x128xf32, #tpu.memory_space<vmem>>, vector<16xf32>,
          tpu.vector_store %arg18[%swap3A_173, %swap3A_174], %mul3A_172 {strides = array<i32>} : memref<96x128xf32, #tpu.memory_space<vmem>>, vector<16xf32>,
          %get3A_176 = arith.index_cast %add3A_142 : i32 to index
          %get3A_177 = arith.constant 80 : index
          %get3A_178 = tpu.vector_load %arg18[%get3A_176, %get3A_177] {strides = array<i32>} : memref<96x128xf32, #tpu.memory_space<vmem>>, vector<16xf32>,
          %mul3A_179 = arith.mulf %get3A_178, %gather3A : vector<16xf32>
          %swap3A_180 = arith.index_cast %add3A_142 : i32 to index
          %swap3A_181 = arith.constant 80 : index
          %swap3A_182 = tpu.vector_load %arg18[%swap3A_180, %swap3A_181] {strides = array<i32>} : memref<96x128xf32, #tpu.memory_space<vmem>>, vector<16xf32>,
          tpu.vector_store %arg18[%swap3A_180, %swap3A_181], %mul3A_179 {strides = array<i32>} : memref<96x128xf32, #tpu.memory_space<vmem>>, vector<16xf32>,
          %get3A_183 = arith.index_cast %add3A_142 : i32 to index
          %get3A_184 = arith.constant 96 : index
          %get3A_185 = tpu.vector_load %arg18[%get3A_183, %get3A_184] {strides = array<i32>} : memref<96x128xf32, #tpu.memory_space<vmem>>, vector<16xf32>,
          %mul3A_186 = arith.mulf %get3A_185, %gather3A : vector<16xf32>
          %swap3A_187 = arith.index_cast %add3A_142 : i32 to index
          %swap3A_188 = arith.constant 96 : index
          %swap3A_189 = tpu.vector_load %arg18[%swap3A_187, %swap3A_188] {strides = array<i32>} : memref<96x128xf32, #tpu.memory_space<vmem>>, vector<16xf32>,
          tpu.vector_store %arg18[%swap3A_187, %swap3A_188], %mul3A_186 {strides = array<i32>} : memref<96x128xf32, #tpu.memory_space<vmem>>, vector<16xf32>,
          %get3A_190 = arith.index_cast %add3A_142 : i32 to index
          %get3A_191 = arith.constant 112 : index
          %get3A_192 = tpu.vector_load %arg18[%get3A_190, %get3A_191] {strides = array<i32>} : memref<96x128xf32, #tpu.memory_space<vmem>>, vector<16xf32>,
          %mul3A_193 = arith.mulf %get3A_192, %gather3A : vector<16xf32>
          %swap3A_194 = arith.index_cast %add3A_142 : i32 to index
          %swap3A_195 = arith.constant 112 : index
          %swap3A_196 = tpu.vector_load %arg18[%swap3A_194, %swap3A_195] {strides = array<i32>} : memref<96x128xf32, #tpu.memory_space<vmem>>, vector<16xf32>,
          tpu.vector_store %arg18[%swap3A_194, %swap3A_195], %mul3A_193 {strides = array<i32>} : memref<96x128xf32, #tpu.memory_space<vmem>>, vector<16xf32>,
          %scan3A_197 = arith.constant 1 : i32
          %scan3A_198 = arith.addi %scan3A_138, %scan3A_197 : i32
          %mul3A_199 = arith.constant 1 : i32
          %mul3A_200 = arith.muli %scan3A_198, %mul3A_199 : i32
          %add3A_201 = arith.constant 0 : i32
          %add3A_202 = arith.addi %add3A_201, %mul3A_200 : i32
          %broadcast_in_dim3A_203 = vector.broadcast %add3A_202 : i32 to vector<16xi32>
          %gather3A_204 = tpu.vector_load_idx %arg15[%broadcast_in_dim3A_203] : memref<96xf32, #tpu.memory_space<vmem>>[vector<16xi32>], vector<16xf32>,
          %get3A_205 = arith.index_cast %add3A_202 : i32 to index
          %get3A_206 = arith.constant 0 : index
          %get3A_207 = tpu.vector_load %arg18[%get3A_205, %get3A_206] {strides = array<i32>} : memref<96x128xf32, #tpu.memory_space<vmem>>, vector<16xf32>,
          %mul3A_208 = arith.mulf %get3A_207, %gather3A_204 : vector<16xf32>
          %swap3A_209 = arith.index_cast %add3A_202 : i32 to index
          %swap3A_210 = arith.constant 0 : index
          %swap3A_211 = tpu.vector_load %arg18[%swap3A_209, %swap3A_210] {strides = array<i32>} : memref<96x128xf32, #tpu.memory_space<vmem>>, vector<16xf32>,
          tpu.vector_store %arg18[%swap3A_209, %swap3A_210], %mul3A_208 {strides = array<i32>} : memref<96x128xf32, #tpu.memory_space<vmem>>, vector<16xf32>,
          %get3A_212 = arith.index_cast %add3A_202 : i32 to index
          %get3A_213 = arith.constant 16 : index
          %get3A_214 = tpu.vector_load %arg18[%get3A_212, %get3A_213] {strides = array<i32>} : memref<96x128xf32, #tpu.memory_space<vmem>>, vector<16xf32>,
          %mul3A_215 = arith.mulf %get3A_214, %gather3A_204 : vector<16xf32>
          %swap3A_216 = arith.index_cast %add3A_202 : i32 to index
          %swap3A_217 = arith.constant 16 : index
          %swap3A_218 = tpu.vector_load %arg18[%swap3A_216, %swap3A_217] {strides = array<i32>} : memref<96x128xf32, #tpu.memory_space<vmem>>, vector<16xf32>,
          tpu.vector_store %arg18[%swap3A_216, %swap3A_217], %mul3A_215 {strides = array<i32>} : memref<96x128xf32, #tpu.memory_space<vmem>>, vector<16xf32>,
          %get3A_219 = arith.index_cast %add3A_202 : i32 to index
          %get3A_220 = arith.constant 32 : index
          %get3A_221 = tpu.vector_load %arg18[%get3A_219, %get3A_220] {strides = array<i32>} : memref<96x128xf32, #tpu.memory_space<vmem>>, vector<16xf32>,
          %mul3A_222 = arith.mulf %get3A_221, %gather3A_204 : vector<16xf32>
          %swap3A_223 = arith.index_cast %add3A_202 : i32 to index
          %swap3A_224 = arith.constant 32 : index
          %swap3A_225 = tpu.vector_load %arg18[%swap3A_223, %swap3A_224] {strides = array<i32>} : memref<96x128xf32, #tpu.memory_space<vmem>>, vector<16xf32>,
          tpu.vector_store %arg18[%swap3A_223, %swap3A_224], %mul3A_222 {strides = array<i32>} : memref<96x128xf32, #tpu.memory_space<vmem>>, vector<16xf32>,
          %get3A_226 = arith.index_cast %add3A_202 : i32 to index
          %get3A_227 = arith.constant 48 : index
          %get3A_228 = tpu.vector_load %arg18[%get3A_226, %get3A_227] {strides = array<i32>} : memref<96x128xf32, #tpu.memory_space<vmem>>, vector<16xf32>,
          %mul3A_229 = arith.mulf %get3A_228, %gather3A_204 : vector<16xf32>
          %swap3A_230 = arith.index_cast %add3A_202 : i32 to index
          %swap3A_231 = arith.constant 48 : index
          %swap3A_232 = tpu.vector_load %arg18[%swap3A_230, %swap3A_231] {strides = array<i32>} : memref<96x128xf32, #tpu.memory_space<vmem>>, vector<16xf32>,
          tpu.vector_store %arg18[%swap3A_230, %swap3A_231], %mul3A_229 {strides = array<i32>} : memref<96x128xf32, #tpu.memory_space<vmem>>, vector<16xf32>,
          %get3A_233 = arith.index_cast %add3A_202 : i32 to index
          %get3A_234 = arith.constant 64 : index
          %get3A_235 = tpu.vector_load %arg18[%get3A_233, %get3A_234] {strides = array<i32>} : memref<96x128xf32, #tpu.memory_space<vmem>>, vector<16xf32>,
          %mul3A_236 = arith.mulf %get3A_235, %gather3A_204 : vector<16xf32>
          %swap3A_237 = arith.index_cast %add3A_202 : i32 to index
          %swap3A_238 = arith.constant 64 : index
          %swap3A_239 = tpu.vector_load %arg18[%swap3A_237, %swap3A_238] {strides = array<i32>} : memref<96x128xf32, #tpu.memory_space<vmem>>, vector<16xf32>,
          tpu.vector_store %arg18[%swap3A_237, %swap3A_238], %mul3A_236 {strides = array<i32>} : memref<96x128xf32, #tpu.memory_space<vmem>>, vector<16xf32>,
          %get3A_240 = arith.index_cast %add3A_202 : i32 to index
          %get3A_241 = arith.constant 80 : index
          %get3A_242 = tpu.vector_load %arg18[%get3A_240, %get3A_241] {strides = array<i32>} : memref<96x128xf32, #tpu.memory_space<vmem>>, vector<16xf32>,
          %mul3A_243 = arith.mulf %get3A_242, %gather3A_204 : vector<16xf32>
          %swap3A_244 = arith.index_cast %add3A_202 : i32 to index
          %swap3A_245 = arith.constant 80 : index
          %swap3A_246 = tpu.vector_load %arg18[%swap3A_244, %swap3A_245] {strides = array<i32>} : memref<96x128xf32, #tpu.memory_space<vmem>>, vector<16xf32>,
          tpu.vector_store %arg18[%swap3A_244, %swap3A_245], %mul3A_243 {strides = array<i32>} : memref<96x128xf32, #tpu.memory_space<vmem>>, vector<16xf32>,
          %get3A_247 = arith.index_cast %add3A_202 : i32 to index
          %get3A_248 = arith.constant 96 : index
          %get3A_249 = tpu.vector_load %arg18[%get3A_247, %get3A_248] {strides = array<i32>} : memref<96x128xf32, #tpu.memory_space<vmem>>, vector<16xf32>,
          %mul3A_250 = arith.mulf %get3A_249, %gather3A_204 : vector<16xf32>
          %swap3A_251 = arith.index_cast %add3A_202 : i32 to index
          %swap3A_252 = arith.constant 96 : index
          %swap3A_253 = tpu.vector_load %arg18[%swap3A_251, %swap3A_252] {strides = array<i32>} : memref<96x128xf32, #tpu.memory_space<vmem>>, vector<16xf32>,
          tpu.vector_store %arg18[%swap3A_251, %swap3A_252], %mul3A_250 {strides = array<i32>} : memref<96x128xf32, #tpu.memory_space<vmem>>, vector<16xf32>,
          %get3A_254 = arith.index_cast %add3A_202 : i32 to index
          %get3A_255 = arith.constant 112 : index
          %get3A_256 = tpu.vector_load %arg18[%get3A_254, %get3A_255] {strides = array<i32>} : memref<96x128xf32, #tpu.memory_space<vmem>>, vector<16xf32>,
          %mul3A_257 = arith.mulf %get3A_256, %gather3A_204 : vector<16xf32>
          %swap3A_258 = arith.index_cast %add3A_202 : i32 to index
          %swap3A_259 = arith.constant 112 : index
          %swap3A_260 = tpu.vector_load %arg18[%swap3A_258, %swap3A_259] {strides = array<i32>} : memref<96x128xf32, #tpu.memory_space<vmem>>, vector<16xf32>,
          tpu.vector_store %arg18[%swap3A_258, %swap3A_259], %mul3A_257 {strides = array<i32>} : memref<96x128xf32, #tpu.memory_space<vmem>>, vector<16xf32>,
          %scan3A_261 = arith.constant 2 : i32
          %scan3A_262 = arith.addi %scan3A_138, %scan3A_261 : i32
          %mul3A_263 = arith.constant 1 : i32
          %mul3A_264 = arith.muli %scan3A_262, %mul3A_263 : i32
          %add3A_265 = arith.constant 0 : i32
          %add3A_266 = arith.addi %add3A_265, %mul3A_264 : i32
          %broadcast_in_dim3A_267 = vector.broadcast %add3A_266 : i32 to vector<16xi32>
          %gather3A_268 = tpu.vector_load_idx %arg15[%broadcast_in_dim3A_267] : memref<96xf32, #tpu.memory_space<vmem>>[vector<16xi32>], vector<16xf32>,
          %get3A_269 = arith.index_cast %add3A_266 : i32 to index
          %get3A_270 = arith.constant 0 : index
          %get3A_271 = tpu.vector_load %arg18[%get3A_269, %get3A_270] {strides = array<i32>} : memref<96x128xf32, #tpu.memory_space<vmem>>, vector<16xf32>,
          %mul3A_272 = arith.mulf %get3A_271, %gather3A_268 : vector<16xf32>
          %swap3A_273 = arith.index_cast %add3A_266 : i32 to index
          %swap3A_274 = arith.constant 0 : index
          %swap3A_275 = tpu.vector_load %arg18[%swap3A_273, %swap3A_274] {strides = array<i32>} : memref<96x128xf32, #tpu.memory_space<vmem>>, vector<16xf32>,
          tpu.vector_store %arg18[%swap3A_273, %swap3A_274], %mul3A_272 {strides = array<i32>} : memref<96x128xf32, #tpu.memory_space<vmem>>, vector<16xf32>,
          %get3A_276 = arith.index_cast %add3A_266 : i32 to index
          %get3A_277 = arith.constant 16 : index
          %get3A_278 = tpu.vector_load %arg18[%get3A_276, %get3A_277] {strides = array<i32>} : memref<96x128xf32, #tpu.memory_space<vmem>>, vector<16xf32>,
          %mul3A_279 = arith.mulf %get3A_278, %gather3A_268 : vector<16xf32>
          %swap3A_280 = arith.index_cast %add3A_266 : i32 to index
          %swap3A_281 = arith.constant 16 : index
          %swap3A_282 = tpu.vector_load %arg18[%swap3A_280, %swap3A_281] {strides = array<i32>} : memref<96x128xf32, #tpu.memory_space<vmem>>, vector<16xf32>,
          tpu.vector_store %arg18[%swap3A_280, %swap3A_281], %mul3A_279 {strides = array<i32>} : memref<96x128xf32, #tpu.memory_space<vmem>>, vector<16xf32>,
          %get3A_283 = arith.index_cast %add3A_266 : i32 to index
          %get3A_284 = arith.constant 32 : index
          %get3A_285 = tpu.vector_load %arg18[%get3A_283, %get3A_284] {strides = array<i32>} : memref<96x128xf32, #tpu.memory_space<vmem>>, vector<16xf32>,
          %mul3A_286 = arith.mulf %get3A_285, %gather3A_268 : vector<16xf32>
          %swap3A_287 = arith.index_cast %add3A_266 : i32 to index
          %swap3A_288 = arith.constant 32 : index
          %swap3A_289 = tpu.vector_load %arg18[%swap3A_287, %swap3A_288] {strides = array<i32>} : memref<96x128xf32, #tpu.memory_space<vmem>>, vector<16xf32>,
          tpu.vector_store %arg18[%swap3A_287, %swap3A_288], %mul3A_286 {strides = array<i32>} : memref<96x128xf32, #tpu.memory_space<vmem>>, vector<16xf32>,
          %get3A_290 = arith.index_cast %add3A_266 : i32 to index
          %get3A_291 = arith.constant 48 : index
          %get3A_292 = tpu.vector_load %arg18[%get3A_290, %get3A_291] {strides = array<i32>} : memref<96x128xf32, #tpu.memory_space<vmem>>, vector<16xf32>,
          %mul3A_293 = arith.mulf %get3A_292, %gather3A_268 : vector<16xf32>
          %swap3A_294 = arith.index_cast %add3A_266 : i32 to index
          %swap3A_295 = arith.constant 48 : index
          %swap3A_296 = tpu.vector_load %arg18[%swap3A_294, %swap3A_295] {strides = array<i32>} : memref<96x128xf32, #tpu.memory_space<vmem>>, vector<16xf32>,
          tpu.vector_store %arg18[%swap3A_294, %swap3A_295], %mul3A_293 {strides = array<i32>} : memref<96x128xf32, #tpu.memory_space<vmem>>, vector<16xf32>,
          %get3A_297 = arith.index_cast %add3A_266 : i32 to index
          %get3A_298 = arith.constant 64 : index
          %get3A_299 = tpu.vector_load %arg18[%get3A_297, %get3A_298] {strides = array<i32>} : memref<96x128xf32, #tpu.memory_space<vmem>>, vector<16xf32>,
          %mul3A_300 = arith.mulf %get3A_299, %gather3A_268 : vector<16xf32>
          %swap3A_301 = arith.index_cast %add3A_266 : i32 to index
          %swap3A_302 = arith.constant 64 : index
          %swap3A_303 = tpu.vector_load %arg18[%swap3A_301, %swap3A_302] {strides = array<i32>} : memref<96x128xf32, #tpu.memory_space<vmem>>, vector<16xf32>,
          tpu.vector_store %arg18[%swap3A_301, %swap3A_302], %mul3A_300 {strides = array<i32>} : memref<96x128xf32, #tpu.memory_space<vmem>>, vector<16xf32>,
          %get3A_304 = arith.index_cast %add3A_266 : i32 to index
          %get3A_305 = arith.constant 80 : index
          %get3A_306 = tpu.vector_load %arg18[%get3A_304, %get3A_305] {strides = array<i32>} : memref<96x128xf32, #tpu.memory_space<vmem>>, vector<16xf32>,
          %mul3A_307 = arith.mulf %get3A_306, %gather3A_268 : vector<16xf32>
          %swap3A_308 = arith.index_cast %add3A_266 : i32 to index
          %swap3A_309 = arith.constant 80 : index
          %swap3A_310 = tpu.vector_load %arg18[%swap3A_308, %swap3A_309] {strides = array<i32>} : memref<96x128xf32, #tpu.memory_space<vmem>>, vector<16xf32>,
          tpu.vector_store %arg18[%swap3A_308, %swap3A_309], %mul3A_307 {strides = array<i32>} : memref<96x128xf32, #tpu.memory_space<vmem>>, vector<16xf32>,
          %get3A_311 = arith.index_cast %add3A_266 : i32 to index
          %get3A_312 = arith.constant 96 : index
          %get3A_313 = tpu.vector_load %arg18[%get3A_311, %get3A_312] {strides = array<i32>} : memref<96x128xf32, #tpu.memory_space<vmem>>, vector<16xf32>,
          %mul3A_314 = arith.mulf %get3A_313, %gather3A_268 : vector<16xf32>
          %swap3A_315 = arith.index_cast %add3A_266 : i32 to index
          %swap3A_316 = arith.constant 96 : index
          %swap3A_317 = tpu.vector_load %arg18[%swap3A_315, %swap3A_316] {strides = array<i32>} : memref<96x128xf32, #tpu.memory_space<vmem>>, vector<16xf32>,
          tpu.vector_store %arg18[%swap3A_315, %swap3A_316], %mul3A_314 {strides = array<i32>} : memref<96x128xf32, #tpu.memory_space<vmem>>, vector<16xf32>,
          %get3A_318 = arith.index_cast %add3A_266 : i32 to index
          %get3A_319 = arith.constant 112 : index
          %get3A_320 = tpu.vector_load %arg18[%get3A_318, %get3A_319] {strides = array<i32>} : memref<96x128xf32, #tpu.memory_space<vmem>>, vector<16xf32>,
          %mul3A_321 = arith.mulf %get3A_320, %gather3A_268 : vector<16xf32>
          %swap3A_322 = arith.index_cast %add3A_266 : i32 to index
          %swap3A_323 = arith.constant 112 : index
          %swap3A_324 = tpu.vector_load %arg18[%swap3A_322, %swap3A_323] {strides = array<i32>} : memref<96x128xf32, #tpu.memory_space<vmem>>, vector<16xf32>,
          tpu.vector_store %arg18[%swap3A_322, %swap3A_323], %mul3A_321 {strides = array<i32>} : memref<96x128xf32, #tpu.memory_space<vmem>>, vector<16xf32>,
          %scan3A_325 = arith.constant 3 : i32
          %scan3A_326 = arith.addi %scan3A_138, %scan3A_325 : i32
          %mul3A_327 = arith.constant 1 : i32
          %mul3A_328 = arith.muli %scan3A_326, %mul3A_327 : i32
          %add3A_329 = arith.constant 0 : i32
          %add3A_330 = arith.addi %add3A_329, %mul3A_328 : i32
          %broadcast_in_dim3A_331 = vector.broadcast %add3A_330 : i32 to vector<16xi32>
          %gather3A_332 = tpu.vector_load_idx %arg15[%broadcast_in_dim3A_331] : memref<96xf32, #tpu.memory_space<vmem>>[vector<16xi32>], vector<16xf32>,
          %get3A_333 = arith.index_cast %add3A_330 : i32 to index
          %get3A_334 = arith.constant 0 : index
          %get3A_335 = tpu.vector_load %arg18[%get3A_333, %get3A_334] {strides = array<i32>} : memref<96x128xf32, #tpu.memory_space<vmem>>, vector<16xf32>,
          %mul3A_336 = arith.mulf %get3A_335, %gather3A_332 : vector<16xf32>
          %swap3A_337 = arith.index_cast %add3A_330 : i32 to index
          %swap3A_338 = arith.constant 0 : index
          %swap3A_339 = tpu.vector_load %arg18[%swap3A_337, %swap3A_338] {strides = array<i32>} : memref<96x128xf32, #tpu.memory_space<vmem>>, vector<16xf32>,
          tpu.vector_store %arg18[%swap3A_337, %swap3A_338], %mul3A_336 {strides = array<i32>} : memref<96x128xf32, #tpu.memory_space<vmem>>, vector<16xf32>,
          %get3A_340 = arith.index_cast %add3A_330 : i32 to index
          %get3A_341 = arith.constant 16 : index
          %get3A_342 = tpu.vector_load %arg18[%get3A_340, %get3A_341] {strides = array<i32>} : memref<96x128xf32, #tpu.memory_space<vmem>>, vector<16xf32>,
          %mul3A_343 = arith.mulf %get3A_342, %gather3A_332 : vector<16xf32>
          %swap3A_344 = arith.index_cast %add3A_330 : i32 to index
          %swap3A_345 = arith.constant 16 : index
          %swap3A_346 = tpu.vector_load %arg18[%swap3A_344, %swap3A_345] {strides = array<i32>} : memref<96x128xf32, #tpu.memory_space<vmem>>, vector<16xf32>,
          tpu.vector_store %arg18[%swap3A_344, %swap3A_345], %mul3A_343 {strides = array<i32>} : memref<96x128xf32, #tpu.memory_space<vmem>>, vector<16xf32>,
          %get3A_347 = arith.index_cast %add3A_330 : i32 to index
          %get3A_348 = arith.constant 32 : index
          %get3A_349 = tpu.vector_load %arg18[%get3A_347, %get3A_348] {strides = array<i32>} : memref<96x128xf32, #tpu.memory_space<vmem>>, vector<16xf32>,
          %mul3A_350 = arith.mulf %get3A_349, %gather3A_332 : vector<16xf32>
          %swap3A_351 = arith.index_cast %add3A_330 : i32 to index
          %swap3A_352 = arith.constant 32 : index
          %swap3A_353 = tpu.vector_load %arg18[%swap3A_351, %swap3A_352] {strides = array<i32>} : memref<96x128xf32, #tpu.memory_space<vmem>>, vector<16xf32>,
          tpu.vector_store %arg18[%swap3A_351, %swap3A_352], %mul3A_350 {strides = array<i32>} : memref<96x128xf32, #tpu.memory_space<vmem>>, vector<16xf32>,
          %get3A_354 = arith.index_cast %add3A_330 : i32 to index
          %get3A_355 = arith.constant 48 : index
          %get3A_356 = tpu.vector_load %arg18[%get3A_354, %get3A_355] {strides = array<i32>} : memref<96x128xf32, #tpu.memory_space<vmem>>, vector<16xf32>,
          %mul3A_357 = arith.mulf %get3A_356, %gather3A_332 : vector<16xf32>
          %swap3A_358 = arith.index_cast %add3A_330 : i32 to index
          %swap3A_359 = arith.constant 48 : index
          %swap3A_360 = tpu.vector_load %arg18[%swap3A_358, %swap3A_359] {strides = array<i32>} : memref<96x128xf32, #tpu.memory_space<vmem>>, vector<16xf32>,
          tpu.vector_store %arg18[%swap3A_358, %swap3A_359], %mul3A_357 {strides = array<i32>} : memref<96x128xf32, #tpu.memory_space<vmem>>, vector<16xf32>,
          %get3A_361 = arith.index_cast %add3A_330 : i32 to index
          %get3A_362 = arith.constant 64 : index
          %get3A_363 = tpu.vector_load %arg18[%get3A_361, %get3A_362] {strides = array<i32>} : memref<96x128xf32, #tpu.memory_space<vmem>>, vector<16xf32>,
          %mul3A_364 = arith.mulf %get3A_363, %gather3A_332 : vector<16xf32>
          %swap3A_365 = arith.index_cast %add3A_330 : i32 to index
          %swap3A_366 = arith.constant 64 : index
          %swap3A_367 = tpu.vector_load %arg18[%swap3A_365, %swap3A_366] {strides = array<i32>} : memref<96x128xf32, #tpu.memory_space<vmem>>, vector<16xf32>,
          tpu.vector_store %arg18[%swap3A_365, %swap3A_366], %mul3A_364 {strides = array<i32>} : memref<96x128xf32, #tpu.memory_space<vmem>>, vector<16xf32>,
          %get3A_368 = arith.index_cast %add3A_330 : i32 to index
          %get3A_369 = arith.constant 80 : index
          %get3A_370 = tpu.vector_load %arg18[%get3A_368, %get3A_369] {strides = array<i32>} : memref<96x128xf32, #tpu.memory_space<vmem>>, vector<16xf32>,
          %mul3A_371 = arith.mulf %get3A_370, %gather3A_332 : vector<16xf32>
          %swap3A_372 = arith.index_cast %add3A_330 : i32 to index
          %swap3A_373 = arith.constant 80 : index
          %swap3A_374 = tpu.vector_load %arg18[%swap3A_372, %swap3A_373] {strides = array<i32>} : memref<96x128xf32, #tpu.memory_space<vmem>>, vector<16xf32>,
          tpu.vector_store %arg18[%swap3A_372, %swap3A_373], %mul3A_371 {strides = array<i32>} : memref<96x128xf32, #tpu.memory_space<vmem>>, vector<16xf32>,
          %get3A_375 = arith.index_cast %add3A_330 : i32 to index
          %get3A_376 = arith.constant 96 : index
          %get3A_377 = tpu.vector_load %arg18[%get3A_375, %get3A_376] {strides = array<i32>} : memref<96x128xf32, #tpu.memory_space<vmem>>, vector<16xf32>,
          %mul3A_378 = arith.mulf %get3A_377, %gather3A_332 : vector<16xf32>
          %swap3A_379 = arith.index_cast %add3A_330 : i32 to index
          %swap3A_380 = arith.constant 96 : index
          %swap3A_381 = tpu.vector_load %arg18[%swap3A_379, %swap3A_380] {strides = array<i32>} : memref<96x128xf32, #tpu.memory_space<vmem>>, vector<16xf32>,
          tpu.vector_store %arg18[%swap3A_379, %swap3A_380], %mul3A_378 {strides = array<i32>} : memref<96x128xf32, #tpu.memory_space<vmem>>, vector<16xf32>,
          %get3A_382 = arith.index_cast %add3A_330 : i32 to index
          %get3A_383 = arith.constant 112 : index
          %get3A_384 = tpu.vector_load %arg18[%get3A_382, %get3A_383] {strides = array<i32>} : memref<96x128xf32, #tpu.memory_space<vmem>>, vector<16xf32>,
          %mul3A_385 = arith.mulf %get3A_384, %gather3A_332 : vector<16xf32>
          %swap3A_386 = arith.index_cast %add3A_330 : i32 to index
          %swap3A_387 = arith.constant 112 : index
          %swap3A_388 = tpu.vector_load %arg18[%swap3A_386, %swap3A_387] {strides = array<i32>} : memref<96x128xf32, #tpu.memory_space<vmem>>, vector<16xf32>,
          tpu.vector_store %arg18[%swap3A_386, %swap3A_387], %mul3A_385 {strides = array<i32>} : memref<96x128xf32, #tpu.memory_space<vmem>>, vector<16xf32>,
          %scan3A_389 = arith.constant 4 : i32
          %scan3A_390 = arith.addi %scan3A_138, %scan3A_389 : i32
          %mul3A_391 = arith.constant 1 : i32
          %mul3A_392 = arith.muli %scan3A_390, %mul3A_391 : i32
          %add3A_393 = arith.constant 0 : i32
          %add3A_394 = arith.addi %add3A_393, %mul3A_392 : i32
          %broadcast_in_dim3A_395 = vector.broadcast %add3A_394 : i32 to vector<16xi32>
          %gather3A_396 = tpu.vector_load_idx %arg15[%broadcast_in_dim3A_395] : memref<96xf32, #tpu.memory_space<vmem>>[vector<16xi32>], vector<16xf32>,
          %get3A_397 = arith.index_cast %add3A_394 : i32 to index
          %get3A_398 = arith.constant 0 : index
          %get3A_399 = tpu.vector_load %arg18[%get3A_397, %get3A_398] {strides = array<i32>} : memref<96x128xf32, #tpu.memory_space<vmem>>, vector<16xf32>,
          %mul3A_400 = arith.mulf %get3A_399, %gather3A_396 : vector<16xf32>
          %swap3A_401 = arith.index_cast %add3A_394 : i32 to index
          %swap3A_402 = arith.constant 0 : index
          %swap3A_403 = tpu.vector_load %arg18[%swap3A_401, %swap3A_402] {strides = array<i32>} : memref<96x128xf32, #tpu.memory_space<vmem>>, vector<16xf32>,
          tpu.vector_store %arg18[%swap3A_401, %swap3A_402], %mul3A_400 {strides = array<i32>} : memref<96x128xf32, #tpu.memory_space<vmem>>, vector<16xf32>,
          %get3A_404 = arith.index_cast %add3A_394 : i32 to index
          %get3A_405 = arith.constant 16 : index
          %get3A_406 = tpu.vector_load %arg18[%get3A_404, %get3A_405] {strides = array<i32>} : memref<96x128xf32, #tpu.memory_space<vmem>>, vector<16xf32>,
          %mul3A_407 = arith.mulf %get3A_406, %gather3A_396 : vector<16xf32>
          %swap3A_408 = arith.index_cast %add3A_394 : i32 to index
          %swap3A_409 = arith.constant 16 : index
          %swap3A_410 = tpu.vector_load %arg18[%swap3A_408, %swap3A_409] {strides = array<i32>} : memref<96x128xf32, #tpu.memory_space<vmem>>, vector<16xf32>,
          tpu.vector_store %arg18[%swap3A_408, %swap3A_409], %mul3A_407 {strides = array<i32>} : memref<96x128xf32, #tpu.memory_space<vmem>>, vector<16xf32>,
          %get3A_411 = arith.index_cast %add3A_394 : i32 to index
          %get3A_412 = arith.constant 32 : index
          %get3A_413 = tpu.vector_load %arg18[%get3A_411, %get3A_412] {strides = array<i32>} : memref<96x128xf32, #tpu.memory_space<vmem>>, vector<16xf32>,
          %mul3A_414 = arith.mulf %get3A_413, %gather3A_396 : vector<16xf32>
          %swap3A_415 = arith.index_cast %add3A_394 : i32 to index
          %swap3A_416 = arith.constant 32 : index
          %swap3A_417 = tpu.vector_load %arg18[%swap3A_415, %swap3A_416] {strides = array<i32>} : memref<96x128xf32, #tpu.memory_space<vmem>>, vector<16xf32>,
          tpu.vector_store %arg18[%swap3A_415, %swap3A_416], %mul3A_414 {strides = array<i32>} : memref<96x128xf32, #tpu.memory_space<vmem>>, vector<16xf32>,
          %get3A_418 = arith.index_cast %add3A_394 : i32 to index
          %get3A_419 = arith.constant 48 : index
          %get3A_420 = tpu.vector_load %arg18[%get3A_418, %get3A_419] {strides = array<i32>} : memref<96x128xf32, #tpu.memory_space<vmem>>, vector<16xf32>,
          %mul3A_421 = arith.mulf %get3A_420, %gather3A_396 : vector<16xf32>
          %swap3A_422 = arith.index_cast %add3A_394 : i32 to index
          %swap3A_423 = arith.constant 48 : index
          %swap3A_424 = tpu.vector_load %arg18[%swap3A_422, %swap3A_423] {strides = array<i32>} : memref<96x128xf32, #tpu.memory_space<vmem>>, vector<16xf32>,
          tpu.vector_store %arg18[%swap3A_422, %swap3A_423], %mul3A_421 {strides = array<i32>} : memref<96x128xf32, #tpu.memory_space<vmem>>, vector<16xf32>,
          %get3A_425 = arith.index_cast %add3A_394 : i32 to index
          %get3A_426 = arith.constant 64 : index
          %get3A_427 = tpu.vector_load %arg18[%get3A_425, %get3A_426] {strides = array<i32>} : memref<96x128xf32, #tpu.memory_space<vmem>>, vector<16xf32>,
          %mul3A_428 = arith.mulf %get3A_427, %gather3A_396 : vector<16xf32>
          %swap3A_429 = arith.index_cast %add3A_394 : i32 to index
          %swap3A_430 = arith.constant 64 : index
          %swap3A_431 = tpu.vector_load %arg18[%swap3A_429, %swap3A_430] {strides = array<i32>} : memref<96x128xf32, #tpu.memory_space<vmem>>, vector<16xf32>,
          tpu.vector_store %arg18[%swap3A_429, %swap3A_430], %mul3A_428 {strides = array<i32>} : memref<96x128xf32, #tpu.memory_space<vmem>>, vector<16xf32>,
          %get3A_432 = arith.index_cast %add3A_394 : i32 to index
          %get3A_433 = arith.constant 80 : index
          %get3A_434 = tpu.vector_load %arg18[%get3A_432, %get3A_433] {strides = array<i32>} : memref<96x128xf32, #tpu.memory_space<vmem>>, vector<16xf32>,
          %mul3A_435 = arith.mulf %get3A_434, %gather3A_396 : vector<16xf32>
          %swap3A_436 = arith.index_cast %add3A_394 : i32 to index
          %swap3A_437 = arith.constant 80 : index
          %swap3A_438 = tpu.vector_load %arg18[%swap3A_436, %swap3A_437] {strides = array<i32>} : memref<96x128xf32, #tpu.memory_space<vmem>>, vector<16xf32>,
          tpu.vector_store %arg18[%swap3A_436, %swap3A_437], %mul3A_435 {strides = array<i32>} : memref<96x128xf32, #tpu.memory_space<vmem>>, vector<16xf32>,
          %get3A_439 = arith.index_cast %add3A_394 : i32 to index
          %get3A_440 = arith.constant 96 : index
          %get3A_441 = tpu.vector_load %arg18[%get3A_439, %get3A_440] {strides = array<i32>} : memref<96x128xf32, #tpu.memory_space<vmem>>, vector<16xf32>,
          %mul3A_442 = arith.mulf %get3A_441, %gather3A_396 : vector<16xf32>
          %swap3A_443 = arith.index_cast %add3A_394 : i32 to index
          %swap3A_444 = arith.constant 96 : index
          %swap3A_445 = tpu.vector_load %arg18[%swap3A_443, %swap3A_444] {strides = array<i32>} : memref<96x128xf32, #tpu.memory_space<vmem>>, vector<16xf32>,
          tpu.vector_store %arg18[%swap3A_443, %swap3A_444], %mul3A_442 {strides = array<i32>} : memref<96x128xf32, #tpu.memory_space<vmem>>, vector<16xf32>,
          %get3A_446 = arith.index_cast %add3A_394 : i32 to index
          %get3A_447 = arith.constant 112 : index
          %get3A_448 = tpu.vector_load %arg18[%get3A_446, %get3A_447] {strides = array<i32>} : memref<96x128xf32, #tpu.memory_space<vmem>>, vector<16xf32>,
          %mul3A_449 = arith.mulf %get3A_448, %gather3A_396 : vector<16xf32>
          %swap3A_450 = arith.index_cast %add3A_394 : i32 to index
          %swap3A_451 = arith.constant 112 : index
          %swap3A_452 = tpu.vector_load %arg18[%swap3A_450, %swap3A_451] {strides = array<i32>} : memref<96x128xf32, #tpu.memory_space<vmem>>, vector<16xf32>,
          tpu.vector_store %arg18[%swap3A_450, %swap3A_451], %mul3A_449 {strides = array<i32>} : memref<96x128xf32, #tpu.memory_space<vmem>>, vector<16xf32>,
          %scan3A_453 = arith.constant 5 : i32
          %scan3A_454 = arith.addi %scan3A_138, %scan3A_453 : i32
          %mul3A_455 = arith.constant 1 : i32
          %mul3A_456 = arith.muli %scan3A_454, %mul3A_455 : i32
          %add3A_457 = arith.constant 0 : i32
          %add3A_458 = arith.addi %add3A_457, %mul3A_456 : i32
          %broadcast_in_dim3A_459 = vector.broadcast %add3A_458 : i32 to vector<16xi32>
          %gather3A_460 = tpu.vector_load_idx %arg15[%broadcast_in_dim3A_459] : memref<96xf32, #tpu.memory_space<vmem>>[vector<16xi32>], vector<16xf32>,
          %get3A_461 = arith.index_cast %add3A_458 : i32 to index
          %get3A_462 = arith.constant 0 : index
          %get3A_463 = tpu.vector_load %arg18[%get3A_461, %get3A_462] {strides = array<i32>} : memref<96x128xf32, #tpu.memory_space<vmem>>, vector<16xf32>,
          %mul3A_464 = arith.mulf %get3A_463, %gather3A_460 : vector<16xf32>
          %swap3A_465 = arith.index_cast %add3A_458 : i32 to index
          %swap3A_466 = arith.constant 0 : index
          %swap3A_467 = tpu.vector_load %arg18[%swap3A_465, %swap3A_466] {strides = array<i32>} : memref<96x128xf32, #tpu.memory_space<vmem>>, vector<16xf32>,
          tpu.vector_store %arg18[%swap3A_465, %swap3A_466], %mul3A_464 {strides = array<i32>} : memref<96x128xf32, #tpu.memory_space<vmem>>, vector<16xf32>,
          %get3A_468 = arith.index_cast %add3A_458 : i32 to index
          %get3A_469 = arith.constant 16 : index
          %get3A_470 = tpu.vector_load %arg18[%get3A_468, %get3A_469] {strides = array<i32>} : memref<96x128xf32, #tpu.memory_space<vmem>>, vector<16xf32>,
          %mul3A_471 = arith.mulf %get3A_470, %gather3A_460 : vector<16xf32>
          %swap3A_472 = arith.index_cast %add3A_458 : i32 to index
          %swap3A_473 = arith.constant 16 : index
          %swap3A_474 = tpu.vector_load %arg18[%swap3A_472, %swap3A_473] {strides = array<i32>} : memref<96x128xf32, #tpu.memory_space<vmem>>, vector<16xf32>,
          tpu.vector_store %arg18[%swap3A_472, %swap3A_473], %mul3A_471 {strides = array<i32>} : memref<96x128xf32, #tpu.memory_space<vmem>>, vector<16xf32>,
          %get3A_475 = arith.index_cast %add3A_458 : i32 to index
          %get3A_476 = arith.constant 32 : index
          %get3A_477 = tpu.vector_load %arg18[%get3A_475, %get3A_476] {strides = array<i32>} : memref<96x128xf32, #tpu.memory_space<vmem>>, vector<16xf32>,
          %mul3A_478 = arith.mulf %get3A_477, %gather3A_460 : vector<16xf32>
          %swap3A_479 = arith.index_cast %add3A_458 : i32 to index
          %swap3A_480 = arith.constant 32 : index
          %swap3A_481 = tpu.vector_load %arg18[%swap3A_479, %swap3A_480] {strides = array<i32>} : memref<96x128xf32, #tpu.memory_space<vmem>>, vector<16xf32>,
          tpu.vector_store %arg18[%swap3A_479, %swap3A_480], %mul3A_478 {strides = array<i32>} : memref<96x128xf32, #tpu.memory_space<vmem>>, vector<16xf32>,
          %get3A_482 = arith.index_cast %add3A_458 : i32 to index
          %get3A_483 = arith.constant 48 : index
          %get3A_484 = tpu.vector_load %arg18[%get3A_482, %get3A_483] {strides = array<i32>} : memref<96x128xf32, #tpu.memory_space<vmem>>, vector<16xf32>,
          %mul3A_485 = arith.mulf %get3A_484, %gather3A_460 : vector<16xf32>
          %swap3A_486 = arith.index_cast %add3A_458 : i32 to index
          %swap3A_487 = arith.constant 48 : index
          %swap3A_488 = tpu.vector_load %arg18[%swap3A_486, %swap3A_487] {strides = array<i32>} : memref<96x128xf32, #tpu.memory_space<vmem>>, vector<16xf32>,
          tpu.vector_store %arg18[%swap3A_486, %swap3A_487], %mul3A_485 {strides = array<i32>} : memref<96x128xf32, #tpu.memory_space<vmem>>, vector<16xf32>,
          %get3A_489 = arith.index_cast %add3A_458 : i32 to index
          %get3A_490 = arith.constant 64 : index
          %get3A_491 = tpu.vector_load %arg18[%get3A_489, %get3A_490] {strides = array<i32>} : memref<96x128xf32, #tpu.memory_space<vmem>>, vector<16xf32>,
          %mul3A_492 = arith.mulf %get3A_491, %gather3A_460 : vector<16xf32>
          %swap3A_493 = arith.index_cast %add3A_458 : i32 to index
          %swap3A_494 = arith.constant 64 : index
          %swap3A_495 = tpu.vector_load %arg18[%swap3A_493, %swap3A_494] {strides = array<i32>} : memref<96x128xf32, #tpu.memory_space<vmem>>, vector<16xf32>,
          tpu.vector_store %arg18[%swap3A_493, %swap3A_494], %mul3A_492 {strides = array<i32>} : memref<96x128xf32, #tpu.memory_space<vmem>>, vector<16xf32>,
          %get3A_496 = arith.index_cast %add3A_458 : i32 to index
          %get3A_497 = arith.constant 80 : index
          %get3A_498 = tpu.vector_load %arg18[%get3A_496, %get3A_497] {strides = array<i32>} : memref<96x128xf32, #tpu.memory_space<vmem>>, vector<16xf32>,
          %mul3A_499 = arith.mulf %get3A_498, %gather3A_460 : vector<16xf32>
          %swap3A_500 = arith.index_cast %add3A_458 : i32 to index
          %swap3A_501 = arith.constant 80 : index
          %swap3A_502 = tpu.vector_load %arg18[%swap3A_500, %swap3A_501] {strides = array<i32>} : memref<96x128xf32, #tpu.memory_space<vmem>>, vector<16xf32>,
          tpu.vector_store %arg18[%swap3A_500, %swap3A_501], %mul3A_499 {strides = array<i32>} : memref<96x128xf32, #tpu.memory_space<vmem>>, vector<16xf32>,
          %get3A_503 = arith.index_cast %add3A_458 : i32 to index
          %get3A_504 = arith.constant 96 : index
          %get3A_505 = tpu.vector_load %arg18[%get3A_503, %get3A_504] {strides = array<i32>} : memref<96x128xf32, #tpu.memory_space<vmem>>, vector<16xf32>,
          %mul3A_506 = arith.mulf %get3A_505, %gather3A_460 : vector<16xf32>
          %swap3A_507 = arith.index_cast %add3A_458 : i32 to index
          %swap3A_508 = arith.constant 96 : index
          %swap3A_509 = tpu.vector_load %arg18[%swap3A_507, %swap3A_508] {strides = array<i32>} : memref<96x128xf32, #tpu.memory_space<vmem>>, vector<16xf32>,
          tpu.vector_store %arg18[%swap3A_507, %swap3A_508], %mul3A_506 {strides = array<i32>} : memref<96x128xf32, #tpu.memory_space<vmem>>, vector<16xf32>,
          %get3A_510 = arith.index_cast %add3A_458 : i32 to index
          %get3A_511 = arith.constant 112 : index
          %get3A_512 = tpu.vector_load %arg18[%get3A_510, %get3A_511] {strides = array<i32>} : memref<96x128xf32, #tpu.memory_space<vmem>>, vector<16xf32>,
          %mul3A_513 = arith.mulf %get3A_512, %gather3A_460 : vector<16xf32>
          %swap3A_514 = arith.index_cast %add3A_458 : i32 to index
          %swap3A_515 = arith.constant 112 : index
          %swap3A_516 = tpu.vector_load %arg18[%swap3A_514, %swap3A_515] {strides = array<i32>} : memref<96x128xf32, #tpu.memory_space<vmem>>, vector<16xf32>,
          tpu.vector_store %arg18[%swap3A_514, %swap3A_515], %mul3A_513 {strides = array<i32>} : memref<96x128xf32, #tpu.memory_space<vmem>>, vector<16xf32>,
          %scan3A_517 = arith.constant 6 : i32
          %scan3A_518 = arith.addi %scan3A_138, %scan3A_517 : i32
          %mul3A_519 = arith.constant 1 : i32
          %mul3A_520 = arith.muli %scan3A_518, %mul3A_519 : i32
          %add3A_521 = arith.constant 0 : i32
          %add3A_522 = arith.addi %add3A_521, %mul3A_520 : i32
          %broadcast_in_dim3A_523 = vector.broadcast %add3A_522 : i32 to vector<16xi32>
          %gather3A_524 = tpu.vector_load_idx %arg15[%broadcast_in_dim3A_523] : memref<96xf32, #tpu.memory_space<vmem>>[vector<16xi32>], vector<16xf32>,
          %get3A_525 = arith.index_cast %add3A_522 : i32 to index
          %get3A_526 = arith.constant 0 : index
          %get3A_527 = tpu.vector_load %arg18[%get3A_525, %get3A_526] {strides = array<i32>} : memref<96x128xf32, #tpu.memory_space<vmem>>, vector<16xf32>,
          %mul3A_528 = arith.mulf %get3A_527, %gather3A_524 : vector<16xf32>
          %swap3A_529 = arith.index_cast %add3A_522 : i32 to index
          %swap3A_530 = arith.constant 0 : index
          %swap3A_531 = tpu.vector_load %arg18[%swap3A_529, %swap3A_530] {strides = array<i32>} : memref<96x128xf32, #tpu.memory_space<vmem>>, vector<16xf32>,
          tpu.vector_store %arg18[%swap3A_529, %swap3A_530], %mul3A_528 {strides = array<i32>} : memref<96x128xf32, #tpu.memory_space<vmem>>, vector<16xf32>,
          %get3A_532 = arith.index_cast %add3A_522 : i32 to index
          %get3A_533 = arith.constant 16 : index
          %get3A_534 = tpu.vector_load %arg18[%get3A_532, %get3A_533] {strides = array<i32>} : memref<96x128xf32, #tpu.memory_space<vmem>>, vector<16xf32>,
          %mul3A_535 = arith.mulf %get3A_534, %gather3A_524 : vector<16xf32>
          %swap3A_536 = arith.index_cast %add3A_522 : i32 to index
          %swap3A_537 = arith.constant 16 : index
          %swap3A_538 = tpu.vector_load %arg18[%swap3A_536, %swap3A_537] {strides = array<i32>} : memref<96x128xf32, #tpu.memory_space<vmem>>, vector<16xf32>,
          tpu.vector_store %arg18[%swap3A_536, %swap3A_537], %mul3A_535 {strides = array<i32>} : memref<96x128xf32, #tpu.memory_space<vmem>>, vector<16xf32>,
          %get3A_539 = arith.index_cast %add3A_522 : i32 to index
          %get3A_540 = arith.constant 32 : index
          %get3A_541 = tpu.vector_load %arg18[%get3A_539, %get3A_540] {strides = array<i32>} : memref<96x128xf32, #tpu.memory_space<vmem>>, vector<16xf32>,
          %mul3A_542 = arith.mulf %get3A_541, %gather3A_524 : vector<16xf32>
          %swap3A_543 = arith.index_cast %add3A_522 : i32 to index
          %swap3A_544 = arith.constant 32 : index
          %swap3A_545 = tpu.vector_load %arg18[%swap3A_543, %swap3A_544] {strides = array<i32>} : memref<96x128xf32, #tpu.memory_space<vmem>>, vector<16xf32>,
          tpu.vector_store %arg18[%swap3A_543, %swap3A_544], %mul3A_542 {strides = array<i32>} : memref<96x128xf32, #tpu.memory_space<vmem>>, vector<16xf32>,
          %get3A_546 = arith.index_cast %add3A_522 : i32 to index
          %get3A_547 = arith.constant 48 : index
          %get3A_548 = tpu.vector_load %arg18[%get3A_546, %get3A_547] {strides = array<i32>} : memref<96x128xf32, #tpu.memory_space<vmem>>, vector<16xf32>,
          %mul3A_549 = arith.mulf %get3A_548, %gather3A_524 : vector<16xf32>
          %swap3A_550 = arith.index_cast %add3A_522 : i32 to index
          %swap3A_551 = arith.constant 48 : index
          %swap3A_552 = tpu.vector_load %arg18[%swap3A_550, %swap3A_551] {strides = array<i32>} : memref<96x128xf32, #tpu.memory_space<vmem>>, vector<16xf32>,
          tpu.vector_store %arg18[%swap3A_550, %swap3A_551], %mul3A_549 {strides = array<i32>} : memref<96x128xf32, #tpu.memory_space<vmem>>, vector<16xf32>,
          %get3A_553 = arith.index_cast %add3A_522 : i32 to index
          %get3A_554 = arith.constant 64 : index
          %get3A_555 = tpu.vector_load %arg18[%get3A_553, %get3A_554] {strides = array<i32>} : memref<96x128xf32, #tpu.memory_space<vmem>>, vector<16xf32>,
          %mul3A_556 = arith.mulf %get3A_555, %gather3A_524 : vector<16xf32>
          %swap3A_557 = arith.index_cast %add3A_522 : i32 to index
          %swap3A_558 = arith.constant 64 : index
          %swap3A_559 = tpu.vector_load %arg18[%swap3A_557, %swap3A_558] {strides = array<i32>} : memref<96x128xf32, #tpu.memory_space<vmem>>, vector<16xf32>,
          tpu.vector_store %arg18[%swap3A_557, %swap3A_558], %mul3A_556 {strides = array<i32>} : memref<96x128xf32, #tpu.memory_space<vmem>>, vector<16xf32>,
          %get3A_560 = arith.index_cast %add3A_522 : i32 to index
          %get3A_561 = arith.constant 80 : index
          %get3A_562 = tpu.vector_load %arg18[%get3A_560, %get3A_561] {strides = array<i32>} : memref<96x128xf32, #tpu.memory_space<vmem>>, vector<16xf32>,
          %mul3A_563 = arith.mulf %get3A_562, %gather3A_524 : vector<16xf32>
          %swap3A_564 = arith.index_cast %add3A_522 : i32 to index
          %swap3A_565 = arith.constant 80 : index
          %swap3A_566 = tpu.vector_load %arg18[%swap3A_564, %swap3A_565] {strides = array<i32>} : memref<96x128xf32, #tpu.memory_space<vmem>>, vector<16xf32>,
          tpu.vector_store %arg18[%swap3A_564, %swap3A_565], %mul3A_563 {strides = array<i32>} : memref<96x128xf32, #tpu.memory_space<vmem>>, vector<16xf32>,
          %get3A_567 = arith.index_cast %add3A_522 : i32 to index
          %get3A_568 = arith.constant 96 : index
          %get3A_569 = tpu.vector_load %arg18[%get3A_567, %get3A_568] {strides = array<i32>} : memref<96x128xf32, #tpu.memory_space<vmem>>, vector<16xf32>,
          %mul3A_570 = arith.mulf %get3A_569, %gather3A_524 : vector<16xf32>
          %swap3A_571 = arith.index_cast %add3A_522 : i32 to index
          %swap3A_572 = arith.constant 96 : index
          %swap3A_573 = tpu.vector_load %arg18[%swap3A_571, %swap3A_572] {strides = array<i32>} : memref<96x128xf32, #tpu.memory_space<vmem>>, vector<16xf32>,
          tpu.vector_store %arg18[%swap3A_571, %swap3A_572], %mul3A_570 {strides = array<i32>} : memref<96x128xf32, #tpu.memory_space<vmem>>, vector<16xf32>,
          %get3A_574 = arith.index_cast %add3A_522 : i32 to index
          %get3A_575 = arith.constant 112 : index
          %get3A_576 = tpu.vector_load %arg18[%get3A_574, %get3A_575] {strides = array<i32>} : memref<96x128xf32, #tpu.memory_space<vmem>>, vector<16xf32>,
          %mul3A_577 = arith.mulf %get3A_576, %gather3A_524 : vector<16xf32>
          %swap3A_578 = arith.index_cast %add3A_522 : i32 to index
          %swap3A_579 = arith.constant 112 : index
          %swap3A_580 = tpu.vector_load %arg18[%swap3A_578, %swap3A_579] {strides = array<i32>} : memref<96x128xf32, #tpu.memory_space<vmem>>, vector<16xf32>,
          tpu.vector_store %arg18[%swap3A_578, %swap3A_579], %mul3A_577 {strides = array<i32>} : memref<96x128xf32, #tpu.memory_space<vmem>>, vector<16xf32>,
          %scan3A_581 = arith.constant 7 : i32
          %scan3A_582 = arith.addi %scan3A_138, %scan3A_581 : i32
          %mul3A_583 = arith.constant 1 : i32
          %mul3A_584 = arith.muli %scan3A_582, %mul3A_583 : i32
          %add3A_585 = arith.constant 0 : i32
          %add3A_586 = arith.addi %add3A_585, %mul3A_584 : i32
          %broadcast_in_dim3A_587 = vector.broadcast %add3A_586 : i32 to vector<16xi32>
          %gather3A_588 = tpu.vector_load_idx %arg15[%broadcast_in_dim3A_587] : memref<96xf32, #tpu.memory_space<vmem>>[vector<16xi32>], vector<16xf32>,
          %get3A_589 = arith.index_cast %add3A_586 : i32 to index
          %get3A_590 = arith.constant 0 : index
          %get3A_591 = tpu.vector_load %arg18[%get3A_589, %get3A_590] {strides = array<i32>} : memref<96x128xf32, #tpu.memory_space<vmem>>, vector<16xf32>,
          %mul3A_592 = arith.mulf %get3A_591, %gather3A_588 : vector<16xf32>
          %swap3A_593 = arith.index_cast %add3A_586 : i32 to index
          %swap3A_594 = arith.constant 0 : index
          %swap3A_595 = tpu.vector_load %arg18[%swap3A_593, %swap3A_594] {strides = array<i32>} : memref<96x128xf32, #tpu.memory_space<vmem>>, vector<16xf32>,
          tpu.vector_store %arg18[%swap3A_593, %swap3A_594], %mul3A_592 {strides = array<i32>} : memref<96x128xf32, #tpu.memory_space<vmem>>, vector<16xf32>,
          %get3A_596 = arith.index_cast %add3A_586 : i32 to index
          %get3A_597 = arith.constant 16 : index
          %get3A_598 = tpu.vector_load %arg18[%get3A_596, %get3A_597] {strides = array<i32>} : memref<96x128xf32, #tpu.memory_space<vmem>>, vector<16xf32>,
          %mul3A_599 = arith.mulf %get3A_598, %gather3A_588 : vector<16xf32>
          %swap3A_600 = arith.index_cast %add3A_586 : i32 to index
          %swap3A_601 = arith.constant 16 : index
          %swap3A_602 = tpu.vector_load %arg18[%swap3A_600, %swap3A_601] {strides = array<i32>} : memref<96x128xf32, #tpu.memory_space<vmem>>, vector<16xf32>,
          tpu.vector_store %arg18[%swap3A_600, %swap3A_601], %mul3A_599 {strides = array<i32>} : memref<96x128xf32, #tpu.memory_space<vmem>>, vector<16xf32>,
          %get3A_603 = arith.index_cast %add3A_586 : i32 to index
          %get3A_604 = arith.constant 32 : index
          %get3A_605 = tpu.vector_load %arg18[%get3A_603, %get3A_604] {strides = array<i32>} : memref<96x128xf32, #tpu.memory_space<vmem>>, vector<16xf32>,
          %mul3A_606 = arith.mulf %get3A_605, %gather3A_588 : vector<16xf32>
          %swap3A_607 = arith.index_cast %add3A_586 : i32 to index
          %swap3A_608 = arith.constant 32 : index
          %swap3A_609 = tpu.vector_load %arg18[%swap3A_607, %swap3A_608] {strides = array<i32>} : memref<96x128xf32, #tpu.memory_space<vmem>>, vector<16xf32>,
          tpu.vector_store %arg18[%swap3A_607, %swap3A_608], %mul3A_606 {strides = array<i32>} : memref<96x128xf32, #tpu.memory_space<vmem>>, vector<16xf32>,
          %get3A_610 = arith.index_cast %add3A_586 : i32 to index
          %get3A_611 = arith.constant 48 : index
          %get3A_612 = tpu.vector_load %arg18[%get3A_610, %get3A_611] {strides = array<i32>} : memref<96x128xf32, #tpu.memory_space<vmem>>, vector<16xf32>,
          %mul3A_613 = arith.mulf %get3A_612, %gather3A_588 : vector<16xf32>
          %swap3A_614 = arith.index_cast %add3A_586 : i32 to index
          %swap3A_615 = arith.constant 48 : index
          %swap3A_616 = tpu.vector_load %arg18[%swap3A_614, %swap3A_615] {strides = array<i32>} : memref<96x128xf32, #tpu.memory_space<vmem>>, vector<16xf32>,
          tpu.vector_store %arg18[%swap3A_614, %swap3A_615], %mul3A_613 {strides = array<i32>} : memref<96x128xf32, #tpu.memory_space<vmem>>, vector<16xf32>,
          %get3A_617 = arith.index_cast %add3A_586 : i32 to index
          %get3A_618 = arith.constant 64 : index
          %get3A_619 = tpu.vector_load %arg18[%get3A_617, %get3A_618] {strides = array<i32>} : memref<96x128xf32, #tpu.memory_space<vmem>>, vector<16xf32>,
          %mul3A_620 = arith.mulf %get3A_619, %gather3A_588 : vector<16xf32>
          %swap3A_621 = arith.index_cast %add3A_586 : i32 to index
          %swap3A_622 = arith.constant 64 : index
          %swap3A_623 = tpu.vector_load %arg18[%swap3A_621, %swap3A_622] {strides = array<i32>} : memref<96x128xf32, #tpu.memory_space<vmem>>, vector<16xf32>,
          tpu.vector_store %arg18[%swap3A_621, %swap3A_622], %mul3A_620 {strides = array<i32>} : memref<96x128xf32, #tpu.memory_space<vmem>>, vector<16xf32>,
          %get3A_624 = arith.index_cast %add3A_586 : i32 to index
          %get3A_625 = arith.constant 80 : index
          %get3A_626 = tpu.vector_load %arg18[%get3A_624, %get3A_625] {strides = array<i32>} : memref<96x128xf32, #tpu.memory_space<vmem>>, vector<16xf32>,
          %mul3A_627 = arith.mulf %get3A_626, %gather3A_588 : vector<16xf32>
          %swap3A_628 = arith.index_cast %add3A_586 : i32 to index
          %swap3A_629 = arith.constant 80 : index
          %swap3A_630 = tpu.vector_load %arg18[%swap3A_628, %swap3A_629] {strides = array<i32>} : memref<96x128xf32, #tpu.memory_space<vmem>>, vector<16xf32>,
          tpu.vector_store %arg18[%swap3A_628, %swap3A_629], %mul3A_627 {strides = array<i32>} : memref<96x128xf32, #tpu.memory_space<vmem>>, vector<16xf32>,
          %get3A_631 = arith.index_cast %add3A_586 : i32 to index
          %get3A_632 = arith.constant 96 : index
          %get3A_633 = tpu.vector_load %arg18[%get3A_631, %get3A_632] {strides = array<i32>} : memref<96x128xf32, #tpu.memory_space<vmem>>, vector<16xf32>,
          %mul3A_634 = arith.mulf %get3A_633, %gather3A_588 : vector<16xf32>
          %swap3A_635 = arith.index_cast %add3A_586 : i32 to index
          %swap3A_636 = arith.constant 96 : index
          %swap3A_637 = tpu.vector_load %arg18[%swap3A_635, %swap3A_636] {strides = array<i32>} : memref<96x128xf32, #tpu.memory_space<vmem>>, vector<16xf32>,
          tpu.vector_store %arg18[%swap3A_635, %swap3A_636], %mul3A_634 {strides = array<i32>} : memref<96x128xf32, #tpu.memory_space<vmem>>, vector<16xf32>,
          %get3A_638 = arith.index_cast %add3A_586 : i32 to index
          %get3A_639 = arith.constant 112 : index
          %get3A_640 = tpu.vector_load %arg18[%get3A_638, %get3A_639] {strides = array<i32>} : memref<96x128xf32, #tpu.memory_space<vmem>>, vector<16xf32>,
          %mul3A_641 = arith.mulf %get3A_640, %gather3A_588 : vector<16xf32>
          %swap3A_642 = arith.index_cast %add3A_586 : i32 to index
          %swap3A_643 = arith.constant 112 : index
          %swap3A_644 = tpu.vector_load %arg18[%swap3A_642, %swap3A_643] {strides = array<i32>} : memref<96x128xf32, #tpu.memory_space<vmem>>, vector<16xf32>,
          tpu.vector_store %arg18[%swap3A_642, %swap3A_643], %mul3A_641 {strides = array<i32>} : memref<96x128xf32, #tpu.memory_space<vmem>>, vector<16xf32>,
        }
        %scan3A_123 = arith.constant 96 : i32
        %ge3A = arith.constant 1 : i32
        %ge3A_124 = arith.cmpi sge, %add3A_83, %ge3A : i32
        %convert_element_type3A_125 = arith.extui %ge3A_124 : i1 to i32
        %cond3A_126 = arith.constant 0 : i32
        %cond3A_127 = arith.cmpi ne, %convert_element_type3A_125, %cond3A_126 : i32
        scf.if %cond3A_127 {
          %dma_wait3A_138 = arith.constant 0 : i32
          %dma_wait3A_139 = arith.constant 0 : i32
          %dma_wait3A_140 = tpu.memref_slice %arg10[%dma_wait3A_138, %dma_wait3A_139] : memref<10000x128xf32, #tpu.memory_space<vmem_shared>> -> memref<10000x128xf32, #tpu.memory_space<vmem_shared>>
          tpu.wait_indirect_dma semaphore(%arg25 : memref<!tpu.dma_semaphore, #tpu.memory_space<semaphore_mem>>) src(%arg18 : memref<96x128xf32, #tpu.memory_space<vmem>>) dst(%dma_wait3A_140 : memref<10000x128xf32, #tpu.memory_space<vmem_shared>>)
        } else {
        }
        %dma_start3A_128 = arith.constant 0 : i32
        %dma_start3A_129 = arith.constant 0 : i32
        %dma_start3A_130 = tpu.memref_slice %arg10[%dma_start3A_128, %dma_start3A_129] : memref<10000x128xf32, #tpu.memory_space<vmem_shared>> -> memref<10000x128xf32, #tpu.memory_space<vmem_shared>>
        tpu.enqueue_indirect_dma source(%arg18 : memref<96x128xf32, #tpu.memory_space<vmem>>) target(%dma_start3A_130 : memref<10000x128xf32, #tpu.memory_space<vmem_shared>>) offsets(%arg12 : memref<96xi32, #tpu.memory_space<vmem>>) semaphore(%arg25 : memref<!tpu.dma_semaphore, #tpu.memory_space<semaphore_mem>>) {add = true}
        %add3A_131 = arith.constant 2 : i32
        %add3A_132 = arith.addi %add3A_83, %add3A_131 : i32
        %lt3A_133 = arith.constant 105 : i32
        %lt3A_134 = arith.cmpi slt, %add3A_132, %lt3A_133 : i32
        %convert_element_type3A_135 = arith.extui %lt3A_134 : i1 to i32
        %cond3A_136 = arith.constant 0 : i32
        %cond3A_137 = arith.cmpi ne, %convert_element_type3A_135, %cond3A_136 : i32
        scf.if %cond3A_137 {
          %add3A_138 = arith.constant 2 : i32
          %add3A_139 = arith.addi %add3A_83, %add3A_138 : i32
          %mul3A_140 = arith.constant 96 : i32
          %mul3A_141 = arith.muli %add3A_139, %mul3A_140 : i32
          %add3A_142 = arith.addi %mul3A_0, %mul3A_141 : i32
          %dma_start3A_143 = tpu.memref_slice %arg5[%add3A_142] : memref<161280xi32, #tpu.memory_space<hbm>> -> memref<96xi32, #tpu.memory_space<hbm>>
          %dma_start3A_144 = tpu.memref_slice %arg5[%add3A_142] : memref<161280xi32, #tpu.memory_space<hbm>> -> memref<96xi32, #tpu.memory_space<hbm>>
          tpu.enqueue_dma source(%dma_start3A_144 : memref<96xi32, #tpu.memory_space<hbm>>) target(%arg14 : memref<96xi32, #tpu.memory_space<vmem>>) target_semaphore(%arg24 : memref<!tpu.dma_semaphore, #tpu.memory_space<semaphore_mem>>)
          %dma_start3A_145 = tpu.memref_slice %arg6[%add3A_142] : memref<161280xf32, #tpu.memory_space<hbm>> -> memref<96xf32, #tpu.memory_space<hbm>>
          %dma_start3A_146 = tpu.memref_slice %arg6[%add3A_142] : memref<161280xf32, #tpu.memory_space<hbm>> -> memref<96xf32, #tpu.memory_space<hbm>>
          tpu.enqueue_dma source(%dma_start3A_146 : memref<96xf32, #tpu.memory_space<hbm>>) target(%arg17 : memref<96xf32, #tpu.memory_space<vmem>>) target_semaphore(%arg24 : memref<!tpu.dma_semaphore, #tpu.memory_space<semaphore_mem>>)
          %eq3A_147 = arith.constant 0 : i32
          %eq3A_148 = arith.cmpi eq, %arg0, %eq3A_147 : i32
          %convert_element_type3A_149 = arith.extui %eq3A_148 : i1 to i32
          %cond3A_150 = arith.constant 0 : i32
          %cond3A_151 = arith.cmpi ne, %convert_element_type3A_149, %cond3A_150 : i32
          scf.if %cond3A_151 {
            %mul3A_157 = arith.constant 96 : i32
            %mul3A_158 = arith.muli %add3A_139, %mul3A_157 : i32
            %dma_start3A_159 = tpu.memref_slice %arg11[%mul3A_158] : memref<10080xi32, #tpu.memory_space<vmem>> -> memref<96xi32, #tpu.memory_space<vmem>>
            %dma_start3A_160 = arith.constant 0 : i32
            %dma_start3A_161 = arith.constant 0 : i32
            %dma_start3A_162 = tpu.memref_slice %arg2[%dma_start3A_160, %dma_start3A_161] : memref<10000x128xf32, #tpu.memory_space<hbm>> -> memref<10000x128xf32, #tpu.memory_space<hbm>>
            tpu.enqueue_indirect_dma source(%dma_start3A_162 : memref<10000x128xf32, #tpu.memory_space<hbm>>) target(%arg20 : memref<96x128xf32, #tpu.memory_space<vmem>>) offsets(%dma_start3A_159 : memref<96xi32, #tpu.memory_space<vmem>>) semaphore(%arg24 : memref<!tpu.dma_semaphore, #tpu.memory_space<semaphore_mem>>)
          } else {
          }
          %eq3A_152 = arith.constant 1 : i32
          %eq3A_153 = arith.cmpi eq, %arg0, %eq3A_152 : i32
          %convert_element_type3A_154 = arith.extui %eq3A_153 : i1 to i32
          %cond3A_155 = arith.constant 0 : i32
          %cond3A_156 = arith.cmpi ne, %convert_element_type3A_154, %cond3A_155 : i32
          scf.if %cond3A_156 {
            %mul3A_157 = arith.constant 96 : i32
            %mul3A_158 = arith.muli %add3A_139, %mul3A_157 : i32
            %dma_start3A_159 = tpu.memref_slice %arg11[%mul3A_158] : memref<10080xi32, #tpu.memory_space<vmem>> -> memref<96xi32, #tpu.memory_space<vmem>>
            %dma_start3A_160 = arith.constant 0 : i32
            %dma_start3A_161 = arith.constant 0 : i32
            %dma_start3A_162 = tpu.memref_slice %arg3[%dma_start3A_160, %dma_start3A_161] : memref<10000x128xf32, #tpu.memory_space<hbm>> -> memref<10000x128xf32, #tpu.memory_space<hbm>>
            tpu.enqueue_indirect_dma source(%dma_start3A_162 : memref<10000x128xf32, #tpu.memory_space<hbm>>) target(%arg20 : memref<96x128xf32, #tpu.memory_space<vmem>>) offsets(%dma_start3A_159 : memref<96xi32, #tpu.memory_space<vmem>>) semaphore(%arg24 : memref<!tpu.dma_semaphore, #tpu.memory_space<semaphore_mem>>)
          } else {
          }
        } else {
        }
      } else {
      }
      %mul3A_88 = arith.constant 3 : i32
      %mul3A_89 = arith.muli %mul3A_88, %add3A_79 : i32
      %add3A_90 = arith.constant 1 : i32
      %add3A_91 = arith.addi %mul3A_89, %add3A_90 : i32
      %lt3A_92 = arith.constant 105 : i32
      %lt3A_93 = arith.cmpi slt, %add3A_91, %lt3A_92 : i32
      %convert_element_type3A_94 = arith.extui %lt3A_93 : i1 to i32
      %cond3A_95 = arith.constant 0 : i32
      %cond3A_96 = arith.cmpi ne, %convert_element_type3A_94, %cond3A_95 : i32
      scf.if %cond3A_96 {
        %dma_wait3A_106 = arith.constant 0 : i32
        %dma_wait3A_107 = tpu.memref_slice %arg5[%dma_wait3A_106] : memref<161280xi32, #tpu.memory_space<hbm>> -> memref<96xi32, #tpu.memory_space<hbm>>
        %dma_wait3A_108 = arith.constant 0 : i32
        %dma_wait3A_109 = tpu.memref_slice %arg5[%dma_wait3A_108] : memref<161280xi32, #tpu.memory_space<hbm>> -> memref<96xi32, #tpu.memory_space<hbm>>
        tpu.wait_dma2 semaphore(%arg23 : memref<!tpu.dma_semaphore, #tpu.memory_space<semaphore_mem>>) src(%dma_wait3A_109 : memref<96xi32, #tpu.memory_space<hbm>>) dst(%arg13 : memref<96xi32, #tpu.memory_space<vmem>>)
        %dma_wait3A_110 = arith.constant 0 : i32
        %dma_wait3A_111 = tpu.memref_slice %arg6[%dma_wait3A_110] : memref<161280xf32, #tpu.memory_space<hbm>> -> memref<96xf32, #tpu.memory_space<hbm>>
        %dma_wait3A_112 = arith.constant 0 : i32
        %dma_wait3A_113 = tpu.memref_slice %arg6[%dma_wait3A_112] : memref<161280xf32, #tpu.memory_space<hbm>> -> memref<96xf32, #tpu.memory_space<hbm>>
        tpu.wait_dma2 semaphore(%arg23 : memref<!tpu.dma_semaphore, #tpu.memory_space<semaphore_mem>>) src(%dma_wait3A_113 : memref<96xf32, #tpu.memory_space<hbm>>) dst(%arg16 : memref<96xf32, #tpu.memory_space<vmem>>)
        %dma_wait3A_114 = arith.constant 0 : i32
        %dma_wait3A_115 = tpu.memref_slice %arg11[%dma_wait3A_114] : memref<10080xi32, #tpu.memory_space<vmem>> -> memref<96xi32, #tpu.memory_space<vmem>>
        %dma_wait3A_116 = arith.constant 0 : i32
        %dma_wait3A_117 = arith.constant 0 : i32
        %dma_wait3A_118 = tpu.memref_slice %arg2[%dma_wait3A_116, %dma_wait3A_117] : memref<10000x128xf32, #tpu.memory_space<hbm>> -> memref<10000x128xf32, #tpu.memory_space<hbm>>
        tpu.wait_indirect_dma semaphore(%arg23 : memref<!tpu.dma_semaphore, #tpu.memory_space<semaphore_mem>>) src(%dma_wait3A_118 : memref<10000x128xf32, #tpu.memory_space<hbm>>) dst(%arg19 : memref<96x128xf32, #tpu.memory_space<vmem>>)
        %scan3A_119 = arith.constant 0 : i32
        %scan3A_120 = arith.constant 96 : i32
        %scan3A_121 = arith.addi %scan3A_119, %scan3A_120 : i32
        %scan3A_122 = arith.constant 8 : i32
        scf.for %scan3A_138 = %scan3A_119 to %scan3A_121 step %scan3A_122  : i32 {
          %mul3A_139 = arith.constant 1 : i32
          %mul3A_140 = arith.muli %scan3A_138, %mul3A_139 : i32
          %add3A_141 = arith.constant 0 : i32
          %add3A_142 = arith.addi %add3A_141, %mul3A_140 : i32
          %broadcast_in_dim3A = vector.broadcast %add3A_142 : i32 to vector<16xi32>
          %gather3A = tpu.vector_load_idx %arg16[%broadcast_in_dim3A] : memref<96xf32, #tpu.memory_space<vmem>>[vector<16xi32>], vector<16xf32>,
          %get3A = arith.index_cast %add3A_142 : i32 to index
          %get3A_143 = arith.constant 0 : index
          %get3A_144 = tpu.vector_load %arg19[%get3A, %get3A_143] {strides = array<i32>} : memref<96x128xf32, #tpu.memory_space<vmem>>, vector<16xf32>,
          %mul3A_145 = arith.mulf %get3A_144, %gather3A : vector<16xf32>
          %swap3A = arith.index_cast %add3A_142 : i32 to index
          %swap3A_146 = arith.constant 0 : index
          %swap3A_147 = tpu.vector_load %arg19[%swap3A, %swap3A_146] {strides = array<i32>} : memref<96x128xf32, #tpu.memory_space<vmem>>, vector<16xf32>,
          tpu.vector_store %arg19[%swap3A, %swap3A_146], %mul3A_145 {strides = array<i32>} : memref<96x128xf32, #tpu.memory_space<vmem>>, vector<16xf32>,
          %get3A_148 = arith.index_cast %add3A_142 : i32 to index
          %get3A_149 = arith.constant 16 : index
          %get3A_150 = tpu.vector_load %arg19[%get3A_148, %get3A_149] {strides = array<i32>} : memref<96x128xf32, #tpu.memory_space<vmem>>, vector<16xf32>,
          %mul3A_151 = arith.mulf %get3A_150, %gather3A : vector<16xf32>
          %swap3A_152 = arith.index_cast %add3A_142 : i32 to index
          %swap3A_153 = arith.constant 16 : index
          %swap3A_154 = tpu.vector_load %arg19[%swap3A_152, %swap3A_153] {strides = array<i32>} : memref<96x128xf32, #tpu.memory_space<vmem>>, vector<16xf32>,
          tpu.vector_store %arg19[%swap3A_152, %swap3A_153], %mul3A_151 {strides = array<i32>} : memref<96x128xf32, #tpu.memory_space<vmem>>, vector<16xf32>,
          %get3A_155 = arith.index_cast %add3A_142 : i32 to index
          %get3A_156 = arith.constant 32 : index
          %get3A_157 = tpu.vector_load %arg19[%get3A_155, %get3A_156] {strides = array<i32>} : memref<96x128xf32, #tpu.memory_space<vmem>>, vector<16xf32>,
          %mul3A_158 = arith.mulf %get3A_157, %gather3A : vector<16xf32>
          %swap3A_159 = arith.index_cast %add3A_142 : i32 to index
          %swap3A_160 = arith.constant 32 : index
          %swap3A_161 = tpu.vector_load %arg19[%swap3A_159, %swap3A_160] {strides = array<i32>} : memref<96x128xf32, #tpu.memory_space<vmem>>, vector<16xf32>,
          tpu.vector_store %arg19[%swap3A_159, %swap3A_160], %mul3A_158 {strides = array<i32>} : memref<96x128xf32, #tpu.memory_space<vmem>>, vector<16xf32>,
          %get3A_162 = arith.index_cast %add3A_142 : i32 to index
          %get3A_163 = arith.constant 48 : index
          %get3A_164 = tpu.vector_load %arg19[%get3A_162, %get3A_163] {strides = array<i32>} : memref<96x128xf32, #tpu.memory_space<vmem>>, vector<16xf32>,
          %mul3A_165 = arith.mulf %get3A_164, %gather3A : vector<16xf32>
          %swap3A_166 = arith.index_cast %add3A_142 : i32 to index
          %swap3A_167 = arith.constant 48 : index
          %swap3A_168 = tpu.vector_load %arg19[%swap3A_166, %swap3A_167] {strides = array<i32>} : memref<96x128xf32, #tpu.memory_space<vmem>>, vector<16xf32>,
          tpu.vector_store %arg19[%swap3A_166, %swap3A_167], %mul3A_165 {strides = array<i32>} : memref<96x128xf32, #tpu.memory_space<vmem>>, vector<16xf32>,
          %get3A_169 = arith.index_cast %add3A_142 : i32 to index
          %get3A_170 = arith.constant 64 : index
          %get3A_171 = tpu.vector_load %arg19[%get3A_169, %get3A_170] {strides = array<i32>} : memref<96x128xf32, #tpu.memory_space<vmem>>, vector<16xf32>,
          %mul3A_172 = arith.mulf %get3A_171, %gather3A : vector<16xf32>
          %swap3A_173 = arith.index_cast %add3A_142 : i32 to index
          %swap3A_174 = arith.constant 64 : index
          %swap3A_175 = tpu.vector_load %arg19[%swap3A_173, %swap3A_174] {strides = array<i32>} : memref<96x128xf32, #tpu.memory_space<vmem>>, vector<16xf32>,
          tpu.vector_store %arg19[%swap3A_173, %swap3A_174], %mul3A_172 {strides = array<i32>} : memref<96x128xf32, #tpu.memory_space<vmem>>, vector<16xf32>,
          %get3A_176 = arith.index_cast %add3A_142 : i32 to index
          %get3A_177 = arith.constant 80 : index
          %get3A_178 = tpu.vector_load %arg19[%get3A_176, %get3A_177] {strides = array<i32>} : memref<96x128xf32, #tpu.memory_space<vmem>>, vector<16xf32>,
          %mul3A_179 = arith.mulf %get3A_178, %gather3A : vector<16xf32>
          %swap3A_180 = arith.index_cast %add3A_142 : i32 to index
          %swap3A_181 = arith.constant 80 : index
          %swap3A_182 = tpu.vector_load %arg19[%swap3A_180, %swap3A_181] {strides = array<i32>} : memref<96x128xf32, #tpu.memory_space<vmem>>, vector<16xf32>,
          tpu.vector_store %arg19[%swap3A_180, %swap3A_181], %mul3A_179 {strides = array<i32>} : memref<96x128xf32, #tpu.memory_space<vmem>>, vector<16xf32>,
          %get3A_183 = arith.index_cast %add3A_142 : i32 to index
          %get3A_184 = arith.constant 96 : index
          %get3A_185 = tpu.vector_load %arg19[%get3A_183, %get3A_184] {strides = array<i32>} : memref<96x128xf32, #tpu.memory_space<vmem>>, vector<16xf32>,
          %mul3A_186 = arith.mulf %get3A_185, %gather3A : vector<16xf32>
          %swap3A_187 = arith.index_cast %add3A_142 : i32 to index
          %swap3A_188 = arith.constant 96 : index
          %swap3A_189 = tpu.vector_load %arg19[%swap3A_187, %swap3A_188] {strides = array<i32>} : memref<96x128xf32, #tpu.memory_space<vmem>>, vector<16xf32>,
          tpu.vector_store %arg19[%swap3A_187, %swap3A_188], %mul3A_186 {strides = array<i32>} : memref<96x128xf32, #tpu.memory_space<vmem>>, vector<16xf32>,
          %get3A_190 = arith.index_cast %add3A_142 : i32 to index
          %get3A_191 = arith.constant 112 : index
          %get3A_192 = tpu.vector_load %arg19[%get3A_190, %get3A_191] {strides = array<i32>} : memref<96x128xf32, #tpu.memory_space<vmem>>, vector<16xf32>,
          %mul3A_193 = arith.mulf %get3A_192, %gather3A : vector<16xf32>
          %swap3A_194 = arith.index_cast %add3A_142 : i32 to index
          %swap3A_195 = arith.constant 112 : index
          %swap3A_196 = tpu.vector_load %arg19[%swap3A_194, %swap3A_195] {strides = array<i32>} : memref<96x128xf32, #tpu.memory_space<vmem>>, vector<16xf32>,
          tpu.vector_store %arg19[%swap3A_194, %swap3A_195], %mul3A_193 {strides = array<i32>} : memref<96x128xf32, #tpu.memory_space<vmem>>, vector<16xf32>,
          %scan3A_197 = arith.constant 1 : i32
          %scan3A_198 = arith.addi %scan3A_138, %scan3A_197 : i32
          %mul3A_199 = arith.constant 1 : i32
          %mul3A_200 = arith.muli %scan3A_198, %mul3A_199 : i32
          %add3A_201 = arith.constant 0 : i32
          %add3A_202 = arith.addi %add3A_201, %mul3A_200 : i32
          %broadcast_in_dim3A_203 = vector.broadcast %add3A_202 : i32 to vector<16xi32>
          %gather3A_204 = tpu.vector_load_idx %arg16[%broadcast_in_dim3A_203] : memref<96xf32, #tpu.memory_space<vmem>>[vector<16xi32>], vector<16xf32>,
          %get3A_205 = arith.index_cast %add3A_202 : i32 to index
          %get3A_206 = arith.constant 0 : index
          %get3A_207 = tpu.vector_load %arg19[%get3A_205, %get3A_206] {strides = array<i32>} : memref<96x128xf32, #tpu.memory_space<vmem>>, vector<16xf32>,
          %mul3A_208 = arith.mulf %get3A_207, %gather3A_204 : vector<16xf32>
          %swap3A_209 = arith.index_cast %add3A_202 : i32 to index
          %swap3A_210 = arith.constant 0 : index
          %swap3A_211 = tpu.vector_load %arg19[%swap3A_209, %swap3A_210] {strides = array<i32>} : memref<96x128xf32, #tpu.memory_space<vmem>>, vector<16xf32>,
          tpu.vector_store %arg19[%swap3A_209, %swap3A_210], %mul3A_208 {strides = array<i32>} : memref<96x128xf32, #tpu.memory_space<vmem>>, vector<16xf32>,
          %get3A_212 = arith.index_cast %add3A_202 : i32 to index
          %get3A_213 = arith.constant 16 : index
          %get3A_214 = tpu.vector_load %arg19[%get3A_212, %get3A_213] {strides = array<i32>} : memref<96x128xf32, #tpu.memory_space<vmem>>, vector<16xf32>,
          %mul3A_215 = arith.mulf %get3A_214, %gather3A_204 : vector<16xf32>
          %swap3A_216 = arith.index_cast %add3A_202 : i32 to index
          %swap3A_217 = arith.constant 16 : index
          %swap3A_218 = tpu.vector_load %arg19[%swap3A_216, %swap3A_217] {strides = array<i32>} : memref<96x128xf32, #tpu.memory_space<vmem>>, vector<16xf32>,
          tpu.vector_store %arg19[%swap3A_216, %swap3A_217], %mul3A_215 {strides = array<i32>} : memref<96x128xf32, #tpu.memory_space<vmem>>, vector<16xf32>,
          %get3A_219 = arith.index_cast %add3A_202 : i32 to index
          %get3A_220 = arith.constant 32 : index
          %get3A_221 = tpu.vector_load %arg19[%get3A_219, %get3A_220] {strides = array<i32>} : memref<96x128xf32, #tpu.memory_space<vmem>>, vector<16xf32>,
          %mul3A_222 = arith.mulf %get3A_221, %gather3A_204 : vector<16xf32>
          %swap3A_223 = arith.index_cast %add3A_202 : i32 to index
          %swap3A_224 = arith.constant 32 : index
          %swap3A_225 = tpu.vector_load %arg19[%swap3A_223, %swap3A_224] {strides = array<i32>} : memref<96x128xf32, #tpu.memory_space<vmem>>, vector<16xf32>,
          tpu.vector_store %arg19[%swap3A_223, %swap3A_224], %mul3A_222 {strides = array<i32>} : memref<96x128xf32, #tpu.memory_space<vmem>>, vector<16xf32>,
          %get3A_226 = arith.index_cast %add3A_202 : i32 to index
          %get3A_227 = arith.constant 48 : index
          %get3A_228 = tpu.vector_load %arg19[%get3A_226, %get3A_227] {strides = array<i32>} : memref<96x128xf32, #tpu.memory_space<vmem>>, vector<16xf32>,
          %mul3A_229 = arith.mulf %get3A_228, %gather3A_204 : vector<16xf32>
          %swap3A_230 = arith.index_cast %add3A_202 : i32 to index
          %swap3A_231 = arith.constant 48 : index
          %swap3A_232 = tpu.vector_load %arg19[%swap3A_230, %swap3A_231] {strides = array<i32>} : memref<96x128xf32, #tpu.memory_space<vmem>>, vector<16xf32>,
          tpu.vector_store %arg19[%swap3A_230, %swap3A_231], %mul3A_229 {strides = array<i32>} : memref<96x128xf32, #tpu.memory_space<vmem>>, vector<16xf32>,
          %get3A_233 = arith.index_cast %add3A_202 : i32 to index
          %get3A_234 = arith.constant 64 : index
          %get3A_235 = tpu.vector_load %arg19[%get3A_233, %get3A_234] {strides = array<i32>} : memref<96x128xf32, #tpu.memory_space<vmem>>, vector<16xf32>,
          %mul3A_236 = arith.mulf %get3A_235, %gather3A_204 : vector<16xf32>
          %swap3A_237 = arith.index_cast %add3A_202 : i32 to index
          %swap3A_238 = arith.constant 64 : index
          %swap3A_239 = tpu.vector_load %arg19[%swap3A_237, %swap3A_238] {strides = array<i32>} : memref<96x128xf32, #tpu.memory_space<vmem>>, vector<16xf32>,
          tpu.vector_store %arg19[%swap3A_237, %swap3A_238], %mul3A_236 {strides = array<i32>} : memref<96x128xf32, #tpu.memory_space<vmem>>, vector<16xf32>,
          %get3A_240 = arith.index_cast %add3A_202 : i32 to index
          %get3A_241 = arith.constant 80 : index
          %get3A_242 = tpu.vector_load %arg19[%get3A_240, %get3A_241] {strides = array<i32>} : memref<96x128xf32, #tpu.memory_space<vmem>>, vector<16xf32>,
          %mul3A_243 = arith.mulf %get3A_242, %gather3A_204 : vector<16xf32>
          %swap3A_244 = arith.index_cast %add3A_202 : i32 to index
          %swap3A_245 = arith.constant 80 : index
          %swap3A_246 = tpu.vector_load %arg19[%swap3A_244, %swap3A_245] {strides = array<i32>} : memref<96x128xf32, #tpu.memory_space<vmem>>, vector<16xf32>,
          tpu.vector_store %arg19[%swap3A_244, %swap3A_245], %mul3A_243 {strides = array<i32>} : memref<96x128xf32, #tpu.memory_space<vmem>>, vector<16xf32>,
          %get3A_247 = arith.index_cast %add3A_202 : i32 to index
          %get3A_248 = arith.constant 96 : index
          %get3A_249 = tpu.vector_load %arg19[%get3A_247, %get3A_248] {strides = array<i32>} : memref<96x128xf32, #tpu.memory_space<vmem>>, vector<16xf32>,
          %mul3A_250 = arith.mulf %get3A_249, %gather3A_204 : vector<16xf32>
          %swap3A_251 = arith.index_cast %add3A_202 : i32 to index
          %swap3A_252 = arith.constant 96 : index
          %swap3A_253 = tpu.vector_load %arg19[%swap3A_251, %swap3A_252] {strides = array<i32>} : memref<96x128xf32, #tpu.memory_space<vmem>>, vector<16xf32>,
          tpu.vector_store %arg19[%swap3A_251, %swap3A_252], %mul3A_250 {strides = array<i32>} : memref<96x128xf32, #tpu.memory_space<vmem>>, vector<16xf32>,
          %get3A_254 = arith.index_cast %add3A_202 : i32 to index
          %get3A_255 = arith.constant 112 : index
          %get3A_256 = tpu.vector_load %arg19[%get3A_254, %get3A_255] {strides = array<i32>} : memref<96x128xf32, #tpu.memory_space<vmem>>, vector<16xf32>,
          %mul3A_257 = arith.mulf %get3A_256, %gather3A_204 : vector<16xf32>
          %swap3A_258 = arith.index_cast %add3A_202 : i32 to index
          %swap3A_259 = arith.constant 112 : index
          %swap3A_260 = tpu.vector_load %arg19[%swap3A_258, %swap3A_259] {strides = array<i32>} : memref<96x128xf32, #tpu.memory_space<vmem>>, vector<16xf32>,
          tpu.vector_store %arg19[%swap3A_258, %swap3A_259], %mul3A_257 {strides = array<i32>} : memref<96x128xf32, #tpu.memory_space<vmem>>, vector<16xf32>,
          %scan3A_261 = arith.constant 2 : i32
          %scan3A_262 = arith.addi %scan3A_138, %scan3A_261 : i32
          %mul3A_263 = arith.constant 1 : i32
          %mul3A_264 = arith.muli %scan3A_262, %mul3A_263 : i32
          %add3A_265 = arith.constant 0 : i32
          %add3A_266 = arith.addi %add3A_265, %mul3A_264 : i32
          %broadcast_in_dim3A_267 = vector.broadcast %add3A_266 : i32 to vector<16xi32>
          %gather3A_268 = tpu.vector_load_idx %arg16[%broadcast_in_dim3A_267] : memref<96xf32, #tpu.memory_space<vmem>>[vector<16xi32>], vector<16xf32>,
          %get3A_269 = arith.index_cast %add3A_266 : i32 to index
          %get3A_270 = arith.constant 0 : index
          %get3A_271 = tpu.vector_load %arg19[%get3A_269, %get3A_270] {strides = array<i32>} : memref<96x128xf32, #tpu.memory_space<vmem>>, vector<16xf32>,
          %mul3A_272 = arith.mulf %get3A_271, %gather3A_268 : vector<16xf32>
          %swap3A_273 = arith.index_cast %add3A_266 : i32 to index
          %swap3A_274 = arith.constant 0 : index
          %swap3A_275 = tpu.vector_load %arg19[%swap3A_273, %swap3A_274] {strides = array<i32>} : memref<96x128xf32, #tpu.memory_space<vmem>>, vector<16xf32>,
          tpu.vector_store %arg19[%swap3A_273, %swap3A_274], %mul3A_272 {strides = array<i32>} : memref<96x128xf32, #tpu.memory_space<vmem>>, vector<16xf32>,
          %get3A_276 = arith.index_cast %add3A_266 : i32 to index
          %get3A_277 = arith.constant 16 : index
          %get3A_278 = tpu.vector_load %arg19[%get3A_276, %get3A_277] {strides = array<i32>} : memref<96x128xf32, #tpu.memory_space<vmem>>, vector<16xf32>,
          %mul3A_279 = arith.mulf %get3A_278, %gather3A_268 : vector<16xf32>
          %swap3A_280 = arith.index_cast %add3A_266 : i32 to index
          %swap3A_281 = arith.constant 16 : index
          %swap3A_282 = tpu.vector_load %arg19[%swap3A_280, %swap3A_281] {strides = array<i32>} : memref<96x128xf32, #tpu.memory_space<vmem>>, vector<16xf32>,
          tpu.vector_store %arg19[%swap3A_280, %swap3A_281], %mul3A_279 {strides = array<i32>} : memref<96x128xf32, #tpu.memory_space<vmem>>, vector<16xf32>,
          %get3A_283 = arith.index_cast %add3A_266 : i32 to index
          %get3A_284 = arith.constant 32 : index
          %get3A_285 = tpu.vector_load %arg19[%get3A_283, %get3A_284] {strides = array<i32>} : memref<96x128xf32, #tpu.memory_space<vmem>>, vector<16xf32>,
          %mul3A_286 = arith.mulf %get3A_285, %gather3A_268 : vector<16xf32>
          %swap3A_287 = arith.index_cast %add3A_266 : i32 to index
          %swap3A_288 = arith.constant 32 : index
          %swap3A_289 = tpu.vector_load %arg19[%swap3A_287, %swap3A_288] {strides = array<i32>} : memref<96x128xf32, #tpu.memory_space<vmem>>, vector<16xf32>,
          tpu.vector_store %arg19[%swap3A_287, %swap3A_288], %mul3A_286 {strides = array<i32>} : memref<96x128xf32, #tpu.memory_space<vmem>>, vector<16xf32>,
          %get3A_290 = arith.index_cast %add3A_266 : i32 to index
          %get3A_291 = arith.constant 48 : index
          %get3A_292 = tpu.vector_load %arg19[%get3A_290, %get3A_291] {strides = array<i32>} : memref<96x128xf32, #tpu.memory_space<vmem>>, vector<16xf32>,
          %mul3A_293 = arith.mulf %get3A_292, %gather3A_268 : vector<16xf32>
          %swap3A_294 = arith.index_cast %add3A_266 : i32 to index
          %swap3A_295 = arith.constant 48 : index
          %swap3A_296 = tpu.vector_load %arg19[%swap3A_294, %swap3A_295] {strides = array<i32>} : memref<96x128xf32, #tpu.memory_space<vmem>>, vector<16xf32>,
          tpu.vector_store %arg19[%swap3A_294, %swap3A_295], %mul3A_293 {strides = array<i32>} : memref<96x128xf32, #tpu.memory_space<vmem>>, vector<16xf32>,
          %get3A_297 = arith.index_cast %add3A_266 : i32 to index
          %get3A_298 = arith.constant 64 : index
          %get3A_299 = tpu.vector_load %arg19[%get3A_297, %get3A_298] {strides = array<i32>} : memref<96x128xf32, #tpu.memory_space<vmem>>, vector<16xf32>,
          %mul3A_300 = arith.mulf %get3A_299, %gather3A_268 : vector<16xf32>
          %swap3A_301 = arith.index_cast %add3A_266 : i32 to index
          %swap3A_302 = arith.constant 64 : index
          %swap3A_303 = tpu.vector_load %arg19[%swap3A_301, %swap3A_302] {strides = array<i32>} : memref<96x128xf32, #tpu.memory_space<vmem>>, vector<16xf32>,
          tpu.vector_store %arg19[%swap3A_301, %swap3A_302], %mul3A_300 {strides = array<i32>} : memref<96x128xf32, #tpu.memory_space<vmem>>, vector<16xf32>,
          %get3A_304 = arith.index_cast %add3A_266 : i32 to index
          %get3A_305 = arith.constant 80 : index
          %get3A_306 = tpu.vector_load %arg19[%get3A_304, %get3A_305] {strides = array<i32>} : memref<96x128xf32, #tpu.memory_space<vmem>>, vector<16xf32>,
          %mul3A_307 = arith.mulf %get3A_306, %gather3A_268 : vector<16xf32>
          %swap3A_308 = arith.index_cast %add3A_266 : i32 to index
          %swap3A_309 = arith.constant 80 : index
          %swap3A_310 = tpu.vector_load %arg19[%swap3A_308, %swap3A_309] {strides = array<i32>} : memref<96x128xf32, #tpu.memory_space<vmem>>, vector<16xf32>,
          tpu.vector_store %arg19[%swap3A_308, %swap3A_309], %mul3A_307 {strides = array<i32>} : memref<96x128xf32, #tpu.memory_space<vmem>>, vector<16xf32>,
          %get3A_311 = arith.index_cast %add3A_266 : i32 to index
          %get3A_312 = arith.constant 96 : index
          %get3A_313 = tpu.vector_load %arg19[%get3A_311, %get3A_312] {strides = array<i32>} : memref<96x128xf32, #tpu.memory_space<vmem>>, vector<16xf32>,
          %mul3A_314 = arith.mulf %get3A_313, %gather3A_268 : vector<16xf32>
          %swap3A_315 = arith.index_cast %add3A_266 : i32 to index
          %swap3A_316 = arith.constant 96 : index
          %swap3A_317 = tpu.vector_load %arg19[%swap3A_315, %swap3A_316] {strides = array<i32>} : memref<96x128xf32, #tpu.memory_space<vmem>>, vector<16xf32>,
          tpu.vector_store %arg19[%swap3A_315, %swap3A_316], %mul3A_314 {strides = array<i32>} : memref<96x128xf32, #tpu.memory_space<vmem>>, vector<16xf32>,
          %get3A_318 = arith.index_cast %add3A_266 : i32 to index
          %get3A_319 = arith.constant 112 : index
          %get3A_320 = tpu.vector_load %arg19[%get3A_318, %get3A_319] {strides = array<i32>} : memref<96x128xf32, #tpu.memory_space<vmem>>, vector<16xf32>,
          %mul3A_321 = arith.mulf %get3A_320, %gather3A_268 : vector<16xf32>
          %swap3A_322 = arith.index_cast %add3A_266 : i32 to index
          %swap3A_323 = arith.constant 112 : index
          %swap3A_324 = tpu.vector_load %arg19[%swap3A_322, %swap3A_323] {strides = array<i32>} : memref<96x128xf32, #tpu.memory_space<vmem>>, vector<16xf32>,
          tpu.vector_store %arg19[%swap3A_322, %swap3A_323], %mul3A_321 {strides = array<i32>} : memref<96x128xf32, #tpu.memory_space<vmem>>, vector<16xf32>,
          %scan3A_325 = arith.constant 3 : i32
          %scan3A_326 = arith.addi %scan3A_138, %scan3A_325 : i32
          %mul3A_327 = arith.constant 1 : i32
          %mul3A_328 = arith.muli %scan3A_326, %mul3A_327 : i32
          %add3A_329 = arith.constant 0 : i32
          %add3A_330 = arith.addi %add3A_329, %mul3A_328 : i32
          %broadcast_in_dim3A_331 = vector.broadcast %add3A_330 : i32 to vector<16xi32>
          %gather3A_332 = tpu.vector_load_idx %arg16[%broadcast_in_dim3A_331] : memref<96xf32, #tpu.memory_space<vmem>>[vector<16xi32>], vector<16xf32>,
          %get3A_333 = arith.index_cast %add3A_330 : i32 to index
          %get3A_334 = arith.constant 0 : index
          %get3A_335 = tpu.vector_load %arg19[%get3A_333, %get3A_334] {strides = array<i32>} : memref<96x128xf32, #tpu.memory_space<vmem>>, vector<16xf32>,
          %mul3A_336 = arith.mulf %get3A_335, %gather3A_332 : vector<16xf32>
          %swap3A_337 = arith.index_cast %add3A_330 : i32 to index
          %swap3A_338 = arith.constant 0 : index
          %swap3A_339 = tpu.vector_load %arg19[%swap3A_337, %swap3A_338] {strides = array<i32>} : memref<96x128xf32, #tpu.memory_space<vmem>>, vector<16xf32>,
          tpu.vector_store %arg19[%swap3A_337, %swap3A_338], %mul3A_336 {strides = array<i32>} : memref<96x128xf32, #tpu.memory_space<vmem>>, vector<16xf32>,
          %get3A_340 = arith.index_cast %add3A_330 : i32 to index
          %get3A_341 = arith.constant 16 : index
          %get3A_342 = tpu.vector_load %arg19[%get3A_340, %get3A_341] {strides = array<i32>} : memref<96x128xf32, #tpu.memory_space<vmem>>, vector<16xf32>,
          %mul3A_343 = arith.mulf %get3A_342, %gather3A_332 : vector<16xf32>
          %swap3A_344 = arith.index_cast %add3A_330 : i32 to index
          %swap3A_345 = arith.constant 16 : index
          %swap3A_346 = tpu.vector_load %arg19[%swap3A_344, %swap3A_345] {strides = array<i32>} : memref<96x128xf32, #tpu.memory_space<vmem>>, vector<16xf32>,
          tpu.vector_store %arg19[%swap3A_344, %swap3A_345], %mul3A_343 {strides = array<i32>} : memref<96x128xf32, #tpu.memory_space<vmem>>, vector<16xf32>,
          %get3A_347 = arith.index_cast %add3A_330 : i32 to index
          %get3A_348 = arith.constant 32 : index
          %get3A_349 = tpu.vector_load %arg19[%get3A_347, %get3A_348] {strides = array<i32>} : memref<96x128xf32, #tpu.memory_space<vmem>>, vector<16xf32>,
          %mul3A_350 = arith.mulf %get3A_349, %gather3A_332 : vector<16xf32>
          %swap3A_351 = arith.index_cast %add3A_330 : i32 to index
          %swap3A_352 = arith.constant 32 : index
          %swap3A_353 = tpu.vector_load %arg19[%swap3A_351, %swap3A_352] {strides = array<i32>} : memref<96x128xf32, #tpu.memory_space<vmem>>, vector<16xf32>,
          tpu.vector_store %arg19[%swap3A_351, %swap3A_352], %mul3A_350 {strides = array<i32>} : memref<96x128xf32, #tpu.memory_space<vmem>>, vector<16xf32>,
          %get3A_354 = arith.index_cast %add3A_330 : i32 to index
          %get3A_355 = arith.constant 48 : index
          %get3A_356 = tpu.vector_load %arg19[%get3A_354, %get3A_355] {strides = array<i32>} : memref<96x128xf32, #tpu.memory_space<vmem>>, vector<16xf32>,
          %mul3A_357 = arith.mulf %get3A_356, %gather3A_332 : vector<16xf32>
          %swap3A_358 = arith.index_cast %add3A_330 : i32 to index
          %swap3A_359 = arith.constant 48 : index
          %swap3A_360 = tpu.vector_load %arg19[%swap3A_358, %swap3A_359] {strides = array<i32>} : memref<96x128xf32, #tpu.memory_space<vmem>>, vector<16xf32>,
          tpu.vector_store %arg19[%swap3A_358, %swap3A_359], %mul3A_357 {strides = array<i32>} : memref<96x128xf32, #tpu.memory_space<vmem>>, vector<16xf32>,
          %get3A_361 = arith.index_cast %add3A_330 : i32 to index
          %get3A_362 = arith.constant 64 : index
          %get3A_363 = tpu.vector_load %arg19[%get3A_361, %get3A_362] {strides = array<i32>} : memref<96x128xf32, #tpu.memory_space<vmem>>, vector<16xf32>,
          %mul3A_364 = arith.mulf %get3A_363, %gather3A_332 : vector<16xf32>
          %swap3A_365 = arith.index_cast %add3A_330 : i32 to index
          %swap3A_366 = arith.constant 64 : index
          %swap3A_367 = tpu.vector_load %arg19[%swap3A_365, %swap3A_366] {strides = array<i32>} : memref<96x128xf32, #tpu.memory_space<vmem>>, vector<16xf32>,
          tpu.vector_store %arg19[%swap3A_365, %swap3A_366], %mul3A_364 {strides = array<i32>} : memref<96x128xf32, #tpu.memory_space<vmem>>, vector<16xf32>,
          %get3A_368 = arith.index_cast %add3A_330 : i32 to index
          %get3A_369 = arith.constant 80 : index
          %get3A_370 = tpu.vector_load %arg19[%get3A_368, %get3A_369] {strides = array<i32>} : memref<96x128xf32, #tpu.memory_space<vmem>>, vector<16xf32>,
          %mul3A_371 = arith.mulf %get3A_370, %gather3A_332 : vector<16xf32>
          %swap3A_372 = arith.index_cast %add3A_330 : i32 to index
          %swap3A_373 = arith.constant 80 : index
          %swap3A_374 = tpu.vector_load %arg19[%swap3A_372, %swap3A_373] {strides = array<i32>} : memref<96x128xf32, #tpu.memory_space<vmem>>, vector<16xf32>,
          tpu.vector_store %arg19[%swap3A_372, %swap3A_373], %mul3A_371 {strides = array<i32>} : memref<96x128xf32, #tpu.memory_space<vmem>>, vector<16xf32>,
          %get3A_375 = arith.index_cast %add3A_330 : i32 to index
          %get3A_376 = arith.constant 96 : index
          %get3A_377 = tpu.vector_load %arg19[%get3A_375, %get3A_376] {strides = array<i32>} : memref<96x128xf32, #tpu.memory_space<vmem>>, vector<16xf32>,
          %mul3A_378 = arith.mulf %get3A_377, %gather3A_332 : vector<16xf32>
          %swap3A_379 = arith.index_cast %add3A_330 : i32 to index
          %swap3A_380 = arith.constant 96 : index
          %swap3A_381 = tpu.vector_load %arg19[%swap3A_379, %swap3A_380] {strides = array<i32>} : memref<96x128xf32, #tpu.memory_space<vmem>>, vector<16xf32>,
          tpu.vector_store %arg19[%swap3A_379, %swap3A_380], %mul3A_378 {strides = array<i32>} : memref<96x128xf32, #tpu.memory_space<vmem>>, vector<16xf32>,
          %get3A_382 = arith.index_cast %add3A_330 : i32 to index
          %get3A_383 = arith.constant 112 : index
          %get3A_384 = tpu.vector_load %arg19[%get3A_382, %get3A_383] {strides = array<i32>} : memref<96x128xf32, #tpu.memory_space<vmem>>, vector<16xf32>,
          %mul3A_385 = arith.mulf %get3A_384, %gather3A_332 : vector<16xf32>
          %swap3A_386 = arith.index_cast %add3A_330 : i32 to index
          %swap3A_387 = arith.constant 112 : index
          %swap3A_388 = tpu.vector_load %arg19[%swap3A_386, %swap3A_387] {strides = array<i32>} : memref<96x128xf32, #tpu.memory_space<vmem>>, vector<16xf32>,
          tpu.vector_store %arg19[%swap3A_386, %swap3A_387], %mul3A_385 {strides = array<i32>} : memref<96x128xf32, #tpu.memory_space<vmem>>, vector<16xf32>,
          %scan3A_389 = arith.constant 4 : i32
          %scan3A_390 = arith.addi %scan3A_138, %scan3A_389 : i32
          %mul3A_391 = arith.constant 1 : i32
          %mul3A_392 = arith.muli %scan3A_390, %mul3A_391 : i32
          %add3A_393 = arith.constant 0 : i32
          %add3A_394 = arith.addi %add3A_393, %mul3A_392 : i32
          %broadcast_in_dim3A_395 = vector.broadcast %add3A_394 : i32 to vector<16xi32>
          %gather3A_396 = tpu.vector_load_idx %arg16[%broadcast_in_dim3A_395] : memref<96xf32, #tpu.memory_space<vmem>>[vector<16xi32>], vector<16xf32>,
          %get3A_397 = arith.index_cast %add3A_394 : i32 to index
          %get3A_398 = arith.constant 0 : index
          %get3A_399 = tpu.vector_load %arg19[%get3A_397, %get3A_398] {strides = array<i32>} : memref<96x128xf32, #tpu.memory_space<vmem>>, vector<16xf32>,
          %mul3A_400 = arith.mulf %get3A_399, %gather3A_396 : vector<16xf32>
          %swap3A_401 = arith.index_cast %add3A_394 : i32 to index
          %swap3A_402 = arith.constant 0 : index
          %swap3A_403 = tpu.vector_load %arg19[%swap3A_401, %swap3A_402] {strides = array<i32>} : memref<96x128xf32, #tpu.memory_space<vmem>>, vector<16xf32>,
          tpu.vector_store %arg19[%swap3A_401, %swap3A_402], %mul3A_400 {strides = array<i32>} : memref<96x128xf32, #tpu.memory_space<vmem>>, vector<16xf32>,
          %get3A_404 = arith.index_cast %add3A_394 : i32 to index
          %get3A_405 = arith.constant 16 : index
          %get3A_406 = tpu.vector_load %arg19[%get3A_404, %get3A_405] {strides = array<i32>} : memref<96x128xf32, #tpu.memory_space<vmem>>, vector<16xf32>,
          %mul3A_407 = arith.mulf %get3A_406, %gather3A_396 : vector<16xf32>
          %swap3A_408 = arith.index_cast %add3A_394 : i32 to index
          %swap3A_409 = arith.constant 16 : index
          %swap3A_410 = tpu.vector_load %arg19[%swap3A_408, %swap3A_409] {strides = array<i32>} : memref<96x128xf32, #tpu.memory_space<vmem>>, vector<16xf32>,
          tpu.vector_store %arg19[%swap3A_408, %swap3A_409], %mul3A_407 {strides = array<i32>} : memref<96x128xf32, #tpu.memory_space<vmem>>, vector<16xf32>,
          %get3A_411 = arith.index_cast %add3A_394 : i32 to index
          %get3A_412 = arith.constant 32 : index
          %get3A_413 = tpu.vector_load %arg19[%get3A_411, %get3A_412] {strides = array<i32>} : memref<96x128xf32, #tpu.memory_space<vmem>>, vector<16xf32>,
          %mul3A_414 = arith.mulf %get3A_413, %gather3A_396 : vector<16xf32>
          %swap3A_415 = arith.index_cast %add3A_394 : i32 to index
          %swap3A_416 = arith.constant 32 : index
          %swap3A_417 = tpu.vector_load %arg19[%swap3A_415, %swap3A_416] {strides = array<i32>} : memref<96x128xf32, #tpu.memory_space<vmem>>, vector<16xf32>,
          tpu.vector_store %arg19[%swap3A_415, %swap3A_416], %mul3A_414 {strides = array<i32>} : memref<96x128xf32, #tpu.memory_space<vmem>>, vector<16xf32>,
          %get3A_418 = arith.index_cast %add3A_394 : i32 to index
          %get3A_419 = arith.constant 48 : index
          %get3A_420 = tpu.vector_load %arg19[%get3A_418, %get3A_419] {strides = array<i32>} : memref<96x128xf32, #tpu.memory_space<vmem>>, vector<16xf32>,
          %mul3A_421 = arith.mulf %get3A_420, %gather3A_396 : vector<16xf32>
          %swap3A_422 = arith.index_cast %add3A_394 : i32 to index
          %swap3A_423 = arith.constant 48 : index
          %swap3A_424 = tpu.vector_load %arg19[%swap3A_422, %swap3A_423] {strides = array<i32>} : memref<96x128xf32, #tpu.memory_space<vmem>>, vector<16xf32>,
          tpu.vector_store %arg19[%swap3A_422, %swap3A_423], %mul3A_421 {strides = array<i32>} : memref<96x128xf32, #tpu.memory_space<vmem>>, vector<16xf32>,
          %get3A_425 = arith.index_cast %add3A_394 : i32 to index
          %get3A_426 = arith.constant 64 : index
          %get3A_427 = tpu.vector_load %arg19[%get3A_425, %get3A_426] {strides = array<i32>} : memref<96x128xf32, #tpu.memory_space<vmem>>, vector<16xf32>,
          %mul3A_428 = arith.mulf %get3A_427, %gather3A_396 : vector<16xf32>
          %swap3A_429 = arith.index_cast %add3A_394 : i32 to index
          %swap3A_430 = arith.constant 64 : index
          %swap3A_431 = tpu.vector_load %arg19[%swap3A_429, %swap3A_430] {strides = array<i32>} : memref<96x128xf32, #tpu.memory_space<vmem>>, vector<16xf32>,
          tpu.vector_store %arg19[%swap3A_429, %swap3A_430], %mul3A_428 {strides = array<i32>} : memref<96x128xf32, #tpu.memory_space<vmem>>, vector<16xf32>,
          %get3A_432 = arith.index_cast %add3A_394 : i32 to index
          %get3A_433 = arith.constant 80 : index
          %get3A_434 = tpu.vector_load %arg19[%get3A_432, %get3A_433] {strides = array<i32>} : memref<96x128xf32, #tpu.memory_space<vmem>>, vector<16xf32>,
          %mul3A_435 = arith.mulf %get3A_434, %gather3A_396 : vector<16xf32>
          %swap3A_436 = arith.index_cast %add3A_394 : i32 to index
          %swap3A_437 = arith.constant 80 : index
          %swap3A_438 = tpu.vector_load %arg19[%swap3A_436, %swap3A_437] {strides = array<i32>} : memref<96x128xf32, #tpu.memory_space<vmem>>, vector<16xf32>,
          tpu.vector_store %arg19[%swap3A_436, %swap3A_437], %mul3A_435 {strides = array<i32>} : memref<96x128xf32, #tpu.memory_space<vmem>>, vector<16xf32>,
          %get3A_439 = arith.index_cast %add3A_394 : i32 to index
          %get3A_440 = arith.constant 96 : index
          %get3A_441 = tpu.vector_load %arg19[%get3A_439, %get3A_440] {strides = array<i32>} : memref<96x128xf32, #tpu.memory_space<vmem>>, vector<16xf32>,
          %mul3A_442 = arith.mulf %get3A_441, %gather3A_396 : vector<16xf32>
          %swap3A_443 = arith.index_cast %add3A_394 : i32 to index
          %swap3A_444 = arith.constant 96 : index
          %swap3A_445 = tpu.vector_load %arg19[%swap3A_443, %swap3A_444] {strides = array<i32>} : memref<96x128xf32, #tpu.memory_space<vmem>>, vector<16xf32>,
          tpu.vector_store %arg19[%swap3A_443, %swap3A_444], %mul3A_442 {strides = array<i32>} : memref<96x128xf32, #tpu.memory_space<vmem>>, vector<16xf32>,
          %get3A_446 = arith.index_cast %add3A_394 : i32 to index
          %get3A_447 = arith.constant 112 : index
          %get3A_448 = tpu.vector_load %arg19[%get3A_446, %get3A_447] {strides = array<i32>} : memref<96x128xf32, #tpu.memory_space<vmem>>, vector<16xf32>,
          %mul3A_449 = arith.mulf %get3A_448, %gather3A_396 : vector<16xf32>
          %swap3A_450 = arith.index_cast %add3A_394 : i32 to index
          %swap3A_451 = arith.constant 112 : index
          %swap3A_452 = tpu.vector_load %arg19[%swap3A_450, %swap3A_451] {strides = array<i32>} : memref<96x128xf32, #tpu.memory_space<vmem>>, vector<16xf32>,
          tpu.vector_store %arg19[%swap3A_450, %swap3A_451], %mul3A_449 {strides = array<i32>} : memref<96x128xf32, #tpu.memory_space<vmem>>, vector<16xf32>,
          %scan3A_453 = arith.constant 5 : i32
          %scan3A_454 = arith.addi %scan3A_138, %scan3A_453 : i32
          %mul3A_455 = arith.constant 1 : i32
          %mul3A_456 = arith.muli %scan3A_454, %mul3A_455 : i32
          %add3A_457 = arith.constant 0 : i32
          %add3A_458 = arith.addi %add3A_457, %mul3A_456 : i32
          %broadcast_in_dim3A_459 = vector.broadcast %add3A_458 : i32 to vector<16xi32>
          %gather3A_460 = tpu.vector_load_idx %arg16[%broadcast_in_dim3A_459] : memref<96xf32, #tpu.memory_space<vmem>>[vector<16xi32>], vector<16xf32>,
          %get3A_461 = arith.index_cast %add3A_458 : i32 to index
          %get3A_462 = arith.constant 0 : index
          %get3A_463 = tpu.vector_load %arg19[%get3A_461, %get3A_462] {strides = array<i32>} : memref<96x128xf32, #tpu.memory_space<vmem>>, vector<16xf32>,
          %mul3A_464 = arith.mulf %get3A_463, %gather3A_460 : vector<16xf32>
          %swap3A_465 = arith.index_cast %add3A_458 : i32 to index
          %swap3A_466 = arith.constant 0 : index
          %swap3A_467 = tpu.vector_load %arg19[%swap3A_465, %swap3A_466] {strides = array<i32>} : memref<96x128xf32, #tpu.memory_space<vmem>>, vector<16xf32>,
          tpu.vector_store %arg19[%swap3A_465, %swap3A_466], %mul3A_464 {strides = array<i32>} : memref<96x128xf32, #tpu.memory_space<vmem>>, vector<16xf32>,
          %get3A_468 = arith.index_cast %add3A_458 : i32 to index
          %get3A_469 = arith.constant 16 : index
          %get3A_470 = tpu.vector_load %arg19[%get3A_468, %get3A_469] {strides = array<i32>} : memref<96x128xf32, #tpu.memory_space<vmem>>, vector<16xf32>,
          %mul3A_471 = arith.mulf %get3A_470, %gather3A_460 : vector<16xf32>
          %swap3A_472 = arith.index_cast %add3A_458 : i32 to index
          %swap3A_473 = arith.constant 16 : index
          %swap3A_474 = tpu.vector_load %arg19[%swap3A_472, %swap3A_473] {strides = array<i32>} : memref<96x128xf32, #tpu.memory_space<vmem>>, vector<16xf32>,
          tpu.vector_store %arg19[%swap3A_472, %swap3A_473], %mul3A_471 {strides = array<i32>} : memref<96x128xf32, #tpu.memory_space<vmem>>, vector<16xf32>,
          %get3A_475 = arith.index_cast %add3A_458 : i32 to index
          %get3A_476 = arith.constant 32 : index
          %get3A_477 = tpu.vector_load %arg19[%get3A_475, %get3A_476] {strides = array<i32>} : memref<96x128xf32, #tpu.memory_space<vmem>>, vector<16xf32>,
          %mul3A_478 = arith.mulf %get3A_477, %gather3A_460 : vector<16xf32>
          %swap3A_479 = arith.index_cast %add3A_458 : i32 to index
          %swap3A_480 = arith.constant 32 : index
          %swap3A_481 = tpu.vector_load %arg19[%swap3A_479, %swap3A_480] {strides = array<i32>} : memref<96x128xf32, #tpu.memory_space<vmem>>, vector<16xf32>,
          tpu.vector_store %arg19[%swap3A_479, %swap3A_480], %mul3A_478 {strides = array<i32>} : memref<96x128xf32, #tpu.memory_space<vmem>>, vector<16xf32>,
          %get3A_482 = arith.index_cast %add3A_458 : i32 to index
          %get3A_483 = arith.constant 48 : index
          %get3A_484 = tpu.vector_load %arg19[%get3A_482, %get3A_483] {strides = array<i32>} : memref<96x128xf32, #tpu.memory_space<vmem>>, vector<16xf32>,
          %mul3A_485 = arith.mulf %get3A_484, %gather3A_460 : vector<16xf32>
          %swap3A_486 = arith.index_cast %add3A_458 : i32 to index
          %swap3A_487 = arith.constant 48 : index
          %swap3A_488 = tpu.vector_load %arg19[%swap3A_486, %swap3A_487] {strides = array<i32>} : memref<96x128xf32, #tpu.memory_space<vmem>>, vector<16xf32>,
          tpu.vector_store %arg19[%swap3A_486, %swap3A_487], %mul3A_485 {strides = array<i32>} : memref<96x128xf32, #tpu.memory_space<vmem>>, vector<16xf32>,
          %get3A_489 = arith.index_cast %add3A_458 : i32 to index
          %get3A_490 = arith.constant 64 : index
          %get3A_491 = tpu.vector_load %arg19[%get3A_489, %get3A_490] {strides = array<i32>} : memref<96x128xf32, #tpu.memory_space<vmem>>, vector<16xf32>,
          %mul3A_492 = arith.mulf %get3A_491, %gather3A_460 : vector<16xf32>
          %swap3A_493 = arith.index_cast %add3A_458 : i32 to index
          %swap3A_494 = arith.constant 64 : index
          %swap3A_495 = tpu.vector_load %arg19[%swap3A_493, %swap3A_494] {strides = array<i32>} : memref<96x128xf32, #tpu.memory_space<vmem>>, vector<16xf32>,
          tpu.vector_store %arg19[%swap3A_493, %swap3A_494], %mul3A_492 {strides = array<i32>} : memref<96x128xf32, #tpu.memory_space<vmem>>, vector<16xf32>,
          %get3A_496 = arith.index_cast %add3A_458 : i32 to index
          %get3A_497 = arith.constant 80 : index
          %get3A_498 = tpu.vector_load %arg19[%get3A_496, %get3A_497] {strides = array<i32>} : memref<96x128xf32, #tpu.memory_space<vmem>>, vector<16xf32>,
          %mul3A_499 = arith.mulf %get3A_498, %gather3A_460 : vector<16xf32>
          %swap3A_500 = arith.index_cast %add3A_458 : i32 to index
          %swap3A_501 = arith.constant 80 : index
          %swap3A_502 = tpu.vector_load %arg19[%swap3A_500, %swap3A_501] {strides = array<i32>} : memref<96x128xf32, #tpu.memory_space<vmem>>, vector<16xf32>,
          tpu.vector_store %arg19[%swap3A_500, %swap3A_501], %mul3A_499 {strides = array<i32>} : memref<96x128xf32, #tpu.memory_space<vmem>>, vector<16xf32>,
          %get3A_503 = arith.index_cast %add3A_458 : i32 to index
          %get3A_504 = arith.constant 96 : index
          %get3A_505 = tpu.vector_load %arg19[%get3A_503, %get3A_504] {strides = array<i32>} : memref<96x128xf32, #tpu.memory_space<vmem>>, vector<16xf32>,
          %mul3A_506 = arith.mulf %get3A_505, %gather3A_460 : vector<16xf32>
          %swap3A_507 = arith.index_cast %add3A_458 : i32 to index
          %swap3A_508 = arith.constant 96 : index
          %swap3A_509 = tpu.vector_load %arg19[%swap3A_507, %swap3A_508] {strides = array<i32>} : memref<96x128xf32, #tpu.memory_space<vmem>>, vector<16xf32>,
          tpu.vector_store %arg19[%swap3A_507, %swap3A_508], %mul3A_506 {strides = array<i32>} : memref<96x128xf32, #tpu.memory_space<vmem>>, vector<16xf32>,
          %get3A_510 = arith.index_cast %add3A_458 : i32 to index
          %get3A_511 = arith.constant 112 : index
          %get3A_512 = tpu.vector_load %arg19[%get3A_510, %get3A_511] {strides = array<i32>} : memref<96x128xf32, #tpu.memory_space<vmem>>, vector<16xf32>,
          %mul3A_513 = arith.mulf %get3A_512, %gather3A_460 : vector<16xf32>
          %swap3A_514 = arith.index_cast %add3A_458 : i32 to index
          %swap3A_515 = arith.constant 112 : index
          %swap3A_516 = tpu.vector_load %arg19[%swap3A_514, %swap3A_515] {strides = array<i32>} : memref<96x128xf32, #tpu.memory_space<vmem>>, vector<16xf32>,
          tpu.vector_store %arg19[%swap3A_514, %swap3A_515], %mul3A_513 {strides = array<i32>} : memref<96x128xf32, #tpu.memory_space<vmem>>, vector<16xf32>,
          %scan3A_517 = arith.constant 6 : i32
          %scan3A_518 = arith.addi %scan3A_138, %scan3A_517 : i32
          %mul3A_519 = arith.constant 1 : i32
          %mul3A_520 = arith.muli %scan3A_518, %mul3A_519 : i32
          %add3A_521 = arith.constant 0 : i32
          %add3A_522 = arith.addi %add3A_521, %mul3A_520 : i32
          %broadcast_in_dim3A_523 = vector.broadcast %add3A_522 : i32 to vector<16xi32>
          %gather3A_524 = tpu.vector_load_idx %arg16[%broadcast_in_dim3A_523] : memref<96xf32, #tpu.memory_space<vmem>>[vector<16xi32>], vector<16xf32>,
          %get3A_525 = arith.index_cast %add3A_522 : i32 to index
          %get3A_526 = arith.constant 0 : index
          %get3A_527 = tpu.vector_load %arg19[%get3A_525, %get3A_526] {strides = array<i32>} : memref<96x128xf32, #tpu.memory_space<vmem>>, vector<16xf32>,
          %mul3A_528 = arith.mulf %get3A_527, %gather3A_524 : vector<16xf32>
          %swap3A_529 = arith.index_cast %add3A_522 : i32 to index
          %swap3A_530 = arith.constant 0 : index
          %swap3A_531 = tpu.vector_load %arg19[%swap3A_529, %swap3A_530] {strides = array<i32>} : memref<96x128xf32, #tpu.memory_space<vmem>>, vector<16xf32>,
          tpu.vector_store %arg19[%swap3A_529, %swap3A_530], %mul3A_528 {strides = array<i32>} : memref<96x128xf32, #tpu.memory_space<vmem>>, vector<16xf32>,
          %get3A_532 = arith.index_cast %add3A_522 : i32 to index
          %get3A_533 = arith.constant 16 : index
          %get3A_534 = tpu.vector_load %arg19[%get3A_532, %get3A_533] {strides = array<i32>} : memref<96x128xf32, #tpu.memory_space<vmem>>, vector<16xf32>,
          %mul3A_535 = arith.mulf %get3A_534, %gather3A_524 : vector<16xf32>
          %swap3A_536 = arith.index_cast %add3A_522 : i32 to index
          %swap3A_537 = arith.constant 16 : index
          %swap3A_538 = tpu.vector_load %arg19[%swap3A_536, %swap3A_537] {strides = array<i32>} : memref<96x128xf32, #tpu.memory_space<vmem>>, vector<16xf32>,
          tpu.vector_store %arg19[%swap3A_536, %swap3A_537], %mul3A_535 {strides = array<i32>} : memref<96x128xf32, #tpu.memory_space<vmem>>, vector<16xf32>,
          %get3A_539 = arith.index_cast %add3A_522 : i32 to index
          %get3A_540 = arith.constant 32 : index
          %get3A_541 = tpu.vector_load %arg19[%get3A_539, %get3A_540] {strides = array<i32>} : memref<96x128xf32, #tpu.memory_space<vmem>>, vector<16xf32>,
          %mul3A_542 = arith.mulf %get3A_541, %gather3A_524 : vector<16xf32>
          %swap3A_543 = arith.index_cast %add3A_522 : i32 to index
          %swap3A_544 = arith.constant 32 : index
          %swap3A_545 = tpu.vector_load %arg19[%swap3A_543, %swap3A_544] {strides = array<i32>} : memref<96x128xf32, #tpu.memory_space<vmem>>, vector<16xf32>,
          tpu.vector_store %arg19[%swap3A_543, %swap3A_544], %mul3A_542 {strides = array<i32>} : memref<96x128xf32, #tpu.memory_space<vmem>>, vector<16xf32>,
          %get3A_546 = arith.index_cast %add3A_522 : i32 to index
          %get3A_547 = arith.constant 48 : index
          %get3A_548 = tpu.vector_load %arg19[%get3A_546, %get3A_547] {strides = array<i32>} : memref<96x128xf32, #tpu.memory_space<vmem>>, vector<16xf32>,
          %mul3A_549 = arith.mulf %get3A_548, %gather3A_524 : vector<16xf32>
          %swap3A_550 = arith.index_cast %add3A_522 : i32 to index
          %swap3A_551 = arith.constant 48 : index
          %swap3A_552 = tpu.vector_load %arg19[%swap3A_550, %swap3A_551] {strides = array<i32>} : memref<96x128xf32, #tpu.memory_space<vmem>>, vector<16xf32>,
          tpu.vector_store %arg19[%swap3A_550, %swap3A_551], %mul3A_549 {strides = array<i32>} : memref<96x128xf32, #tpu.memory_space<vmem>>, vector<16xf32>,
          %get3A_553 = arith.index_cast %add3A_522 : i32 to index
          %get3A_554 = arith.constant 64 : index
          %get3A_555 = tpu.vector_load %arg19[%get3A_553, %get3A_554] {strides = array<i32>} : memref<96x128xf32, #tpu.memory_space<vmem>>, vector<16xf32>,
          %mul3A_556 = arith.mulf %get3A_555, %gather3A_524 : vector<16xf32>
          %swap3A_557 = arith.index_cast %add3A_522 : i32 to index
          %swap3A_558 = arith.constant 64 : index
          %swap3A_559 = tpu.vector_load %arg19[%swap3A_557, %swap3A_558] {strides = array<i32>} : memref<96x128xf32, #tpu.memory_space<vmem>>, vector<16xf32>,
          tpu.vector_store %arg19[%swap3A_557, %swap3A_558], %mul3A_556 {strides = array<i32>} : memref<96x128xf32, #tpu.memory_space<vmem>>, vector<16xf32>,
          %get3A_560 = arith.index_cast %add3A_522 : i32 to index
          %get3A_561 = arith.constant 80 : index
          %get3A_562 = tpu.vector_load %arg19[%get3A_560, %get3A_561] {strides = array<i32>} : memref<96x128xf32, #tpu.memory_space<vmem>>, vector<16xf32>,
          %mul3A_563 = arith.mulf %get3A_562, %gather3A_524 : vector<16xf32>
          %swap3A_564 = arith.index_cast %add3A_522 : i32 to index
          %swap3A_565 = arith.constant 80 : index
          %swap3A_566 = tpu.vector_load %arg19[%swap3A_564, %swap3A_565] {strides = array<i32>} : memref<96x128xf32, #tpu.memory_space<vmem>>, vector<16xf32>,
          tpu.vector_store %arg19[%swap3A_564, %swap3A_565], %mul3A_563 {strides = array<i32>} : memref<96x128xf32, #tpu.memory_space<vmem>>, vector<16xf32>,
          %get3A_567 = arith.index_cast %add3A_522 : i32 to index
          %get3A_568 = arith.constant 96 : index
          %get3A_569 = tpu.vector_load %arg19[%get3A_567, %get3A_568] {strides = array<i32>} : memref<96x128xf32, #tpu.memory_space<vmem>>, vector<16xf32>,
          %mul3A_570 = arith.mulf %get3A_569, %gather3A_524 : vector<16xf32>
          %swap3A_571 = arith.index_cast %add3A_522 : i32 to index
          %swap3A_572 = arith.constant 96 : index
          %swap3A_573 = tpu.vector_load %arg19[%swap3A_571, %swap3A_572] {strides = array<i32>} : memref<96x128xf32, #tpu.memory_space<vmem>>, vector<16xf32>,
          tpu.vector_store %arg19[%swap3A_571, %swap3A_572], %mul3A_570 {strides = array<i32>} : memref<96x128xf32, #tpu.memory_space<vmem>>, vector<16xf32>,
          %get3A_574 = arith.index_cast %add3A_522 : i32 to index
          %get3A_575 = arith.constant 112 : index
          %get3A_576 = tpu.vector_load %arg19[%get3A_574, %get3A_575] {strides = array<i32>} : memref<96x128xf32, #tpu.memory_space<vmem>>, vector<16xf32>,
          %mul3A_577 = arith.mulf %get3A_576, %gather3A_524 : vector<16xf32>
          %swap3A_578 = arith.index_cast %add3A_522 : i32 to index
          %swap3A_579 = arith.constant 112 : index
          %swap3A_580 = tpu.vector_load %arg19[%swap3A_578, %swap3A_579] {strides = array<i32>} : memref<96x128xf32, #tpu.memory_space<vmem>>, vector<16xf32>,
          tpu.vector_store %arg19[%swap3A_578, %swap3A_579], %mul3A_577 {strides = array<i32>} : memref<96x128xf32, #tpu.memory_space<vmem>>, vector<16xf32>,
          %scan3A_581 = arith.constant 7 : i32
          %scan3A_582 = arith.addi %scan3A_138, %scan3A_581 : i32
          %mul3A_583 = arith.constant 1 : i32
          %mul3A_584 = arith.muli %scan3A_582, %mul3A_583 : i32
          %add3A_585 = arith.constant 0 : i32
          %add3A_586 = arith.addi %add3A_585, %mul3A_584 : i32
          %broadcast_in_dim3A_587 = vector.broadcast %add3A_586 : i32 to vector<16xi32>
          %gather3A_588 = tpu.vector_load_idx %arg16[%broadcast_in_dim3A_587] : memref<96xf32, #tpu.memory_space<vmem>>[vector<16xi32>], vector<16xf32>,
          %get3A_589 = arith.index_cast %add3A_586 : i32 to index
          %get3A_590 = arith.constant 0 : index
          %get3A_591 = tpu.vector_load %arg19[%get3A_589, %get3A_590] {strides = array<i32>} : memref<96x128xf32, #tpu.memory_space<vmem>>, vector<16xf32>,
          %mul3A_592 = arith.mulf %get3A_591, %gather3A_588 : vector<16xf32>
          %swap3A_593 = arith.index_cast %add3A_586 : i32 to index
          %swap3A_594 = arith.constant 0 : index
          %swap3A_595 = tpu.vector_load %arg19[%swap3A_593, %swap3A_594] {strides = array<i32>} : memref<96x128xf32, #tpu.memory_space<vmem>>, vector<16xf32>,
          tpu.vector_store %arg19[%swap3A_593, %swap3A_594], %mul3A_592 {strides = array<i32>} : memref<96x128xf32, #tpu.memory_space<vmem>>, vector<16xf32>,
          %get3A_596 = arith.index_cast %add3A_586 : i32 to index
          %get3A_597 = arith.constant 16 : index
          %get3A_598 = tpu.vector_load %arg19[%get3A_596, %get3A_597] {strides = array<i32>} : memref<96x128xf32, #tpu.memory_space<vmem>>, vector<16xf32>,
          %mul3A_599 = arith.mulf %get3A_598, %gather3A_588 : vector<16xf32>
          %swap3A_600 = arith.index_cast %add3A_586 : i32 to index
          %swap3A_601 = arith.constant 16 : index
          %swap3A_602 = tpu.vector_load %arg19[%swap3A_600, %swap3A_601] {strides = array<i32>} : memref<96x128xf32, #tpu.memory_space<vmem>>, vector<16xf32>,
          tpu.vector_store %arg19[%swap3A_600, %swap3A_601], %mul3A_599 {strides = array<i32>} : memref<96x128xf32, #tpu.memory_space<vmem>>, vector<16xf32>,
          %get3A_603 = arith.index_cast %add3A_586 : i32 to index
          %get3A_604 = arith.constant 32 : index
          %get3A_605 = tpu.vector_load %arg19[%get3A_603, %get3A_604] {strides = array<i32>} : memref<96x128xf32, #tpu.memory_space<vmem>>, vector<16xf32>,
          %mul3A_606 = arith.mulf %get3A_605, %gather3A_588 : vector<16xf32>
          %swap3A_607 = arith.index_cast %add3A_586 : i32 to index
          %swap3A_608 = arith.constant 32 : index
          %swap3A_609 = tpu.vector_load %arg19[%swap3A_607, %swap3A_608] {strides = array<i32>} : memref<96x128xf32, #tpu.memory_space<vmem>>, vector<16xf32>,
          tpu.vector_store %arg19[%swap3A_607, %swap3A_608], %mul3A_606 {strides = array<i32>} : memref<96x128xf32, #tpu.memory_space<vmem>>, vector<16xf32>,
          %get3A_610 = arith.index_cast %add3A_586 : i32 to index
          %get3A_611 = arith.constant 48 : index
          %get3A_612 = tpu.vector_load %arg19[%get3A_610, %get3A_611] {strides = array<i32>} : memref<96x128xf32, #tpu.memory_space<vmem>>, vector<16xf32>,
          %mul3A_613 = arith.mulf %get3A_612, %gather3A_588 : vector<16xf32>
          %swap3A_614 = arith.index_cast %add3A_586 : i32 to index
          %swap3A_615 = arith.constant 48 : index
          %swap3A_616 = tpu.vector_load %arg19[%swap3A_614, %swap3A_615] {strides = array<i32>} : memref<96x128xf32, #tpu.memory_space<vmem>>, vector<16xf32>,
          tpu.vector_store %arg19[%swap3A_614, %swap3A_615], %mul3A_613 {strides = array<i32>} : memref<96x128xf32, #tpu.memory_space<vmem>>, vector<16xf32>,
          %get3A_617 = arith.index_cast %add3A_586 : i32 to index
          %get3A_618 = arith.constant 64 : index
          %get3A_619 = tpu.vector_load %arg19[%get3A_617, %get3A_618] {strides = array<i32>} : memref<96x128xf32, #tpu.memory_space<vmem>>, vector<16xf32>,
          %mul3A_620 = arith.mulf %get3A_619, %gather3A_588 : vector<16xf32>
          %swap3A_621 = arith.index_cast %add3A_586 : i32 to index
          %swap3A_622 = arith.constant 64 : index
          %swap3A_623 = tpu.vector_load %arg19[%swap3A_621, %swap3A_622] {strides = array<i32>} : memref<96x128xf32, #tpu.memory_space<vmem>>, vector<16xf32>,
          tpu.vector_store %arg19[%swap3A_621, %swap3A_622], %mul3A_620 {strides = array<i32>} : memref<96x128xf32, #tpu.memory_space<vmem>>, vector<16xf32>,
          %get3A_624 = arith.index_cast %add3A_586 : i32 to index
          %get3A_625 = arith.constant 80 : index
          %get3A_626 = tpu.vector_load %arg19[%get3A_624, %get3A_625] {strides = array<i32>} : memref<96x128xf32, #tpu.memory_space<vmem>>, vector<16xf32>,
          %mul3A_627 = arith.mulf %get3A_626, %gather3A_588 : vector<16xf32>
          %swap3A_628 = arith.index_cast %add3A_586 : i32 to index
          %swap3A_629 = arith.constant 80 : index
          %swap3A_630 = tpu.vector_load %arg19[%swap3A_628, %swap3A_629] {strides = array<i32>} : memref<96x128xf32, #tpu.memory_space<vmem>>, vector<16xf32>,
          tpu.vector_store %arg19[%swap3A_628, %swap3A_629], %mul3A_627 {strides = array<i32>} : memref<96x128xf32, #tpu.memory_space<vmem>>, vector<16xf32>,
          %get3A_631 = arith.index_cast %add3A_586 : i32 to index
          %get3A_632 = arith.constant 96 : index
          %get3A_633 = tpu.vector_load %arg19[%get3A_631, %get3A_632] {strides = array<i32>} : memref<96x128xf32, #tpu.memory_space<vmem>>, vector<16xf32>,
          %mul3A_634 = arith.mulf %get3A_633, %gather3A_588 : vector<16xf32>
          %swap3A_635 = arith.index_cast %add3A_586 : i32 to index
          %swap3A_636 = arith.constant 96 : index
          %swap3A_637 = tpu.vector_load %arg19[%swap3A_635, %swap3A_636] {strides = array<i32>} : memref<96x128xf32, #tpu.memory_space<vmem>>, vector<16xf32>,
          tpu.vector_store %arg19[%swap3A_635, %swap3A_636], %mul3A_634 {strides = array<i32>} : memref<96x128xf32, #tpu.memory_space<vmem>>, vector<16xf32>,
          %get3A_638 = arith.index_cast %add3A_586 : i32 to index
          %get3A_639 = arith.constant 112 : index
          %get3A_640 = tpu.vector_load %arg19[%get3A_638, %get3A_639] {strides = array<i32>} : memref<96x128xf32, #tpu.memory_space<vmem>>, vector<16xf32>,
          %mul3A_641 = arith.mulf %get3A_640, %gather3A_588 : vector<16xf32>
          %swap3A_642 = arith.index_cast %add3A_586 : i32 to index
          %swap3A_643 = arith.constant 112 : index
          %swap3A_644 = tpu.vector_load %arg19[%swap3A_642, %swap3A_643] {strides = array<i32>} : memref<96x128xf32, #tpu.memory_space<vmem>>, vector<16xf32>,
          tpu.vector_store %arg19[%swap3A_642, %swap3A_643], %mul3A_641 {strides = array<i32>} : memref<96x128xf32, #tpu.memory_space<vmem>>, vector<16xf32>,
        }
        %scan3A_123 = arith.constant 96 : i32
        %ge3A = arith.constant 1 : i32
        %ge3A_124 = arith.cmpi sge, %add3A_91, %ge3A : i32
        %convert_element_type3A_125 = arith.extui %ge3A_124 : i1 to i32
        %cond3A_126 = arith.constant 0 : i32
        %cond3A_127 = arith.cmpi ne, %convert_element_type3A_125, %cond3A_126 : i32
        scf.if %cond3A_127 {
          %dma_wait3A_138 = arith.constant 0 : i32
          %dma_wait3A_139 = arith.constant 0 : i32
          %dma_wait3A_140 = tpu.memref_slice %arg10[%dma_wait3A_138, %dma_wait3A_139] : memref<10000x128xf32, #tpu.memory_space<vmem_shared>> -> memref<10000x128xf32, #tpu.memory_space<vmem_shared>>
          tpu.wait_indirect_dma semaphore(%arg25 : memref<!tpu.dma_semaphore, #tpu.memory_space<semaphore_mem>>) src(%arg18 : memref<96x128xf32, #tpu.memory_space<vmem>>) dst(%dma_wait3A_140 : memref<10000x128xf32, #tpu.memory_space<vmem_shared>>)
        } else {
        }
        %dma_start3A_128 = arith.constant 0 : i32
        %dma_start3A_129 = arith.constant 0 : i32
        %dma_start3A_130 = tpu.memref_slice %arg10[%dma_start3A_128, %dma_start3A_129] : memref<10000x128xf32, #tpu.memory_space<vmem_shared>> -> memref<10000x128xf32, #tpu.memory_space<vmem_shared>>
        tpu.enqueue_indirect_dma source(%arg19 : memref<96x128xf32, #tpu.memory_space<vmem>>) target(%dma_start3A_130 : memref<10000x128xf32, #tpu.memory_space<vmem_shared>>) offsets(%arg13 : memref<96xi32, #tpu.memory_space<vmem>>) semaphore(%arg25 : memref<!tpu.dma_semaphore, #tpu.memory_space<semaphore_mem>>) {add = true}
        %add3A_131 = arith.constant 2 : i32
        %add3A_132 = arith.addi %add3A_91, %add3A_131 : i32
        %lt3A_133 = arith.constant 105 : i32
        %lt3A_134 = arith.cmpi slt, %add3A_132, %lt3A_133 : i32
        %convert_element_type3A_135 = arith.extui %lt3A_134 : i1 to i32
        %cond3A_136 = arith.constant 0 : i32
        %cond3A_137 = arith.cmpi ne, %convert_element_type3A_135, %cond3A_136 : i32
        scf.if %cond3A_137 {
          %add3A_138 = arith.constant 2 : i32
          %add3A_139 = arith.addi %add3A_91, %add3A_138 : i32
          %mul3A_140 = arith.constant 96 : i32
          %mul3A_141 = arith.muli %add3A_139, %mul3A_140 : i32
          %add3A_142 = arith.addi %mul3A_0, %mul3A_141 : i32
          %dma_start3A_143 = tpu.memref_slice %arg5[%add3A_142] : memref<161280xi32, #tpu.memory_space<hbm>> -> memref<96xi32, #tpu.memory_space<hbm>>
          %dma_start3A_144 = tpu.memref_slice %arg5[%add3A_142] : memref<161280xi32, #tpu.memory_space<hbm>> -> memref<96xi32, #tpu.memory_space<hbm>>
          tpu.enqueue_dma source(%dma_start3A_144 : memref<96xi32, #tpu.memory_space<hbm>>) target(%arg12 : memref<96xi32, #tpu.memory_space<vmem>>) target_semaphore(%arg22 : memref<!tpu.dma_semaphore, #tpu.memory_space<semaphore_mem>>)
          %dma_start3A_145 = tpu.memref_slice %arg6[%add3A_142] : memref<161280xf32, #tpu.memory_space<hbm>> -> memref<96xf32, #tpu.memory_space<hbm>>
          %dma_start3A_146 = tpu.memref_slice %arg6[%add3A_142] : memref<161280xf32, #tpu.memory_space<hbm>> -> memref<96xf32, #tpu.memory_space<hbm>>
          tpu.enqueue_dma source(%dma_start3A_146 : memref<96xf32, #tpu.memory_space<hbm>>) target(%arg15 : memref<96xf32, #tpu.memory_space<vmem>>) target_semaphore(%arg22 : memref<!tpu.dma_semaphore, #tpu.memory_space<semaphore_mem>>)
          %eq3A_147 = arith.constant 0 : i32
          %eq3A_148 = arith.cmpi eq, %arg0, %eq3A_147 : i32
          %convert_element_type3A_149 = arith.extui %eq3A_148 : i1 to i32
          %cond3A_150 = arith.constant 0 : i32
          %cond3A_151 = arith.cmpi ne, %convert_element_type3A_149, %cond3A_150 : i32
          scf.if %cond3A_151 {
            %mul3A_157 = arith.constant 96 : i32
            %mul3A_158 = arith.muli %add3A_139, %mul3A_157 : i32
            %dma_start3A_159 = tpu.memref_slice %arg11[%mul3A_158] : memref<10080xi32, #tpu.memory_space<vmem>> -> memref<96xi32, #tpu.memory_space<vmem>>
            %dma_start3A_160 = arith.constant 0 : i32
            %dma_start3A_161 = arith.constant 0 : i32
            %dma_start3A_162 = tpu.memref_slice %arg2[%dma_start3A_160, %dma_start3A_161] : memref<10000x128xf32, #tpu.memory_space<hbm>> -> memref<10000x128xf32, #tpu.memory_space<hbm>>
            tpu.enqueue_indirect_dma source(%dma_start3A_162 : memref<10000x128xf32, #tpu.memory_space<hbm>>) target(%arg18 : memref<96x128xf32, #tpu.memory_space<vmem>>) offsets(%dma_start3A_159 : memref<96xi32, #tpu.memory_space<vmem>>) semaphore(%arg22 : memref<!tpu.dma_semaphore, #tpu.memory_space<semaphore_mem>>)
          } else {
          }
          %eq3A_152 = arith.constant 1 : i32
          %eq3A_153 = arith.cmpi eq, %arg0, %eq3A_152 : i32
          %convert_element_type3A_154 = arith.extui %eq3A_153 : i1 to i32
          %cond3A_155 = arith.constant 0 : i32
          %cond3A_156 = arith.cmpi ne, %convert_element_type3A_154, %cond3A_155 : i32
          scf.if %cond3A_156 {
            %mul3A_157 = arith.constant 96 : i32
            %mul3A_158 = arith.muli %add3A_139, %mul3A_157 : i32
            %dma_start3A_159 = tpu.memref_slice %arg11[%mul3A_158] : memref<10080xi32, #tpu.memory_space<vmem>> -> memref<96xi32, #tpu.memory_space<vmem>>
            %dma_start3A_160 = arith.constant 0 : i32
            %dma_start3A_161 = arith.constant 0 : i32
            %dma_start3A_162 = tpu.memref_slice %arg3[%dma_start3A_160, %dma_start3A_161] : memref<10000x128xf32, #tpu.memory_space<hbm>> -> memref<10000x128xf32, #tpu.memory_space<hbm>>
            tpu.enqueue_indirect_dma source(%dma_start3A_162 : memref<10000x128xf32, #tpu.memory_space<hbm>>) target(%arg18 : memref<96x128xf32, #tpu.memory_space<vmem>>) offsets(%dma_start3A_159 : memref<96xi32, #tpu.memory_space<vmem>>) semaphore(%arg22 : memref<!tpu.dma_semaphore, #tpu.memory_space<semaphore_mem>>)
          } else {
          }
        } else {
        }
      } else {
      }
      %mul3A_97 = arith.constant 3 : i32
      %mul3A_98 = arith.muli %mul3A_97, %add3A_79 : i32
      %add3A_99 = arith.constant 2 : i32
      %add3A_100 = arith.addi %mul3A_98, %add3A_99 : i32
      %lt3A_101 = arith.constant 105 : i32
      %lt3A_102 = arith.cmpi slt, %add3A_100, %lt3A_101 : i32
      %convert_element_type3A_103 = arith.extui %lt3A_102 : i1 to i32
      %cond3A_104 = arith.constant 0 : i32
      %cond3A_105 = arith.cmpi ne, %convert_element_type3A_103, %cond3A_104 : i32
      scf.if %cond3A_105 {
        %dma_wait3A_106 = arith.constant 0 : i32
        %dma_wait3A_107 = tpu.memref_slice %arg5[%dma_wait3A_106] : memref<161280xi32, #tpu.memory_space<hbm>> -> memref<96xi32, #tpu.memory_space<hbm>>
        %dma_wait3A_108 = arith.constant 0 : i32
        %dma_wait3A_109 = tpu.memref_slice %arg5[%dma_wait3A_108] : memref<161280xi32, #tpu.memory_space<hbm>> -> memref<96xi32, #tpu.memory_space<hbm>>
        tpu.wait_dma2 semaphore(%arg24 : memref<!tpu.dma_semaphore, #tpu.memory_space<semaphore_mem>>) src(%dma_wait3A_109 : memref<96xi32, #tpu.memory_space<hbm>>) dst(%arg14 : memref<96xi32, #tpu.memory_space<vmem>>)
        %dma_wait3A_110 = arith.constant 0 : i32
        %dma_wait3A_111 = tpu.memref_slice %arg6[%dma_wait3A_110] : memref<161280xf32, #tpu.memory_space<hbm>> -> memref<96xf32, #tpu.memory_space<hbm>>
        %dma_wait3A_112 = arith.constant 0 : i32
        %dma_wait3A_113 = tpu.memref_slice %arg6[%dma_wait3A_112] : memref<161280xf32, #tpu.memory_space<hbm>> -> memref<96xf32, #tpu.memory_space<hbm>>
        tpu.wait_dma2 semaphore(%arg24 : memref<!tpu.dma_semaphore, #tpu.memory_space<semaphore_mem>>) src(%dma_wait3A_113 : memref<96xf32, #tpu.memory_space<hbm>>) dst(%arg17 : memref<96xf32, #tpu.memory_space<vmem>>)
        %dma_wait3A_114 = arith.constant 0 : i32
        %dma_wait3A_115 = tpu.memref_slice %arg11[%dma_wait3A_114] : memref<10080xi32, #tpu.memory_space<vmem>> -> memref<96xi32, #tpu.memory_space<vmem>>
        %dma_wait3A_116 = arith.constant 0 : i32
        %dma_wait3A_117 = arith.constant 0 : i32
        %dma_wait3A_118 = tpu.memref_slice %arg2[%dma_wait3A_116, %dma_wait3A_117] : memref<10000x128xf32, #tpu.memory_space<hbm>> -> memref<10000x128xf32, #tpu.memory_space<hbm>>
        tpu.wait_indirect_dma semaphore(%arg24 : memref<!tpu.dma_semaphore, #tpu.memory_space<semaphore_mem>>) src(%dma_wait3A_118 : memref<10000x128xf32, #tpu.memory_space<hbm>>) dst(%arg20 : memref<96x128xf32, #tpu.memory_space<vmem>>)
        %scan3A_119 = arith.constant 0 : i32
        %scan3A_120 = arith.constant 96 : i32
        %scan3A_121 = arith.addi %scan3A_119, %scan3A_120 : i32
        %scan3A_122 = arith.constant 8 : i32
        scf.for %scan3A_138 = %scan3A_119 to %scan3A_121 step %scan3A_122  : i32 {
          %mul3A_139 = arith.constant 1 : i32
          %mul3A_140 = arith.muli %scan3A_138, %mul3A_139 : i32
          %add3A_141 = arith.constant 0 : i32
          %add3A_142 = arith.addi %add3A_141, %mul3A_140 : i32
          %broadcast_in_dim3A = vector.broadcast %add3A_142 : i32 to vector<16xi32>
          %gather3A = tpu.vector_load_idx %arg17[%broadcast_in_dim3A] : memref<96xf32, #tpu.memory_space<vmem>>[vector<16xi32>], vector<16xf32>,
          %get3A = arith.index_cast %add3A_142 : i32 to index
          %get3A_143 = arith.constant 0 : index
          %get3A_144 = tpu.vector_load %arg20[%get3A, %get3A_143] {strides = array<i32>} : memref<96x128xf32, #tpu.memory_space<vmem>>, vector<16xf32>,
          %mul3A_145 = arith.mulf %get3A_144, %gather3A : vector<16xf32>
          %swap3A = arith.index_cast %add3A_142 : i32 to index
          %swap3A_146 = arith.constant 0 : index
          %swap3A_147 = tpu.vector_load %arg20[%swap3A, %swap3A_146] {strides = array<i32>} : memref<96x128xf32, #tpu.memory_space<vmem>>, vector<16xf32>,
          tpu.vector_store %arg20[%swap3A, %swap3A_146], %mul3A_145 {strides = array<i32>} : memref<96x128xf32, #tpu.memory_space<vmem>>, vector<16xf32>,
          %get3A_148 = arith.index_cast %add3A_142 : i32 to index
          %get3A_149 = arith.constant 16 : index
          %get3A_150 = tpu.vector_load %arg20[%get3A_148, %get3A_149] {strides = array<i32>} : memref<96x128xf32, #tpu.memory_space<vmem>>, vector<16xf32>,
          %mul3A_151 = arith.mulf %get3A_150, %gather3A : vector<16xf32>
          %swap3A_152 = arith.index_cast %add3A_142 : i32 to index
          %swap3A_153 = arith.constant 16 : index
          %swap3A_154 = tpu.vector_load %arg20[%swap3A_152, %swap3A_153] {strides = array<i32>} : memref<96x128xf32, #tpu.memory_space<vmem>>, vector<16xf32>,
          tpu.vector_store %arg20[%swap3A_152, %swap3A_153], %mul3A_151 {strides = array<i32>} : memref<96x128xf32, #tpu.memory_space<vmem>>, vector<16xf32>,
          %get3A_155 = arith.index_cast %add3A_142 : i32 to index
          %get3A_156 = arith.constant 32 : index
          %get3A_157 = tpu.vector_load %arg20[%get3A_155, %get3A_156] {strides = array<i32>} : memref<96x128xf32, #tpu.memory_space<vmem>>, vector<16xf32>,
          %mul3A_158 = arith.mulf %get3A_157, %gather3A : vector<16xf32>
          %swap3A_159 = arith.index_cast %add3A_142 : i32 to index
          %swap3A_160 = arith.constant 32 : index
          %swap3A_161 = tpu.vector_load %arg20[%swap3A_159, %swap3A_160] {strides = array<i32>} : memref<96x128xf32, #tpu.memory_space<vmem>>, vector<16xf32>,
          tpu.vector_store %arg20[%swap3A_159, %swap3A_160], %mul3A_158 {strides = array<i32>} : memref<96x128xf32, #tpu.memory_space<vmem>>, vector<16xf32>,
          %get3A_162 = arith.index_cast %add3A_142 : i32 to index
          %get3A_163 = arith.constant 48 : index
          %get3A_164 = tpu.vector_load %arg20[%get3A_162, %get3A_163] {strides = array<i32>} : memref<96x128xf32, #tpu.memory_space<vmem>>, vector<16xf32>,
          %mul3A_165 = arith.mulf %get3A_164, %gather3A : vector<16xf32>
          %swap3A_166 = arith.index_cast %add3A_142 : i32 to index
          %swap3A_167 = arith.constant 48 : index
          %swap3A_168 = tpu.vector_load %arg20[%swap3A_166, %swap3A_167] {strides = array<i32>} : memref<96x128xf32, #tpu.memory_space<vmem>>, vector<16xf32>,
          tpu.vector_store %arg20[%swap3A_166, %swap3A_167], %mul3A_165 {strides = array<i32>} : memref<96x128xf32, #tpu.memory_space<vmem>>, vector<16xf32>,
          %get3A_169 = arith.index_cast %add3A_142 : i32 to index
          %get3A_170 = arith.constant 64 : index
          %get3A_171 = tpu.vector_load %arg20[%get3A_169, %get3A_170] {strides = array<i32>} : memref<96x128xf32, #tpu.memory_space<vmem>>, vector<16xf32>,
          %mul3A_172 = arith.mulf %get3A_171, %gather3A : vector<16xf32>
          %swap3A_173 = arith.index_cast %add3A_142 : i32 to index
          %swap3A_174 = arith.constant 64 : index
          %swap3A_175 = tpu.vector_load %arg20[%swap3A_173, %swap3A_174] {strides = array<i32>} : memref<96x128xf32, #tpu.memory_space<vmem>>, vector<16xf32>,
          tpu.vector_store %arg20[%swap3A_173, %swap3A_174], %mul3A_172 {strides = array<i32>} : memref<96x128xf32, #tpu.memory_space<vmem>>, vector<16xf32>,
          %get3A_176 = arith.index_cast %add3A_142 : i32 to index
          %get3A_177 = arith.constant 80 : index
          %get3A_178 = tpu.vector_load %arg20[%get3A_176, %get3A_177] {strides = array<i32>} : memref<96x128xf32, #tpu.memory_space<vmem>>, vector<16xf32>,
          %mul3A_179 = arith.mulf %get3A_178, %gather3A : vector<16xf32>
          %swap3A_180 = arith.index_cast %add3A_142 : i32 to index
          %swap3A_181 = arith.constant 80 : index
          %swap3A_182 = tpu.vector_load %arg20[%swap3A_180, %swap3A_181] {strides = array<i32>} : memref<96x128xf32, #tpu.memory_space<vmem>>, vector<16xf32>,
          tpu.vector_store %arg20[%swap3A_180, %swap3A_181], %mul3A_179 {strides = array<i32>} : memref<96x128xf32, #tpu.memory_space<vmem>>, vector<16xf32>,
          %get3A_183 = arith.index_cast %add3A_142 : i32 to index
          %get3A_184 = arith.constant 96 : index
          %get3A_185 = tpu.vector_load %arg20[%get3A_183, %get3A_184] {strides = array<i32>} : memref<96x128xf32, #tpu.memory_space<vmem>>, vector<16xf32>,
          %mul3A_186 = arith.mulf %get3A_185, %gather3A : vector<16xf32>
          %swap3A_187 = arith.index_cast %add3A_142 : i32 to index
          %swap3A_188 = arith.constant 96 : index
          %swap3A_189 = tpu.vector_load %arg20[%swap3A_187, %swap3A_188] {strides = array<i32>} : memref<96x128xf32, #tpu.memory_space<vmem>>, vector<16xf32>,
          tpu.vector_store %arg20[%swap3A_187, %swap3A_188], %mul3A_186 {strides = array<i32>} : memref<96x128xf32, #tpu.memory_space<vmem>>, vector<16xf32>,
          %get3A_190 = arith.index_cast %add3A_142 : i32 to index
          %get3A_191 = arith.constant 112 : index
          %get3A_192 = tpu.vector_load %arg20[%get3A_190, %get3A_191] {strides = array<i32>} : memref<96x128xf32, #tpu.memory_space<vmem>>, vector<16xf32>,
          %mul3A_193 = arith.mulf %get3A_192, %gather3A : vector<16xf32>
          %swap3A_194 = arith.index_cast %add3A_142 : i32 to index
          %swap3A_195 = arith.constant 112 : index
          %swap3A_196 = tpu.vector_load %arg20[%swap3A_194, %swap3A_195] {strides = array<i32>} : memref<96x128xf32, #tpu.memory_space<vmem>>, vector<16xf32>,
          tpu.vector_store %arg20[%swap3A_194, %swap3A_195], %mul3A_193 {strides = array<i32>} : memref<96x128xf32, #tpu.memory_space<vmem>>, vector<16xf32>,
          %scan3A_197 = arith.constant 1 : i32
          %scan3A_198 = arith.addi %scan3A_138, %scan3A_197 : i32
          %mul3A_199 = arith.constant 1 : i32
          %mul3A_200 = arith.muli %scan3A_198, %mul3A_199 : i32
          %add3A_201 = arith.constant 0 : i32
          %add3A_202 = arith.addi %add3A_201, %mul3A_200 : i32
          %broadcast_in_dim3A_203 = vector.broadcast %add3A_202 : i32 to vector<16xi32>
          %gather3A_204 = tpu.vector_load_idx %arg17[%broadcast_in_dim3A_203] : memref<96xf32, #tpu.memory_space<vmem>>[vector<16xi32>], vector<16xf32>,
          %get3A_205 = arith.index_cast %add3A_202 : i32 to index
          %get3A_206 = arith.constant 0 : index
          %get3A_207 = tpu.vector_load %arg20[%get3A_205, %get3A_206] {strides = array<i32>} : memref<96x128xf32, #tpu.memory_space<vmem>>, vector<16xf32>,
          %mul3A_208 = arith.mulf %get3A_207, %gather3A_204 : vector<16xf32>
          %swap3A_209 = arith.index_cast %add3A_202 : i32 to index
          %swap3A_210 = arith.constant 0 : index
          %swap3A_211 = tpu.vector_load %arg20[%swap3A_209, %swap3A_210] {strides = array<i32>} : memref<96x128xf32, #tpu.memory_space<vmem>>, vector<16xf32>,
          tpu.vector_store %arg20[%swap3A_209, %swap3A_210], %mul3A_208 {strides = array<i32>} : memref<96x128xf32, #tpu.memory_space<vmem>>, vector<16xf32>,
          %get3A_212 = arith.index_cast %add3A_202 : i32 to index
          %get3A_213 = arith.constant 16 : index
          %get3A_214 = tpu.vector_load %arg20[%get3A_212, %get3A_213] {strides = array<i32>} : memref<96x128xf32, #tpu.memory_space<vmem>>, vector<16xf32>,
          %mul3A_215 = arith.mulf %get3A_214, %gather3A_204 : vector<16xf32>
          %swap3A_216 = arith.index_cast %add3A_202 : i32 to index
          %swap3A_217 = arith.constant 16 : index
          %swap3A_218 = tpu.vector_load %arg20[%swap3A_216, %swap3A_217] {strides = array<i32>} : memref<96x128xf32, #tpu.memory_space<vmem>>, vector<16xf32>,
          tpu.vector_store %arg20[%swap3A_216, %swap3A_217], %mul3A_215 {strides = array<i32>} : memref<96x128xf32, #tpu.memory_space<vmem>>, vector<16xf32>,
          %get3A_219 = arith.index_cast %add3A_202 : i32 to index
          %get3A_220 = arith.constant 32 : index
          %get3A_221 = tpu.vector_load %arg20[%get3A_219, %get3A_220] {strides = array<i32>} : memref<96x128xf32, #tpu.memory_space<vmem>>, vector<16xf32>,
          %mul3A_222 = arith.mulf %get3A_221, %gather3A_204 : vector<16xf32>
          %swap3A_223 = arith.index_cast %add3A_202 : i32 to index
          %swap3A_224 = arith.constant 32 : index
          %swap3A_225 = tpu.vector_load %arg20[%swap3A_223, %swap3A_224] {strides = array<i32>} : memref<96x128xf32, #tpu.memory_space<vmem>>, vector<16xf32>,
          tpu.vector_store %arg20[%swap3A_223, %swap3A_224], %mul3A_222 {strides = array<i32>} : memref<96x128xf32, #tpu.memory_space<vmem>>, vector<16xf32>,
          %get3A_226 = arith.index_cast %add3A_202 : i32 to index
          %get3A_227 = arith.constant 48 : index
          %get3A_228 = tpu.vector_load %arg20[%get3A_226, %get3A_227] {strides = array<i32>} : memref<96x128xf32, #tpu.memory_space<vmem>>, vector<16xf32>,
          %mul3A_229 = arith.mulf %get3A_228, %gather3A_204 : vector<16xf32>
          %swap3A_230 = arith.index_cast %add3A_202 : i32 to index
          %swap3A_231 = arith.constant 48 : index
          %swap3A_232 = tpu.vector_load %arg20[%swap3A_230, %swap3A_231] {strides = array<i32>} : memref<96x128xf32, #tpu.memory_space<vmem>>, vector<16xf32>,
          tpu.vector_store %arg20[%swap3A_230, %swap3A_231], %mul3A_229 {strides = array<i32>} : memref<96x128xf32, #tpu.memory_space<vmem>>, vector<16xf32>,
          %get3A_233 = arith.index_cast %add3A_202 : i32 to index
          %get3A_234 = arith.constant 64 : index
          %get3A_235 = tpu.vector_load %arg20[%get3A_233, %get3A_234] {strides = array<i32>} : memref<96x128xf32, #tpu.memory_space<vmem>>, vector<16xf32>,
          %mul3A_236 = arith.mulf %get3A_235, %gather3A_204 : vector<16xf32>
          %swap3A_237 = arith.index_cast %add3A_202 : i32 to index
          %swap3A_238 = arith.constant 64 : index
          %swap3A_239 = tpu.vector_load %arg20[%swap3A_237, %swap3A_238] {strides = array<i32>} : memref<96x128xf32, #tpu.memory_space<vmem>>, vector<16xf32>,
          tpu.vector_store %arg20[%swap3A_237, %swap3A_238], %mul3A_236 {strides = array<i32>} : memref<96x128xf32, #tpu.memory_space<vmem>>, vector<16xf32>,
          %get3A_240 = arith.index_cast %add3A_202 : i32 to index
          %get3A_241 = arith.constant 80 : index
          %get3A_242 = tpu.vector_load %arg20[%get3A_240, %get3A_241] {strides = array<i32>} : memref<96x128xf32, #tpu.memory_space<vmem>>, vector<16xf32>,
          %mul3A_243 = arith.mulf %get3A_242, %gather3A_204 : vector<16xf32>
          %swap3A_244 = arith.index_cast %add3A_202 : i32 to index
          %swap3A_245 = arith.constant 80 : index
          %swap3A_246 = tpu.vector_load %arg20[%swap3A_244, %swap3A_245] {strides = array<i32>} : memref<96x128xf32, #tpu.memory_space<vmem>>, vector<16xf32>,
          tpu.vector_store %arg20[%swap3A_244, %swap3A_245], %mul3A_243 {strides = array<i32>} : memref<96x128xf32, #tpu.memory_space<vmem>>, vector<16xf32>,
          %get3A_247 = arith.index_cast %add3A_202 : i32 to index
          %get3A_248 = arith.constant 96 : index
          %get3A_249 = tpu.vector_load %arg20[%get3A_247, %get3A_248] {strides = array<i32>} : memref<96x128xf32, #tpu.memory_space<vmem>>, vector<16xf32>,
          %mul3A_250 = arith.mulf %get3A_249, %gather3A_204 : vector<16xf32>
          %swap3A_251 = arith.index_cast %add3A_202 : i32 to index
          %swap3A_252 = arith.constant 96 : index
          %swap3A_253 = tpu.vector_load %arg20[%swap3A_251, %swap3A_252] {strides = array<i32>} : memref<96x128xf32, #tpu.memory_space<vmem>>, vector<16xf32>,
          tpu.vector_store %arg20[%swap3A_251, %swap3A_252], %mul3A_250 {strides = array<i32>} : memref<96x128xf32, #tpu.memory_space<vmem>>, vector<16xf32>,
          %get3A_254 = arith.index_cast %add3A_202 : i32 to index
          %get3A_255 = arith.constant 112 : index
          %get3A_256 = tpu.vector_load %arg20[%get3A_254, %get3A_255] {strides = array<i32>} : memref<96x128xf32, #tpu.memory_space<vmem>>, vector<16xf32>,
          %mul3A_257 = arith.mulf %get3A_256, %gather3A_204 : vector<16xf32>
          %swap3A_258 = arith.index_cast %add3A_202 : i32 to index
          %swap3A_259 = arith.constant 112 : index
          %swap3A_260 = tpu.vector_load %arg20[%swap3A_258, %swap3A_259] {strides = array<i32>} : memref<96x128xf32, #tpu.memory_space<vmem>>, vector<16xf32>,
          tpu.vector_store %arg20[%swap3A_258, %swap3A_259], %mul3A_257 {strides = array<i32>} : memref<96x128xf32, #tpu.memory_space<vmem>>, vector<16xf32>,
          %scan3A_261 = arith.constant 2 : i32
          %scan3A_262 = arith.addi %scan3A_138, %scan3A_261 : i32
          %mul3A_263 = arith.constant 1 : i32
          %mul3A_264 = arith.muli %scan3A_262, %mul3A_263 : i32
          %add3A_265 = arith.constant 0 : i32
          %add3A_266 = arith.addi %add3A_265, %mul3A_264 : i32
          %broadcast_in_dim3A_267 = vector.broadcast %add3A_266 : i32 to vector<16xi32>
          %gather3A_268 = tpu.vector_load_idx %arg17[%broadcast_in_dim3A_267] : memref<96xf32, #tpu.memory_space<vmem>>[vector<16xi32>], vector<16xf32>,
          %get3A_269 = arith.index_cast %add3A_266 : i32 to index
          %get3A_270 = arith.constant 0 : index
          %get3A_271 = tpu.vector_load %arg20[%get3A_269, %get3A_270] {strides = array<i32>} : memref<96x128xf32, #tpu.memory_space<vmem>>, vector<16xf32>,
          %mul3A_272 = arith.mulf %get3A_271, %gather3A_268 : vector<16xf32>
          %swap3A_273 = arith.index_cast %add3A_266 : i32 to index
          %swap3A_274 = arith.constant 0 : index
          %swap3A_275 = tpu.vector_load %arg20[%swap3A_273, %swap3A_274] {strides = array<i32>} : memref<96x128xf32, #tpu.memory_space<vmem>>, vector<16xf32>,
          tpu.vector_store %arg20[%swap3A_273, %swap3A_274], %mul3A_272 {strides = array<i32>} : memref<96x128xf32, #tpu.memory_space<vmem>>, vector<16xf32>,
          %get3A_276 = arith.index_cast %add3A_266 : i32 to index
          %get3A_277 = arith.constant 16 : index
          %get3A_278 = tpu.vector_load %arg20[%get3A_276, %get3A_277] {strides = array<i32>} : memref<96x128xf32, #tpu.memory_space<vmem>>, vector<16xf32>,
          %mul3A_279 = arith.mulf %get3A_278, %gather3A_268 : vector<16xf32>
          %swap3A_280 = arith.index_cast %add3A_266 : i32 to index
          %swap3A_281 = arith.constant 16 : index
          %swap3A_282 = tpu.vector_load %arg20[%swap3A_280, %swap3A_281] {strides = array<i32>} : memref<96x128xf32, #tpu.memory_space<vmem>>, vector<16xf32>,
          tpu.vector_store %arg20[%swap3A_280, %swap3A_281], %mul3A_279 {strides = array<i32>} : memref<96x128xf32, #tpu.memory_space<vmem>>, vector<16xf32>,
          %get3A_283 = arith.index_cast %add3A_266 : i32 to index
          %get3A_284 = arith.constant 32 : index
          %get3A_285 = tpu.vector_load %arg20[%get3A_283, %get3A_284] {strides = array<i32>} : memref<96x128xf32, #tpu.memory_space<vmem>>, vector<16xf32>,
          %mul3A_286 = arith.mulf %get3A_285, %gather3A_268 : vector<16xf32>
          %swap3A_287 = arith.index_cast %add3A_266 : i32 to index
          %swap3A_288 = arith.constant 32 : index
          %swap3A_289 = tpu.vector_load %arg20[%swap3A_287, %swap3A_288] {strides = array<i32>} : memref<96x128xf32, #tpu.memory_space<vmem>>, vector<16xf32>,
          tpu.vector_store %arg20[%swap3A_287, %swap3A_288], %mul3A_286 {strides = array<i32>} : memref<96x128xf32, #tpu.memory_space<vmem>>, vector<16xf32>,
          %get3A_290 = arith.index_cast %add3A_266 : i32 to index
          %get3A_291 = arith.constant 48 : index
          %get3A_292 = tpu.vector_load %arg20[%get3A_290, %get3A_291] {strides = array<i32>} : memref<96x128xf32, #tpu.memory_space<vmem>>, vector<16xf32>,
          %mul3A_293 = arith.mulf %get3A_292, %gather3A_268 : vector<16xf32>
          %swap3A_294 = arith.index_cast %add3A_266 : i32 to index
          %swap3A_295 = arith.constant 48 : index
          %swap3A_296 = tpu.vector_load %arg20[%swap3A_294, %swap3A_295] {strides = array<i32>} : memref<96x128xf32, #tpu.memory_space<vmem>>, vector<16xf32>,
          tpu.vector_store %arg20[%swap3A_294, %swap3A_295], %mul3A_293 {strides = array<i32>} : memref<96x128xf32, #tpu.memory_space<vmem>>, vector<16xf32>,
          %get3A_297 = arith.index_cast %add3A_266 : i32 to index
          %get3A_298 = arith.constant 64 : index
          %get3A_299 = tpu.vector_load %arg20[%get3A_297, %get3A_298] {strides = array<i32>} : memref<96x128xf32, #tpu.memory_space<vmem>>, vector<16xf32>,
          %mul3A_300 = arith.mulf %get3A_299, %gather3A_268 : vector<16xf32>
          %swap3A_301 = arith.index_cast %add3A_266 : i32 to index
          %swap3A_302 = arith.constant 64 : index
          %swap3A_303 = tpu.vector_load %arg20[%swap3A_301, %swap3A_302] {strides = array<i32>} : memref<96x128xf32, #tpu.memory_space<vmem>>, vector<16xf32>,
          tpu.vector_store %arg20[%swap3A_301, %swap3A_302], %mul3A_300 {strides = array<i32>} : memref<96x128xf32, #tpu.memory_space<vmem>>, vector<16xf32>,
          %get3A_304 = arith.index_cast %add3A_266 : i32 to index
          %get3A_305 = arith.constant 80 : index
          %get3A_306 = tpu.vector_load %arg20[%get3A_304, %get3A_305] {strides = array<i32>} : memref<96x128xf32, #tpu.memory_space<vmem>>, vector<16xf32>,
          %mul3A_307 = arith.mulf %get3A_306, %gather3A_268 : vector<16xf32>
          %swap3A_308 = arith.index_cast %add3A_266 : i32 to index
          %swap3A_309 = arith.constant 80 : index
          %swap3A_310 = tpu.vector_load %arg20[%swap3A_308, %swap3A_309] {strides = array<i32>} : memref<96x128xf32, #tpu.memory_space<vmem>>, vector<16xf32>,
          tpu.vector_store %arg20[%swap3A_308, %swap3A_309], %mul3A_307 {strides = array<i32>} : memref<96x128xf32, #tpu.memory_space<vmem>>, vector<16xf32>,
          %get3A_311 = arith.index_cast %add3A_266 : i32 to index
          %get3A_312 = arith.constant 96 : index
          %get3A_313 = tpu.vector_load %arg20[%get3A_311, %get3A_312] {strides = array<i32>} : memref<96x128xf32, #tpu.memory_space<vmem>>, vector<16xf32>,
          %mul3A_314 = arith.mulf %get3A_313, %gather3A_268 : vector<16xf32>
          %swap3A_315 = arith.index_cast %add3A_266 : i32 to index
          %swap3A_316 = arith.constant 96 : index
          %swap3A_317 = tpu.vector_load %arg20[%swap3A_315, %swap3A_316] {strides = array<i32>} : memref<96x128xf32, #tpu.memory_space<vmem>>, vector<16xf32>,
          tpu.vector_store %arg20[%swap3A_315, %swap3A_316], %mul3A_314 {strides = array<i32>} : memref<96x128xf32, #tpu.memory_space<vmem>>, vector<16xf32>,
          %get3A_318 = arith.index_cast %add3A_266 : i32 to index
          %get3A_319 = arith.constant 112 : index
          %get3A_320 = tpu.vector_load %arg20[%get3A_318, %get3A_319] {strides = array<i32>} : memref<96x128xf32, #tpu.memory_space<vmem>>, vector<16xf32>,
          %mul3A_321 = arith.mulf %get3A_320, %gather3A_268 : vector<16xf32>
          %swap3A_322 = arith.index_cast %add3A_266 : i32 to index
          %swap3A_323 = arith.constant 112 : index
          %swap3A_324 = tpu.vector_load %arg20[%swap3A_322, %swap3A_323] {strides = array<i32>} : memref<96x128xf32, #tpu.memory_space<vmem>>, vector<16xf32>,
          tpu.vector_store %arg20[%swap3A_322, %swap3A_323], %mul3A_321 {strides = array<i32>} : memref<96x128xf32, #tpu.memory_space<vmem>>, vector<16xf32>,
          %scan3A_325 = arith.constant 3 : i32
          %scan3A_326 = arith.addi %scan3A_138, %scan3A_325 : i32
          %mul3A_327 = arith.constant 1 : i32
          %mul3A_328 = arith.muli %scan3A_326, %mul3A_327 : i32
          %add3A_329 = arith.constant 0 : i32
          %add3A_330 = arith.addi %add3A_329, %mul3A_328 : i32
          %broadcast_in_dim3A_331 = vector.broadcast %add3A_330 : i32 to vector<16xi32>
          %gather3A_332 = tpu.vector_load_idx %arg17[%broadcast_in_dim3A_331] : memref<96xf32, #tpu.memory_space<vmem>>[vector<16xi32>], vector<16xf32>,
          %get3A_333 = arith.index_cast %add3A_330 : i32 to index
          %get3A_334 = arith.constant 0 : index
          %get3A_335 = tpu.vector_load %arg20[%get3A_333, %get3A_334] {strides = array<i32>} : memref<96x128xf32, #tpu.memory_space<vmem>>, vector<16xf32>,
          %mul3A_336 = arith.mulf %get3A_335, %gather3A_332 : vector<16xf32>
          %swap3A_337 = arith.index_cast %add3A_330 : i32 to index
          %swap3A_338 = arith.constant 0 : index
          %swap3A_339 = tpu.vector_load %arg20[%swap3A_337, %swap3A_338] {strides = array<i32>} : memref<96x128xf32, #tpu.memory_space<vmem>>, vector<16xf32>,
          tpu.vector_store %arg20[%swap3A_337, %swap3A_338], %mul3A_336 {strides = array<i32>} : memref<96x128xf32, #tpu.memory_space<vmem>>, vector<16xf32>,
          %get3A_340 = arith.index_cast %add3A_330 : i32 to index
          %get3A_341 = arith.constant 16 : index
          %get3A_342 = tpu.vector_load %arg20[%get3A_340, %get3A_341] {strides = array<i32>} : memref<96x128xf32, #tpu.memory_space<vmem>>, vector<16xf32>,
          %mul3A_343 = arith.mulf %get3A_342, %gather3A_332 : vector<16xf32>
          %swap3A_344 = arith.index_cast %add3A_330 : i32 to index
          %swap3A_345 = arith.constant 16 : index
          %swap3A_346 = tpu.vector_load %arg20[%swap3A_344, %swap3A_345] {strides = array<i32>} : memref<96x128xf32, #tpu.memory_space<vmem>>, vector<16xf32>,
          tpu.vector_store %arg20[%swap3A_344, %swap3A_345], %mul3A_343 {strides = array<i32>} : memref<96x128xf32, #tpu.memory_space<vmem>>, vector<16xf32>,
          %get3A_347 = arith.index_cast %add3A_330 : i32 to index
          %get3A_348 = arith.constant 32 : index
          %get3A_349 = tpu.vector_load %arg20[%get3A_347, %get3A_348] {strides = array<i32>} : memref<96x128xf32, #tpu.memory_space<vmem>>, vector<16xf32>,
          %mul3A_350 = arith.mulf %get3A_349, %gather3A_332 : vector<16xf32>
          %swap3A_351 = arith.index_cast %add3A_330 : i32 to index
          %swap3A_352 = arith.constant 32 : index
          %swap3A_353 = tpu.vector_load %arg20[%swap3A_351, %swap3A_352] {strides = array<i32>} : memref<96x128xf32, #tpu.memory_space<vmem>>, vector<16xf32>,
          tpu.vector_store %arg20[%swap3A_351, %swap3A_352], %mul3A_350 {strides = array<i32>} : memref<96x128xf32, #tpu.memory_space<vmem>>, vector<16xf32>,
          %get3A_354 = arith.index_cast %add3A_330 : i32 to index
          %get3A_355 = arith.constant 48 : index
          %get3A_356 = tpu.vector_load %arg20[%get3A_354, %get3A_355] {strides = array<i32>} : memref<96x128xf32, #tpu.memory_space<vmem>>, vector<16xf32>,
          %mul3A_357 = arith.mulf %get3A_356, %gather3A_332 : vector<16xf32>
          %swap3A_358 = arith.index_cast %add3A_330 : i32 to index
          %swap3A_359 = arith.constant 48 : index
          %swap3A_360 = tpu.vector_load %arg20[%swap3A_358, %swap3A_359] {strides = array<i32>} : memref<96x128xf32, #tpu.memory_space<vmem>>, vector<16xf32>,
          tpu.vector_store %arg20[%swap3A_358, %swap3A_359], %mul3A_357 {strides = array<i32>} : memref<96x128xf32, #tpu.memory_space<vmem>>, vector<16xf32>,
          %get3A_361 = arith.index_cast %add3A_330 : i32 to index
          %get3A_362 = arith.constant 64 : index
          %get3A_363 = tpu.vector_load %arg20[%get3A_361, %get3A_362] {strides = array<i32>} : memref<96x128xf32, #tpu.memory_space<vmem>>, vector<16xf32>,
          %mul3A_364 = arith.mulf %get3A_363, %gather3A_332 : vector<16xf32>
          %swap3A_365 = arith.index_cast %add3A_330 : i32 to index
          %swap3A_366 = arith.constant 64 : index
          %swap3A_367 = tpu.vector_load %arg20[%swap3A_365, %swap3A_366] {strides = array<i32>} : memref<96x128xf32, #tpu.memory_space<vmem>>, vector<16xf32>,
          tpu.vector_store %arg20[%swap3A_365, %swap3A_366], %mul3A_364 {strides = array<i32>} : memref<96x128xf32, #tpu.memory_space<vmem>>, vector<16xf32>,
          %get3A_368 = arith.index_cast %add3A_330 : i32 to index
          %get3A_369 = arith.constant 80 : index
          %get3A_370 = tpu.vector_load %arg20[%get3A_368, %get3A_369] {strides = array<i32>} : memref<96x128xf32, #tpu.memory_space<vmem>>, vector<16xf32>,
          %mul3A_371 = arith.mulf %get3A_370, %gather3A_332 : vector<16xf32>
          %swap3A_372 = arith.index_cast %add3A_330 : i32 to index
          %swap3A_373 = arith.constant 80 : index
          %swap3A_374 = tpu.vector_load %arg20[%swap3A_372, %swap3A_373] {strides = array<i32>} : memref<96x128xf32, #tpu.memory_space<vmem>>, vector<16xf32>,
          tpu.vector_store %arg20[%swap3A_372, %swap3A_373], %mul3A_371 {strides = array<i32>} : memref<96x128xf32, #tpu.memory_space<vmem>>, vector<16xf32>,
          %get3A_375 = arith.index_cast %add3A_330 : i32 to index
          %get3A_376 = arith.constant 96 : index
          %get3A_377 = tpu.vector_load %arg20[%get3A_375, %get3A_376] {strides = array<i32>} : memref<96x128xf32, #tpu.memory_space<vmem>>, vector<16xf32>,
          %mul3A_378 = arith.mulf %get3A_377, %gather3A_332 : vector<16xf32>
          %swap3A_379 = arith.index_cast %add3A_330 : i32 to index
          %swap3A_380 = arith.constant 96 : index
          %swap3A_381 = tpu.vector_load %arg20[%swap3A_379, %swap3A_380] {strides = array<i32>} : memref<96x128xf32, #tpu.memory_space<vmem>>, vector<16xf32>,
          tpu.vector_store %arg20[%swap3A_379, %swap3A_380], %mul3A_378 {strides = array<i32>} : memref<96x128xf32, #tpu.memory_space<vmem>>, vector<16xf32>,
          %get3A_382 = arith.index_cast %add3A_330 : i32 to index
          %get3A_383 = arith.constant 112 : index
          %get3A_384 = tpu.vector_load %arg20[%get3A_382, %get3A_383] {strides = array<i32>} : memref<96x128xf32, #tpu.memory_space<vmem>>, vector<16xf32>,
          %mul3A_385 = arith.mulf %get3A_384, %gather3A_332 : vector<16xf32>
          %swap3A_386 = arith.index_cast %add3A_330 : i32 to index
          %swap3A_387 = arith.constant 112 : index
          %swap3A_388 = tpu.vector_load %arg20[%swap3A_386, %swap3A_387] {strides = array<i32>} : memref<96x128xf32, #tpu.memory_space<vmem>>, vector<16xf32>,
          tpu.vector_store %arg20[%swap3A_386, %swap3A_387], %mul3A_385 {strides = array<i32>} : memref<96x128xf32, #tpu.memory_space<vmem>>, vector<16xf32>,
          %scan3A_389 = arith.constant 4 : i32
          %scan3A_390 = arith.addi %scan3A_138, %scan3A_389 : i32
          %mul3A_391 = arith.constant 1 : i32
          %mul3A_392 = arith.muli %scan3A_390, %mul3A_391 : i32
          %add3A_393 = arith.constant 0 : i32
          %add3A_394 = arith.addi %add3A_393, %mul3A_392 : i32
          %broadcast_in_dim3A_395 = vector.broadcast %add3A_394 : i32 to vector<16xi32>
          %gather3A_396 = tpu.vector_load_idx %arg17[%broadcast_in_dim3A_395] : memref<96xf32, #tpu.memory_space<vmem>>[vector<16xi32>], vector<16xf32>,
          %get3A_397 = arith.index_cast %add3A_394 : i32 to index
          %get3A_398 = arith.constant 0 : index
          %get3A_399 = tpu.vector_load %arg20[%get3A_397, %get3A_398] {strides = array<i32>} : memref<96x128xf32, #tpu.memory_space<vmem>>, vector<16xf32>,
          %mul3A_400 = arith.mulf %get3A_399, %gather3A_396 : vector<16xf32>
          %swap3A_401 = arith.index_cast %add3A_394 : i32 to index
          %swap3A_402 = arith.constant 0 : index
          %swap3A_403 = tpu.vector_load %arg20[%swap3A_401, %swap3A_402] {strides = array<i32>} : memref<96x128xf32, #tpu.memory_space<vmem>>, vector<16xf32>,
          tpu.vector_store %arg20[%swap3A_401, %swap3A_402], %mul3A_400 {strides = array<i32>} : memref<96x128xf32, #tpu.memory_space<vmem>>, vector<16xf32>,
          %get3A_404 = arith.index_cast %add3A_394 : i32 to index
          %get3A_405 = arith.constant 16 : index
          %get3A_406 = tpu.vector_load %arg20[%get3A_404, %get3A_405] {strides = array<i32>} : memref<96x128xf32, #tpu.memory_space<vmem>>, vector<16xf32>,
          %mul3A_407 = arith.mulf %get3A_406, %gather3A_396 : vector<16xf32>
          %swap3A_408 = arith.index_cast %add3A_394 : i32 to index
          %swap3A_409 = arith.constant 16 : index
          %swap3A_410 = tpu.vector_load %arg20[%swap3A_408, %swap3A_409] {strides = array<i32>} : memref<96x128xf32, #tpu.memory_space<vmem>>, vector<16xf32>,
          tpu.vector_store %arg20[%swap3A_408, %swap3A_409], %mul3A_407 {strides = array<i32>} : memref<96x128xf32, #tpu.memory_space<vmem>>, vector<16xf32>,
          %get3A_411 = arith.index_cast %add3A_394 : i32 to index
          %get3A_412 = arith.constant 32 : index
          %get3A_413 = tpu.vector_load %arg20[%get3A_411, %get3A_412] {strides = array<i32>} : memref<96x128xf32, #tpu.memory_space<vmem>>, vector<16xf32>,
          %mul3A_414 = arith.mulf %get3A_413, %gather3A_396 : vector<16xf32>
          %swap3A_415 = arith.index_cast %add3A_394 : i32 to index
          %swap3A_416 = arith.constant 32 : index
          %swap3A_417 = tpu.vector_load %arg20[%swap3A_415, %swap3A_416] {strides = array<i32>} : memref<96x128xf32, #tpu.memory_space<vmem>>, vector<16xf32>,
          tpu.vector_store %arg20[%swap3A_415, %swap3A_416], %mul3A_414 {strides = array<i32>} : memref<96x128xf32, #tpu.memory_space<vmem>>, vector<16xf32>,
          %get3A_418 = arith.index_cast %add3A_394 : i32 to index
          %get3A_419 = arith.constant 48 : index
          %get3A_420 = tpu.vector_load %arg20[%get3A_418, %get3A_419] {strides = array<i32>} : memref<96x128xf32, #tpu.memory_space<vmem>>, vector<16xf32>,
          %mul3A_421 = arith.mulf %get3A_420, %gather3A_396 : vector<16xf32>
          %swap3A_422 = arith.index_cast %add3A_394 : i32 to index
          %swap3A_423 = arith.constant 48 : index
          %swap3A_424 = tpu.vector_load %arg20[%swap3A_422, %swap3A_423] {strides = array<i32>} : memref<96x128xf32, #tpu.memory_space<vmem>>, vector<16xf32>,
          tpu.vector_store %arg20[%swap3A_422, %swap3A_423], %mul3A_421 {strides = array<i32>} : memref<96x128xf32, #tpu.memory_space<vmem>>, vector<16xf32>,
          %get3A_425 = arith.index_cast %add3A_394 : i32 to index
          %get3A_426 = arith.constant 64 : index
          %get3A_427 = tpu.vector_load %arg20[%get3A_425, %get3A_426] {strides = array<i32>} : memref<96x128xf32, #tpu.memory_space<vmem>>, vector<16xf32>,
          %mul3A_428 = arith.mulf %get3A_427, %gather3A_396 : vector<16xf32>
          %swap3A_429 = arith.index_cast %add3A_394 : i32 to index
          %swap3A_430 = arith.constant 64 : index
          %swap3A_431 = tpu.vector_load %arg20[%swap3A_429, %swap3A_430] {strides = array<i32>} : memref<96x128xf32, #tpu.memory_space<vmem>>, vector<16xf32>,
          tpu.vector_store %arg20[%swap3A_429, %swap3A_430], %mul3A_428 {strides = array<i32>} : memref<96x128xf32, #tpu.memory_space<vmem>>, vector<16xf32>,
          %get3A_432 = arith.index_cast %add3A_394 : i32 to index
          %get3A_433 = arith.constant 80 : index
          %get3A_434 = tpu.vector_load %arg20[%get3A_432, %get3A_433] {strides = array<i32>} : memref<96x128xf32, #tpu.memory_space<vmem>>, vector<16xf32>,
          %mul3A_435 = arith.mulf %get3A_434, %gather3A_396 : vector<16xf32>
          %swap3A_436 = arith.index_cast %add3A_394 : i32 to index
          %swap3A_437 = arith.constant 80 : index
          %swap3A_438 = tpu.vector_load %arg20[%swap3A_436, %swap3A_437] {strides = array<i32>} : memref<96x128xf32, #tpu.memory_space<vmem>>, vector<16xf32>,
          tpu.vector_store %arg20[%swap3A_436, %swap3A_437], %mul3A_435 {strides = array<i32>} : memref<96x128xf32, #tpu.memory_space<vmem>>, vector<16xf32>,
          %get3A_439 = arith.index_cast %add3A_394 : i32 to index
          %get3A_440 = arith.constant 96 : index
          %get3A_441 = tpu.vector_load %arg20[%get3A_439, %get3A_440] {strides = array<i32>} : memref<96x128xf32, #tpu.memory_space<vmem>>, vector<16xf32>,
          %mul3A_442 = arith.mulf %get3A_441, %gather3A_396 : vector<16xf32>
          %swap3A_443 = arith.index_cast %add3A_394 : i32 to index
          %swap3A_444 = arith.constant 96 : index
          %swap3A_445 = tpu.vector_load %arg20[%swap3A_443, %swap3A_444] {strides = array<i32>} : memref<96x128xf32, #tpu.memory_space<vmem>>, vector<16xf32>,
          tpu.vector_store %arg20[%swap3A_443, %swap3A_444], %mul3A_442 {strides = array<i32>} : memref<96x128xf32, #tpu.memory_space<vmem>>, vector<16xf32>,
          %get3A_446 = arith.index_cast %add3A_394 : i32 to index
          %get3A_447 = arith.constant 112 : index
          %get3A_448 = tpu.vector_load %arg20[%get3A_446, %get3A_447] {strides = array<i32>} : memref<96x128xf32, #tpu.memory_space<vmem>>, vector<16xf32>,
          %mul3A_449 = arith.mulf %get3A_448, %gather3A_396 : vector<16xf32>
          %swap3A_450 = arith.index_cast %add3A_394 : i32 to index
          %swap3A_451 = arith.constant 112 : index
          %swap3A_452 = tpu.vector_load %arg20[%swap3A_450, %swap3A_451] {strides = array<i32>} : memref<96x128xf32, #tpu.memory_space<vmem>>, vector<16xf32>,
          tpu.vector_store %arg20[%swap3A_450, %swap3A_451], %mul3A_449 {strides = array<i32>} : memref<96x128xf32, #tpu.memory_space<vmem>>, vector<16xf32>,
          %scan3A_453 = arith.constant 5 : i32
          %scan3A_454 = arith.addi %scan3A_138, %scan3A_453 : i32
          %mul3A_455 = arith.constant 1 : i32
          %mul3A_456 = arith.muli %scan3A_454, %mul3A_455 : i32
          %add3A_457 = arith.constant 0 : i32
          %add3A_458 = arith.addi %add3A_457, %mul3A_456 : i32
          %broadcast_in_dim3A_459 = vector.broadcast %add3A_458 : i32 to vector<16xi32>
          %gather3A_460 = tpu.vector_load_idx %arg17[%broadcast_in_dim3A_459] : memref<96xf32, #tpu.memory_space<vmem>>[vector<16xi32>], vector<16xf32>,
          %get3A_461 = arith.index_cast %add3A_458 : i32 to index
          %get3A_462 = arith.constant 0 : index
          %get3A_463 = tpu.vector_load %arg20[%get3A_461, %get3A_462] {strides = array<i32>} : memref<96x128xf32, #tpu.memory_space<vmem>>, vector<16xf32>,
          %mul3A_464 = arith.mulf %get3A_463, %gather3A_460 : vector<16xf32>
          %swap3A_465 = arith.index_cast %add3A_458 : i32 to index
          %swap3A_466 = arith.constant 0 : index
          %swap3A_467 = tpu.vector_load %arg20[%swap3A_465, %swap3A_466] {strides = array<i32>} : memref<96x128xf32, #tpu.memory_space<vmem>>, vector<16xf32>,
          tpu.vector_store %arg20[%swap3A_465, %swap3A_466], %mul3A_464 {strides = array<i32>} : memref<96x128xf32, #tpu.memory_space<vmem>>, vector<16xf32>,
          %get3A_468 = arith.index_cast %add3A_458 : i32 to index
          %get3A_469 = arith.constant 16 : index
          %get3A_470 = tpu.vector_load %arg20[%get3A_468, %get3A_469] {strides = array<i32>} : memref<96x128xf32, #tpu.memory_space<vmem>>, vector<16xf32>,
          %mul3A_471 = arith.mulf %get3A_470, %gather3A_460 : vector<16xf32>
          %swap3A_472 = arith.index_cast %add3A_458 : i32 to index
          %swap3A_473 = arith.constant 16 : index
          %swap3A_474 = tpu.vector_load %arg20[%swap3A_472, %swap3A_473] {strides = array<i32>} : memref<96x128xf32, #tpu.memory_space<vmem>>, vector<16xf32>,
          tpu.vector_store %arg20[%swap3A_472, %swap3A_473], %mul3A_471 {strides = array<i32>} : memref<96x128xf32, #tpu.memory_space<vmem>>, vector<16xf32>,
          %get3A_475 = arith.index_cast %add3A_458 : i32 to index
          %get3A_476 = arith.constant 32 : index
          %get3A_477 = tpu.vector_load %arg20[%get3A_475, %get3A_476] {strides = array<i32>} : memref<96x128xf32, #tpu.memory_space<vmem>>, vector<16xf32>,
          %mul3A_478 = arith.mulf %get3A_477, %gather3A_460 : vector<16xf32>
          %swap3A_479 = arith.index_cast %add3A_458 : i32 to index
          %swap3A_480 = arith.constant 32 : index
          %swap3A_481 = tpu.vector_load %arg20[%swap3A_479, %swap3A_480] {strides = array<i32>} : memref<96x128xf32, #tpu.memory_space<vmem>>, vector<16xf32>,
          tpu.vector_store %arg20[%swap3A_479, %swap3A_480], %mul3A_478 {strides = array<i32>} : memref<96x128xf32, #tpu.memory_space<vmem>>, vector<16xf32>,
          %get3A_482 = arith.index_cast %add3A_458 : i32 to index
          %get3A_483 = arith.constant 48 : index
          %get3A_484 = tpu.vector_load %arg20[%get3A_482, %get3A_483] {strides = array<i32>} : memref<96x128xf32, #tpu.memory_space<vmem>>, vector<16xf32>,
          %mul3A_485 = arith.mulf %get3A_484, %gather3A_460 : vector<16xf32>
          %swap3A_486 = arith.index_cast %add3A_458 : i32 to index
          %swap3A_487 = arith.constant 48 : index
          %swap3A_488 = tpu.vector_load %arg20[%swap3A_486, %swap3A_487] {strides = array<i32>} : memref<96x128xf32, #tpu.memory_space<vmem>>, vector<16xf32>,
          tpu.vector_store %arg20[%swap3A_486, %swap3A_487], %mul3A_485 {strides = array<i32>} : memref<96x128xf32, #tpu.memory_space<vmem>>, vector<16xf32>,
          %get3A_489 = arith.index_cast %add3A_458 : i32 to index
          %get3A_490 = arith.constant 64 : index
          %get3A_491 = tpu.vector_load %arg20[%get3A_489, %get3A_490] {strides = array<i32>} : memref<96x128xf32, #tpu.memory_space<vmem>>, vector<16xf32>,
          %mul3A_492 = arith.mulf %get3A_491, %gather3A_460 : vector<16xf32>
          %swap3A_493 = arith.index_cast %add3A_458 : i32 to index
          %swap3A_494 = arith.constant 64 : index
          %swap3A_495 = tpu.vector_load %arg20[%swap3A_493, %swap3A_494] {strides = array<i32>} : memref<96x128xf32, #tpu.memory_space<vmem>>, vector<16xf32>,
          tpu.vector_store %arg20[%swap3A_493, %swap3A_494], %mul3A_492 {strides = array<i32>} : memref<96x128xf32, #tpu.memory_space<vmem>>, vector<16xf32>,
          %get3A_496 = arith.index_cast %add3A_458 : i32 to index
          %get3A_497 = arith.constant 80 : index
          %get3A_498 = tpu.vector_load %arg20[%get3A_496, %get3A_497] {strides = array<i32>} : memref<96x128xf32, #tpu.memory_space<vmem>>, vector<16xf32>,
          %mul3A_499 = arith.mulf %get3A_498, %gather3A_460 : vector<16xf32>
          %swap3A_500 = arith.index_cast %add3A_458 : i32 to index
          %swap3A_501 = arith.constant 80 : index
          %swap3A_502 = tpu.vector_load %arg20[%swap3A_500, %swap3A_501] {strides = array<i32>} : memref<96x128xf32, #tpu.memory_space<vmem>>, vector<16xf32>,
          tpu.vector_store %arg20[%swap3A_500, %swap3A_501], %mul3A_499 {strides = array<i32>} : memref<96x128xf32, #tpu.memory_space<vmem>>, vector<16xf32>,
          %get3A_503 = arith.index_cast %add3A_458 : i32 to index
          %get3A_504 = arith.constant 96 : index
          %get3A_505 = tpu.vector_load %arg20[%get3A_503, %get3A_504] {strides = array<i32>} : memref<96x128xf32, #tpu.memory_space<vmem>>, vector<16xf32>,
          %mul3A_506 = arith.mulf %get3A_505, %gather3A_460 : vector<16xf32>
          %swap3A_507 = arith.index_cast %add3A_458 : i32 to index
          %swap3A_508 = arith.constant 96 : index
          %swap3A_509 = tpu.vector_load %arg20[%swap3A_507, %swap3A_508] {strides = array<i32>} : memref<96x128xf32, #tpu.memory_space<vmem>>, vector<16xf32>,
          tpu.vector_store %arg20[%swap3A_507, %swap3A_508], %mul3A_506 {strides = array<i32>} : memref<96x128xf32, #tpu.memory_space<vmem>>, vector<16xf32>,
          %get3A_510 = arith.index_cast %add3A_458 : i32 to index
          %get3A_511 = arith.constant 112 : index
          %get3A_512 = tpu.vector_load %arg20[%get3A_510, %get3A_511] {strides = array<i32>} : memref<96x128xf32, #tpu.memory_space<vmem>>, vector<16xf32>,
          %mul3A_513 = arith.mulf %get3A_512, %gather3A_460 : vector<16xf32>
          %swap3A_514 = arith.index_cast %add3A_458 : i32 to index
          %swap3A_515 = arith.constant 112 : index
          %swap3A_516 = tpu.vector_load %arg20[%swap3A_514, %swap3A_515] {strides = array<i32>} : memref<96x128xf32, #tpu.memory_space<vmem>>, vector<16xf32>,
          tpu.vector_store %arg20[%swap3A_514, %swap3A_515], %mul3A_513 {strides = array<i32>} : memref<96x128xf32, #tpu.memory_space<vmem>>, vector<16xf32>,
          %scan3A_517 = arith.constant 6 : i32
          %scan3A_518 = arith.addi %scan3A_138, %scan3A_517 : i32
          %mul3A_519 = arith.constant 1 : i32
          %mul3A_520 = arith.muli %scan3A_518, %mul3A_519 : i32
          %add3A_521 = arith.constant 0 : i32
          %add3A_522 = arith.addi %add3A_521, %mul3A_520 : i32
          %broadcast_in_dim3A_523 = vector.broadcast %add3A_522 : i32 to vector<16xi32>
          %gather3A_524 = tpu.vector_load_idx %arg17[%broadcast_in_dim3A_523] : memref<96xf32, #tpu.memory_space<vmem>>[vector<16xi32>], vector<16xf32>,
          %get3A_525 = arith.index_cast %add3A_522 : i32 to index
          %get3A_526 = arith.constant 0 : index
          %get3A_527 = tpu.vector_load %arg20[%get3A_525, %get3A_526] {strides = array<i32>} : memref<96x128xf32, #tpu.memory_space<vmem>>, vector<16xf32>,
          %mul3A_528 = arith.mulf %get3A_527, %gather3A_524 : vector<16xf32>
          %swap3A_529 = arith.index_cast %add3A_522 : i32 to index
          %swap3A_530 = arith.constant 0 : index
          %swap3A_531 = tpu.vector_load %arg20[%swap3A_529, %swap3A_530] {strides = array<i32>} : memref<96x128xf32, #tpu.memory_space<vmem>>, vector<16xf32>,
          tpu.vector_store %arg20[%swap3A_529, %swap3A_530], %mul3A_528 {strides = array<i32>} : memref<96x128xf32, #tpu.memory_space<vmem>>, vector<16xf32>,
          %get3A_532 = arith.index_cast %add3A_522 : i32 to index
          %get3A_533 = arith.constant 16 : index
          %get3A_534 = tpu.vector_load %arg20[%get3A_532, %get3A_533] {strides = array<i32>} : memref<96x128xf32, #tpu.memory_space<vmem>>, vector<16xf32>,
          %mul3A_535 = arith.mulf %get3A_534, %gather3A_524 : vector<16xf32>
          %swap3A_536 = arith.index_cast %add3A_522 : i32 to index
          %swap3A_537 = arith.constant 16 : index
          %swap3A_538 = tpu.vector_load %arg20[%swap3A_536, %swap3A_537] {strides = array<i32>} : memref<96x128xf32, #tpu.memory_space<vmem>>, vector<16xf32>,
          tpu.vector_store %arg20[%swap3A_536, %swap3A_537], %mul3A_535 {strides = array<i32>} : memref<96x128xf32, #tpu.memory_space<vmem>>, vector<16xf32>,
          %get3A_539 = arith.index_cast %add3A_522 : i32 to index
          %get3A_540 = arith.constant 32 : index
          %get3A_541 = tpu.vector_load %arg20[%get3A_539, %get3A_540] {strides = array<i32>} : memref<96x128xf32, #tpu.memory_space<vmem>>, vector<16xf32>,
          %mul3A_542 = arith.mulf %get3A_541, %gather3A_524 : vector<16xf32>
          %swap3A_543 = arith.index_cast %add3A_522 : i32 to index
          %swap3A_544 = arith.constant 32 : index
          %swap3A_545 = tpu.vector_load %arg20[%swap3A_543, %swap3A_544] {strides = array<i32>} : memref<96x128xf32, #tpu.memory_space<vmem>>, vector<16xf32>,
          tpu.vector_store %arg20[%swap3A_543, %swap3A_544], %mul3A_542 {strides = array<i32>} : memref<96x128xf32, #tpu.memory_space<vmem>>, vector<16xf32>,
          %get3A_546 = arith.index_cast %add3A_522 : i32 to index
          %get3A_547 = arith.constant 48 : index
          %get3A_548 = tpu.vector_load %arg20[%get3A_546, %get3A_547] {strides = array<i32>} : memref<96x128xf32, #tpu.memory_space<vmem>>, vector<16xf32>,
          %mul3A_549 = arith.mulf %get3A_548, %gather3A_524 : vector<16xf32>
          %swap3A_550 = arith.index_cast %add3A_522 : i32 to index
          %swap3A_551 = arith.constant 48 : index
          %swap3A_552 = tpu.vector_load %arg20[%swap3A_550, %swap3A_551] {strides = array<i32>} : memref<96x128xf32, #tpu.memory_space<vmem>>, vector<16xf32>,
          tpu.vector_store %arg20[%swap3A_550, %swap3A_551], %mul3A_549 {strides = array<i32>} : memref<96x128xf32, #tpu.memory_space<vmem>>, vector<16xf32>,
          %get3A_553 = arith.index_cast %add3A_522 : i32 to index
          %get3A_554 = arith.constant 64 : index
          %get3A_555 = tpu.vector_load %arg20[%get3A_553, %get3A_554] {strides = array<i32>} : memref<96x128xf32, #tpu.memory_space<vmem>>, vector<16xf32>,
          %mul3A_556 = arith.mulf %get3A_555, %gather3A_524 : vector<16xf32>
          %swap3A_557 = arith.index_cast %add3A_522 : i32 to index
          %swap3A_558 = arith.constant 64 : index
          %swap3A_559 = tpu.vector_load %arg20[%swap3A_557, %swap3A_558] {strides = array<i32>} : memref<96x128xf32, #tpu.memory_space<vmem>>, vector<16xf32>,
          tpu.vector_store %arg20[%swap3A_557, %swap3A_558], %mul3A_556 {strides = array<i32>} : memref<96x128xf32, #tpu.memory_space<vmem>>, vector<16xf32>,
          %get3A_560 = arith.index_cast %add3A_522 : i32 to index
          %get3A_561 = arith.constant 80 : index
          %get3A_562 = tpu.vector_load %arg20[%get3A_560, %get3A_561] {strides = array<i32>} : memref<96x128xf32, #tpu.memory_space<vmem>>, vector<16xf32>,
          %mul3A_563 = arith.mulf %get3A_562, %gather3A_524 : vector<16xf32>
          %swap3A_564 = arith.index_cast %add3A_522 : i32 to index
          %swap3A_565 = arith.constant 80 : index
          %swap3A_566 = tpu.vector_load %arg20[%swap3A_564, %swap3A_565] {strides = array<i32>} : memref<96x128xf32, #tpu.memory_space<vmem>>, vector<16xf32>,
          tpu.vector_store %arg20[%swap3A_564, %swap3A_565], %mul3A_563 {strides = array<i32>} : memref<96x128xf32, #tpu.memory_space<vmem>>, vector<16xf32>,
          %get3A_567 = arith.index_cast %add3A_522 : i32 to index
          %get3A_568 = arith.constant 96 : index
          %get3A_569 = tpu.vector_load %arg20[%get3A_567, %get3A_568] {strides = array<i32>} : memref<96x128xf32, #tpu.memory_space<vmem>>, vector<16xf32>,
          %mul3A_570 = arith.mulf %get3A_569, %gather3A_524 : vector<16xf32>
          %swap3A_571 = arith.index_cast %add3A_522 : i32 to index
          %swap3A_572 = arith.constant 96 : index
          %swap3A_573 = tpu.vector_load %arg20[%swap3A_571, %swap3A_572] {strides = array<i32>} : memref<96x128xf32, #tpu.memory_space<vmem>>, vector<16xf32>,
          tpu.vector_store %arg20[%swap3A_571, %swap3A_572], %mul3A_570 {strides = array<i32>} : memref<96x128xf32, #tpu.memory_space<vmem>>, vector<16xf32>,
          %get3A_574 = arith.index_cast %add3A_522 : i32 to index
          %get3A_575 = arith.constant 112 : index
          %get3A_576 = tpu.vector_load %arg20[%get3A_574, %get3A_575] {strides = array<i32>} : memref<96x128xf32, #tpu.memory_space<vmem>>, vector<16xf32>,
          %mul3A_577 = arith.mulf %get3A_576, %gather3A_524 : vector<16xf32>
          %swap3A_578 = arith.index_cast %add3A_522 : i32 to index
          %swap3A_579 = arith.constant 112 : index
          %swap3A_580 = tpu.vector_load %arg20[%swap3A_578, %swap3A_579] {strides = array<i32>} : memref<96x128xf32, #tpu.memory_space<vmem>>, vector<16xf32>,
          tpu.vector_store %arg20[%swap3A_578, %swap3A_579], %mul3A_577 {strides = array<i32>} : memref<96x128xf32, #tpu.memory_space<vmem>>, vector<16xf32>,
          %scan3A_581 = arith.constant 7 : i32
          %scan3A_582 = arith.addi %scan3A_138, %scan3A_581 : i32
          %mul3A_583 = arith.constant 1 : i32
          %mul3A_584 = arith.muli %scan3A_582, %mul3A_583 : i32
          %add3A_585 = arith.constant 0 : i32
          %add3A_586 = arith.addi %add3A_585, %mul3A_584 : i32
          %broadcast_in_dim3A_587 = vector.broadcast %add3A_586 : i32 to vector<16xi32>
          %gather3A_588 = tpu.vector_load_idx %arg17[%broadcast_in_dim3A_587] : memref<96xf32, #tpu.memory_space<vmem>>[vector<16xi32>], vector<16xf32>,
          %get3A_589 = arith.index_cast %add3A_586 : i32 to index
          %get3A_590 = arith.constant 0 : index
          %get3A_591 = tpu.vector_load %arg20[%get3A_589, %get3A_590] {strides = array<i32>} : memref<96x128xf32, #tpu.memory_space<vmem>>, vector<16xf32>,
          %mul3A_592 = arith.mulf %get3A_591, %gather3A_588 : vector<16xf32>
          %swap3A_593 = arith.index_cast %add3A_586 : i32 to index
          %swap3A_594 = arith.constant 0 : index
          %swap3A_595 = tpu.vector_load %arg20[%swap3A_593, %swap3A_594] {strides = array<i32>} : memref<96x128xf32, #tpu.memory_space<vmem>>, vector<16xf32>,
          tpu.vector_store %arg20[%swap3A_593, %swap3A_594], %mul3A_592 {strides = array<i32>} : memref<96x128xf32, #tpu.memory_space<vmem>>, vector<16xf32>,
          %get3A_596 = arith.index_cast %add3A_586 : i32 to index
          %get3A_597 = arith.constant 16 : index
          %get3A_598 = tpu.vector_load %arg20[%get3A_596, %get3A_597] {strides = array<i32>} : memref<96x128xf32, #tpu.memory_space<vmem>>, vector<16xf32>,
          %mul3A_599 = arith.mulf %get3A_598, %gather3A_588 : vector<16xf32>
          %swap3A_600 = arith.index_cast %add3A_586 : i32 to index
          %swap3A_601 = arith.constant 16 : index
          %swap3A_602 = tpu.vector_load %arg20[%swap3A_600, %swap3A_601] {strides = array<i32>} : memref<96x128xf32, #tpu.memory_space<vmem>>, vector<16xf32>,
          tpu.vector_store %arg20[%swap3A_600, %swap3A_601], %mul3A_599 {strides = array<i32>} : memref<96x128xf32, #tpu.memory_space<vmem>>, vector<16xf32>,
          %get3A_603 = arith.index_cast %add3A_586 : i32 to index
          %get3A_604 = arith.constant 32 : index
          %get3A_605 = tpu.vector_load %arg20[%get3A_603, %get3A_604] {strides = array<i32>} : memref<96x128xf32, #tpu.memory_space<vmem>>, vector<16xf32>,
          %mul3A_606 = arith.mulf %get3A_605, %gather3A_588 : vector<16xf32>
          %swap3A_607 = arith.index_cast %add3A_586 : i32 to index
          %swap3A_608 = arith.constant 32 : index
          %swap3A_609 = tpu.vector_load %arg20[%swap3A_607, %swap3A_608] {strides = array<i32>} : memref<96x128xf32, #tpu.memory_space<vmem>>, vector<16xf32>,
          tpu.vector_store %arg20[%swap3A_607, %swap3A_608], %mul3A_606 {strides = array<i32>} : memref<96x128xf32, #tpu.memory_space<vmem>>, vector<16xf32>,
          %get3A_610 = arith.index_cast %add3A_586 : i32 to index
          %get3A_611 = arith.constant 48 : index
          %get3A_612 = tpu.vector_load %arg20[%get3A_610, %get3A_611] {strides = array<i32>} : memref<96x128xf32, #tpu.memory_space<vmem>>, vector<16xf32>,
          %mul3A_613 = arith.mulf %get3A_612, %gather3A_588 : vector<16xf32>
          %swap3A_614 = arith.index_cast %add3A_586 : i32 to index
          %swap3A_615 = arith.constant 48 : index
          %swap3A_616 = tpu.vector_load %arg20[%swap3A_614, %swap3A_615] {strides = array<i32>} : memref<96x128xf32, #tpu.memory_space<vmem>>, vector<16xf32>,
          tpu.vector_store %arg20[%swap3A_614, %swap3A_615], %mul3A_613 {strides = array<i32>} : memref<96x128xf32, #tpu.memory_space<vmem>>, vector<16xf32>,
          %get3A_617 = arith.index_cast %add3A_586 : i32 to index
          %get3A_618 = arith.constant 64 : index
          %get3A_619 = tpu.vector_load %arg20[%get3A_617, %get3A_618] {strides = array<i32>} : memref<96x128xf32, #tpu.memory_space<vmem>>, vector<16xf32>,
          %mul3A_620 = arith.mulf %get3A_619, %gather3A_588 : vector<16xf32>
          %swap3A_621 = arith.index_cast %add3A_586 : i32 to index
          %swap3A_622 = arith.constant 64 : index
          %swap3A_623 = tpu.vector_load %arg20[%swap3A_621, %swap3A_622] {strides = array<i32>} : memref<96x128xf32, #tpu.memory_space<vmem>>, vector<16xf32>,
          tpu.vector_store %arg20[%swap3A_621, %swap3A_622], %mul3A_620 {strides = array<i32>} : memref<96x128xf32, #tpu.memory_space<vmem>>, vector<16xf32>,
          %get3A_624 = arith.index_cast %add3A_586 : i32 to index
          %get3A_625 = arith.constant 80 : index
          %get3A_626 = tpu.vector_load %arg20[%get3A_624, %get3A_625] {strides = array<i32>} : memref<96x128xf32, #tpu.memory_space<vmem>>, vector<16xf32>,
          %mul3A_627 = arith.mulf %get3A_626, %gather3A_588 : vector<16xf32>
          %swap3A_628 = arith.index_cast %add3A_586 : i32 to index
          %swap3A_629 = arith.constant 80 : index
          %swap3A_630 = tpu.vector_load %arg20[%swap3A_628, %swap3A_629] {strides = array<i32>} : memref<96x128xf32, #tpu.memory_space<vmem>>, vector<16xf32>,
          tpu.vector_store %arg20[%swap3A_628, %swap3A_629], %mul3A_627 {strides = array<i32>} : memref<96x128xf32, #tpu.memory_space<vmem>>, vector<16xf32>,
          %get3A_631 = arith.index_cast %add3A_586 : i32 to index
          %get3A_632 = arith.constant 96 : index
          %get3A_633 = tpu.vector_load %arg20[%get3A_631, %get3A_632] {strides = array<i32>} : memref<96x128xf32, #tpu.memory_space<vmem>>, vector<16xf32>,
          %mul3A_634 = arith.mulf %get3A_633, %gather3A_588 : vector<16xf32>
          %swap3A_635 = arith.index_cast %add3A_586 : i32 to index
          %swap3A_636 = arith.constant 96 : index
          %swap3A_637 = tpu.vector_load %arg20[%swap3A_635, %swap3A_636] {strides = array<i32>} : memref<96x128xf32, #tpu.memory_space<vmem>>, vector<16xf32>,
          tpu.vector_store %arg20[%swap3A_635, %swap3A_636], %mul3A_634 {strides = array<i32>} : memref<96x128xf32, #tpu.memory_space<vmem>>, vector<16xf32>,
          %get3A_638 = arith.index_cast %add3A_586 : i32 to index
          %get3A_639 = arith.constant 112 : index
          %get3A_640 = tpu.vector_load %arg20[%get3A_638, %get3A_639] {strides = array<i32>} : memref<96x128xf32, #tpu.memory_space<vmem>>, vector<16xf32>,
          %mul3A_641 = arith.mulf %get3A_640, %gather3A_588 : vector<16xf32>
          %swap3A_642 = arith.index_cast %add3A_586 : i32 to index
          %swap3A_643 = arith.constant 112 : index
          %swap3A_644 = tpu.vector_load %arg20[%swap3A_642, %swap3A_643] {strides = array<i32>} : memref<96x128xf32, #tpu.memory_space<vmem>>, vector<16xf32>,
          tpu.vector_store %arg20[%swap3A_642, %swap3A_643], %mul3A_641 {strides = array<i32>} : memref<96x128xf32, #tpu.memory_space<vmem>>, vector<16xf32>,
        }
        %scan3A_123 = arith.constant 96 : i32
        %ge3A = arith.constant 1 : i32
        %ge3A_124 = arith.cmpi sge, %add3A_100, %ge3A : i32
        %convert_element_type3A_125 = arith.extui %ge3A_124 : i1 to i32
        %cond3A_126 = arith.constant 0 : i32
        %cond3A_127 = arith.cmpi ne, %convert_element_type3A_125, %cond3A_126 : i32
        scf.if %cond3A_127 {
          %dma_wait3A_138 = arith.constant 0 : i32
          %dma_wait3A_139 = arith.constant 0 : i32
          %dma_wait3A_140 = tpu.memref_slice %arg10[%dma_wait3A_138, %dma_wait3A_139] : memref<10000x128xf32, #tpu.memory_space<vmem_shared>> -> memref<10000x128xf32, #tpu.memory_space<vmem_shared>>
          tpu.wait_indirect_dma semaphore(%arg25 : memref<!tpu.dma_semaphore, #tpu.memory_space<semaphore_mem>>) src(%arg18 : memref<96x128xf32, #tpu.memory_space<vmem>>) dst(%dma_wait3A_140 : memref<10000x128xf32, #tpu.memory_space<vmem_shared>>)
        } else {
        }
        %dma_start3A_128 = arith.constant 0 : i32
        %dma_start3A_129 = arith.constant 0 : i32
        %dma_start3A_130 = tpu.memref_slice %arg10[%dma_start3A_128, %dma_start3A_129] : memref<10000x128xf32, #tpu.memory_space<vmem_shared>> -> memref<10000x128xf32, #tpu.memory_space<vmem_shared>>
        tpu.enqueue_indirect_dma source(%arg20 : memref<96x128xf32, #tpu.memory_space<vmem>>) target(%dma_start3A_130 : memref<10000x128xf32, #tpu.memory_space<vmem_shared>>) offsets(%arg14 : memref<96xi32, #tpu.memory_space<vmem>>) semaphore(%arg25 : memref<!tpu.dma_semaphore, #tpu.memory_space<semaphore_mem>>) {add = true}
        %add3A_131 = arith.constant 2 : i32
        %add3A_132 = arith.addi %add3A_100, %add3A_131 : i32
        %lt3A_133 = arith.constant 105 : i32
        %lt3A_134 = arith.cmpi slt, %add3A_132, %lt3A_133 : i32
        %convert_element_type3A_135 = arith.extui %lt3A_134 : i1 to i32
        %cond3A_136 = arith.constant 0 : i32
        %cond3A_137 = arith.cmpi ne, %convert_element_type3A_135, %cond3A_136 : i32
        scf.if %cond3A_137 {
          %add3A_138 = arith.constant 2 : i32
          %add3A_139 = arith.addi %add3A_100, %add3A_138 : i32
          %mul3A_140 = arith.constant 96 : i32
          %mul3A_141 = arith.muli %add3A_139, %mul3A_140 : i32
          %add3A_142 = arith.addi %mul3A_0, %mul3A_141 : i32
          %dma_start3A_143 = tpu.memref_slice %arg5[%add3A_142] : memref<161280xi32, #tpu.memory_space<hbm>> -> memref<96xi32, #tpu.memory_space<hbm>>
          %dma_start3A_144 = tpu.memref_slice %arg5[%add3A_142] : memref<161280xi32, #tpu.memory_space<hbm>> -> memref<96xi32, #tpu.memory_space<hbm>>
          tpu.enqueue_dma source(%dma_start3A_144 : memref<96xi32, #tpu.memory_space<hbm>>) target(%arg13 : memref<96xi32, #tpu.memory_space<vmem>>) target_semaphore(%arg23 : memref<!tpu.dma_semaphore, #tpu.memory_space<semaphore_mem>>)
          %dma_start3A_145 = tpu.memref_slice %arg6[%add3A_142] : memref<161280xf32, #tpu.memory_space<hbm>> -> memref<96xf32, #tpu.memory_space<hbm>>
          %dma_start3A_146 = tpu.memref_slice %arg6[%add3A_142] : memref<161280xf32, #tpu.memory_space<hbm>> -> memref<96xf32, #tpu.memory_space<hbm>>
          tpu.enqueue_dma source(%dma_start3A_146 : memref<96xf32, #tpu.memory_space<hbm>>) target(%arg16 : memref<96xf32, #tpu.memory_space<vmem>>) target_semaphore(%arg23 : memref<!tpu.dma_semaphore, #tpu.memory_space<semaphore_mem>>)
          %eq3A_147 = arith.constant 0 : i32
          %eq3A_148 = arith.cmpi eq, %arg0, %eq3A_147 : i32
          %convert_element_type3A_149 = arith.extui %eq3A_148 : i1 to i32
          %cond3A_150 = arith.constant 0 : i32
          %cond3A_151 = arith.cmpi ne, %convert_element_type3A_149, %cond3A_150 : i32
          scf.if %cond3A_151 {
            %mul3A_157 = arith.constant 96 : i32
            %mul3A_158 = arith.muli %add3A_139, %mul3A_157 : i32
            %dma_start3A_159 = tpu.memref_slice %arg11[%mul3A_158] : memref<10080xi32, #tpu.memory_space<vmem>> -> memref<96xi32, #tpu.memory_space<vmem>>
            %dma_start3A_160 = arith.constant 0 : i32
            %dma_start3A_161 = arith.constant 0 : i32
            %dma_start3A_162 = tpu.memref_slice %arg2[%dma_start3A_160, %dma_start3A_161] : memref<10000x128xf32, #tpu.memory_space<hbm>> -> memref<10000x128xf32, #tpu.memory_space<hbm>>
            tpu.enqueue_indirect_dma source(%dma_start3A_162 : memref<10000x128xf32, #tpu.memory_space<hbm>>) target(%arg19 : memref<96x128xf32, #tpu.memory_space<vmem>>) offsets(%dma_start3A_159 : memref<96xi32, #tpu.memory_space<vmem>>) semaphore(%arg23 : memref<!tpu.dma_semaphore, #tpu.memory_space<semaphore_mem>>)
          } else {
          }
          %eq3A_152 = arith.constant 1 : i32
          %eq3A_153 = arith.cmpi eq, %arg0, %eq3A_152 : i32
          %convert_element_type3A_154 = arith.extui %eq3A_153 : i1 to i32
          %cond3A_155 = arith.constant 0 : i32
          %cond3A_156 = arith.cmpi ne, %convert_element_type3A_154, %cond3A_155 : i32
          scf.if %cond3A_156 {
            %mul3A_157 = arith.constant 96 : i32
            %mul3A_158 = arith.muli %add3A_139, %mul3A_157 : i32
            %dma_start3A_159 = tpu.memref_slice %arg11[%mul3A_158] : memref<10080xi32, #tpu.memory_space<vmem>> -> memref<96xi32, #tpu.memory_space<vmem>>
            %dma_start3A_160 = arith.constant 0 : i32
            %dma_start3A_161 = arith.constant 0 : i32
            %dma_start3A_162 = tpu.memref_slice %arg3[%dma_start3A_160, %dma_start3A_161] : memref<10000x128xf32, #tpu.memory_space<hbm>> -> memref<10000x128xf32, #tpu.memory_space<hbm>>
            tpu.enqueue_indirect_dma source(%dma_start3A_162 : memref<10000x128xf32, #tpu.memory_space<hbm>>) target(%arg19 : memref<96x128xf32, #tpu.memory_space<vmem>>) offsets(%dma_start3A_159 : memref<96xi32, #tpu.memory_space<vmem>>) semaphore(%arg23 : memref<!tpu.dma_semaphore, #tpu.memory_space<semaphore_mem>>)
          } else {
          }
        } else {
        }
      } else {
      }
    }
    %scan3A_53 = arith.constant 35 : i32
    %dma_wait3A = arith.constant 0 : i32
    %dma_wait3A_54 = arith.constant 0 : i32
    %dma_wait3A_55 = tpu.memref_slice %arg10[%dma_wait3A, %dma_wait3A_54] : memref<10000x128xf32, #tpu.memory_space<vmem_shared>> -> memref<10000x128xf32, #tpu.memory_space<vmem_shared>>
    tpu.wait_indirect_dma semaphore(%arg25 : memref<!tpu.dma_semaphore, #tpu.memory_space<semaphore_mem>>) src(%arg18 : memref<96x128xf32, #tpu.memory_space<vmem>>) dst(%dma_wait3A_55 : memref<10000x128xf32, #tpu.memory_space<vmem_shared>>)
    %barrier3A_56 = arith.constant 0 : index
    tpu.barrier barrier_id(%barrier3A_56)
    %sub3A_57 = arith.constant 250 : i32
    %sub3A_58 = arith.subi %sub3A_57, %arg1 : i32
    %sub3A_59 = arith.constant 16 : i32
    %sub3A_60 = arith.constant 1 : i32
    %sub3A_61 = arith.subi %sub3A_59, %sub3A_60 : i32
    %add3A_62 = arith.addi %sub3A_58, %sub3A_61 : i32
    %div3A_63 = arith.constant 16 : i32
    %div3A_64 = arith.divsi %add3A_62, %div3A_63 : i32
    %while3A_65 = arith.constant 16 : i32
    %while3A_66 = arith.constant 0 : i32
    %while3A_67 = arith.subi %div3A_64, %while3A_66 : i32
    %while3A_68 = arith.addi %while3A_66, %while3A_67 : i32
    %while3A_69 = arith.constant 1 : i32
    %while3A_70 = arith.divsi %while3A_67, %while3A_69 : i32
    %while3A_71 = arith.muli %while3A_70, %while3A_69 : i32
    %while3A_72 = arith.addi %while3A_66, %while3A_71 : i32
    %while3A_73 = arith.constant 1 : i32
    scf.for %while3A_75 = %while3A_66 to %while3A_72 step %while3A_73  : i32 {
      %mul3A_76 = arith.muli %while3A_75, %while3A_65 : i32
      %add3A_77 = arith.addi %arg1, %mul3A_76 : i32
      %mul3A_78 = arith.constant 40 : i32
      %mul3A_79 = arith.muli %add3A_77, %mul3A_78 : i32
      %eq3A_80 = arith.constant 0 : i32
      %eq3A_81 = arith.cmpi eq, %arg0, %eq3A_80 : i32
      %convert_element_type3A_82 = arith.extui %eq3A_81 : i1 to i32
      %cond3A_83 = arith.constant 0 : i32
      %cond3A_84 = arith.cmpi ne, %convert_element_type3A_82, %cond3A_83 : i32
      scf.if %cond3A_84 {
        "tpu.region"() ({
          %run_scoped3A = tpu.sem_alloc : memref<!tpu.dma_semaphore, #tpu.memory_space<semaphore_mem>>
          %dma_start3A_90 = arith.constant 0 : i32
          %dma_start3A_91 = tpu.memref_slice %arg8[%mul3A_79, %dma_start3A_90] : memref<10000x128xf32, #tpu.memory_space<hbm>> -> memref<40x128xf32, #tpu.memory_space<hbm>>
          %dma_start3A_92 = arith.constant 0 : i32
          %dma_start3A_93 = tpu.memref_slice %arg10[%mul3A_79, %dma_start3A_92] : memref<10000x128xf32, #tpu.memory_space<vmem_shared>> -> memref<40x128xf32, #tpu.memory_space<vmem_shared>>
          tpu.enqueue_dma source(%dma_start3A_93 : memref<40x128xf32, #tpu.memory_space<vmem_shared>>) target(%dma_start3A_91 : memref<40x128xf32, #tpu.memory_space<hbm>>) target_semaphore(%run_scoped3A : memref<!tpu.dma_semaphore, #tpu.memory_space<semaphore_mem>>)
          %dma_wait3A_94 = arith.constant 0 : i32
          %dma_wait3A_95 = tpu.memref_slice %arg8[%mul3A_79, %dma_wait3A_94] : memref<10000x128xf32, #tpu.memory_space<hbm>> -> memref<40x128xf32, #tpu.memory_space<hbm>>
          %dma_wait3A_96 = arith.constant 0 : i32
          %dma_wait3A_97 = tpu.memref_slice %arg10[%mul3A_79, %dma_wait3A_96] : memref<10000x128xf32, #tpu.memory_space<vmem_shared>> -> memref<40x128xf32, #tpu.memory_space<vmem_shared>>
          tpu.wait_dma2 semaphore(%run_scoped3A : memref<!tpu.dma_semaphore, #tpu.memory_space<semaphore_mem>>) src(%dma_wait3A_97 : memref<40x128xf32, #tpu.memory_space<vmem_shared>>) dst(%dma_wait3A_95 : memref<40x128xf32, #tpu.memory_space<hbm>>)
          tpu.yield
        }) : () -> ()
      } else {
      }
      %eq3A_85 = arith.constant 1 : i32
      %eq3A_86 = arith.cmpi eq, %arg0, %eq3A_85 : i32
      %convert_element_type3A_87 = arith.extui %eq3A_86 : i1 to i32
      %cond3A_88 = arith.constant 0 : i32
      %cond3A_89 = arith.cmpi ne, %convert_element_type3A_87, %cond3A_88 : i32
      scf.if %cond3A_89 {
        "tpu.region"() ({
          %run_scoped3A = tpu.sem_alloc : memref<!tpu.dma_semaphore, #tpu.memory_space<semaphore_mem>>
          %dma_start3A_90 = arith.constant 0 : i32
          %dma_start3A_91 = tpu.memref_slice %arg9[%mul3A_79, %dma_start3A_90] : memref<10000x128xf32, #tpu.memory_space<hbm>> -> memref<40x128xf32, #tpu.memory_space<hbm>>
          %dma_start3A_92 = arith.constant 0 : i32
          %dma_start3A_93 = tpu.memref_slice %arg10[%mul3A_79, %dma_start3A_92] : memref<10000x128xf32, #tpu.memory_space<vmem_shared>> -> memref<40x128xf32, #tpu.memory_space<vmem_shared>>
          tpu.enqueue_dma source(%dma_start3A_93 : memref<40x128xf32, #tpu.memory_space<vmem_shared>>) target(%dma_start3A_91 : memref<40x128xf32, #tpu.memory_space<hbm>>) target_semaphore(%run_scoped3A : memref<!tpu.dma_semaphore, #tpu.memory_space<semaphore_mem>>)
          %dma_wait3A_94 = arith.constant 0 : i32
          %dma_wait3A_95 = tpu.memref_slice %arg9[%mul3A_79, %dma_wait3A_94] : memref<10000x128xf32, #tpu.memory_space<hbm>> -> memref<40x128xf32, #tpu.memory_space<hbm>>
          %dma_wait3A_96 = arith.constant 0 : i32
          %dma_wait3A_97 = tpu.memref_slice %arg10[%mul3A_79, %dma_wait3A_96] : memref<10000x128xf32, #tpu.memory_space<vmem_shared>> -> memref<40x128xf32, #tpu.memory_space<vmem_shared>>
          tpu.wait_dma2 semaphore(%run_scoped3A : memref<!tpu.dma_semaphore, #tpu.memory_space<semaphore_mem>>) src(%dma_wait3A_97 : memref<40x128xf32, #tpu.memory_space<vmem_shared>>) dst(%dma_wait3A_95 : memref<40x128xf32, #tpu.memory_space<hbm>>)
          tpu.yield
        }) : () -> ()
      } else {
      }
    }
    %while3A_74 = arith.constant 1 : i32
    scf.for %while3A_75 = %while3A_72 to %while3A_68 step %while3A_74  : i32 {
      %mul3A_76 = arith.muli %while3A_75, %while3A_65 : i32
      %add3A_77 = arith.addi %arg1, %mul3A_76 : i32
      %mul3A_78 = arith.constant 40 : i32
      %mul3A_79 = arith.muli %add3A_77, %mul3A_78 : i32
      %eq3A_80 = arith.constant 0 : i32
      %eq3A_81 = arith.cmpi eq, %arg0, %eq3A_80 : i32
      %convert_element_type3A_82 = arith.extui %eq3A_81 : i1 to i32
      %cond3A_83 = arith.constant 0 : i32
      %cond3A_84 = arith.cmpi ne, %convert_element_type3A_82, %cond3A_83 : i32
      scf.if %cond3A_84 {
        "tpu.region"() ({
          %run_scoped3A = tpu.sem_alloc : memref<!tpu.dma_semaphore, #tpu.memory_space<semaphore_mem>>
          %dma_start3A_90 = arith.constant 0 : i32
          %dma_start3A_91 = tpu.memref_slice %arg8[%mul3A_79, %dma_start3A_90] : memref<10000x128xf32, #tpu.memory_space<hbm>> -> memref<40x128xf32, #tpu.memory_space<hbm>>
          %dma_start3A_92 = arith.constant 0 : i32
          %dma_start3A_93 = tpu.memref_slice %arg10[%mul3A_79, %dma_start3A_92] : memref<10000x128xf32, #tpu.memory_space<vmem_shared>> -> memref<40x128xf32, #tpu.memory_space<vmem_shared>>
          tpu.enqueue_dma source(%dma_start3A_93 : memref<40x128xf32, #tpu.memory_space<vmem_shared>>) target(%dma_start3A_91 : memref<40x128xf32, #tpu.memory_space<hbm>>) target_semaphore(%run_scoped3A : memref<!tpu.dma_semaphore, #tpu.memory_space<semaphore_mem>>)
          %dma_wait3A_94 = arith.constant 0 : i32
          %dma_wait3A_95 = tpu.memref_slice %arg8[%mul3A_79, %dma_wait3A_94] : memref<10000x128xf32, #tpu.memory_space<hbm>> -> memref<40x128xf32, #tpu.memory_space<hbm>>
          %dma_wait3A_96 = arith.constant 0 : i32
          %dma_wait3A_97 = tpu.memref_slice %arg10[%mul3A_79, %dma_wait3A_96] : memref<10000x128xf32, #tpu.memory_space<vmem_shared>> -> memref<40x128xf32, #tpu.memory_space<vmem_shared>>
          tpu.wait_dma2 semaphore(%run_scoped3A : memref<!tpu.dma_semaphore, #tpu.memory_space<semaphore_mem>>) src(%dma_wait3A_97 : memref<40x128xf32, #tpu.memory_space<vmem_shared>>) dst(%dma_wait3A_95 : memref<40x128xf32, #tpu.memory_space<hbm>>)
          tpu.yield
        }) : () -> ()
      } else {
      }
      %eq3A_85 = arith.constant 1 : i32
      %eq3A_86 = arith.cmpi eq, %arg0, %eq3A_85 : i32
      %convert_element_type3A_87 = arith.extui %eq3A_86 : i1 to i32
      %cond3A_88 = arith.constant 0 : i32
      %cond3A_89 = arith.cmpi ne, %convert_element_type3A_87, %cond3A_88 : i32
      scf.if %cond3A_89 {
        "tpu.region"() ({
          %run_scoped3A = tpu.sem_alloc : memref<!tpu.dma_semaphore, #tpu.memory_space<semaphore_mem>>
          %dma_start3A_90 = arith.constant 0 : i32
          %dma_start3A_91 = tpu.memref_slice %arg9[%mul3A_79, %dma_start3A_90] : memref<10000x128xf32, #tpu.memory_space<hbm>> -> memref<40x128xf32, #tpu.memory_space<hbm>>
          %dma_start3A_92 = arith.constant 0 : i32
          %dma_start3A_93 = tpu.memref_slice %arg10[%mul3A_79, %dma_start3A_92] : memref<10000x128xf32, #tpu.memory_space<vmem_shared>> -> memref<40x128xf32, #tpu.memory_space<vmem_shared>>
          tpu.enqueue_dma source(%dma_start3A_93 : memref<40x128xf32, #tpu.memory_space<vmem_shared>>) target(%dma_start3A_91 : memref<40x128xf32, #tpu.memory_space<hbm>>) target_semaphore(%run_scoped3A : memref<!tpu.dma_semaphore, #tpu.memory_space<semaphore_mem>>)
          %dma_wait3A_94 = arith.constant 0 : i32
          %dma_wait3A_95 = tpu.memref_slice %arg9[%mul3A_79, %dma_wait3A_94] : memref<10000x128xf32, #tpu.memory_space<hbm>> -> memref<40x128xf32, #tpu.memory_space<hbm>>
          %dma_wait3A_96 = arith.constant 0 : i32
          %dma_wait3A_97 = tpu.memref_slice %arg10[%mul3A_79, %dma_wait3A_96] : memref<10000x128xf32, #tpu.memory_space<vmem_shared>> -> memref<40x128xf32, #tpu.memory_space<vmem_shared>>
          tpu.wait_dma2 semaphore(%run_scoped3A : memref<!tpu.dma_semaphore, #tpu.memory_space<semaphore_mem>>) src(%dma_wait3A_97 : memref<40x128xf32, #tpu.memory_space<vmem_shared>>) dst(%dma_wait3A_95 : memref<40x128xf32, #tpu.memory_space<hbm>>)
          tpu.yield
        }) : () -> ()
      } else {
      }
    }
    return
  }
}

module attributes {stable_mosaic.version = 14 : i64} {
  func.func @body(%arg0: i32, %arg1: memref<1000x256xf32, #tpu.memory_space<vmem>>, %arg2: memref<256x256xf32, #tpu.memory_space<vmem>>, %arg3: memref<1000x128xf32, #tpu.memory_space<vmem>>, %arg4: memref<1000x128xf32, #tpu.memory_space<vmem>>) attributes {dimension_semantics = [#tpu.dimension_semantics<arbitrary>], iteration_bounds = array<i64: 10>, scalar_prefetch = 0 : i64, scratch_operands = 0 : i64, tpu.core_type = #tpu.core_type<tc>, window_params = [{transform_indices = @transform_0, window_bounds = array<i64: 1000, 256>}, {pipeline_mode = #tpu.pipeline_mode<synchronous>, transform_indices = @transform_1, window_bounds = array<i64: 256, 256>}, {transform_indices = @transform_2, window_bounds = array<i64: 1000, 128>}, {transform_indices = @transform_3, window_bounds = array<i64: 1000, 128>}]} {
    %get3A = arith.constant 0 : index
    %get3A_0 = arith.constant 0 : index
    %get3A_1 = vector.load %arg1[%get3A, %get3A_0] : memref<1000x256xf32, #tpu.memory_space<vmem>>, vector<1000x256xf32>
    %get3A_2 = arith.constant 0 : index
    %get3A_3 = arith.constant 0 : index
    %get3A_4 = vector.load %arg2[%get3A_2, %get3A_3] : memref<256x256xf32, #tpu.memory_space<vmem>>, vector<256x256xf32>
    %dot_general3A = arith.constant dense<0.000000e+00> : vector<1000x256xf32>
    %dot_general3A_5 = tpu.matmul %get3A_1, %get3A_4, %dot_general3A {dimension_numbers = #tpu.dot_dimension_numbers<[1], [0], [0], [1], [0, 0, 1, 1], [], []>, transpose_lhs_hint = false} : vector<1000x256xf32>, vector<256x256xf32>, vector<1000x256xf32> -> vector<1000x256xf32>
    %slice3A = vector.extract_strided_slice %dot_general3A_5 {offsets = [0, 0], sizes = [1000, 128], strides = [1, 1]} : vector<1000x256xf32> to vector<1000x128xf32>
    %swap3A = arith.constant 0 : index
    %swap3A_6 = arith.constant 0 : index
    %swap3A_7 = vector.load %arg3[%swap3A, %swap3A_6] : memref<1000x128xf32, #tpu.memory_space<vmem>>, vector<1000x128xf32>
    tpu.vector_store %arg3[%swap3A, %swap3A_6], %slice3A {strides = array<i32>} : memref<1000x128xf32, #tpu.memory_space<vmem>>, vector<1000x128xf32>,
    %slice3A_8 = vector.extract_strided_slice %dot_general3A_5 {offsets = [0, 128], sizes = [1000, 128], strides = [1, 1]} : vector<1000x256xf32> to vector<1000x128xf32>
    %swap3A_9 = arith.constant 0 : index
    %swap3A_10 = arith.constant 0 : index
    %swap3A_11 = vector.load %arg4[%swap3A_9, %swap3A_10] : memref<1000x128xf32, #tpu.memory_space<vmem>>, vector<1000x128xf32>
    tpu.vector_store %arg4[%swap3A_9, %swap3A_10], %slice3A_8 {strides = array<i32>} : memref<1000x128xf32, #tpu.memory_space<vmem>>, vector<1000x128xf32>,
    return
  }
  func.func @transform_0(%arg0: i32) -> (i32, i32) {
    %c0_i32 = arith.constant 0 : i32
    %c0_i32_0 = arith.constant 0 : i32
    return %arg0, %c0_i32 : i32, i32
  }
  func.func @transform_1(%arg0: i32) -> (i32, i32) {
    %c0_i32 = arith.constant 0 : i32
    %c0_i32_0 = arith.constant 0 : i32
    %c0_i32_1 = arith.constant 0 : i32
    return %c0_i32, %c0_i32_0 : i32, i32
  }
  func.func @transform_2(%arg0: i32) -> (i32, i32) {
    %c0_i32 = arith.constant 0 : i32
    %c0_i32_0 = arith.constant 0 : i32
    return %arg0, %c0_i32 : i32, i32
  }
  func.func @transform_3(%arg0: i32) -> (i32, i32) {
    %c0_i32 = arith.constant 0 : i32
    %c0_i32_0 = arith.constant 0 : i32
    return %arg0, %c0_i32 : i32, i32
  }
}

module attributes {stable_mosaic.version = 14 : i64} {
  func.func @body(%arg0: i32, %arg1: memref<1000x128xf32, #tpu.memory_space<vmem>>, %arg2: memref<1000x128xf32, #tpu.memory_space<vmem>>, %arg3: memref<256x64xf32, #tpu.memory_space<vmem>>, %arg4: memref<1000x128xf32, #tpu.memory_space<vmem>>) attributes {dimension_semantics = [#tpu.dimension_semantics<arbitrary>], iteration_bounds = array<i64: 10>, scalar_prefetch = 0 : i64, scratch_operands = 0 : i64, tpu.core_type = #tpu.core_type<tc>, window_params = [{transform_indices = @transform_0, window_bounds = array<i64: 1000, 128>}, {transform_indices = @transform_1, window_bounds = array<i64: 1000, 128>}, {pipeline_mode = #tpu.pipeline_mode<synchronous>, transform_indices = @transform_2, window_bounds = array<i64: 256, 64>}, {transform_indices = @transform_3, window_bounds = array<i64: 1000, 128>}]} {
    %get3A = arith.constant 0 : index
    %get3A_0 = arith.constant 0 : index
    %get3A_1 = vector.load %arg1[%get3A, %get3A_0] : memref<1000x128xf32, #tpu.memory_space<vmem>>, vector<1000x128xf32>
    %max3A = arith.constant 0.000000e+00 : f32
    %max3A_2 = vector.broadcast %max3A : f32 to vector<1000x128xf32>
    %max3A_3 = arith.maximumf %get3A_1, %max3A_2 : vector<1000x128xf32>
    %get3A_4 = arith.constant 0 : index
    %get3A_5 = arith.constant 0 : index
    %get3A_6 = vector.load %arg2[%get3A_4, %get3A_5] : memref<1000x128xf32, #tpu.memory_space<vmem>>, vector<1000x128xf32>
    %max3A_7 = arith.constant 0.000000e+00 : f32
    %max3A_8 = vector.broadcast %max3A_7 : f32 to vector<1000x128xf32>
    %max3A_9 = arith.maximumf %get3A_6, %max3A_8 : vector<1000x128xf32>
    %get3A_10 = arith.constant 0 : index
    %get3A_11 = arith.constant 0 : index
    %get3A_12 = vector.load %arg3[%get3A_10, %get3A_11] : memref<256x64xf32, #tpu.memory_space<vmem>>, vector<128x64xf32>
    %dot_general3A = arith.constant dense<0.000000e+00> : vector<1000x64xf32>
    %dot_general3A_13 = tpu.matmul %max3A_3, %get3A_12, %dot_general3A {dimension_numbers = #tpu.dot_dimension_numbers<[1], [0], [0], [1], [0, 0, 1, 1], [], []>, transpose_lhs_hint = false} : vector<1000x128xf32>, vector<128x64xf32>, vector<1000x64xf32> -> vector<1000x64xf32>
    %get3A_14 = arith.constant 128 : index
    %get3A_15 = arith.constant 0 : index
    %get3A_16 = vector.load %arg3[%get3A_14, %get3A_15] : memref<256x64xf32, #tpu.memory_space<vmem>>, vector<128x64xf32>
    %dot_general3A_17 = arith.constant dense<0.000000e+00> : vector<1000x64xf32>
    %dot_general3A_18 = tpu.matmul %max3A_9, %get3A_16, %dot_general3A_17 {dimension_numbers = #tpu.dot_dimension_numbers<[1], [0], [0], [1], [0, 0, 1, 1], [], []>, transpose_lhs_hint = false} : vector<1000x128xf32>, vector<128x64xf32>, vector<1000x64xf32> -> vector<1000x64xf32>
    %add3A = arith.addf %dot_general3A_13, %dot_general3A_18 : vector<1000x64xf32>
    %broadcast_in_dim3A = arith.constant 0.000000e+00 : f32
    %broadcast_in_dim3A_19 = vector.broadcast %broadcast_in_dim3A : f32 to vector<1000x64xf32>
    %concatenate3A = tpu.concatenate %add3A, %broadcast_in_dim3A_19 in 1 : vector<1000x64xf32>, vector<1000x64xf32> -> vector<1000x128xf32>
    %swap3A = arith.constant 0 : index
    %swap3A_20 = arith.constant 0 : index
    %swap3A_21 = vector.load %arg4[%swap3A, %swap3A_20] : memref<1000x128xf32, #tpu.memory_space<vmem>>, vector<1000x128xf32>
    tpu.vector_store %arg4[%swap3A, %swap3A_20], %concatenate3A {strides = array<i32>} : memref<1000x128xf32, #tpu.memory_space<vmem>>, vector<1000x128xf32>,
    return
  }
  func.func @transform_0(%arg0: i32) -> (i32, i32) {
    %c0_i32 = arith.constant 0 : i32
    %c0_i32_0 = arith.constant 0 : i32
    return %arg0, %c0_i32 : i32, i32
  }
  func.func @transform_1(%arg0: i32) -> (i32, i32) {
    %c0_i32 = arith.constant 0 : i32
    %c0_i32_0 = arith.constant 0 : i32
    return %arg0, %c0_i32 : i32, i32
  }
  func.func @transform_2(%arg0: i32) -> (i32, i32) {
    %c0_i32 = arith.constant 0 : i32
    %c0_i32_0 = arith.constant 0 : i32
    %c0_i32_1 = arith.constant 0 : i32
    return %c0_i32, %c0_i32_0 : i32, i32
  }
  func.func @transform_3(%arg0: i32) -> (i32, i32) {
    %c0_i32 = arith.constant 0 : i32
    %c0_i32_0 = arith.constant 0 : i32
    return %arg0, %c0_i32 : i32, i32
  }
}

module attributes {stable_mosaic.version = 14 : i64} {
  func.func @body(%arg0: memref<2x1024x128xf32, #tpu.memory_space<vmem>>, %arg1: memref<1x64xf32, #tpu.memory_space<vmem>>, %arg2: memref<1024x64xf32, #tpu.memory_space<vmem>>) attributes {dimension_semantics = [], scalar_prefetch = 0 : i64, scratch_operands = 0 : i64, tpu.core_type = #tpu.core_type<tc>} {
    %get3A = arith.constant 0 : index
    %get3A_0 = arith.constant 0 : index
    %get3A_1 = arith.constant 0 : index
    %get3A_2 = vector.load %arg0[%get3A, %get3A_0, %get3A_1] : memref<2x1024x128xf32, #tpu.memory_space<vmem>>, vector<1x1024x64xf32>
    %get3A_3 = vector.shape_cast %get3A_2 : vector<1x1024x64xf32> to vector<1024x64xf32>
    %get3A_4 = arith.constant 1 : index
    %get3A_5 = arith.constant 0 : index
    %get3A_6 = arith.constant 0 : index
    %get3A_7 = vector.load %arg0[%get3A_4, %get3A_5, %get3A_6] : memref<2x1024x128xf32, #tpu.memory_space<vmem>>, vector<1x1024x64xf32>
    %get3A_8 = vector.shape_cast %get3A_7 : vector<1x1024x64xf32> to vector<1024x64xf32>
    %add3A = arith.addf %get3A_3, %get3A_8 : vector<1024x64xf32>
    %get3A_9 = arith.constant 0 : index
    %get3A_10 = arith.constant 0 : index
    %get3A_11 = vector.load %arg1[%get3A_9, %get3A_10] : memref<1x64xf32, #tpu.memory_space<vmem>>, vector<1x64xf32>
    %add3A_12 = vector.broadcast %get3A_11 : vector<1x64xf32> to vector<1024x64xf32>
    %add3A_13 = arith.addf %add3A, %add3A_12 : vector<1024x64xf32>
    %swap3A = arith.constant 0 : index
    %swap3A_14 = arith.constant 0 : index
    %swap3A_15 = vector.load %arg2[%swap3A, %swap3A_14] : memref<1024x64xf32, #tpu.memory_space<vmem>>, vector<1024x64xf32>
    tpu.vector_store %arg2[%swap3A, %swap3A_14], %add3A_13 {strides = array<i32>} : memref<1024x64xf32, #tpu.memory_space<vmem>>, vector<1024x64xf32>,
    return
  }
}

</mosaic_0001>

<sc_bundles>
// kernel: kernel.10.cloned.1.call-start
scs
__scs_entry_jumppad:
0x0: {  	(pc) =	sbr.rel $0x88, $3  }
0x1: {  	(tag) =	ssettag $0x0;
	lr =	simm.s32 $0x1  }
0x2: {  	[smem:$0x3F99] =	sst lr;
	_ =	strace $0xD0000000  }
0x3: {  	_ = 	snop  }
0x4: {  	_ = 	snop  }
0x5: {  	_ = 	snop  }
0x6: {  	_ = 	snop  }
0x7: {  	_ = 	snop  }
__scs_overlays_trampoline_lowered:
0x8: {  	[smem:$0x3FA8] =	sst s0  }
0x9: {  	[smem:$0x3FA9] =	sst s1  }
0xa: {  	[smem:$0x3FAA] =	sst s2  }
0xb: {  	[smem:$0x3FAB] =	sst s3  }
0xc: {  	[smem:$0x3FAC] =	sst s4  }
0xd: {  	[smem:$0x3FAD] =	sst s5  }
0xe: {  	[smem:$0x3FAE] =	sst s6  }
0xf: {  	[smem:$0x3FAF] =	sst s7  }
0x10: {  	[smem:$0x3FB0] =	sst s8  }
0x11: {  	[smem:$0x3FB1] =	sst s9;
	s0 =	simm.s32 @!p0 $0x0  }
0x12: {  	s1 =	sld [smem:$0x3F97];
	s0 =	simm.s32 @p0 $0x1  }
0x13: {  	[smem:$0x3FB2] =	sst s0;
	s0 =	simm.s32 @!p1 $0x0  }
0x14: {  	s2 =	sld [smem:$0x3F96];
	s0 =	simm.s32 @p1 $0x1  }
0x15: {  	[smem:$0x3FB3] =	sst s0;
	s0 =	simm.s32 @!p2 $0x0  }
0x16: {  	s3 =	sld [smem:$0x3FDB];
	s0 =	simm.s32 @p2 $0x1  }
0x17: {  	s4 =	simm.s32 $0x1BF5;
	[smem:$0x3FB5] =	sst s0  }
0x18: {  	s0 =	sld [smem:$0x3F98];
	_ =	swait.ge [sflag:s4], $0x0  }
0x19: {  	s7 =	sld [smem:$0x3F99]  }
0x1a: {  	s8 =	sadd.s32 $0xFFFFE003, lr  }
0x1b: {  	s9 =	sadd.s32 $0xFFFFFEF7, lr;
	s5 =	simm.s32 $0xFFFFFFFF;
	p2 =	slt.u32 s8, $0xFFFFF086  }
0x1c: {  	p1 =	slt.u32 s9, $0xF7A;
	s5 =	simm.s32 @!p2 $0x0  }
0x1d: {  	s5 =	simm.s32 @p1 $0x1;
	p0 =	seq.s32 s7, s2  }
0x1e: {  	s7 =	smul.u32 @!p0 $0xF7A, s2;
	p2 =	seq.s32 @!p0 s5, $0x0  }
0x1f: {  	s9 =	smul.u32 $0xF7A, s1;
	s8 =	simm.s32 @!p0 $0x1BF5;
	p2 =	por !p2, p0  }
0x20: {  	[sflag:s8] =	ssyncset.s32 @!p0 $0xFFFFF086;
	s6 =	sadd.s32 @!p0 s3, s7;
	s7 =	simm.s32 @!p0 $0x108  }
0x21: {  	s3 =	sadd.s32 s3, s9;
	s6 =	sadd.s32 @!p0 $0x88, s6;
	s7 =	simm.s32 @p2 $0x1082  }
0x22: {  	[simem:s7], [sflag:s8] =	dma.local @!p0 [hbm:s6], $0xF7A  }
0x23: {  	s9 =	sor.u32 $0xD0000000, s2;
	s6 =	simm.s32 $0x108;
	_ =	swait.ge @!p0 [sflag:s8], $0x0  }
0x24: {  	s3 =	sadd.s32 $0x88, s3;
	s6 =	simm.s32 @!p1 $0x1082;
	[sflag:s4] =	ssyncset.s32 $0xFFFFF086  }
0x25: {  	[simem:s6], [sflag:s4] =	dma.local [hbm:s3], $0xF7A  }
0x26: {  	[smem:$0x3F99] =	sst s1;
	(tag) =	ssettag s2;
	_ =	strace s9  }
0x27: {  	s1 =	sld [smem:$0x3FA9]  }
0x28: {  	s2 =	sld [smem:$0x3FAA]  }
0x29: {  	s4 =	sld [smem:$0x3FAC]  }
0x2a: {  	p0 =	seq.s32 s5, $0x0;
	s5 =	sld [smem:$0x3FAD]  }
0x2b: {  	s6 =	sld [smem:$0x3FAE]  }
0x2c: {  	s7 =	sld [smem:$0x3FAF]  }
0x2d: {  	s3 =	simm.s32 $0x108;
	s8 =	sld [smem:$0x3FB0]  }
0x2e: {  	s3 =	simm.s32 @!p0 $0x1082;
	s9 =	sld [smem:$0x3FB1]  }
0x2f: {  	lr =	sadd.s32 s0, s3;
	s0 =	sld [smem:$0x3FA8]  }
0x30: {  	s3 =	sld [smem:$0x3FAB]  }
0x31: {  	[smem:$0x3FB4] =	sst s10  }
0x32: {  	s10 =	sld [smem:$0x3FB2];
	_ =	sdelay $0x3  }
0x33: {  	p0 =	seq.s32 s10, $0x1;
	s10 =	sld [smem:$0x3FB4];
	_ =	sdelay $0x3  }
0x34: {  	[smem:$0x3FB4] =	sst s10  }
0x35: {  	s10 =	sld [smem:$0x3FB3];
	_ =	sdelay $0x3  }
0x36: {  	p1 =	seq.s32 s10, $0x1;
	s10 =	sld [smem:$0x3FB4];
	_ =	sdelay $0x3  }
0x37: {  	[smem:$0x3FB4] =	sst s10  }
0x38: {  	s10 =	sld [smem:$0x3FB5]  }
0x39: {  	_ = 	snop;
	(pc) =	sbr.ind lr, $3  }
0x3a: {  	_ = 	snop  }
0x3b: {  	_ = 	snop  }
0x3c: {  	p2 =	seq.s32 s10, $0x1;
	s10 =	sld [smem:$0x3FB4]  }
0x3d: {  	_ =	shalt  }
0x3e: {  	_ =	shalt  }
0x3f: {  	_ =	shalt  }
0x40: {  	_ =	shalt  }
0x41: {  	_ =	shalt  }
0x42: {  	_ =	shalt  }
0x43: {  	_ =	shalt  }
0x44: {  	_ =	shalt  }
0x45: {  	_ =	shalt  }
0x46: {  	_ =	shalt  }
0x47: {  	_ =	shalt  }
0x48: {  	_ =	shalt  }
0x49: {  	_ =	shalt  }
0x4a: {  	_ =	shalt  }
0x4b: {  	_ =	shalt  }
0x4c: {  	_ =	shalt  }
0x4d: {  	_ =	shalt  }
0x4e: {  	_ =	shalt  }
0x4f: {  	_ =	shalt  }
0x50: {  	_ =	shalt  }
0x51: {  	_ =	shalt  }
0x52: {  	_ =	shalt  }
0x53: {  	_ =	shalt  }
0x54: {  	_ =	shalt  }
0x55: {  	_ =	shalt  }
0x56: {  	_ =	shalt  }
0x57: {  	_ =	shalt  }
0x58: {  	_ =	shalt  }
0x59: {  	_ =	shalt  }
0x5a: {  	_ =	shalt  }
0x5b: {  	_ =	shalt  }
0x5c: {  	_ =	shalt  }
0x5d: {  	_ =	shalt  }
0x5e: {  	_ =	shalt  }
0x5f: {  	_ =	shalt  }
0x60: {  	_ =	shalt  }
0x61: {  	_ =	shalt  }
0x62: {  	_ =	shalt  }
0x63: {  	_ =	shalt  }
0x64: {  	_ =	shalt  }
0x65: {  	_ =	shalt  }
0x66: {  	_ =	shalt  }
0x67: {  	_ =	shalt  }
0x68: {  	_ =	shalt  }
0x69: {  	_ =	shalt  }
0x6a: {  	_ =	shalt  }
0x6b: {  	_ =	shalt  }
0x6c: {  	_ =	shalt  }
0x6d: {  	_ =	shalt  }
0x6e: {  	_ =	shalt  }
0x6f: {  	_ =	shalt  }
0x70: {  	_ =	shalt  }
0x71: {  	_ =	shalt  }
0x72: {  	_ =	shalt  }
0x73: {  	_ =	shalt  }
0x74: {  	_ =	shalt  }
0x75: {  	_ =	shalt  }
0x76: {  	_ =	shalt  }
0x77: {  	_ =	shalt  }
0x78: {  	_ =	shalt  }
0x79: {  	_ =	shalt  }
0x7a: {  	_ =	shalt  }
0x7b: {  	_ =	shalt  }
0x7c: {  	_ =	shalt  }
0x7d: {  	_ =	shalt  }
0x7e: {  	_ =	shalt  }
0x7f: {  	_ =	shalt  }
0x80: {  	_ =	shalt  }
0x81: {  	_ =	shalt  }
0x82: {  	_ =	shalt  }
0x83: {  	_ =	shalt  }
0x84: {  	_ =	shalt  }
0x85: {  	_ =	shalt  }
0x86: {  	_ =	shalt  }
0x87: {  	_ =	shalt  }
.Lfunc_end0:
.L_simem_size_0:
called_computation.1_lowered:
.L_overlay_start_0:
0x88: {  	s2 =	sld [smem:$0x3FD9]  }
0x89: {  	s3 =	sld [smem:$0x3FFE];
	_ =	sdelay $0x1  }
0x8a: {  	s1 =	srdreg.scid  }
0x8b: {  	s0 =	sand.u32 $0x1, s1  }
0x8c: {  	s17 =	sshll.u32 s0, $0xA;
	s2 =	sadd.s32 s3, s2  }
0x8d: {  	s2 =	sadd.s32 s2, s17  }
0x8e: {  	[smem:$0x3FC0] =	sst s2  }
0x8f: {  	_ = 	snop  }
0x90: {  	s2 =	sld [smem:$0x3FC2];
	(tm) =	ssettm $0x1  }
0x91: {  	s18 =	sld [smem:$0x3FFB];
	_ =	sdelay $0x3  }
0x92: {  	_ =	strace s18  }
0x93: {  	s3 =	sld [smem:$0x3FFC];
	_ =	sdelay $0x3  }
0x94: {  	_ =	strace s3  }
0x95: {  	s3 =	sld [smem:$0x3FFD];
	_ =	sdelay $0x3  }
0x96: {  	_ =	strace s3  }
0x97: {  	_ =	strace $0x8FFFFFFF  }
0x98: {  	s19 =	sld [smem:$0x3FDB];
	_ =	sdelay $0x1  }
0x99: {  	s4 =	simm.s32 $_scs_section_size  }
0x9a: {  	s5 =	simm.s32 $_size__tile_overlayer_lowered;
	s6 =	simm.s32 $_tile_overlayer_lowered  }
0x9b: {  	s22 =	simm.s32 $0x1BFF;
	s21 =	sshll.u32 s6, $0x1;
	s3 =	sadd.s32 s4, s19  }
0x9c: {  	s7 =	simm.s32 $0x0;
	s20 =	sshll.u32 s5, $0x1;
	s5 =	sadd.s32 s21, s3  }
0x9d: {  	[timem:s7], [sflag:s22] =	dma.local [hbm:s5], s20  }
0x9e: {  	_ =	swait.ge [sflag:s22], s20  }
0x9f: {  	s4 =	ssub.s32 $0x0, s20;
	[sflag:s22] =	ssyncset.done $0x0  }
0xa0: {  	[sflag:s22] =	ssyncadd.s32 s4;
	_ =	sdelay $0x1  }
0xa1: {  	s23 =	simm.s32 $0x1B8B  }
0xa2: {  	_ =	swait.ge [sflag:s23], $0x1  }
0xa3: {  	[sflag:s23] =	ssyncset.done $0x0  }
0xa4: {  	s25 =	simm.s32 $0x1B8E;
	s24 =	sld [smem:$0x3FFE];
	[sflag:s23] =	ssyncadd.s32 $0xFFFFFFFF  }
0xa5: {  	s26 =	simm.s32 $execute0_lowered;
	[smem:$0x3FD2] =	sst s25  }
0xa6: {  	s5 =	sshll.u32 s26, $0x1;
	_ =	strace $0x80000049;
	[dreg:$0x1] =	wrdreg $0xFFFFFFFF  }
0xa7: {  	s28 =	simm.s32 $_size_execute0_lowered;
	s3 =	sadd.s32 s3, s5;
	[dreg:$0x0] =	wrdreg $0x0  }
0xa8: {  	s5 =	sshll.u32 s28, $0x1;
	[dreg:$0x2] =	wrdreg s3  }
0xa9: {  	[dreg:$0x3] =	wrdreg s5  }
0xaa: {  	[dreg:$0x4] =	wrdreg $0xC0  }
0xab: {  	_ =	task [dreg:s7], $0x5FFFF  }
0xac: {  	[dreg:$0x1] =	wrdreg $0xFFFFFFFF  }
0xad: {  	[dreg:$0x0] =	wrdreg $0x60  }
0xae: {  	[dreg:$0x2] =	wrdreg s24  }
0xaf: {  	[dreg:$0x3] =	wrdreg s2  }
0xb0: {  	[dreg:$0x4] =	wrdreg $0x0  }
0xb1: {  	[dreg:$0x5] =	wrdreg $0x9  }
0xb2: {  	_ =	task.clear_ibuf [dreg:s7], $0x6FFFF;
	_ =	strace $0x90000049  }
0xb3: {  	s29 =	simm.s32 $0x9;
	_ =	strace $0x8000004B  }
0xb4: {  	_ =	swait.ge [sflag:s29], $0x1  }
0xb5: {  	[sflag:s29] =	ssyncadd.s32 $0xFFFFFFFF  }
0xb6: {  	_ =	strace $0x9000004B  }
0xb7: {  	_ =	sfence  }
0xb8: {  	s30 =	sld [smem:$0x0];
	_ =	sdelay $0x2  }
0xb9: {  	s31 =	sshll.u32 s1, $0xD;
	s1 =	sshrl.u32 s1, $0x2  }
0xba: {  	s3 =	sand.u32 $0x4000, s31;
	s1 =	sadd.s32 s1, s30  }
0xbb: {  	s0 =	sor.u32 s3, s0;
	s1 =	sshll.u32 s1, $0x11  }
0xbc: {  	s0 =	sor.u32 s1, s0  }
0xbd: {  	s0 =	sadd.s32 $0x8F2B, s0  }
0xbe: {  	[sflag:s0] =	ssyncadd.remote.s32 $0x1  }
0xbf: {  	_ =	sfence.sel $0xFFFF  }
0xc0: {  	[dreg:$0x0] =	wrdreg $0xFFFFFFFF;
	(pc) =	sbr.abs _section_cstart, $3  }
0xc1: {  	[dreg:$0x1] =	wrdreg $0xFFFFFFFF  }
0xc2: {  	_ =	task.clear_ibuf [dreg:s7], $0x2FFFF;
	_ =	strace $0x9FFFFFFF  }
0xc3: {  	(tm) =	ssettm $0x7FFFFFFF  }
tec
execute0_lowered:
.L_overlay_start_1:
0x0: {  	(tag) =	ssettag $0x1  }
0x1: {  	s1 =	rddreg [dreg:$0x0]  }
0x2: {  	s0 =	srdreg.scid;
	s8 =	rddreg [dreg:$0x1]  }
0x3: {  	s14 =	stileid.u32;
	s2 =	rddreg [dreg:$0x2]  }
0x4: {  	s29 =	simm.s32 $0x19380;
	s30 =	simm.s32 $0x1;
	s31 =	simm.s32 $0x16180  }
0x5: {  	s28 =	simm.s32 $0x2;
	s0 =	sand.u32 $0x1, s0;
	s5 =	sadd.s32 $0x2000, s1  }
0x6: {  	s6 =	sadd.s32 $0xB2800, s1;
	s7 =	sadd.s32 $0xAD800, s1;
	s12 =	sshll.u32 s14, $0xA  }
0x7: {  	s18 =	ssub.s32 $0x109, s14;
	s23 =	sshll.u32 s14, $0x3;
	s24 =	smul.u32 $0x5000, s14  }
0x8: {  	s3 =	sshll.u32 s0, $0x4;
	s11 =	ssub.s32 $0x2, s0;
	s19 =	sshrl.u32 s18, $0x4  }
0x9: {  	s0 =	sshll.u32 s0, $0xE;
	s8 =	sadd.s32 s8, s23;
	s23 =	simm.s32 $0x60  }
0xa: {  	s18 =	simm.s32 $0x4;
	s4 =	sor.u32 s14, s3;
	s3 =	simm.s32 $0x0  }
0xb: {  	s13 =	sshrl.u32 s11, $0x1;
	s26 =	sshrl.u32 s24, $0x2;
	[smem:$0x7FF] =	sst s3  }
0xc: {  	s24 =	simm.s32 $0x16380;
	_ =	strace $0x8000004A;
	[dreg:$0x5] =	wrdreg s19  }
0xd: {  	s4 =	smul.u32 $0x13E0, s4;
	s11 =	ssub.s32 s11, s13;
	[dreg:$0xa] =	wrdreg s8  }
0xe: {  	s25 =	smax.u32 s11, $0x1;
	s19 =	simm.s32 $0x5;
	s8 =	simm.s32 $0x3  }
0xf: {  	s11 =	simm.s32 $0x0;
	s9 =	sshrl.u32 s4, $0x3;
	[dreg:$0xc] =	wrdreg s25  }
0x10: {  	s25 =	simm.s32 $0x16100;
	s10 =	sadd.s32 s9, s1;
	s21 =	sadd.s32 s6, s9  }
0x11: {  	s20 =	sadd.s32 $0xC, s9;
	s9 =	sadd.s32 s7, s9;
	[dreg:$0x6] =	wrdreg s21  }
0x12: {  	s1 =	sadd.s32 s12, s1;
	s10 =	sadd.s32 $0xB7800, s10;
	[dreg:$0x7] =	wrdreg s9  }
0x13: {  	s22 =	sadd.s32 s6, s20;
	s0 =	sadd.s32 s0, s1;
	s21 =	simm.s32 $0x16080  }
.Ltmp0:
0x14: {  	s1 =	simm.s32 $0x16300;
	[dreg:$0x4] =	wrdreg s10;
	(pc) =	sbr.rel .LBB2_1-.Ltmp0, $4  }
0x15: {  	[dreg:$0x8] =	wrdreg s22;
	s10 =	sadd.s32 s7, s20;
	s0 =	sadd.s32 $0x29200, s0  }
0x16: {  	s20 =	simm.s32 $0x13880;
	s22 =	simm.s32 $0x16200;
	[dreg:$0x9] =	wrdreg s10  }
0x17: {  	[dreg:$0xb] =	wrdreg s0;
	s0 =	sadd.s32 s26, s2;
	s10 =	simm.s32 $0x14C80  }
0x18: {  	v0 =	vimm.f32 $0.0e+00;
	s26 =	simm.s32 $0x16280;
	[dreg:$0xd] =	wrdreg s0;
	s0 =	simm.s32 $0x1C380  }
.LBB2_19:
0x19: {  	_ =	swait.ge [sflag:s18], $0x3000  }
0x1a: {  	[sflag:s18] =	ssyncset.done $0x0  }
0x1b: {  	[sflag:s18] =	ssyncadd.s32 $0xFFFFD000  }
0x1c: {  	[bflag:$0x0] =	sbarrier.arrive $0xFFFF  }
0x1d: {  	s9 =	rddreg [dreg:$0xa]  }
0x1e: {  	[tilespmem:s25], [sflag:$0x5] =	stream.linear.gather [hbm4b:s9+s3], $0x40, $0x38;
	[tilespmem:$0x1F380] =	vst v63  }
0x1f: {  	_ =	swait.ge [sflag:s19], $0x40  }
0x20: {  	[sflag:s19] =	ssyncset.done $0x0  }
0x21: {  	s15 =	simm.s32 $0x40;
	[sflag:s19] =	ssyncadd.s32 $0xFFFFFFC0  }
0x22: {  	[tilespmem:s29], [sflag:$0x1] =	stream.indirect.gather [spmem:s2], $0x80, s25, s15, $0xb8;
	[tilespmem:$0x1F380] =	vst v63  }
0x23: {  	_ =	swait.ge [sflag:s30], $0x2000  }
0x24: {  	[sflag:s30] =	ssyncset.done $0x0  }
0x25: {  	s16 =	rddreg [dreg:$0xb];
	[sflag:s30] =	ssyncadd.s32 $0xFFFFE000  }
0x26: {  	[hbm4b:s16+s3] =	stream.linear.scatter [tilespmem:s29], [sflag:$0x5], $0x2000, $0x38;
	[tilespmem:$0x1F380] =	vst v63  }
0x27: {  	_ =	swait.ge [sflag:s19], $0x2000  }
0x28: {  	s11 =	rddreg [dreg:$0xe]  }
0x29: {  	s17 =	rddreg [dreg:$0xc];
	s11 =	sadd.s32 $0x1, s11  }
0x2a: {  	p0 =	sne.s32 s11, s17  }
.Ltmp1:
0x2b: {  	_ = 	snop;
	(pc) =	sbr.rel @!p0 .LBB2_20-.Ltmp1, $3  }
0x2c: {  	_ =	sdelay $0x1  }
0x2d: {  	[sflag:s19] =	ssyncset.done $0x0  }
0x2e: {  	s10 =	simm.s32 $0x14C80;
	[sflag:s19] =	ssyncadd.s32 $0xFFFFE000  }
.LBB2_1:
0x2f: {  	[dreg:$0xe] =	wrdreg s11  }
0x30: {  	s9 =	rddreg [dreg:$0x4]  }
0x31: {  	[tilespmem:s10], [sflag:$0x5] =	stream.linear.gather [hbm4b:s9+s3], $0x13E0, $0x38;
	[tilespmem:$0x1F380] =	vst v63  }
0x32: {  	_ =	swait.ge [sflag:s19], $0x13E0  }
0x33: {  	[sflag:s19] =	ssyncset.done $0x0  }
0x34: {  	s11 =	simm.s32 $0x200;
	s9 =	simm.s32 $0x0;
	[sflag:s19] =	ssyncadd.s32 $0xFFFFEC20  }
.LBB2_2:
0x35: {  	p0 =	sne.s32 s11, $0x4E00;
	[tilespmem:s9+$0x138F0] =	vst v0  }
0x36: {  	[tilespmem:s9+$0x13880] =	vst v0  }
0x37: {  	[tilespmem:s9+$0x13890] =	vst v0  }
.Ltmp2:
0x38: {  	[tilespmem:s9+$0x138A0] =	vst v0;
	(pc) =	sbr.rel @p0 .LBB2_2-.Ltmp2, $4  }
0x39: {  	[tilespmem:s9+$0x138B0] =	vst v0  }
0x3a: {  	[tilespmem:s9+$0x138C0] =	vst v0  }
0x3b: {  	[tilespmem:s9+$0x138D0] =	vst v0  }
0x3c: {  	[tilespmem:s9+$0x138E0] =	vst v0;
	s9 =	sshra.s32 s11, $0x2;
	s11 =	sadd.s32 $0x200, s11  }
0x3d: {  	[tilespmem:s9+$0x138F0] =	vst v0  }
0x3e: {  	[tilespmem:s9+$0x13880] =	vst v0  }
0x3f: {  	[tilespmem:s9+$0x13890] =	vst v0  }
0x40: {  	[tilespmem:s9+$0x138A0] =	vst v0  }
0x41: {  	[tilespmem:s9+$0x138B0] =	vst v0;
	s17 =	rddreg [dreg:$0x5]  }
0x42: {  	[tilespmem:s9+$0x138C0] =	vst v0;
	p0 =	sne.s32 s17, $0x1  }
.Ltmp3:
0x43: {  	[tilespmem:s9+$0x138D0] =	vst v0;
	(pc) =	sbr.rel @!p0 .LBB2_5-.Ltmp3, $4  }
0x44: {  	[tilespmem:s9+$0x138E0] =	vst v0;
	s11 =	rddreg [dreg:$0xd]  }
0x45: {  	[spmem:s11] =	stream.linear.scatter [tilespmem:s20], [sflag:$0x5], $0x1400, $0x38;
	[tilespmem:$0x1F380] =	vst v63  }
0x46: {  	_ =	swait.ge [sflag:s19], $0x1400  }
0x47: {  	s9 =	sadd.s32 $0xFFFFFFFF, s17;
	[sflag:s19] =	ssyncset.done $0x0  }
.LBB2_4:
0x48: {  	p0 =	sne.s32 s9, $0x1;
	[sflag:s19] =	ssyncadd.s32 $0xFFFFEC00;
	s11 =	sadd.s32 $0x14000, s11  }
.Ltmp4:
0x49: {  	s9 =	sadd.s32 $0xFFFFFFFF, s9;
	(pc) =	sbr.rel @p0 .LBB2_4-.Ltmp4, $4  }
0x4a: {  	_ = 	snop  }
0x4b: {  	[spmem:s11] =	stream.linear.scatter [tilespmem:s20], [sflag:$0x5], $0x1400, $0x38;
	[tilespmem:$0x1F380] =	vst v63  }
0x4c: {  	_ =	swait.ge [sflag:s19], $0x1400  }
0x4d: {  	[sflag:s19] =	ssyncset.done $0x0  }
.LBB2_5:
0x4e: {  	[sflag:s19] =	ssyncadd.s32 $0xFFFFEC00  }
0x4f: {  	[bflag:$0x0] =	sbarrier.arrive $0xFFFF  }
0x50: {  	s11 =	simm.s32 $0x0;
	s9 =	rddreg [dreg:$0x6]  }
0x51: {  	[tilespmem:s21], [sflag:$0x1] =	stream.linear.gather [hbm4b:s9+s11], $0x60, $0x38;
	[tilespmem:$0x1F380] =	vst v63  }
0x52: {  	s14 =	rddreg [dreg:$0x7]  }
0x53: {  	[tilespmem:s22], [sflag:$0x1] =	stream.linear.gather [hbm4b:s14+s11], $0x60, $0x38;
	[tilespmem:$0x1F380] =	vst v63  }
0x54: {  	_ = 	snop  }
0x55: {  	[tilespmem:s24], [sflag:$0x1] =	stream.indirect.gather [hbm4b:s5+s23], $0x80, s10, s23, $0xb8;
	[tilespmem:$0x1F380] =	vst v63  }
0x56: {  	s15 =	rddreg [dreg:$0x8]  }
0x57: {  	[tilespmem:s25], [sflag:$0x2] =	stream.linear.gather [hbm4b:s15+s11], $0x60, $0x38;
	[tilespmem:$0x1F380] =	vst v63  }
.Ltmp5:
0x58: {  	_ = 	snop;
	(pc) =	sbr.rel .LBB2_6-.Ltmp5, $4  }
0x59: {  	s16 =	rddreg [dreg:$0x9]  }
0x5a: {  	[tilespmem:s26], [sflag:$0x2] =	stream.linear.gather [hbm4b:s16+s11], $0x60, $0x38;
	[tilespmem:$0x1F380] =	vst v63  }
0x5b: {  	s17 =	simm.s32 $0x14CE0;
	s12 =	simm.s32 $0x0  }
0x5c: {  	[tilespmem:s29], [sflag:$0x2] =	stream.indirect.gather [hbm4b:s5+s23], $0x80, s17, s23, $0xb8;
	[tilespmem:$0x1F380] =	vst v63  }
.LBB2_18:
0x5d: {  	s12 =	sadd.s32 $0x1, s12  }
0x5e: {  	p0 =	sne.s32 s12, $0x12  }
.Ltmp6:
0x5f: {  	_ = 	snop;
	(pc) =	sbr.rel @!p0 .LBB2_19-.Ltmp6, $1  }
0x60: {  	_ =	sdelay $0x3  }
.LBB2_6:
0x61: {  	_ =	swait.ge [sflag:s30], $0x60  }
0x62: {  	[sflag:s30] =	ssyncset.done $0x0  }
0x63: {  	v1 =	vmov s11;
	[sflag:s30] =	ssyncadd.s32 $0xFFFFFFA0  }
0x64: {  	v1 =	vand.u32 $0xFFFFFFF8, v1;
	_ =	swait.ge [sflag:s30], $0x60  }
0x65: {  	v1 =	vbroadcast v1, $0x0;
	[sflag:s30] =	ssyncset.done $0x0  }
0x66: {  	[sflag:s30] =	ssyncadd.s32 $0xFFFFFFA0  }
0x67: {  	_ =	swait.ge [sflag:s30], $0x3000  }
0x68: {  	[sflag:s30] =	ssyncset.done $0x0  }
0x69: {  	s13 =	simm.s32 $0x16580;
	[sflag:s30] =	ssyncadd.s32 $0xFFFFD000  }
0x6a: {  	v2 =	vld [tilespmem:s13+$0xFFFFFE10]  }
0x6b: {  	v1 =	vld.idx.msk [tilespmem:v1+s22+$0x0], $0xffff  }
0x6c: {  	v3 =	vld [tilespmem:s13+$0xFFFFFE00]  }
0x6d: {  	s9 =	simm.s32 $0x1;
	v4 =	vld [tilespmem:s13+$0xFFFFFE20]  }
0x6e: {  	v6 =	vmov s9;
	v5 =	vld [tilespmem:s13+$0xFFFFFE30]  }
0x6f: {  	v6 =	vand.u32 $0xFFFFFFF9, v6  }
0x70: {  	v6 =	vbroadcast v6, $0x0;
	v2 =	vmul.f32 v2, v1  }
0x71: {  	v3 =	vmul.f32 v3, v1  }
0x72: {  	v4 =	vmul.f32 v4, v1;
	[tilespmem:s13+$0xFFFFFE10] =	vst v2  }
0x73: {  	v1 =	vmul.f32 v5, v1;
	[tilespmem:s13+$0xFFFFFE00] =	vst v3  }
0x74: {  	[tilespmem:s13+$0xFFFFFE20] =	vst v4  }
0x75: {  	v2 =	vld [tilespmem:s13+$0xFFFFFE90];
	[tilespmem:s13+$0xFFFFFE30] =	vst v1  }
0x76: {  	v1 =	vld.idx.msk [tilespmem:v6+s22+$0x0], $0xffff  }
0x77: {  	v3 =	vld [tilespmem:s13+$0xFFFFFEA0]  }
0x78: {  	s14 =	simm.s32 $0x2;
	v4 =	vld [tilespmem:s13+$0xFFFFFE80]  }
0x79: {  	v5 =	vld [tilespmem:s13+$0xFFFFFEB0];
	v6 =	vmov s14  }
0x7a: {  	v6 =	vand.u32 $0xFFFFFFFA, v6  }
0x7b: {  	v6 =	vbroadcast v6, $0x0;
	v2 =	vmul.f32 v2, v1  }
0x7c: {  	v3 =	vmul.f32 v3, v1  }
0x7d: {  	v4 =	vmul.f32 v4, v1;
	[tilespmem:s13+$0xFFFFFE90] =	vst v2  }
0x7e: {  	v1 =	vmul.f32 v5, v1;
	[tilespmem:s13+$0xFFFFFEA0] =	vst v3  }
0x7f: {  	[tilespmem:s13+$0xFFFFFE80] =	vst v4  }
0x80: {  	v2 =	vld [tilespmem:s13+$0xFFFFFF10];
	[tilespmem:s13+$0xFFFFFEB0] =	vst v1  }
0x81: {  	v1 =	vld.idx.msk [tilespmem:v6+s22+$0x0], $0xffff  }
0x82: {  	v3 =	vld [tilespmem:s13+$0xFFFFFF20]  }
0x83: {  	s15 =	simm.s32 $0x3;
	v4 =	vld [tilespmem:s13+$0xFFFFFF00]  }
0x84: {  	v5 =	vld [tilespmem:s13+$0xFFFFFF30];
	v6 =	vmov s15  }
0x85: {  	v6 =	vand.u32 $0xFFFFFFFB, v6  }
0x86: {  	v6 =	vbroadcast v6, $0x0;
	v2 =	vmul.f32 v2, v1  }
0x87: {  	v3 =	vmul.f32 v3, v1  }
0x88: {  	v4 =	vmul.f32 v4, v1;
	[tilespmem:s13+$0xFFFFFF10] =	vst v2  }
0x89: {  	v1 =	vmul.f32 v5, v1;
	[tilespmem:s13+$0xFFFFFF20] =	vst v3  }
0x8a: {  	[tilespmem:s13+$0xFFFFFF00] =	vst v4  }
0x8b: {  	[tilespmem:s13+$0xFFFFFF30] =	vst v1;
	v2 =	vld [tilespmem:s13+$0xFFFFFFA0]  }
0x8c: {  	v1 =	vld.idx.msk [tilespmem:v6+s22+$0x0], $0xffff  }
0x8d: {  	v3 =	vld [tilespmem:s13+$0xFFFFFF80]  }
0x8e: {  	s16 =	simm.s32 $0x4;
	v4 =	vld [tilespmem:s13+$0xFFFFFF90]  }
0x8f: {  	v5 =	vld [tilespmem:s13+$0xFFFFFFB0];
	v6 =	vmov s16  }
0x90: {  	v6 =	vand.u32 $0xFFFFFFFC, v6  }
0x91: {  	v6 =	vbroadcast v6, $0x0;
	v2 =	vmul.f32 v2, v1  }
0x92: {  	v3 =	vmul.f32 v3, v1  }
0x93: {  	v4 =	vmul.f32 v4, v1;
	[tilespmem:s13+$0xFFFFFFA0] =	vst v2  }
0x94: {  	v1 =	vmul.f32 v5, v1;
	[tilespmem:s13+$0xFFFFFF80] =	vst v3  }
0x95: {  	v5 =	vld [tilespmem:s13+$0x0];
	[tilespmem:s13+$0xFFFFFF90] =	vst v4  }
0x96: {  	v2 =	vld [tilespmem:s13+$0x30];
	[tilespmem:s13+$0xFFFFFFB0] =	vst v1  }
0x97: {  	v1 =	vld.idx.msk [tilespmem:v6+s22+$0x0], $0xffff  }
0x98: {  	v3 =	vld [tilespmem:s13+$0x20]  }
0x99: {  	s17 =	simm.s32 $0x5;
	v4 =	vld [tilespmem:s13+$0x10]  }
0x9a: {  	v6 =	vmov s17  }
0x9b: {  	v6 =	vand.u32 $0xFFFFFFFD, v6  }
0x9c: {  	v6 =	vbroadcast v6, $0x0;
	v2 =	vmul.f32 v2, v1  }
0x9d: {  	v3 =	vmul.f32 v3, v1  }
0x9e: {  	v4 =	vmul.f32 v4, v1;
	v5 =	vmul.f32 v5, v1;
	v1 =	vld [tilespmem:s13+$0xB0];
	[tilespmem:s13+$0x30] =	vst v2  }
0x9f: {  	v2 =	vld [tilespmem:s13+$0x80];
	[tilespmem:s13+$0x20] =	vst v3  }
0xa0: {  	[tilespmem:s13+$0x10] =	vst v4;
	v4 =	vld [tilespmem:s13+$0x90]  }
0xa1: {  	[tilespmem:s13+$0x0] =	vst v5;
	v5 =	vld [tilespmem:s13+$0xA0]  }
0xa2: {  	s9 =	simm.s32 $0x0;
	s14 =	simm.s32 $0x16580;
	s15 =	simm.s32 $0x8;
	v3 =	vld.idx.msk [tilespmem:v6+s22+$0x0], $0xffff  }
.LBB2_7:
0xa3: {  	p0 =	slt.u32 s15, $0x58  }
0xa4: {  	s13 =	sadd.s32 $0x400, s13;
	s16 =	smov.u32 s15;
	s15 =	sadd.s32 $0x8, s15  }
0xa5: {  	s17 =	sadd.s32 $0x6, s9  }
0xa6: {  	v6 =	vmov s17  }
0xa7: {  	v6 =	vand.u32 $0xFFFFFFFE, v6  }
0xa8: {  	v2 =	vmul.f32 v2, v3;
	v6 =	vbroadcast v6, $0x0  }
0xa9: {  	v4 =	vmul.f32 v4, v3;
	v1 =	vmul.f32 v1, v3  }
0xaa: {  	[tilespmem:s14+$0x80] =	vst v2;
	v2 =	vmul.f32 v5, v3  }
0xab: {  	[tilespmem:s14+$0xB0] =	vst v1  }
0xac: {  	[tilespmem:s14+$0x90] =	vst v4;
	v3 =	vld [tilespmem:s14+$0x100]  }
0xad: {  	[tilespmem:s14+$0xA0] =	vst v2;
	v4 =	vld [tilespmem:s14+$0x110]  }
0xae: {  	v5 =	vld.idx.msk [tilespmem:v6+s22+$0x0], $0xffff  }
0xaf: {  	v6 =	vld [tilespmem:s14+$0x120]  }
0xb0: {  	v7 =	vld [tilespmem:s14+$0x130]  }
0xb1: {  	v2 =	vld [tilespmem:s13+$0x80]  }
0xb2: {  	v1 =	vld [tilespmem:s13+$0xB0];
	_ =	sdelay $0x1  }
0xb3: {  	v4 =	vmul.f32 v4, v5;
	v6 =	vmul.f32 v6, v5  }
0xb4: {  	v7 =	vmul.f32 v7, v5  }
0xb5: {  	[tilespmem:s14+$0x120] =	vst v6  }
0xb6: {  	[tilespmem:s14+$0x130] =	vst v7;
	_ =	sdelay $0x1  }
0xb7: {  	s17 =	sadd.s32 $0x7, s9;
	s9 =	smov.u32 s16;
	v6 =	vld [tilespmem:s14+$0x180]  }
0xb8: {  	v3 =	vmul.f32 v3, v5;
	v5 =	vmov s17;
	v7 =	vld [tilespmem:s14+$0x1B0]  }
0xb9: {  	v8 =	vmov s9  }
0xba: {  	v8 =	vand.u32 $0xFFFFFFF8, v8;
	[tilespmem:s14+$0x100] =	vst v3;
	v3 =	vld [tilespmem:s14+$0x190]  }
0xbb: {  	v8 =	vbroadcast v8, $0x0;
	v9 =	vld [tilespmem:s14+$0x1A0]  }
0xbc: {  	[tilespmem:s14+$0x110] =	vst v4  }
0xbd: {  	v4 =	vld.idx.msk [tilespmem:v5+s22+$0x0], $0xffff;
	_ =	sdelay $0x1  }
0xbe: {  	v5 =	vld [tilespmem:s13+$0xFFFFFE20]  }
0xbf: {  	v10 =	vld [tilespmem:s13+$0xFFFFFE30];
	_ =	sdelay $0x2  }
0xc0: {  	v6 =	vmul.f32 v6, v4;
	v3 =	vmul.f32 v3, v4;
	v11 =	vld [tilespmem:s13+$0xFFFFFE10]  }
0xc1: {  	s16 =	sadd.s32 $0x1, s9;
	v9 =	vmul.f32 v9, v4;
	v4 =	vmul.f32 v7, v4  }
0xc2: {  	v7 =	vmov s16;
	[tilespmem:s14+$0x180] =	vst v6  }
0xc3: {  	v6 =	vand.u32 $0xFFFFFFF9, v7;
	[tilespmem:s14+$0x190] =	vst v3  }
0xc4: {  	v3 =	vbroadcast v6, $0x0;
	[tilespmem:s14+$0x1A0] =	vst v9  }
0xc5: {  	[tilespmem:s14+$0x1B0] =	vst v4;
	s14 =	smov.u32 s13  }
0xc6: {  	v4 =	vld.idx.msk [tilespmem:v8+s22+$0x0], $0xffff;
	_ =	sdelay $0x1  }
0xc7: {  	v6 =	vld [tilespmem:s13+$0xFFFFFE00];
	_ =	sdelay $0x2  }
0xc8: {  	v7 =	vld [tilespmem:s13+$0xFFFFFEB0]  }
0xc9: {  	v8 =	vmul.f32 v11, v4;
	v9 =	vmul.f32 v10, v4;
	v10 =	vld [tilespmem:s13+$0xFFFFFE90]  }
0xca: {  	v6 =	vmul.f32 v6, v4;
	v4 =	vmul.f32 v5, v4  }
0xcb: {  	[tilespmem:s13+$0xFFFFFE10] =	vst v8;
	v5 =	vld [tilespmem:s13+$0xFFFFFE80]  }
0xcc: {  	[tilespmem:s13+$0xFFFFFE00] =	vst v6;
	v6 =	vld [tilespmem:s13+$0xFFFFFEA0]  }
0xcd: {  	s16 =	sadd.s32 $0x2, s9;
	[tilespmem:s13+$0xFFFFFE20] =	vst v4  }
0xce: {  	v4 =	vmov s16;
	[tilespmem:s13+$0xFFFFFE30] =	vst v9  }
0xcf: {  	v4 =	vand.u32 $0xFFFFFFFA, v4;
	v3 =	vld.idx.msk [tilespmem:v3+s22+$0x0], $0xffff  }
0xd0: {  	v4 =	vbroadcast v4, $0x0;
	_ =	sdelay $0x3  }
0xd1: {  	v8 =	vld [tilespmem:s13+$0xFFFFFF30]  }
0xd2: {  	v9 =	vmul.f32 v10, v3;
	v7 =	vmul.f32 v7, v3;
	v10 =	vld [tilespmem:s13+$0xFFFFFF10]  }
0xd3: {  	v5 =	vmul.f32 v5, v3;
	v3 =	vmul.f32 v6, v3  }
0xd4: {  	[tilespmem:s13+$0xFFFFFE90] =	vst v9;
	v6 =	vld [tilespmem:s13+$0xFFFFFF00]  }
0xd5: {  	[tilespmem:s13+$0xFFFFFEA0] =	vst v3;
	v3 =	vld [tilespmem:s13+$0xFFFFFF20]  }
0xd6: {  	s16 =	sadd.s32 $0x3, s9;
	[tilespmem:s13+$0xFFFFFE80] =	vst v5  }
0xd7: {  	v5 =	vmov s16;
	[tilespmem:s13+$0xFFFFFEB0] =	vst v7  }
0xd8: {  	v5 =	vand.u32 $0xFFFFFFFB, v5;
	v4 =	vld.idx.msk [tilespmem:v4+s22+$0x0], $0xffff;
	_ =	sdelay $0x1  }
0xd9: {  	v5 =	vbroadcast v5, $0x0;
	_ =	sdelay $0x3  }
0xda: {  	v7 =	vmul.f32 v10, v4;
	v3 =	vmul.f32 v3, v4  }
0xdb: {  	v6 =	vmul.f32 v6, v4;
	v4 =	vmul.f32 v8, v4  }
0xdc: {  	[tilespmem:s13+$0xFFFFFF10] =	vst v7;
	v7 =	vld [tilespmem:s13+$0xFFFFFFB0]  }
0xdd: {  	[tilespmem:s13+$0xFFFFFF20] =	vst v3;
	v3 =	vld [tilespmem:s13+$0xFFFFFF90]  }
0xde: {  	[tilespmem:s13+$0xFFFFFF00] =	vst v6  }
0xdf: {  	[tilespmem:s13+$0xFFFFFF30] =	vst v4  }
0xe0: {  	v4 =	vld.idx.msk [tilespmem:v5+s22+$0x0], $0xffff  }
0xe1: {  	v5 =	vld [tilespmem:s13+$0xFFFFFFA0]  }
0xe2: {  	v6 =	vld [tilespmem:s13+$0xFFFFFF80]  }
0xe3: {  	s16 =	sadd.s32 $0x4, s9  }
0xe4: {  	v8 =	vmov s16  }
0xe5: {  	v8 =	vand.u32 $0xFFFFFFFC, v8  }
0xe6: {  	v8 =	vbroadcast v8, $0x0;
	v5 =	vmul.f32 v5, v4  }
0xe7: {  	v3 =	vmul.f32 v3, v4;
	v6 =	vmul.f32 v6, v4  }
0xe8: {  	v4 =	vmul.f32 v7, v4;
	[tilespmem:s13+$0xFFFFFFA0] =	vst v5  }
0xe9: {  	[tilespmem:s13+$0xFFFFFF80] =	vst v6  }
0xea: {  	[tilespmem:s13+$0xFFFFFF90] =	vst v3;
	v3 =	vld [tilespmem:s13+$0x30]  }
0xeb: {  	[tilespmem:s13+$0xFFFFFFB0] =	vst v4;
	v4 =	vld [tilespmem:s13+$0x10]  }
0xec: {  	v5 =	vld.idx.msk [tilespmem:v8+s22+$0x0], $0xffff  }
0xed: {  	v6 =	vld [tilespmem:s13+$0x0]  }
0xee: {  	v7 =	vld [tilespmem:s13+$0x20]  }
0xef: {  	s16 =	sadd.s32 $0x5, s9  }
0xf0: {  	v8 =	vmov s16  }
0xf1: {  	v8 =	vand.u32 $0xFFFFFFFD, v8  }
0xf2: {  	v3 =	vmul.f32 v3, v5;
	v6 =	vmul.f32 v6, v5  }
0xf3: {  	v8 =	vbroadcast v8, $0x0;
	v7 =	vmul.f32 v7, v5  }
0xf4: {  	v4 =	vmul.f32 v4, v5;
	[tilespmem:s13+$0x30] =	vst v3  }
0xf5: {  	[tilespmem:s13+$0x20] =	vst v7  }
.Ltmp7:
0xf6: {  	[tilespmem:s13+$0x10] =	vst v4;
	(pc) =	sbr.rel @p0 .LBB2_7-.Ltmp7, $4  }
0xf7: {  	[tilespmem:s13+$0x0] =	vst v6  }
0xf8: {  	v4 =	vld [tilespmem:s13+$0x90]  }
0xf9: {  	v3 =	vld.idx.msk [tilespmem:v8+s22+$0x0], $0xffff  }
0xfa: {  	v5 =	vld [tilespmem:s13+$0xA0]  }
0xfb: {  	s13 =	sadd.s32 $0x6, s9  }
0xfc: {  	v6 =	vmov s13  }
0xfd: {  	v6 =	vand.u32 $0xFFFFFFFE, v6  }
0xfe: {  	v2 =	vmul.f32 v2, v3;
	v6 =	vbroadcast v6, $0x0  }
0xff: {  	v1 =	vmul.f32 v1, v3  }
0x100: {  	v4 =	vmul.f32 v4, v3;
	[tilespmem:s14+$0x80] =	vst v2  }
0x101: {  	v2 =	vmul.f32 v5, v3;
	[tilespmem:s14+$0xB0] =	vst v1  }
0x102: {  	[tilespmem:s14+$0x90] =	vst v4  }
0x103: {  	[tilespmem:s14+$0xA0] =	vst v2;
	v2 =	vld [tilespmem:s14+$0x120]  }
0x104: {  	v1 =	vld.idx.msk [tilespmem:v6+s22+$0x0], $0xffff  }
0x105: {  	v3 =	vld [tilespmem:s14+$0x130]  }
0x106: {  	v59 =	vld [tilespmem:s14+$0x100]  }
0x107: {  	v60 =	vld [tilespmem:s14+$0x110];
	_ =	sdelay $0x1  }
0x108: {  	s17 =	sadd.s32 $0x7, s9;
	v2 =	vmul.f32 v2, v1  }
0x109: {  	v61 =	vmov s17;
	v3 =	vmul.f32 v3, v1  }
0x10a: {  	[tilespmem:s14+$0x120] =	vst v2;
	v2 =	vmul.f32 v59, v1  }
0x10b: {  	v1 =	vmul.f32 v60, v1;
	[tilespmem:s14+$0x130] =	vst v3  }
0x10c: {  	[tilespmem:s14+$0x100] =	vst v2  }
0x10d: {  	v2 =	vld [tilespmem:s14+$0x180];
	[tilespmem:s14+$0x110] =	vst v1  }
0x10e: {  	v1 =	vld.idx.msk [tilespmem:v61+s22+$0x0], $0xffff  }
0x10f: {  	v3 =	vld [tilespmem:s14+$0x190]  }
0x110: {  	v62 =	vld [tilespmem:s14+$0x1A0]  }
0x111: {  	v63 =	vld [tilespmem:s14+$0x1B0];
	_ =	sdelay $0x1  }
0x112: {  	p0 =	sne.s32 s12, $0x0;
	v2 =	vmul.f32 v2, v1  }
.Ltmp8:
0x113: {  	v3 =	vmul.f32 v3, v1;
	(pc) =	sbr.rel @!p0 .LBB2_9-.Ltmp8, $4  }
0x114: {  	v4 =	vmul.f32 v62, v1;
	[tilespmem:s14+$0x180] =	vst v2  }
0x115: {  	v1 =	vmul.f32 v63, v1;
	[tilespmem:s14+$0x190] =	vst v3  }
0x116: {  	[tilespmem:s14+$0x1A0] =	vst v4  }
0x117: {  	[tilespmem:s14+$0x1B0] =	vst v1  }
0x118: {  	p1 =	seq.s32 s12, $0x11  }
.Ltmp9:
0x119: {  	_ = 	snop;
	(pc) =	sbr.rel @p1 .LBB2_12-.Ltmp9, $4  }
.Ltmp10:
0x11a: {  	_ =	swait.ge [sflag:s18], $0x3000;
	(pc) =	sbr.rel @!p1 .LBB2_11-.Ltmp10, $4  }
0x11b: {  	[sflag:s18] =	ssyncset.done $0x0  }
0x11c: {  	p0 =	por $0x1, $0x1;
	[sflag:s18] =	ssyncadd.s32 $0xFFFFD000  }
0x11d: {  	[spmem:s2] =	stream.indirect.scatter.add.f32 [tilespmem:s24], [sflag:$0x4], $0x80, s21, s23, $0xb8;
	[tilespmem:$0x1F380] =	vst v63  }
0x11e: {  	_ = 	snop  }
.LBB2_9:
0x11f: {  	[spmem:s2] =	stream.indirect.scatter.add.f32 [tilespmem:s24], [sflag:$0x4], $0x80, s21, s23, $0xb8;
	[tilespmem:$0x1F380] =	vst v63  }
.LBB2_11:
0x120: {  	s9 =	smul.u32 $0x120, s12;
	_ =	sdelay $0x1  }
0x121: {  	s13 =	sadd.s32 s4, s9  }
0x122: {  	s13 =	sshrl.u32 s13, $0x3  }
0x123: {  	s13 =	sadd.s32 $0x18, s13  }
0x124: {  	s14 =	sadd.s32 s6, s13  }
0x125: {  	[tilespmem:s31], [sflag:$0x3] =	stream.linear.gather [hbm4b:s14+s3], $0x60, $0x38;
	[tilespmem:$0x1F380] =	vst v63  }
0x126: {  	s13 =	sadd.s32 s7, s13  }
0x127: {  	[tilespmem:s1], [sflag:$0x3] =	stream.linear.gather [hbm4b:s13+s3], $0x60, $0x38;
	[tilespmem:$0x1F380] =	vst v63  }
0x128: {  	p0 =	por $0x0, $0x0;
	s9 =	sadd.s32 $0x14D40, s9  }
0x129: {  	[tilespmem:s0], [sflag:$0x3] =	stream.indirect.gather [hbm4b:s5+s23], $0x80, s9, s23, $0xb8;
	[tilespmem:$0x1F380] =	vst v63  }
.LBB2_12:
0x12a: {  	_ =	swait.ge [sflag:s28], $0x60  }
0x12b: {  	s13 =	simm.s32 $0x0;
	[sflag:s28] =	ssyncset.done $0x0  }
0x12c: {  	v1 =	vmov s13;
	[sflag:s28] =	ssyncadd.s32 $0xFFFFFFA0  }
0x12d: {  	v1 =	vand.u32 $0xFFFFFFF8, v1;
	_ =	swait.ge [sflag:s28], $0x60  }
0x12e: {  	v1 =	vbroadcast v1, $0x0;
	[sflag:s28] =	ssyncset.done $0x0  }
0x12f: {  	[sflag:s28] =	ssyncadd.s32 $0xFFFFFFA0  }
0x130: {  	_ =	swait.ge [sflag:s28], $0x3000  }
0x131: {  	[sflag:s28] =	ssyncset.done $0x0  }
0x132: {  	s14 =	simm.s32 $0x19580;
	[sflag:s28] =	ssyncadd.s32 $0xFFFFD000  }
0x133: {  	v2 =	vld [tilespmem:s14+$0xFFFFFE10]  }
0x134: {  	v1 =	vld.idx.msk [tilespmem:v1+s26+$0x0], $0xffff  }
0x135: {  	v3 =	vld [tilespmem:s14+$0xFFFFFE00]  }
0x136: {  	s9 =	simm.s32 $0x1;
	v4 =	vld [tilespmem:s14+$0xFFFFFE20]  }
0x137: {  	v6 =	vmov s9;
	v5 =	vld [tilespmem:s14+$0xFFFFFE30]  }
0x138: {  	v6 =	vand.u32 $0xFFFFFFF9, v6  }
0x139: {  	v6 =	vbroadcast v6, $0x0;
	v2 =	vmul.f32 v2, v1  }
0x13a: {  	v3 =	vmul.f32 v3, v1  }
0x13b: {  	v4 =	vmul.f32 v4, v1;
	[tilespmem:s14+$0xFFFFFE10] =	vst v2  }
0x13c: {  	v1 =	vmul.f32 v5, v1;
	[tilespmem:s14+$0xFFFFFE00] =	vst v3  }
0x13d: {  	[tilespmem:s14+$0xFFFFFE20] =	vst v4  }
0x13e: {  	v2 =	vld [tilespmem:s14+$0xFFFFFE90];
	[tilespmem:s14+$0xFFFFFE30] =	vst v1  }
0x13f: {  	v1 =	vld.idx.msk [tilespmem:v6+s26+$0x0], $0xffff  }
0x140: {  	v3 =	vld [tilespmem:s14+$0xFFFFFEA0]  }
0x141: {  	s10 =	simm.s32 $0x2;
	v4 =	vld [tilespmem:s14+$0xFFFFFE80]  }
0x142: {  	v5 =	vld [tilespmem:s14+$0xFFFFFEB0];
	v6 =	vmov s10  }
0x143: {  	v6 =	vand.u32 $0xFFFFFFFA, v6  }
0x144: {  	v6 =	vbroadcast v6, $0x0;
	v2 =	vmul.f32 v2, v1  }
0x145: {  	v3 =	vmul.f32 v3, v1  }
0x146: {  	v4 =	vmul.f32 v4, v1;
	[tilespmem:s14+$0xFFFFFE90] =	vst v2  }
0x147: {  	v1 =	vmul.f32 v5, v1;
	[tilespmem:s14+$0xFFFFFEA0] =	vst v3  }
0x148: {  	[tilespmem:s14+$0xFFFFFE80] =	vst v4  }
0x149: {  	v2 =	vld [tilespmem:s14+$0xFFFFFF10];
	[tilespmem:s14+$0xFFFFFEB0] =	vst v1  }
0x14a: {  	v1 =	vld.idx.msk [tilespmem:v6+s26+$0x0], $0xffff  }
0x14b: {  	v3 =	vld [tilespmem:s14+$0xFFFFFF20]  }
0x14c: {  	s15 =	simm.s32 $0x3;
	v4 =	vld [tilespmem:s14+$0xFFFFFF00]  }
0x14d: {  	v5 =	vld [tilespmem:s14+$0xFFFFFF30];
	v6 =	vmov s15  }
0x14e: {  	v6 =	vand.u32 $0xFFFFFFFB, v6  }
0x14f: {  	v6 =	vbroadcast v6, $0x0;
	v2 =	vmul.f32 v2, v1  }
0x150: {  	v3 =	vmul.f32 v3, v1  }
0x151: {  	v4 =	vmul.f32 v4, v1;
	[tilespmem:s14+$0xFFFFFF10] =	vst v2  }
0x152: {  	v1 =	vmul.f32 v5, v1;
	[tilespmem:s14+$0xFFFFFF20] =	vst v3  }
0x153: {  	[tilespmem:s14+$0xFFFFFF00] =	vst v4  }
0x154: {  	[tilespmem:s14+$0xFFFFFF30] =	vst v1;
	v2 =	vld [tilespmem:s14+$0xFFFFFFA0]  }
0x155: {  	v1 =	vld.idx.msk [tilespmem:v6+s26+$0x0], $0xffff  }
0x156: {  	v3 =	vld [tilespmem:s14+$0xFFFFFF80]  }
0x157: {  	s16 =	simm.s32 $0x4;
	v4 =	vld [tilespmem:s14+$0xFFFFFF90]  }
0x158: {  	v5 =	vld [tilespmem:s14+$0xFFFFFFB0];
	v6 =	vmov s16  }
0x159: {  	v6 =	vand.u32 $0xFFFFFFFC, v6  }
0x15a: {  	v6 =	vbroadcast v6, $0x0;
	v2 =	vmul.f32 v2, v1  }
0x15b: {  	v3 =	vmul.f32 v3, v1  }
0x15c: {  	v4 =	vmul.f32 v4, v1;
	[tilespmem:s14+$0xFFFFFFA0] =	vst v2  }
0x15d: {  	v1 =	vmul.f32 v5, v1;
	[tilespmem:s14+$0xFFFFFF80] =	vst v3  }
0x15e: {  	v5 =	vld [tilespmem:s14+$0x0];
	[tilespmem:s14+$0xFFFFFF90] =	vst v4  }
0x15f: {  	v2 =	vld [tilespmem:s14+$0x30];
	[tilespmem:s14+$0xFFFFFFB0] =	vst v1  }
0x160: {  	v1 =	vld.idx.msk [tilespmem:v6+s26+$0x0], $0xffff  }
0x161: {  	v3 =	vld [tilespmem:s14+$0x20]  }
0x162: {  	s17 =	simm.s32 $0x5;
	v4 =	vld [tilespmem:s14+$0x10]  }
0x163: {  	v6 =	vmov s17  }
0x164: {  	v6 =	vand.u32 $0xFFFFFFFD, v6  }
0x165: {  	v6 =	vbroadcast v6, $0x0;
	v2 =	vmul.f32 v2, v1  }
0x166: {  	v3 =	vmul.f32 v3, v1  }
0x167: {  	v4 =	vmul.f32 v4, v1;
	v5 =	vmul.f32 v5, v1;
	v1 =	vld [tilespmem:s14+$0xB0];
	[tilespmem:s14+$0x30] =	vst v2  }
0x168: {  	v2 =	vld [tilespmem:s14+$0x80];
	[tilespmem:s14+$0x20] =	vst v3  }
0x169: {  	[tilespmem:s14+$0x10] =	vst v4;
	v4 =	vld [tilespmem:s14+$0x90]  }
0x16a: {  	[tilespmem:s14+$0x0] =	vst v5;
	v5 =	vld [tilespmem:s14+$0xA0]  }
0x16b: {  	s9 =	simm.s32 $0x8;
	s15 =	simm.s32 $0x19580;
	v3 =	vld.idx.msk [tilespmem:v6+s26+$0x0], $0xffff  }
.LBB2_13:
0x16c: {  	p1 =	slt.u32 s9, $0x58  }
0x16d: {  	s14 =	sadd.s32 $0x400, s14;
	s16 =	smov.u32 s9;
	s9 =	sadd.s32 $0x8, s9  }
0x16e: {  	s17 =	sadd.s32 $0x6, s13  }
0x16f: {  	v6 =	vmov s17  }
0x170: {  	v6 =	vand.u32 $0xFFFFFFFE, v6  }
0x171: {  	v2 =	vmul.f32 v2, v3;
	v6 =	vbroadcast v6, $0x0  }
0x172: {  	v4 =	vmul.f32 v4, v3;
	v1 =	vmul.f32 v1, v3  }
0x173: {  	[tilespmem:s15+$0x80] =	vst v2;
	v2 =	vmul.f32 v5, v3  }
0x174: {  	[tilespmem:s15+$0xB0] =	vst v1  }
0x175: {  	[tilespmem:s15+$0x90] =	vst v4;
	v3 =	vld [tilespmem:s15+$0x100]  }
0x176: {  	[tilespmem:s15+$0xA0] =	vst v2;
	v4 =	vld [tilespmem:s15+$0x110]  }
0x177: {  	v5 =	vld.idx.msk [tilespmem:v6+s26+$0x0], $0xffff  }
0x178: {  	v6 =	vld [tilespmem:s15+$0x120]  }
0x179: {  	v7 =	vld [tilespmem:s15+$0x130]  }
0x17a: {  	v2 =	vld [tilespmem:s14+$0x80]  }
0x17b: {  	v1 =	vld [tilespmem:s14+$0xB0];
	_ =	sdelay $0x1  }
0x17c: {  	v4 =	vmul.f32 v4, v5;
	v6 =	vmul.f32 v6, v5  }
0x17d: {  	v7 =	vmul.f32 v7, v5  }
0x17e: {  	[tilespmem:s15+$0x120] =	vst v6  }
0x17f: {  	[tilespmem:s15+$0x130] =	vst v7;
	_ =	sdelay $0x1  }
0x180: {  	s17 =	sadd.s32 $0x7, s13;
	s13 =	smov.u32 s16;
	v6 =	vld [tilespmem:s15+$0x180]  }
0x181: {  	v3 =	vmul.f32 v3, v5;
	v5 =	vmov s17;
	v7 =	vld [tilespmem:s15+$0x1B0]  }
0x182: {  	v8 =	vmov s13  }
0x183: {  	v8 =	vand.u32 $0xFFFFFFF8, v8;
	[tilespmem:s15+$0x100] =	vst v3;
	v3 =	vld [tilespmem:s15+$0x190]  }
0x184: {  	v8 =	vbroadcast v8, $0x0;
	v9 =	vld [tilespmem:s15+$0x1A0]  }
0x185: {  	[tilespmem:s15+$0x110] =	vst v4  }
0x186: {  	v4 =	vld.idx.msk [tilespmem:v5+s26+$0x0], $0xffff;
	_ =	sdelay $0x1  }
0x187: {  	v5 =	vld [tilespmem:s14+$0xFFFFFE20]  }
0x188: {  	v10 =	vld [tilespmem:s14+$0xFFFFFE30];
	_ =	sdelay $0x2  }
0x189: {  	v6 =	vmul.f32 v6, v4;
	v3 =	vmul.f32 v3, v4;
	v11 =	vld [tilespmem:s14+$0xFFFFFE10]  }
0x18a: {  	s16 =	sadd.s32 $0x1, s13;
	v9 =	vmul.f32 v9, v4;
	v4 =	vmul.f32 v7, v4  }
0x18b: {  	v7 =	vmov s16;
	[tilespmem:s15+$0x180] =	vst v6  }
0x18c: {  	v6 =	vand.u32 $0xFFFFFFF9, v7;
	[tilespmem:s15+$0x190] =	vst v3  }
0x18d: {  	v3 =	vbroadcast v6, $0x0;
	[tilespmem:s15+$0x1A0] =	vst v9  }
0x18e: {  	[tilespmem:s15+$0x1B0] =	vst v4;
	s15 =	smov.u32 s14  }
0x18f: {  	v4 =	vld.idx.msk [tilespmem:v8+s26+$0x0], $0xffff;
	_ =	sdelay $0x1  }
0x190: {  	v6 =	vld [tilespmem:s14+$0xFFFFFE00];
	_ =	sdelay $0x2  }
0x191: {  	v7 =	vld [tilespmem:s14+$0xFFFFFEB0]  }
0x192: {  	v8 =	vmul.f32 v11, v4;
	v9 =	vmul.f32 v10, v4;
	v10 =	vld [tilespmem:s14+$0xFFFFFE90]  }
0x193: {  	v6 =	vmul.f32 v6, v4;
	v4 =	vmul.f32 v5, v4  }
0x194: {  	[tilespmem:s14+$0xFFFFFE10] =	vst v8;
	v5 =	vld [tilespmem:s14+$0xFFFFFE80]  }
0x195: {  	[tilespmem:s14+$0xFFFFFE00] =	vst v6;
	v6 =	vld [tilespmem:s14+$0xFFFFFEA0]  }
0x196: {  	s16 =	sadd.s32 $0x2, s13;
	[tilespmem:s14+$0xFFFFFE20] =	vst v4  }
0x197: {  	v4 =	vmov s16;
	[tilespmem:s14+$0xFFFFFE30] =	vst v9  }
0x198: {  	v4 =	vand.u32 $0xFFFFFFFA, v4;
	v3 =	vld.idx.msk [tilespmem:v3+s26+$0x0], $0xffff  }
0x199: {  	v4 =	vbroadcast v4, $0x0;
	_ =	sdelay $0x3  }
0x19a: {  	v8 =	vld [tilespmem:s14+$0xFFFFFF30]  }
0x19b: {  	v9 =	vmul.f32 v10, v3;
	v7 =	vmul.f32 v7, v3;
	v10 =	vld [tilespmem:s14+$0xFFFFFF10]  }
0x19c: {  	v5 =	vmul.f32 v5, v3;
	v3 =	vmul.f32 v6, v3  }
0x19d: {  	[tilespmem:s14+$0xFFFFFE90] =	vst v9;
	v6 =	vld [tilespmem:s14+$0xFFFFFF00]  }
0x19e: {  	[tilespmem:s14+$0xFFFFFEA0] =	vst v3;
	v3 =	vld [tilespmem:s14+$0xFFFFFF20]  }
0x19f: {  	s16 =	sadd.s32 $0x3, s13;
	[tilespmem:s14+$0xFFFFFE80] =	vst v5  }
0x1a0: {  	v5 =	vmov s16;
	[tilespmem:s14+$0xFFFFFEB0] =	vst v7  }
0x1a1: {  	v5 =	vand.u32 $0xFFFFFFFB, v5;
	v4 =	vld.idx.msk [tilespmem:v4+s26+$0x0], $0xffff;
	_ =	sdelay $0x1  }
0x1a2: {  	v5 =	vbroadcast v5, $0x0;
	_ =	sdelay $0x3  }
0x1a3: {  	v7 =	vmul.f32 v10, v4;
	v3 =	vmul.f32 v3, v4  }
0x1a4: {  	v6 =	vmul.f32 v6, v4;
	v4 =	vmul.f32 v8, v4  }
0x1a5: {  	[tilespmem:s14+$0xFFFFFF10] =	vst v7;
	v7 =	vld [tilespmem:s14+$0xFFFFFFB0]  }
0x1a6: {  	[tilespmem:s14+$0xFFFFFF20] =	vst v3;
	v3 =	vld [tilespmem:s14+$0xFFFFFF90]  }
0x1a7: {  	[tilespmem:s14+$0xFFFFFF00] =	vst v6  }
0x1a8: {  	[tilespmem:s14+$0xFFFFFF30] =	vst v4  }
0x1a9: {  	v4 =	vld.idx.msk [tilespmem:v5+s26+$0x0], $0xffff  }
0x1aa: {  	v5 =	vld [tilespmem:s14+$0xFFFFFFA0]  }
0x1ab: {  	v6 =	vld [tilespmem:s14+$0xFFFFFF80]  }
0x1ac: {  	s16 =	sadd.s32 $0x4, s13  }
0x1ad: {  	v8 =	vmov s16  }
0x1ae: {  	v8 =	vand.u32 $0xFFFFFFFC, v8  }
0x1af: {  	v8 =	vbroadcast v8, $0x0;
	v5 =	vmul.f32 v5, v4  }
0x1b0: {  	v3 =	vmul.f32 v3, v4;
	v6 =	vmul.f32 v6, v4  }
0x1b1: {  	v4 =	vmul.f32 v7, v4;
	[tilespmem:s14+$0xFFFFFFA0] =	vst v5  }
0x1b2: {  	[tilespmem:s14+$0xFFFFFF80] =	vst v6  }
0x1b3: {  	[tilespmem:s14+$0xFFFFFF90] =	vst v3;
	v3 =	vld [tilespmem:s14+$0x30]  }
0x1b4: {  	[tilespmem:s14+$0xFFFFFFB0] =	vst v4;
	v4 =	vld [tilespmem:s14+$0x10]  }
0x1b5: {  	v5 =	vld.idx.msk [tilespmem:v8+s26+$0x0], $0xffff  }
0x1b6: {  	v6 =	vld [tilespmem:s14+$0x0]  }
0x1b7: {  	v7 =	vld [tilespmem:s14+$0x20]  }
0x1b8: {  	s16 =	sadd.s32 $0x5, s13  }
0x1b9: {  	v8 =	vmov s16  }
0x1ba: {  	v8 =	vand.u32 $0xFFFFFFFD, v8  }
0x1bb: {  	v3 =	vmul.f32 v3, v5;
	v6 =	vmul.f32 v6, v5  }
0x1bc: {  	v8 =	vbroadcast v8, $0x0;
	v7 =	vmul.f32 v7, v5  }
0x1bd: {  	v4 =	vmul.f32 v4, v5;
	[tilespmem:s14+$0x30] =	vst v3  }
0x1be: {  	[tilespmem:s14+$0x20] =	vst v7  }
.Ltmp11:
0x1bf: {  	[tilespmem:s14+$0x10] =	vst v4;
	(pc) =	sbr.rel @p1 .LBB2_13-.Ltmp11, $4  }
0x1c0: {  	[tilespmem:s14+$0x0] =	vst v6  }
0x1c1: {  	v4 =	vld [tilespmem:s14+$0x90]  }
0x1c2: {  	v3 =	vld.idx.msk [tilespmem:v8+s26+$0x0], $0xffff  }
0x1c3: {  	v5 =	vld [tilespmem:s14+$0xA0]  }
0x1c4: {  	s9 =	sadd.s32 $0x6, s13  }
0x1c5: {  	v6 =	vmov s9  }
0x1c6: {  	v6 =	vand.u32 $0xFFFFFFFE, v6  }
0x1c7: {  	v2 =	vmul.f32 v2, v3;
	v6 =	vbroadcast v6, $0x0  }
0x1c8: {  	v1 =	vmul.f32 v1, v3  }
0x1c9: {  	v4 =	vmul.f32 v4, v3;
	[tilespmem:s15+$0x80] =	vst v2  }
0x1ca: {  	v2 =	vmul.f32 v5, v3;
	[tilespmem:s15+$0xB0] =	vst v1  }
0x1cb: {  	[tilespmem:s15+$0x90] =	vst v4  }
0x1cc: {  	[tilespmem:s15+$0xA0] =	vst v2;
	v2 =	vld [tilespmem:s15+$0x120]  }
0x1cd: {  	v1 =	vld.idx.msk [tilespmem:v6+s26+$0x0], $0xffff  }
0x1ce: {  	v3 =	vld [tilespmem:s15+$0x130]  }
0x1cf: {  	v59 =	vld [tilespmem:s15+$0x100]  }
0x1d0: {  	v60 =	vld [tilespmem:s15+$0x110];
	_ =	sdelay $0x1  }
0x1d1: {  	s17 =	sadd.s32 $0x7, s13;
	v2 =	vmul.f32 v2, v1  }
0x1d2: {  	v61 =	vmov s17;
	v3 =	vmul.f32 v3, v1  }
0x1d3: {  	[tilespmem:s15+$0x120] =	vst v2;
	v2 =	vmul.f32 v59, v1  }
0x1d4: {  	v1 =	vmul.f32 v60, v1;
	[tilespmem:s15+$0x130] =	vst v3  }
0x1d5: {  	[tilespmem:s15+$0x100] =	vst v2  }
0x1d6: {  	v2 =	vld [tilespmem:s15+$0x180];
	[tilespmem:s15+$0x110] =	vst v1  }
0x1d7: {  	v1 =	vld.idx.msk [tilespmem:v61+s26+$0x0], $0xffff  }
0x1d8: {  	v3 =	vld [tilespmem:s15+$0x190]  }
0x1d9: {  	v62 =	vld [tilespmem:s15+$0x1A0]  }
0x1da: {  	v63 =	vld [tilespmem:s15+$0x1B0];
	_ =	sdelay $0x1  }
0x1db: {  	v2 =	vmul.f32 v2, v1  }
0x1dc: {  	v3 =	vmul.f32 v3, v1  }
0x1dd: {  	v4 =	vmul.f32 v62, v1;
	[tilespmem:s15+$0x180] =	vst v2  }
0x1de: {  	v1 =	vmul.f32 v63, v1;
	[tilespmem:s15+$0x190] =	vst v3  }
0x1df: {  	[tilespmem:s15+$0x1A0] =	vst v4  }
.Ltmp12:
0x1e0: {  	[tilespmem:s15+$0x1B0] =	vst v1;
	(pc) =	sbr.rel @p0 .LBB2_18-.Ltmp12, $4  }
0x1e1: {  	_ =	swait.ge [sflag:s18], $0x3000  }
0x1e2: {  	[sflag:s18] =	ssyncset.done $0x0  }
0x1e3: {  	[sflag:s18] =	ssyncadd.s32 $0xFFFFD000  }
0x1e4: {  	[spmem:s2] =	stream.indirect.scatter.add.f32 [tilespmem:s29], [sflag:$0x4], $0x80, s25, s23, $0xb8;
	[tilespmem:$0x1F380] =	vst v63  }
0x1e5: {  	s13 =	smul.u32 $0x120, s12;
	_ =	sdelay $0x1  }
0x1e6: {  	s9 =	sadd.s32 s4, s13  }
0x1e7: {  	s14 =	sshrl.u32 s9, $0x3  }
0x1e8: {  	s9 =	sadd.s32 $0x24, s14  }
0x1e9: {  	s15 =	simm.s32 $0x0;
	s16 =	sadd.s32 s6, s9  }
0x1ea: {  	[tilespmem:s21], [sflag:$0x1] =	stream.linear.gather [hbm4b:s16+s15], $0x60, $0x38;
	[tilespmem:$0x1F380] =	vst v63  }
0x1eb: {  	s9 =	sadd.s32 s7, s9  }
0x1ec: {  	[tilespmem:s22], [sflag:$0x1] =	stream.linear.gather [hbm4b:s9+s15], $0x60, $0x38;
	[tilespmem:$0x1F380] =	vst v63  }
0x1ed: {  	s16 =	sadd.s32 $0x14DA0, s13  }
0x1ee: {  	[tilespmem:s24], [sflag:$0x1] =	stream.indirect.gather [hbm4b:s5+s23], $0x80, s16, s23, $0xb8;
	[tilespmem:$0x1F380] =	vst v63  }
0x1ef: {  	_ =	swait.ge [sflag:s8], $0x60  }
0x1f0: {  	[sflag:s8] =	ssyncset.done $0x0  }
0x1f1: {  	v1 =	vmov s15;
	[sflag:s8] =	ssyncadd.s32 $0xFFFFFFA0  }
0x1f2: {  	v1 =	vand.u32 $0xFFFFFFF8, v1;
	_ =	swait.ge [sflag:s8], $0x60  }
0x1f3: {  	v1 =	vbroadcast v1, $0x0;
	[sflag:s8] =	ssyncset.done $0x0  }
0x1f4: {  	[sflag:s8] =	ssyncadd.s32 $0xFFFFFFA0  }
0x1f5: {  	_ =	swait.ge [sflag:s8], $0x3000  }
0x1f6: {  	[sflag:s8] =	ssyncset.done $0x0  }
0x1f7: {  	s16 =	simm.s32 $0x1C580;
	[sflag:s8] =	ssyncadd.s32 $0xFFFFD000  }
0x1f8: {  	v2 =	vld [tilespmem:s16+$0xFFFFFE10]  }
0x1f9: {  	v1 =	vld.idx.msk [tilespmem:v1+s1+$0x0], $0xffff  }
0x1fa: {  	v3 =	vld [tilespmem:s16+$0xFFFFFE00]  }
0x1fb: {  	s17 =	simm.s32 $0x1;
	v4 =	vld [tilespmem:s16+$0xFFFFFE20]  }
0x1fc: {  	v6 =	vmov s17;
	v5 =	vld [tilespmem:s16+$0xFFFFFE30]  }
0x1fd: {  	v6 =	vand.u32 $0xFFFFFFF9, v6  }
0x1fe: {  	v6 =	vbroadcast v6, $0x0;
	v2 =	vmul.f32 v2, v1  }
0x1ff: {  	v3 =	vmul.f32 v3, v1  }
0x200: {  	v4 =	vmul.f32 v4, v1;
	[tilespmem:s16+$0xFFFFFE10] =	vst v2  }
0x201: {  	v1 =	vmul.f32 v5, v1;
	[tilespmem:s16+$0xFFFFFE00] =	vst v3  }
0x202: {  	[tilespmem:s16+$0xFFFFFE20] =	vst v4  }
0x203: {  	v2 =	vld [tilespmem:s16+$0xFFFFFE90];
	[tilespmem:s16+$0xFFFFFE30] =	vst v1  }
0x204: {  	v1 =	vld.idx.msk [tilespmem:v6+s1+$0x0], $0xffff  }
0x205: {  	v3 =	vld [tilespmem:s16+$0xFFFFFEA0]  }
0x206: {  	s31 =	simm.s32 $0x2;
	v4 =	vld [tilespmem:s16+$0xFFFFFE80]  }
0x207: {  	v5 =	vld [tilespmem:s16+$0xFFFFFEB0];
	v6 =	vmov s31  }
0x208: {  	v6 =	vand.u32 $0xFFFFFFFA, v6  }
0x209: {  	v6 =	vbroadcast v6, $0x0;
	v2 =	vmul.f32 v2, v1  }
0x20a: {  	v3 =	vmul.f32 v3, v1  }
0x20b: {  	v4 =	vmul.f32 v4, v1;
	[tilespmem:s16+$0xFFFFFE90] =	vst v2  }
0x20c: {  	v1 =	vmul.f32 v5, v1;
	[tilespmem:s16+$0xFFFFFEA0] =	vst v3  }
0x20d: {  	[tilespmem:s16+$0xFFFFFE80] =	vst v4  }
0x20e: {  	v2 =	vld [tilespmem:s16+$0xFFFFFF10];
	[tilespmem:s16+$0xFFFFFEB0] =	vst v1  }
0x20f: {  	v1 =	vld.idx.msk [tilespmem:v6+s1+$0x0], $0xffff  }
0x210: {  	v3 =	vld [tilespmem:s16+$0xFFFFFF20]  }
0x211: {  	s10 =	simm.s32 $0x3;
	v4 =	vld [tilespmem:s16+$0xFFFFFF00]  }
0x212: {  	v5 =	vld [tilespmem:s16+$0xFFFFFF30];
	v6 =	vmov s10  }
0x213: {  	v6 =	vand.u32 $0xFFFFFFFB, v6  }
0x214: {  	v6 =	vbroadcast v6, $0x0;
	v2 =	vmul.f32 v2, v1  }
0x215: {  	v3 =	vmul.f32 v3, v1  }
0x216: {  	v4 =	vmul.f32 v4, v1;
	[tilespmem:s16+$0xFFFFFF10] =	vst v2  }
0x217: {  	v1 =	vmul.f32 v5, v1;
	[tilespmem:s16+$0xFFFFFF20] =	vst v3  }
0x218: {  	[tilespmem:s16+$0xFFFFFF00] =	vst v4  }
0x219: {  	[tilespmem:s16+$0xFFFFFF30] =	vst v1;
	v2 =	vld [tilespmem:s16+$0xFFFFFFA0]  }
0x21a: {  	v1 =	vld.idx.msk [tilespmem:v6+s1+$0x0], $0xffff  }
0x21b: {  	v3 =	vld [tilespmem:s16+$0xFFFFFF80]  }
0x21c: {  	s17 =	simm.s32 $0x4;
	v4 =	vld [tilespmem:s16+$0xFFFFFF90]  }
0x21d: {  	v5 =	vld [tilespmem:s16+$0xFFFFFFB0];
	v6 =	vmov s17  }
0x21e: {  	v6 =	vand.u32 $0xFFFFFFFC, v6  }
0x21f: {  	v6 =	vbroadcast v6, $0x0;
	v2 =	vmul.f32 v2, v1  }
0x220: {  	v3 =	vmul.f32 v3, v1  }
0x221: {  	v4 =	vmul.f32 v4, v1;
	[tilespmem:s16+$0xFFFFFFA0] =	vst v2  }
0x222: {  	v1 =	vmul.f32 v5, v1;
	[tilespmem:s16+$0xFFFFFF80] =	vst v3  }
0x223: {  	v5 =	vld [tilespmem:s16+$0x0];
	[tilespmem:s16+$0xFFFFFF90] =	vst v4  }
0x224: {  	v2 =	vld [tilespmem:s16+$0x30];
	[tilespmem:s16+$0xFFFFFFB0] =	vst v1  }
0x225: {  	v1 =	vld.idx.msk [tilespmem:v6+s1+$0x0], $0xffff  }
0x226: {  	v3 =	vld [tilespmem:s16+$0x20]  }
0x227: {  	s31 =	simm.s32 $0x5;
	v4 =	vld [tilespmem:s16+$0x10]  }
0x228: {  	v6 =	vmov s31  }
0x229: {  	v6 =	vand.u32 $0xFFFFFFFD, v6  }
0x22a: {  	v6 =	vbroadcast v6, $0x0;
	v2 =	vmul.f32 v2, v1  }
0x22b: {  	v3 =	vmul.f32 v3, v1  }
0x22c: {  	v4 =	vmul.f32 v4, v1;
	v5 =	vmul.f32 v5, v1;
	v1 =	vld [tilespmem:s16+$0xB0];
	[tilespmem:s16+$0x30] =	vst v2  }
0x22d: {  	v2 =	vld [tilespmem:s16+$0x80];
	[tilespmem:s16+$0x20] =	vst v3  }
0x22e: {  	[tilespmem:s16+$0x10] =	vst v4;
	v4 =	vld [tilespmem:s16+$0x90]  }
0x22f: {  	[tilespmem:s16+$0x0] =	vst v5;
	v5 =	vld [tilespmem:s16+$0xA0]  }
0x230: {  	s9 =	simm.s32 $0x1C580;
	s17 =	simm.s32 $0x8;
	v3 =	vld.idx.msk [tilespmem:v6+s1+$0x0], $0xffff  }
.LBB2_16:
0x231: {  	p0 =	slt.u32 s17, $0x58  }
0x232: {  	s16 =	sadd.s32 $0x400, s16;
	s10 =	smov.u32 s17;
	s17 =	sadd.s32 $0x8, s17  }
0x233: {  	s31 =	sadd.s32 $0x6, s15  }
0x234: {  	v6 =	vmov s31  }
0x235: {  	v6 =	vand.u32 $0xFFFFFFFE, v6  }
0x236: {  	v2 =	vmul.f32 v2, v3;
	v6 =	vbroadcast v6, $0x0  }
0x237: {  	v4 =	vmul.f32 v4, v3;
	v1 =	vmul.f32 v1, v3  }
0x238: {  	[tilespmem:s9+$0x80] =	vst v2;
	v2 =	vmul.f32 v5, v3  }
0x239: {  	[tilespmem:s9+$0xB0] =	vst v1  }
0x23a: {  	[tilespmem:s9+$0x90] =	vst v4;
	v3 =	vld [tilespmem:s9+$0x100]  }
0x23b: {  	[tilespmem:s9+$0xA0] =	vst v2;
	v4 =	vld [tilespmem:s9+$0x110]  }
0x23c: {  	v5 =	vld.idx.msk [tilespmem:v6+s1+$0x0], $0xffff  }
0x23d: {  	v6 =	vld [tilespmem:s9+$0x120]  }
0x23e: {  	v7 =	vld [tilespmem:s9+$0x130]  }
0x23f: {  	v2 =	vld [tilespmem:s16+$0x80]  }
0x240: {  	v1 =	vld [tilespmem:s16+$0xB0];
	_ =	sdelay $0x1  }
0x241: {  	v4 =	vmul.f32 v4, v5;
	v6 =	vmul.f32 v6, v5  }
0x242: {  	v7 =	vmul.f32 v7, v5  }
0x243: {  	[tilespmem:s9+$0x120] =	vst v6  }
0x244: {  	[tilespmem:s9+$0x130] =	vst v7;
	_ =	sdelay $0x1  }
0x245: {  	s31 =	sadd.s32 $0x7, s15;
	s15 =	smov.u32 s10;
	v6 =	vld [tilespmem:s9+$0x180]  }
0x246: {  	v3 =	vmul.f32 v3, v5;
	v5 =	vmov s31;
	v7 =	vld [tilespmem:s9+$0x1B0]  }
0x247: {  	v8 =	vmov s15  }
0x248: {  	v8 =	vand.u32 $0xFFFFFFF8, v8;
	[tilespmem:s9+$0x100] =	vst v3;
	v3 =	vld [tilespmem:s9+$0x190]  }
0x249: {  	v8 =	vbroadcast v8, $0x0;
	v9 =	vld [tilespmem:s9+$0x1A0]  }
0x24a: {  	[tilespmem:s9+$0x110] =	vst v4  }
0x24b: {  	v4 =	vld.idx.msk [tilespmem:v5+s1+$0x0], $0xffff;
	_ =	sdelay $0x1  }
0x24c: {  	v5 =	vld [tilespmem:s16+$0xFFFFFE20]  }
0x24d: {  	v10 =	vld [tilespmem:s16+$0xFFFFFE30];
	_ =	sdelay $0x2  }
0x24e: {  	v6 =	vmul.f32 v6, v4;
	v3 =	vmul.f32 v3, v4;
	v11 =	vld [tilespmem:s16+$0xFFFFFE10]  }
0x24f: {  	s10 =	sadd.s32 $0x1, s15;
	v9 =	vmul.f32 v9, v4;
	v4 =	vmul.f32 v7, v4  }
0x250: {  	v7 =	vmov s10;
	[tilespmem:s9+$0x180] =	vst v6  }
0x251: {  	v6 =	vand.u32 $0xFFFFFFF9, v7;
	[tilespmem:s9+$0x190] =	vst v3  }
0x252: {  	v3 =	vbroadcast v6, $0x0;
	[tilespmem:s9+$0x1A0] =	vst v9  }
0x253: {  	[tilespmem:s9+$0x1B0] =	vst v4;
	s9 =	smov.u32 s16  }
0x254: {  	v4 =	vld.idx.msk [tilespmem:v8+s1+$0x0], $0xffff;
	_ =	sdelay $0x1  }
0x255: {  	v6 =	vld [tilespmem:s16+$0xFFFFFE00];
	_ =	sdelay $0x2  }
0x256: {  	v7 =	vld [tilespmem:s16+$0xFFFFFEB0]  }
0x257: {  	v8 =	vmul.f32 v11, v4;
	v9 =	vmul.f32 v10, v4;
	v10 =	vld [tilespmem:s16+$0xFFFFFE90]  }
0x258: {  	v6 =	vmul.f32 v6, v4;
	v4 =	vmul.f32 v5, v4  }
0x259: {  	[tilespmem:s16+$0xFFFFFE10] =	vst v8;
	v5 =	vld [tilespmem:s16+$0xFFFFFE80]  }
0x25a: {  	[tilespmem:s16+$0xFFFFFE00] =	vst v6;
	v6 =	vld [tilespmem:s16+$0xFFFFFEA0]  }
0x25b: {  	s10 =	sadd.s32 $0x2, s15;
	[tilespmem:s16+$0xFFFFFE20] =	vst v4  }
0x25c: {  	v4 =	vmov s10;
	[tilespmem:s16+$0xFFFFFE30] =	vst v9  }
0x25d: {  	v4 =	vand.u32 $0xFFFFFFFA, v4;
	v3 =	vld.idx.msk [tilespmem:v3+s1+$0x0], $0xffff  }
0x25e: {  	v4 =	vbroadcast v4, $0x0;
	_ =	sdelay $0x3  }
0x25f: {  	v8 =	vld [tilespmem:s16+$0xFFFFFF30]  }
0x260: {  	v9 =	vmul.f32 v10, v3;
	v7 =	vmul.f32 v7, v3;
	v10 =	vld [tilespmem:s16+$0xFFFFFF10]  }
0x261: {  	v5 =	vmul.f32 v5, v3;
	v3 =	vmul.f32 v6, v3  }
0x262: {  	[tilespmem:s16+$0xFFFFFE90] =	vst v9;
	v6 =	vld [tilespmem:s16+$0xFFFFFF00]  }
0x263: {  	[tilespmem:s16+$0xFFFFFEA0] =	vst v3;
	v3 =	vld [tilespmem:s16+$0xFFFFFF20]  }
0x264: {  	s10 =	sadd.s32 $0x3, s15;
	[tilespmem:s16+$0xFFFFFE80] =	vst v5  }
0x265: {  	v5 =	vmov s10;
	[tilespmem:s16+$0xFFFFFEB0] =	vst v7  }
0x266: {  	v5 =	vand.u32 $0xFFFFFFFB, v5;
	v4 =	vld.idx.msk [tilespmem:v4+s1+$0x0], $0xffff;
	_ =	sdelay $0x1  }
0x267: {  	v5 =	vbroadcast v5, $0x0;
	_ =	sdelay $0x3  }
0x268: {  	v7 =	vmul.f32 v10, v4;
	v3 =	vmul.f32 v3, v4  }
0x269: {  	v6 =	vmul.f32 v6, v4;
	v4 =	vmul.f32 v8, v4  }
0x26a: {  	[tilespmem:s16+$0xFFFFFF10] =	vst v7;
	v7 =	vld [tilespmem:s16+$0xFFFFFFB0]  }
0x26b: {  	[tilespmem:s16+$0xFFFFFF20] =	vst v3;
	v3 =	vld [tilespmem:s16+$0xFFFFFF90]  }
0x26c: {  	[tilespmem:s16+$0xFFFFFF00] =	vst v6  }
0x26d: {  	[tilespmem:s16+$0xFFFFFF30] =	vst v4  }
0x26e: {  	v4 =	vld.idx.msk [tilespmem:v5+s1+$0x0], $0xffff  }
0x26f: {  	v5 =	vld [tilespmem:s16+$0xFFFFFFA0]  }
0x270: {  	v6 =	vld [tilespmem:s16+$0xFFFFFF80]  }
0x271: {  	s10 =	sadd.s32 $0x4, s15  }
0x272: {  	v8 =	vmov s10  }
0x273: {  	v8 =	vand.u32 $0xFFFFFFFC, v8  }
0x274: {  	v8 =	vbroadcast v8, $0x0;
	v5 =	vmul.f32 v5, v4  }
0x275: {  	v3 =	vmul.f32 v3, v4;
	v6 =	vmul.f32 v6, v4  }
0x276: {  	v4 =	vmul.f32 v7, v4;
	[tilespmem:s16+$0xFFFFFFA0] =	vst v5  }
0x277: {  	[tilespmem:s16+$0xFFFFFF80] =	vst v6  }
0x278: {  	[tilespmem:s16+$0xFFFFFF90] =	vst v3;
	v3 =	vld [tilespmem:s16+$0x30]  }
0x279: {  	[tilespmem:s16+$0xFFFFFFB0] =	vst v4;
	v4 =	vld [tilespmem:s16+$0x10]  }
0x27a: {  	v5 =	vld.idx.msk [tilespmem:v8+s1+$0x0], $0xffff  }
0x27b: {  	v6 =	vld [tilespmem:s16+$0x0]  }
0x27c: {  	v7 =	vld [tilespmem:s16+$0x20]  }
0x27d: {  	s10 =	sadd.s32 $0x5, s15  }
0x27e: {  	v8 =	vmov s10  }
0x27f: {  	v8 =	vand.u32 $0xFFFFFFFD, v8  }
0x280: {  	v3 =	vmul.f32 v3, v5;
	v6 =	vmul.f32 v6, v5  }
0x281: {  	v8 =	vbroadcast v8, $0x0;
	v7 =	vmul.f32 v7, v5  }
0x282: {  	v4 =	vmul.f32 v4, v5;
	[tilespmem:s16+$0x30] =	vst v3  }
0x283: {  	[tilespmem:s16+$0x20] =	vst v7  }
.Ltmp13:
0x284: {  	[tilespmem:s16+$0x10] =	vst v4;
	(pc) =	sbr.rel @p0 .LBB2_16-.Ltmp13, $4  }
0x285: {  	[tilespmem:s16+$0x0] =	vst v6  }
0x286: {  	v4 =	vld [tilespmem:s16+$0x90]  }
0x287: {  	v3 =	vld.idx.msk [tilespmem:v8+s1+$0x0], $0xffff  }
0x288: {  	v5 =	vld [tilespmem:s16+$0xA0]  }
0x289: {  	s10 =	sadd.s32 $0x6, s15  }
0x28a: {  	v6 =	vmov s10  }
0x28b: {  	v6 =	vand.u32 $0xFFFFFFFE, v6  }
0x28c: {  	v2 =	vmul.f32 v2, v3;
	v6 =	vbroadcast v6, $0x0  }
0x28d: {  	v1 =	vmul.f32 v1, v3  }
0x28e: {  	v4 =	vmul.f32 v4, v3;
	[tilespmem:s9+$0x80] =	vst v2  }
0x28f: {  	v2 =	vmul.f32 v5, v3;
	[tilespmem:s9+$0xB0] =	vst v1  }
0x290: {  	[tilespmem:s9+$0x90] =	vst v4  }
0x291: {  	[tilespmem:s9+$0xA0] =	vst v2;
	v2 =	vld [tilespmem:s9+$0x120]  }
0x292: {  	v1 =	vld.idx.msk [tilespmem:v6+s1+$0x0], $0xffff  }
0x293: {  	v3 =	vld [tilespmem:s9+$0x130]  }
0x294: {  	v59 =	vld [tilespmem:s9+$0x100]  }
0x295: {  	v60 =	vld [tilespmem:s9+$0x110];
	_ =	sdelay $0x1  }
0x296: {  	s17 =	sadd.s32 $0x7, s15;
	v2 =	vmul.f32 v2, v1  }
0x297: {  	v61 =	vmov s17;
	v3 =	vmul.f32 v3, v1  }
0x298: {  	[tilespmem:s9+$0x120] =	vst v2;
	v2 =	vmul.f32 v59, v1  }
0x299: {  	v1 =	vmul.f32 v60, v1;
	[tilespmem:s9+$0x130] =	vst v3  }
0x29a: {  	[tilespmem:s9+$0x100] =	vst v2  }
0x29b: {  	v2 =	vld [tilespmem:s9+$0x180];
	[tilespmem:s9+$0x110] =	vst v1  }
0x29c: {  	v1 =	vld.idx.msk [tilespmem:v61+s1+$0x0], $0xffff  }
0x29d: {  	v3 =	vld [tilespmem:s9+$0x190]  }
0x29e: {  	v62 =	vld [tilespmem:s9+$0x1A0]  }
0x29f: {  	v63 =	vld [tilespmem:s9+$0x1B0];
	_ =	sdelay $0x1  }
0x2a0: {  	v2 =	vmul.f32 v2, v1  }
0x2a1: {  	v3 =	vmul.f32 v3, v1  }
0x2a2: {  	v4 =	vmul.f32 v62, v1;
	[tilespmem:s9+$0x180] =	vst v2  }
0x2a3: {  	v1 =	vmul.f32 v63, v1;
	[tilespmem:s9+$0x190] =	vst v3  }
0x2a4: {  	[tilespmem:s9+$0x1A0] =	vst v4  }
0x2a5: {  	[tilespmem:s9+$0x1B0] =	vst v1  }
0x2a6: {  	_ =	swait.ge [sflag:s18], $0x3000  }
0x2a7: {  	[sflag:s18] =	ssyncset.done $0x0  }
0x2a8: {  	s31 =	simm.s32 $0x16180;
	s15 =	sadd.s32 $0x30, s14;
	[sflag:s18] =	ssyncadd.s32 $0xFFFFD000  }
0x2a9: {  	[spmem:s2] =	stream.indirect.scatter.add.f32 [tilespmem:s0], [sflag:$0x4], $0x80, s31, s23, $0xb8;
	[tilespmem:$0x1F380] =	vst v63  }
0x2aa: {  	s16 =	sadd.s32 s6, s15  }
0x2ab: {  	[tilespmem:s25], [sflag:$0x2] =	stream.linear.gather [hbm4b:s16+s3], $0x60, $0x38;
	[tilespmem:$0x1F380] =	vst v63  }
.Ltmp14:
0x2ac: {  	_ = 	snop;
	(pc) =	sbr.rel .LBB2_18-.Ltmp14, $4  }
0x2ad: {  	s9 =	sadd.s32 s7, s15  }
0x2ae: {  	[tilespmem:s26], [sflag:$0x2] =	stream.linear.gather [hbm4b:s9+s3], $0x60, $0x38;
	[tilespmem:$0x1F380] =	vst v63  }
0x2af: {  	s17 =	sadd.s32 $0x14E00, s13  }
0x2b0: {  	[tilespmem:s29], [sflag:$0x2] =	stream.indirect.gather [hbm4b:s5+s23], $0x80, s17, s23, $0xb8;
	[tilespmem:$0x1F380] =	vst v63  }
.LBB2_20:
0x2b1: {  	_ =	sfence.sel $0x180000  }
0x2b2: {  	[bflag:$0x0] =	sbarrier.arrive $0xFFFF  }
0x2b3: {  	_ =	strace $0x9000004A  }
0x2b4: {  	s0 =	stileid.u32;
	[bflag:$0x2] =	sbarrier.arrive $0xFFFF  }
0x2b5: {  	p0 =	sne.s32 s0, $0x0;
	s0 =	rddreg [dreg:$0x3]  }
0x2b6: {  	s0 =	sadd.s32 @!p0 $0x100000, s0  }
0x2b7: {  	[sflag:s0] =	ssyncadd.tile.s32 @!p0 $0x1;
	_ =	shalt  }
.Lfunc_end2:
_tile_overlayer_lowered:
.L_overlay_start_2:
0x2b8: {  	(tag) =	ssettag $0x2  }
0x2b9: {  	s0 =	rddreg [dreg:$0x0];
	s2 =	stileid.u32  }
0x2ba: {  	s1 =	rddreg [dreg:$0x1];
	p0 =	sne.s32 s2, $0x0  }
0x2bb: {  	s3 =	rddreg [dreg:$0x2];
	[bflag:$0x3] =	sbarrier.arrive $0xFFFF;
	s2 =	simm.s32 @!p0 $0x1C05  }
0x2bc: {  	[timem:s3], [sflag:s2] =	dma.local @!p0 [hbm:s0], s1  }
0x2bd: {  	s0 =	simm.s32 @!p0 $0x5  }
0x2be: {  	_ =	swait.ge @!p0 [sflag:s0], s1  }
0x2bf: {  	s1 =	ssub.s32 @!p0 $0x0, s1;
	[sflag:s0] =	ssyncset.done @!p0 $0x0  }
0x2c0: {  	[sflag:s0] =	ssyncadd.s32 @!p0 s1  }
0x2c1: {  	[bflag:$0x3] =	sbarrier.arrive $0xFFFF  }
0x2c2: {  	_ =	shalt  }

// kernel: kernel.7.cloned.1.call-start
scs
__scs_entry_jumppad:
0x0: {  	(pc) =	sbr.rel $0x88, $3  }
0x1: {  	(tag) =	ssettag $0x0;
	lr =	simm.s32 $0x1  }
0x2: {  	[smem:$0x3F99] =	sst lr;
	_ =	strace $0xD0000000  }
0x3: {  	_ = 	snop  }
0x4: {  	_ = 	snop  }
0x5: {  	_ = 	snop  }
0x6: {  	_ = 	snop  }
0x7: {  	_ = 	snop  }
__scs_overlays_trampoline_lowered:
0x8: {  	[smem:$0x3FA8] =	sst s0  }
0x9: {  	[smem:$0x3FA9] =	sst s1  }
0xa: {  	[smem:$0x3FAA] =	sst s2  }
0xb: {  	[smem:$0x3FAB] =	sst s3  }
0xc: {  	[smem:$0x3FAC] =	sst s4  }
0xd: {  	[smem:$0x3FAD] =	sst s5  }
0xe: {  	[smem:$0x3FAE] =	sst s6  }
0xf: {  	[smem:$0x3FAF] =	sst s7  }
0x10: {  	[smem:$0x3FB0] =	sst s8  }
0x11: {  	[smem:$0x3FB1] =	sst s9;
	s0 =	simm.s32 @!p0 $0x0  }
0x12: {  	s1 =	sld [smem:$0x3F97];
	s0 =	simm.s32 @p0 $0x1  }
0x13: {  	[smem:$0x3FB2] =	sst s0;
	s0 =	simm.s32 @!p1 $0x0  }
0x14: {  	s2 =	sld [smem:$0x3F96];
	s0 =	simm.s32 @p1 $0x1  }
0x15: {  	[smem:$0x3FB3] =	sst s0;
	s0 =	simm.s32 @!p2 $0x0  }
0x16: {  	s3 =	sld [smem:$0x3FDB];
	s0 =	simm.s32 @p2 $0x1  }
0x17: {  	s4 =	simm.s32 $0x1BF5;
	[smem:$0x3FB5] =	sst s0  }
0x18: {  	s0 =	sld [smem:$0x3F98];
	_ =	swait.ge [sflag:s4], $0x0  }
0x19: {  	s7 =	sld [smem:$0x3F99]  }
0x1a: {  	s8 =	sadd.s32 $0xFFFFE003, lr  }
0x1b: {  	s9 =	sadd.s32 $0xFFFFFEF7, lr;
	s5 =	simm.s32 $0xFFFFFFFF;
	p2 =	slt.u32 s8, $0xFFFFF086  }
0x1c: {  	p1 =	slt.u32 s9, $0xF7A;
	s5 =	simm.s32 @!p2 $0x0  }
0x1d: {  	s5 =	simm.s32 @p1 $0x1;
	p0 =	seq.s32 s7, s2  }
0x1e: {  	s7 =	smul.u32 @!p0 $0xF7A, s2;
	p2 =	seq.s32 @!p0 s5, $0x0  }
0x1f: {  	s9 =	smul.u32 $0xF7A, s1;
	s8 =	simm.s32 @!p0 $0x1BF5;
	p2 =	por !p2, p0  }
0x20: {  	[sflag:s8] =	ssyncset.s32 @!p0 $0xFFFFF086;
	s6 =	sadd.s32 @!p0 s3, s7;
	s7 =	simm.s32 @!p0 $0x108  }
0x21: {  	s3 =	sadd.s32 s3, s9;
	s6 =	sadd.s32 @!p0 $0x88, s6;
	s7 =	simm.s32 @p2 $0x1082  }
0x22: {  	[simem:s7], [sflag:s8] =	dma.local @!p0 [hbm:s6], $0xF7A  }
0x23: {  	s9 =	sor.u32 $0xD0000000, s2;
	s6 =	simm.s32 $0x108;
	_ =	swait.ge @!p0 [sflag:s8], $0x0  }
0x24: {  	s3 =	sadd.s32 $0x88, s3;
	s6 =	simm.s32 @!p1 $0x1082;
	[sflag:s4] =	ssyncset.s32 $0xFFFFF086  }
0x25: {  	[simem:s6], [sflag:s4] =	dma.local [hbm:s3], $0xF7A  }
0x26: {  	[smem:$0x3F99] =	sst s1;
	(tag) =	ssettag s2;
	_ =	strace s9  }
0x27: {  	s1 =	sld [smem:$0x3FA9]  }
0x28: {  	s2 =	sld [smem:$0x3FAA]  }
0x29: {  	s4 =	sld [smem:$0x3FAC]  }
0x2a: {  	p0 =	seq.s32 s5, $0x0;
	s5 =	sld [smem:$0x3FAD]  }
0x2b: {  	s6 =	sld [smem:$0x3FAE]  }
0x2c: {  	s7 =	sld [smem:$0x3FAF]  }
0x2d: {  	s3 =	simm.s32 $0x108;
	s8 =	sld [smem:$0x3FB0]  }
0x2e: {  	s3 =	simm.s32 @!p0 $0x1082;
	s9 =	sld [smem:$0x3FB1]  }
0x2f: {  	lr =	sadd.s32 s0, s3;
	s0 =	sld [smem:$0x3FA8]  }
0x30: {  	s3 =	sld [smem:$0x3FAB]  }
0x31: {  	[smem:$0x3FB4] =	sst s10  }
0x32: {  	s10 =	sld [smem:$0x3FB2];
	_ =	sdelay $0x3  }
0x33: {  	p0 =	seq.s32 s10, $0x1;
	s10 =	sld [smem:$0x3FB4];
	_ =	sdelay $0x3  }
0x34: {  	[smem:$0x3FB4] =	sst s10  }
0x35: {  	s10 =	sld [smem:$0x3FB3];
	_ =	sdelay $0x3  }
0x36: {  	p1 =	seq.s32 s10, $0x1;
	s10 =	sld [smem:$0x3FB4];
	_ =	sdelay $0x3  }
0x37: {  	[smem:$0x3FB4] =	sst s10  }
0x38: {  	s10 =	sld [smem:$0x3FB5]  }
0x39: {  	_ = 	snop;
	(pc) =	sbr.ind lr, $3  }
0x3a: {  	_ = 	snop  }
0x3b: {  	_ = 	snop  }
0x3c: {  	p2 =	seq.s32 s10, $0x1;
	s10 =	sld [smem:$0x3FB4]  }
0x3d: {  	_ =	shalt  }
0x3e: {  	_ =	shalt  }
0x3f: {  	_ =	shalt  }
0x40: {  	_ =	shalt  }
0x41: {  	_ =	shalt  }
0x42: {  	_ =	shalt  }
0x43: {  	_ =	shalt  }
0x44: {  	_ =	shalt  }
0x45: {  	_ =	shalt  }
0x46: {  	_ =	shalt  }
0x47: {  	_ =	shalt  }
0x48: {  	_ =	shalt  }
0x49: {  	_ =	shalt  }
0x4a: {  	_ =	shalt  }
0x4b: {  	_ =	shalt  }
0x4c: {  	_ =	shalt  }
0x4d: {  	_ =	shalt  }
0x4e: {  	_ =	shalt  }
0x4f: {  	_ =	shalt  }
0x50: {  	_ =	shalt  }
0x51: {  	_ =	shalt  }
0x52: {  	_ =	shalt  }
0x53: {  	_ =	shalt  }
0x54: {  	_ =	shalt  }
0x55: {  	_ =	shalt  }
0x56: {  	_ =	shalt  }
0x57: {  	_ =	shalt  }
0x58: {  	_ =	shalt  }
0x59: {  	_ =	shalt  }
0x5a: {  	_ =	shalt  }
0x5b: {  	_ =	shalt  }
0x5c: {  	_ =	shalt  }
0x5d: {  	_ =	shalt  }
0x5e: {  	_ =	shalt  }
0x5f: {  	_ =	shalt  }
0x60: {  	_ =	shalt  }
0x61: {  	_ =	shalt  }
0x62: {  	_ =	shalt  }
0x63: {  	_ =	shalt  }
0x64: {  	_ =	shalt  }
0x65: {  	_ =	shalt  }
0x66: {  	_ =	shalt  }
0x67: {  	_ =	shalt  }
0x68: {  	_ =	shalt  }
0x69: {  	_ =	shalt  }
0x6a: {  	_ =	shalt  }
0x6b: {  	_ =	shalt  }
0x6c: {  	_ =	shalt  }
0x6d: {  	_ =	shalt  }
0x6e: {  	_ =	shalt  }
0x6f: {  	_ =	shalt  }
0x70: {  	_ =	shalt  }
0x71: {  	_ =	shalt  }
0x72: {  	_ =	shalt  }
0x73: {  	_ =	shalt  }
0x74: {  	_ =	shalt  }
0x75: {  	_ =	shalt  }
0x76: {  	_ =	shalt  }
0x77: {  	_ =	shalt  }
0x78: {  	_ =	shalt  }
0x79: {  	_ =	shalt  }
0x7a: {  	_ =	shalt  }
0x7b: {  	_ =	shalt  }
0x7c: {  	_ =	shalt  }
0x7d: {  	_ =	shalt  }
0x7e: {  	_ =	shalt  }
0x7f: {  	_ =	shalt  }
0x80: {  	_ =	shalt  }
0x81: {  	_ =	shalt  }
0x82: {  	_ =	shalt  }
0x83: {  	_ =	shalt  }
0x84: {  	_ =	shalt  }
0x85: {  	_ =	shalt  }
0x86: {  	_ =	shalt  }
0x87: {  	_ =	shalt  }
.Lfunc_end0:
.L_simem_size_0:
called_computation_lowered:
.L_overlay_start_0:
0x88: {  	s2 =	sld [smem:$0x3FD9]  }
0x89: {  	s3 =	sld [smem:$0x3FFE];
	_ =	sdelay $0x1  }
0x8a: {  	s1 =	srdreg.scid  }
0x8b: {  	s0 =	sand.u32 $0x1, s1  }
0x8c: {  	s17 =	sshll.u32 s0, $0xA;
	s2 =	sadd.s32 s3, s2  }
0x8d: {  	s2 =	sadd.s32 s2, s17  }
0x8e: {  	[smem:$0x3FC0] =	sst s2  }
0x8f: {  	_ = 	snop  }
0x90: {  	s2 =	sld [smem:$0x3FC5];
	(tm) =	ssettm $0x1  }
0x91: {  	s18 =	sld [smem:$0x3FFB];
	_ =	sdelay $0x3  }
0x92: {  	_ =	strace s18  }
0x93: {  	s3 =	sld [smem:$0x3FFC];
	_ =	sdelay $0x3  }
0x94: {  	_ =	strace s3  }
0x95: {  	s3 =	sld [smem:$0x3FFD];
	_ =	sdelay $0x3  }
0x96: {  	_ =	strace s3  }
0x97: {  	_ =	strace $0x8FFFFFFF  }
0x98: {  	s19 =	sld [smem:$0x3FDB];
	_ =	sdelay $0x1  }
0x99: {  	s4 =	simm.s32 $_scs_section_size  }
0x9a: {  	s5 =	simm.s32 $_size__tile_overlayer_lowered;
	s6 =	simm.s32 $_tile_overlayer_lowered  }
0x9b: {  	s22 =	simm.s32 $0x1BFF;
	s21 =	sshll.u32 s6, $0x1;
	s3 =	sadd.s32 s4, s19  }
0x9c: {  	s7 =	simm.s32 $0x0;
	s20 =	sshll.u32 s5, $0x1;
	s5 =	sadd.s32 s21, s3  }
0x9d: {  	[timem:s7], [sflag:s22] =	dma.local [hbm:s5], s20  }
0x9e: {  	_ =	swait.ge [sflag:s22], s20  }
0x9f: {  	s4 =	ssub.s32 $0x0, s20;
	[sflag:s22] =	ssyncset.done $0x0  }
0xa0: {  	[sflag:s22] =	ssyncadd.s32 s4;
	_ =	sdelay $0x1  }
0xa1: {  	s23 =	simm.s32 $0x1B8B  }
0xa2: {  	_ =	swait.ge [sflag:s23], $0x1  }
0xa3: {  	[sflag:s23] =	ssyncset.done $0x0  }
0xa4: {  	s25 =	simm.s32 $0x1B8E;
	s24 =	sld [smem:$0x3FFE];
	[sflag:s23] =	ssyncadd.s32 $0xFFFFFFFF  }
0xa5: {  	s26 =	simm.s32 $execute0_lowered;
	[smem:$0x3FD2] =	sst s25  }
0xa6: {  	s5 =	sshll.u32 s26, $0x1;
	_ =	strace $0x80000046;
	[dreg:$0x1] =	wrdreg $0xFFFFFFFF  }
0xa7: {  	s28 =	simm.s32 $_size_execute0_lowered;
	s3 =	sadd.s32 s3, s5;
	[dreg:$0x0] =	wrdreg $0x0  }
0xa8: {  	s5 =	sshll.u32 s28, $0x1;
	[dreg:$0x2] =	wrdreg s3  }
0xa9: {  	[dreg:$0x3] =	wrdreg s5  }
0xaa: {  	[dreg:$0x4] =	wrdreg $0xC0  }
0xab: {  	_ =	task [dreg:s7], $0x5FFFF  }
0xac: {  	[dreg:$0x1] =	wrdreg $0xFFFFFFFF  }
0xad: {  	[dreg:$0x0] =	wrdreg $0x60  }
0xae: {  	[dreg:$0x2] =	wrdreg s24  }
0xaf: {  	[dreg:$0x3] =	wrdreg s2  }
0xb0: {  	[dreg:$0x4] =	wrdreg $0x0  }
0xb1: {  	[dreg:$0x5] =	wrdreg $0x9  }
0xb2: {  	_ =	task.clear_ibuf [dreg:s7], $0x6FFFF;
	_ =	strace $0x90000046  }
0xb3: {  	s29 =	simm.s32 $0x9;
	_ =	strace $0x80000048  }
0xb4: {  	_ =	swait.ge [sflag:s29], $0x1  }
0xb5: {  	[sflag:s29] =	ssyncadd.s32 $0xFFFFFFFF  }
0xb6: {  	_ =	strace $0x90000048  }
0xb7: {  	_ =	sfence  }
0xb8: {  	s30 =	sld [smem:$0x0];
	_ =	sdelay $0x2  }
0xb9: {  	s31 =	sshll.u32 s1, $0xD;
	s1 =	sshrl.u32 s1, $0x2  }
0xba: {  	s3 =	sand.u32 $0x4000, s31;
	s1 =	sadd.s32 s1, s30  }
0xbb: {  	s0 =	sor.u32 s3, s0;
	s1 =	sshll.u32 s1, $0x11  }
0xbc: {  	s0 =	sor.u32 s1, s0  }
0xbd: {  	s0 =	sadd.s32 $0x8F2B, s0  }
0xbe: {  	[sflag:s0] =	ssyncadd.remote.s32 $0x1  }
0xbf: {  	_ =	sfence.sel $0xFFFF  }
0xc0: {  	[dreg:$0x0] =	wrdreg $0xFFFFFFFF;
	(pc) =	sbr.abs _section_cstart, $3  }
0xc1: {  	[dreg:$0x1] =	wrdreg $0xFFFFFFFF  }
0xc2: {  	_ =	task.clear_ibuf [dreg:s7], $0x2FFFF;
	_ =	strace $0x9FFFFFFF  }
0xc3: {  	(tm) =	ssettm $0x7FFFFFFF  }
tec
execute0_lowered:
.L_overlay_start_1:
0x0: {  	(tag) =	ssettag $0x1  }
0x1: {  	s0 =	rddreg [dreg:$0x0]  }
0x2: {  	s1 =	rddreg [dreg:$0x1]  }
0x3: {  	s2 =	rddreg [dreg:$0x2]  }
0x4: {  	s14 =	stileid.u32;
	s3 =	simm.s32 $0x0;
	s5 =	srdreg.scid  }
0x5: {  	s28 =	simm.s32 $0x16200;
	s30 =	simm.s32 $0x19300;
	s31 =	simm.s32 $0x1  }
0x6: {  	s29 =	simm.s32 $0x1C300;
	s4 =	smul.u32 $0x2760, s14;
	[smem:$0x7FF] =	sst s3  }
0x7: {  	s9 =	sand.u32 $0x1, s5;
	s5 =	sadd.s32 $0x55400, s0;
	s6 =	sadd.s32 $0x50400, s0  }
0x8: {  	s7 =	sadd.s32 $0x5F400, s0;
	s13 =	sadd.s32 $0x86600, s0;
	s22 =	smul.u32 $0x5000, s14  }
0x9: {  	s18 =	ssub.s32 $0x109, s14;
	s26 =	smul.u32 $0x280, s14;
	s14 =	simm.s32 $0x0  }
0xa: {  	_ =	strace $0x80000047;
	s11 =	ssub.s32 $0x2, s9;
	s17 =	sshll.u32 s9, $0x4  }
0xb: {  	p0 =	seq.s32 s9, $0x0;
	s8 =	sshrl.u32 s4, $0x3;
	s12 =	sshrl.u32 s11, $0x1  }
0xc: {  	s1 =	sadd.s32 s1, s17;
	[dreg:$0xd] =	wrdreg s26;
	s26 =	simm.s32 $0x16080  }
0xd: {  	s10 =	sadd.s32 s8, s0;
	s11 =	ssub.s32 s11, s12;
	[dreg:$0x5] =	wrdreg s1  }
0xe: {  	s1 =	sshrl.u32 s18, $0x4;
	s19 =	sadd.s32 s5, s8;
	s20 =	sadd.s32 s6, s8  }
0xf: {  	s21 =	sadd.s32 $0xC, s8;
	s8 =	sshrl.u32 s22, $0x2;
	[dreg:$0x6] =	wrdreg s1  }
0x10: {  	s12 =	simm.s32 $0x13880;
	s22 =	simm.s32 $0x16300;
	[dreg:$0x7] =	wrdreg s19  }
0x11: {  	s10 =	sadd.s32 $0x5A400, s10;
	[dreg:$0x8] =	wrdreg s20;
	s23 =	sadd.s32 s5, s21  }
0x12: {  	s1 =	sadd.s32 s6, s21;
	s24 =	smax.u32 s11, $0x1;
	[dreg:$0x4] =	wrdreg s10  }
0x13: {  	s25 =	sadd.s32 s8, s2;
	s20 =	simm.s32 $0x5;
	[dreg:$0x9] =	wrdreg s23  }
0x14: {  	s21 =	simm.s32 $0x16280;
	s19 =	simm.s32 $0x4;
	[dreg:$0xa] =	wrdreg s1  }
0x15: {  	s8 =	simm.s32 $0x3;
	s1 =	simm.s32 $0x2000;
	[dreg:$0xb] =	wrdreg s24  }
0x16: {  	[dreg:$0xc] =	wrdreg s25;
	s24 =	simm.s32 $0x16180;
	s1 =	simm.s32 @!p0 $0x29200  }
0x17: {  	s25 =	simm.s32 $0x60;
	p0 =	sne.s32 s9, $0x0;
	s16 =	sadd.s32 s1, s0  }
0x18: {  	s7 =	smov.u32 @p0 s13;
	s0 =	simm.s32 $0x16100;
	s1 =	simm.s32 $0x2  }
.LBB2_1:
0x19: {  	[dreg:$0xe] =	wrdreg s14  }
0x1a: {  	s9 =	rddreg [dreg:$0x4]  }
0x1b: {  	[tilespmem:s12], [sflag:$0x5] =	stream.linear.gather [hbm4b:s9+s3], $0x2760, $0x38;
	[tilespmem:$0x1F380] =	vst v63  }
0x1c: {  	_ =	swait.ge [sflag:s20], $0x2760  }
0x1d: {  	[sflag:s20] =	ssyncset.done $0x0  }
0x1e: {  	s10 =	simm.s32 $0x1F300;
	s23 =	rddreg [dreg:$0x5];
	[sflag:s20] =	ssyncadd.s32 $0xFFFFD8A0  }
0x1f: {  	[tilespmem:s10], [sflag:$0x5] =	stream.linear.gather [hbm4b:s23+s3], $0x80, $0x38;
	[tilespmem:$0x1F380] =	vst v63  }
0x20: {  	_ =	swait.ge [sflag:s20], $0x80  }
0x21: {  	[sflag:s20] =	ssyncset.done $0x0  }
0x22: {  	[sflag:s20] =	ssyncadd.s32 $0xFFFFFF80  }
0x23: {  	s9 =	simm.s32 $0x200;
	s10 =	simm.s32 $0x0;
	v0 =	vld [tilespmem:$0x1F300]  }
.LBB2_2:
0x24: {  	p1 =	sne.s32 s9, $0x4E00;
	_ =	sdelay $0x2  }
0x25: {  	s11 =	sshra.s32 s10, $0x2;
	s10 =	smov.u32 s9  }
0x26: {  	[tilespmem:s11+$0x16300] =	vst v0  }
0x27: {  	v0 =	vld [tilespmem:$0x1F310];
	_ =	sdelay $0x4  }
0x28: {  	[tilespmem:s11+$0x16310] =	vst v0  }
0x29: {  	v0 =	vld [tilespmem:$0x1F320];
	_ =	sdelay $0x4  }
0x2a: {  	[tilespmem:s11+$0x16320] =	vst v0  }
0x2b: {  	v0 =	vld [tilespmem:$0x1F330];
	_ =	sdelay $0x4  }
0x2c: {  	[tilespmem:s11+$0x16330] =	vst v0  }
0x2d: {  	v0 =	vld [tilespmem:$0x1F340];
	_ =	sdelay $0x4  }
0x2e: {  	[tilespmem:s11+$0x16340] =	vst v0  }
0x2f: {  	v0 =	vld [tilespmem:$0x1F350];
	_ =	sdelay $0x4  }
0x30: {  	[tilespmem:s11+$0x16350] =	vst v0  }
0x31: {  	v0 =	vld [tilespmem:$0x1F360];
	_ =	sdelay $0x4  }
0x32: {  	[tilespmem:s11+$0x16360] =	vst v0  }
0x33: {  	v0 =	vld [tilespmem:$0x1F370];
	_ =	sdelay $0x1  }
.Ltmp0:
0x34: {  	(pc) =	sbr.rel @p1 .LBB2_2-.Ltmp0, $3  }
0x35: {  	_ =	sdelay $0x1  }
0x36: {  	[tilespmem:s11+$0x16370] =	vst v0  }
0x37: {  	s9 =	sadd.s32 $0x200, s9;
	v0 =	vld [tilespmem:$0x1F300]  }
0x38: {  	_ =	sdelay $0x2  }
0x39: {  	s9 =	sshra.s32 s10, $0x2  }
0x3a: {  	[tilespmem:s9+$0x16300] =	vst v0  }
0x3b: {  	v0 =	vld [tilespmem:$0x1F310];
	_ =	sdelay $0x4  }
0x3c: {  	[tilespmem:s9+$0x16310] =	vst v0  }
0x3d: {  	v0 =	vld [tilespmem:$0x1F320];
	_ =	sdelay $0x4  }
0x3e: {  	[tilespmem:s9+$0x16320] =	vst v0  }
0x3f: {  	v0 =	vld [tilespmem:$0x1F330];
	_ =	sdelay $0x4  }
0x40: {  	[tilespmem:s9+$0x16330] =	vst v0  }
0x41: {  	v0 =	vld [tilespmem:$0x1F340];
	_ =	sdelay $0x4  }
0x42: {  	[tilespmem:s9+$0x16340] =	vst v0  }
0x43: {  	v0 =	vld [tilespmem:$0x1F350];
	_ =	sdelay $0x4  }
0x44: {  	[tilespmem:s9+$0x16350] =	vst v0  }
0x45: {  	v0 =	vld [tilespmem:$0x1F360];
	_ =	sdelay $0x4  }
0x46: {  	[tilespmem:s9+$0x16360] =	vst v0  }
0x47: {  	v0 =	vld [tilespmem:$0x1F370];
	_ =	sdelay $0x1  }
0x48: {  	s23 =	rddreg [dreg:$0x6]  }
0x49: {  	p1 =	sne.s32 s23, $0x1  }
.Ltmp1:
0x4a: {  	_ = 	snop;
	(pc) =	sbr.rel @!p1 .LBB2_5-.Ltmp1, $4  }
0x4b: {  	s10 =	rddreg [dreg:$0xc];
	[tilespmem:s9+$0x16370] =	vst v0  }
0x4c: {  	[spmem:s10] =	stream.linear.scatter [tilespmem:s22], [sflag:$0x5], $0x1400, $0x38;
	[tilespmem:$0x1F380] =	vst v63  }
0x4d: {  	_ =	swait.ge [sflag:s20], $0x1400  }
0x4e: {  	s9 =	sadd.s32 $0xFFFFFFFF, s23;
	[sflag:s20] =	ssyncset.done $0x0  }
.LBB2_4:
0x4f: {  	p1 =	sne.s32 s9, $0x1;
	[sflag:s20] =	ssyncadd.s32 $0xFFFFEC00;
	s10 =	sadd.s32 $0x14000, s10  }
.Ltmp2:
0x50: {  	s9 =	sadd.s32 $0xFFFFFFFF, s9;
	(pc) =	sbr.rel @p1 .LBB2_4-.Ltmp2, $4  }
0x51: {  	_ = 	snop  }
0x52: {  	[spmem:s10] =	stream.linear.scatter [tilespmem:s22], [sflag:$0x5], $0x1400, $0x38;
	[tilespmem:$0x1F380] =	vst v63  }
0x53: {  	_ =	swait.ge [sflag:s20], $0x1400  }
0x54: {  	[sflag:s20] =	ssyncset.done $0x0  }
.LBB2_5:
0x55: {  	[sflag:s20] =	ssyncadd.s32 $0xFFFFEC00  }
0x56: {  	[bflag:$0x0] =	sbarrier.arrive $0xFFFF  }
0x57: {  	s11 =	simm.s32 $0x0;
	s10 =	simm.s32 $0x16000;
	s9 =	rddreg [dreg:$0x7]  }
0x58: {  	[tilespmem:s10], [sflag:$0x1] =	stream.linear.gather [hbm4b:s9+s11], $0x60, $0x38;
	[tilespmem:$0x1F380] =	vst v63  }
0x59: {  	s15 =	rddreg [dreg:$0x8]  }
0x5a: {  	[tilespmem:s24], [sflag:$0x1] =	stream.linear.gather [hbm4b:s15+s11], $0x60, $0x38;
	[tilespmem:$0x1F380] =	vst v63  }
0x5b: {  	_ = 	snop  }
0x5c: {  	[tilespmem:s22], [sflag:$0x1] =	stream.indirect.gather [hbm4b:s16+s25], $0x80, s12, s25, $0xb8;
	[tilespmem:$0x1F380] =	vst v63  }
0x5d: {  	s17 =	rddreg [dreg:$0x9]  }
0x5e: {  	[tilespmem:s26], [sflag:$0x2] =	stream.linear.gather [hbm4b:s17+s11], $0x60, $0x38;
	[tilespmem:$0x1F380] =	vst v63  }
0x5f: {  	s18 =	rddreg [dreg:$0xa]  }
0x60: {  	[tilespmem:s28], [sflag:$0x2] =	stream.linear.gather [hbm4b:s18+s11], $0x60, $0x38;
	[tilespmem:$0x1F380] =	vst v63  }
0x61: {  	s23 =	simm.s32 $0x138E0;
	s12 =	simm.s32 $0x0  }
0x62: {  	[tilespmem:s30], [sflag:$0x2] =	stream.indirect.gather [hbm4b:s16+s25], $0x80, s23, s25, $0xb8;
	[tilespmem:$0x1F380] =	vst v63  }
.LBB2_6:
0x63: {  	_ =	swait.ge [sflag:s31], $0x60  }
0x64: {  	[sflag:s31] =	ssyncset.done $0x0  }
0x65: {  	v0 =	vmov s11;
	[sflag:s31] =	ssyncadd.s32 $0xFFFFFFA0  }
0x66: {  	v0 =	vand.u32 $0xFFFFFFF8, v0;
	_ =	swait.ge [sflag:s31], $0x60  }
0x67: {  	v0 =	vbroadcast v0, $0x0;
	[sflag:s31] =	ssyncset.done $0x0  }
0x68: {  	[sflag:s31] =	ssyncadd.s32 $0xFFFFFFA0  }
0x69: {  	_ =	swait.ge [sflag:s31], $0x3000  }
0x6a: {  	[sflag:s31] =	ssyncset.done $0x0  }
0x6b: {  	s13 =	simm.s32 $0x16500;
	[sflag:s31] =	ssyncadd.s32 $0xFFFFD000  }
0x6c: {  	v2 =	vld [tilespmem:s13+$0xFFFFFE70]  }
0x6d: {  	v0 =	vld.idx.msk [tilespmem:v0+s24+$0x0], $0xffff  }
0x6e: {  	v3 =	vld [tilespmem:s13+$0xFFFFFE00]  }
0x6f: {  	v4 =	vld [tilespmem:s13+$0xFFFFFE20]  }
0x70: {  	v5 =	vld [tilespmem:s13+$0xFFFFFE30]  }
0x71: {  	v1 =	vld [tilespmem:s13+$0xFFFFFE50]  }
0x72: {  	v7 =	vld [tilespmem:s13+$0xFFFFFE10];
	v2 =	vmul.f32 v2, v0  }
0x73: {  	s9 =	simm.s32 $0x1;
	v6 =	vld [tilespmem:s13+$0xFFFFFE60];
	v3 =	vmul.f32 v3, v0  }
0x74: {  	v8 =	vld [tilespmem:s13+$0xFFFFFE40];
	v4 =	vmul.f32 v4, v0;
	[tilespmem:s13+$0xFFFFFE70] =	vst v2;
	v2 =	vmov s9  }
0x75: {  	v5 =	vmul.f32 v5, v0;
	[tilespmem:s13+$0xFFFFFE00] =	vst v3;
	v2 =	vand.u32 $0xFFFFFFF9, v2  }
0x76: {  	v1 =	vmul.f32 v1, v0;
	[tilespmem:s13+$0xFFFFFE20] =	vst v4;
	v2 =	vbroadcast v2, $0x0  }
0x77: {  	v3 =	vmul.f32 v7, v0;
	[tilespmem:s13+$0xFFFFFE30] =	vst v5  }
0x78: {  	v4 =	vmul.f32 v6, v0;
	[tilespmem:s13+$0xFFFFFE50] =	vst v1  }
0x79: {  	v0 =	vmul.f32 v8, v0;
	[tilespmem:s13+$0xFFFFFE10] =	vst v3  }
0x7a: {  	[tilespmem:s13+$0xFFFFFE60] =	vst v4  }
0x7b: {  	[tilespmem:s13+$0xFFFFFE40] =	vst v0  }
0x7c: {  	v0 =	vld.idx.msk [tilespmem:v2+s24+$0x0], $0xffff  }
0x7d: {  	v2 =	vld [tilespmem:s13+$0xFFFFFE90]  }
0x7e: {  	v3 =	vld [tilespmem:s13+$0xFFFFFEC0]  }
0x7f: {  	v4 =	vld [tilespmem:s13+$0xFFFFFE80]  }
0x80: {  	v5 =	vld [tilespmem:s13+$0xFFFFFED0]  }
0x81: {  	v1 =	vld [tilespmem:s13+$0xFFFFFEF0]  }
0x82: {  	v6 =	vld [tilespmem:s13+$0xFFFFFEE0];
	v2 =	vmul.f32 v2, v0  }
0x83: {  	s17 =	simm.s32 $0x2;
	v7 =	vld [tilespmem:s13+$0xFFFFFEB0];
	v3 =	vmul.f32 v3, v0  }
0x84: {  	v8 =	vld [tilespmem:s13+$0xFFFFFEA0];
	v4 =	vmul.f32 v4, v0;
	[tilespmem:s13+$0xFFFFFE90] =	vst v2;
	v2 =	vmov s17  }
0x85: {  	v5 =	vmul.f32 v5, v0;
	[tilespmem:s13+$0xFFFFFEC0] =	vst v3;
	v2 =	vand.u32 $0xFFFFFFFA, v2  }
0x86: {  	v1 =	vmul.f32 v1, v0;
	[tilespmem:s13+$0xFFFFFE80] =	vst v4;
	v2 =	vbroadcast v2, $0x0  }
0x87: {  	v3 =	vmul.f32 v6, v0;
	[tilespmem:s13+$0xFFFFFED0] =	vst v5  }
0x88: {  	v4 =	vmul.f32 v7, v0;
	[tilespmem:s13+$0xFFFFFEF0] =	vst v1  }
0x89: {  	v0 =	vmul.f32 v8, v0;
	[tilespmem:s13+$0xFFFFFEE0] =	vst v3  }
0x8a: {  	[tilespmem:s13+$0xFFFFFEB0] =	vst v4  }
0x8b: {  	v1 =	vld [tilespmem:s13+$0xFFFFFF00];
	[tilespmem:s13+$0xFFFFFEA0] =	vst v0  }
0x8c: {  	v0 =	vld.idx.msk [tilespmem:v2+s24+$0x0], $0xffff  }
0x8d: {  	v2 =	vld [tilespmem:s13+$0xFFFFFF60]  }
0x8e: {  	v3 =	vld [tilespmem:s13+$0xFFFFFF10]  }
0x8f: {  	v4 =	vld [tilespmem:s13+$0xFFFFFF50]  }
0x90: {  	v5 =	vld [tilespmem:s13+$0xFFFFFF70]  }
0x91: {  	v6 =	vld [tilespmem:s13+$0xFFFFFF20];
	v1 =	vmul.f32 v1, v0  }
0x92: {  	s18 =	simm.s32 $0x3;
	v7 =	vld [tilespmem:s13+$0xFFFFFF30];
	v2 =	vmul.f32 v2, v0  }
0x93: {  	v8 =	vld [tilespmem:s13+$0xFFFFFF40];
	v3 =	vmul.f32 v3, v0;
	[tilespmem:s13+$0xFFFFFF00] =	vst v1;
	v1 =	vmov s18  }
0x94: {  	v4 =	vmul.f32 v4, v0;
	[tilespmem:s13+$0xFFFFFF60] =	vst v2;
	v1 =	vand.u32 $0xFFFFFFFB, v1  }
0x95: {  	v2 =	vmul.f32 v5, v0;
	[tilespmem:s13+$0xFFFFFF10] =	vst v3;
	v1 =	vbroadcast v1, $0x0  }
0x96: {  	v3 =	vmul.f32 v6, v0;
	[tilespmem:s13+$0xFFFFFF50] =	vst v4  }
0x97: {  	v4 =	vmul.f32 v7, v0;
	[tilespmem:s13+$0xFFFFFF70] =	vst v2  }
0x98: {  	v0 =	vmul.f32 v8, v0;
	[tilespmem:s13+$0xFFFFFF20] =	vst v3  }
0x99: {  	[tilespmem:s13+$0xFFFFFF30] =	vst v4  }
0x9a: {  	[tilespmem:s13+$0xFFFFFF40] =	vst v0  }
0x9b: {  	v0 =	vld.idx.msk [tilespmem:v1+s24+$0x0], $0xffff  }
0x9c: {  	v1 =	vld [tilespmem:s13+$0xFFFFFFB0]  }
0x9d: {  	v3 =	vld [tilespmem:s13+$0xFFFFFFE0]  }
0x9e: {  	v4 =	vld [tilespmem:s13+$0xFFFFFF80]  }
0x9f: {  	v5 =	vld [tilespmem:s13+$0xFFFFFFD0]  }
0xa0: {  	v2 =	vld [tilespmem:s13+$0xFFFFFFF0]  }
0xa1: {  	v7 =	vld [tilespmem:s13+$0xFFFFFFA0];
	v1 =	vmul.f32 v1, v0  }
0xa2: {  	s23 =	simm.s32 $0x4;
	v6 =	vld [tilespmem:s13+$0xFFFFFF90];
	v3 =	vmul.f32 v3, v0  }
0xa3: {  	v8 =	vld [tilespmem:s13+$0xFFFFFFC0];
	v4 =	vmul.f32 v4, v0;
	[tilespmem:s13+$0xFFFFFFB0] =	vst v1;
	v1 =	vmov s23  }
0xa4: {  	v5 =	vmul.f32 v5, v0;
	[tilespmem:s13+$0xFFFFFFE0] =	vst v3;
	v1 =	vand.u32 $0xFFFFFFFC, v1  }
0xa5: {  	v2 =	vmul.f32 v2, v0;
	[tilespmem:s13+$0xFFFFFF80] =	vst v4;
	v1 =	vbroadcast v1, $0x0  }
0xa6: {  	v9 =	vld [tilespmem:s13+$0x40];
	v3 =	vmul.f32 v7, v0;
	[tilespmem:s13+$0xFFFFFFD0] =	vst v5  }
0xa7: {  	v4 =	vmul.f32 v6, v0;
	[tilespmem:s13+$0xFFFFFFF0] =	vst v2;
	v7 =	vld [tilespmem:s13+$0x0]  }
0xa8: {  	v2 =	vmul.f32 v8, v0;
	v0 =	vld [tilespmem:s13+$0x70];
	[tilespmem:s13+$0xFFFFFFA0] =	vst v3  }
0xa9: {  	v6 =	vld [tilespmem:s13+$0x20];
	[tilespmem:s13+$0xFFFFFF90] =	vst v4  }
0xaa: {  	v5 =	vld [tilespmem:s13+$0x30];
	[tilespmem:s13+$0xFFFFFFC0] =	vst v2  }
0xab: {  	v1 =	vld.idx.msk [tilespmem:v1+s24+$0x0], $0xffff  }
0xac: {  	v2 =	vld [tilespmem:s13+$0x50]  }
0xad: {  	v4 =	vld [tilespmem:s13+$0x10]  }
0xae: {  	v3 =	vld [tilespmem:s13+$0x60];
	_ =	sdelay $0x1  }
0xaf: {  	s15 =	simm.s32 $0x8;
	s10 =	simm.s32 $0x0;
	s14 =	simm.s32 $0x16500;
	v8 =	vmul.f32 v7, v1;
	v7 =	vmul.f32 v9, v1  }
.LBB2_7:
0xb0: {  	p1 =	slt.u32 s15, $0x58;
	v6 =	vmul.f32 v6, v1;
	v5 =	vmul.f32 v5, v1;
	s9 =	sadd.s32 $0x5, s10;
	s13 =	sadd.s32 $0x400, s13  }
0xb1: {  	v2 =	vmul.f32 v2, v1;
	s17 =	smov.u32 s15;
	s15 =	sadd.s32 $0x8, s15;
	[tilespmem:s14+$0x0] =	vst v8;
	v4 =	vmul.f32 v4, v1;
	v8 =	vmov s9  }
0xb2: {  	v0 =	vmul.f32 v0, v1;
	[tilespmem:s14+$0x40] =	vst v7;
	v3 =	vmul.f32 v3, v1;
	v1 =	vand.u32 $0xFFFFFFFD, v8  }
0xb3: {  	[tilespmem:s14+$0x20] =	vst v6;
	v1 =	vbroadcast v1, $0x0  }
0xb4: {  	[tilespmem:s14+$0x50] =	vst v2  }
0xb5: {  	[tilespmem:s14+$0x70] =	vst v0;
	v0 =	vld [tilespmem:s14+$0xA0]  }
0xb6: {  	[tilespmem:s14+$0x30] =	vst v5;
	v2 =	vld [tilespmem:s14+$0x80]  }
0xb7: {  	[tilespmem:s14+$0x60] =	vst v3;
	v3 =	vld [tilespmem:s14+$0xD0]  }
0xb8: {  	[tilespmem:s14+$0x10] =	vst v4;
	v4 =	vld [tilespmem:s14+$0xF0]  }
0xb9: {  	v1 =	vld.idx.msk [tilespmem:v1+s24+$0x0], $0xffff  }
0xba: {  	v5 =	vld [tilespmem:s14+$0xC0]  }
0xbb: {  	v6 =	vld [tilespmem:s14+$0xB0]  }
0xbc: {  	v7 =	vld [tilespmem:s14+$0x90]  }
0xbd: {  	v8 =	vld [tilespmem:s14+$0xE0];
	_ =	sdelay $0x1  }
0xbe: {  	v2 =	vmul.f32 v2, v1;
	v5 =	vmul.f32 v5, v1  }
0xbf: {  	s9 =	sadd.s32 $0x6, s10;
	v0 =	vmul.f32 v0, v1;
	v6 =	vmul.f32 v6, v1  }
0xc0: {  	v3 =	vmul.f32 v3, v1;
	[tilespmem:s14+$0x80] =	vst v2;
	v2 =	vmul.f32 v7, v1;
	v7 =	vmov s9  }
0xc1: {  	[tilespmem:s14+$0xA0] =	vst v0;
	v0 =	vmul.f32 v8, v1;
	v1 =	vmul.f32 v4, v1;
	v4 =	vand.u32 $0xFFFFFFFE, v7  }
0xc2: {  	[tilespmem:s14+$0xD0] =	vst v3;
	v3 =	vbroadcast v4, $0x0  }
0xc3: {  	[tilespmem:s14+$0xC0] =	vst v5  }
0xc4: {  	[tilespmem:s14+$0xF0] =	vst v1;
	v1 =	vld [tilespmem:s14+$0x120]  }
0xc5: {  	[tilespmem:s14+$0xB0] =	vst v6;
	v4 =	vld [tilespmem:s14+$0x100]  }
0xc6: {  	[tilespmem:s14+$0x90] =	vst v2;
	v2 =	vld [tilespmem:s14+$0x140]  }
0xc7: {  	[tilespmem:s14+$0xE0] =	vst v0;
	v0 =	vld [tilespmem:s14+$0x130]  }
0xc8: {  	v3 =	vld.idx.msk [tilespmem:v3+s24+$0x0], $0xffff  }
0xc9: {  	v5 =	vld [tilespmem:s14+$0x110]  }
0xca: {  	v6 =	vld [tilespmem:s14+$0x160]  }
0xcb: {  	v7 =	vld [tilespmem:s14+$0x150]  }
0xcc: {  	v8 =	vld [tilespmem:s14+$0x170];
	_ =	sdelay $0x1  }
0xcd: {  	v4 =	vmul.f32 v4, v3;
	v5 =	vmul.f32 v5, v3  }
0xce: {  	v1 =	vmul.f32 v1, v3;
	v0 =	vmul.f32 v0, v3  }
0xcf: {  	v2 =	vmul.f32 v2, v3;
	[tilespmem:s14+$0x100] =	vst v4;
	v4 =	vmul.f32 v7, v3  }
0xd0: {  	[tilespmem:s14+$0x120] =	vst v1;
	v1 =	vmul.f32 v6, v3;
	v3 =	vmul.f32 v8, v3  }
0xd1: {  	s9 =	sadd.s32 $0x7, s10;
	s10 =	smov.u32 s17;
	[tilespmem:s14+$0x130] =	vst v0  }
0xd2: {  	v0 =	vmov s9;
	[tilespmem:s14+$0x140] =	vst v2  }
0xd3: {  	[tilespmem:s14+$0x160] =	vst v1;
	v1 =	vld [tilespmem:s14+$0x180]  }
0xd4: {  	[tilespmem:s14+$0x110] =	vst v5;
	v2 =	vld [tilespmem:s14+$0x1D0]  }
0xd5: {  	[tilespmem:s14+$0x150] =	vst v4;
	v4 =	vld [tilespmem:s14+$0x190]  }
0xd6: {  	[tilespmem:s14+$0x170] =	vst v3;
	v3 =	vld [tilespmem:s14+$0x1F0]  }
0xd7: {  	v0 =	vld.idx.msk [tilespmem:v0+s24+$0x0], $0xffff  }
0xd8: {  	v5 =	vld [tilespmem:s14+$0x1B0]  }
0xd9: {  	v6 =	vld [tilespmem:s14+$0x1A0]  }
0xda: {  	v7 =	vld [tilespmem:s14+$0x1C0]  }
0xdb: {  	v8 =	vld [tilespmem:s14+$0x1E0];
	_ =	sdelay $0x1  }
0xdc: {  	v1 =	vmul.f32 v1, v0;
	v4 =	vmul.f32 v4, v0  }
0xdd: {  	v5 =	vmul.f32 v5, v0;
	v6 =	vmul.f32 v6, v0  }
0xde: {  	v9 =	vmov s10;
	v2 =	vmul.f32 v2, v0;
	[tilespmem:s14+$0x180] =	vst v1;
	v1 =	vmul.f32 v7, v0  }
0xdf: {  	v7 =	vand.u32 $0xFFFFFFF8, v9;
	[tilespmem:s14+$0x190] =	vst v4;
	v4 =	vmul.f32 v8, v0;
	v0 =	vmul.f32 v3, v0  }
0xe0: {  	v3 =	vbroadcast v7, $0x0;
	[tilespmem:s14+$0x1D0] =	vst v2  }
0xe1: {  	[tilespmem:s14+$0x1A0] =	vst v6  }
0xe2: {  	v2 =	vld [tilespmem:s13+$0xFFFFFE50];
	[tilespmem:s14+$0x1F0] =	vst v0  }
0xe3: {  	v0 =	vld [tilespmem:s13+$0xFFFFFE30];
	[tilespmem:s14+$0x1B0] =	vst v5  }
0xe4: {  	v5 =	vld [tilespmem:s13+$0xFFFFFE60];
	[tilespmem:s14+$0x1E0] =	vst v4  }
0xe5: {  	v4 =	vld [tilespmem:s13+$0xFFFFFE70];
	[tilespmem:s14+$0x1C0] =	vst v1;
	s14 =	smov.u32 s13  }
0xe6: {  	v1 =	vld.idx.msk [tilespmem:v3+s24+$0x0], $0xffff  }
0xe7: {  	v3 =	vld [tilespmem:s13+$0xFFFFFE00]  }
0xe8: {  	v6 =	vld [tilespmem:s13+$0xFFFFFE20]  }
0xe9: {  	v7 =	vld [tilespmem:s13+$0xFFFFFE10]  }
0xea: {  	v8 =	vld [tilespmem:s13+$0xFFFFFE40];
	_ =	sdelay $0x1  }
0xeb: {  	v4 =	vmul.f32 v4, v1;
	v3 =	vmul.f32 v3, v1  }
0xec: {  	s9 =	sadd.s32 $0x1, s10;
	v5 =	vmul.f32 v5, v1;
	v6 =	vmul.f32 v6, v1  }
0xed: {  	v0 =	vmul.f32 v0, v1;
	v7 =	vmul.f32 v7, v1;
	[tilespmem:s13+$0xFFFFFE70] =	vst v4;
	v4 =	vmov s9  }
0xee: {  	[tilespmem:s13+$0xFFFFFE00] =	vst v3;
	v3 =	vmul.f32 v8, v1;
	v1 =	vmul.f32 v2, v1;
	v2 =	vand.u32 $0xFFFFFFF9, v4  }
0xef: {  	[tilespmem:s13+$0xFFFFFE20] =	vst v6;
	v2 =	vbroadcast v2, $0x0  }
0xf0: {  	[tilespmem:s13+$0xFFFFFE30] =	vst v0  }
0xf1: {  	[tilespmem:s13+$0xFFFFFE50] =	vst v1;
	v0 =	vld [tilespmem:s13+$0xFFFFFEF0]  }
0xf2: {  	[tilespmem:s13+$0xFFFFFE10] =	vst v7;
	v1 =	vld [tilespmem:s13+$0xFFFFFED0]  }
0xf3: {  	[tilespmem:s13+$0xFFFFFE60] =	vst v5;
	v4 =	vld [tilespmem:s13+$0xFFFFFEB0]  }
0xf4: {  	[tilespmem:s13+$0xFFFFFE40] =	vst v3;
	v3 =	vld [tilespmem:s13+$0xFFFFFEC0]  }
0xf5: {  	v2 =	vld.idx.msk [tilespmem:v2+s24+$0x0], $0xffff  }
0xf6: {  	v5 =	vld [tilespmem:s13+$0xFFFFFE90]  }
0xf7: {  	v6 =	vld [tilespmem:s13+$0xFFFFFE80]  }
0xf8: {  	v7 =	vld [tilespmem:s13+$0xFFFFFEA0]  }
0xf9: {  	v8 =	vld [tilespmem:s13+$0xFFFFFEE0];
	_ =	sdelay $0x1  }
0xfa: {  	v3 =	vmul.f32 v3, v2;
	v5 =	vmul.f32 v5, v2  }
0xfb: {  	s9 =	sadd.s32 $0x2, s10;
	v4 =	vmul.f32 v4, v2;
	v6 =	vmul.f32 v6, v2  }
0xfc: {  	v1 =	vmul.f32 v1, v2;
	[tilespmem:s13+$0xFFFFFE90] =	vst v5;
	v5 =	vmul.f32 v7, v2;
	v7 =	vmov s9  }
0xfd: {  	v0 =	vmul.f32 v0, v2;
	[tilespmem:s13+$0xFFFFFEC0] =	vst v3;
	v3 =	vmul.f32 v8, v2;
	v2 =	vand.u32 $0xFFFFFFFA, v7  }
0xfe: {  	[tilespmem:s13+$0xFFFFFE80] =	vst v6;
	v2 =	vbroadcast v2, $0x0  }
0xff: {  	[tilespmem:s13+$0xFFFFFED0] =	vst v1  }
0x100: {  	[tilespmem:s13+$0xFFFFFEE0] =	vst v3;
	v1 =	vld [tilespmem:s13+$0xFFFFFF70]  }
0x101: {  	[tilespmem:s13+$0xFFFFFEB0] =	vst v4;
	v3 =	vld [tilespmem:s13+$0xFFFFFF50]  }
0x102: {  	[tilespmem:s13+$0xFFFFFEF0] =	vst v0;
	v0 =	vld [tilespmem:s13+$0xFFFFFF20]  }
0x103: {  	[tilespmem:s13+$0xFFFFFEA0] =	vst v5;
	v4 =	vld [tilespmem:s13+$0xFFFFFF60]  }
0x104: {  	v2 =	vld.idx.msk [tilespmem:v2+s24+$0x0], $0xffff  }
0x105: {  	v5 =	vld [tilespmem:s13+$0xFFFFFF00]  }
0x106: {  	v6 =	vld [tilespmem:s13+$0xFFFFFF10]  }
0x107: {  	v7 =	vld [tilespmem:s13+$0xFFFFFF40]  }
0x108: {  	v8 =	vld [tilespmem:s13+$0xFFFFFF30];
	_ =	sdelay $0x1  }
0x109: {  	v4 =	vmul.f32 v4, v2;
	v5 =	vmul.f32 v5, v2  }
0x10a: {  	s9 =	sadd.s32 $0x3, s10;
	v0 =	vmul.f32 v0, v2;
	v6 =	vmul.f32 v6, v2  }
0x10b: {  	v3 =	vmul.f32 v3, v2;
	[tilespmem:s13+$0xFFFFFF00] =	vst v5;
	v5 =	vmul.f32 v7, v2;
	v7 =	vmov s9  }
0x10c: {  	v1 =	vmul.f32 v1, v2;
	v8 =	vmul.f32 v8, v2;
	[tilespmem:s13+$0xFFFFFF60] =	vst v4;
	v2 =	vand.u32 $0xFFFFFFFB, v7  }
0x10d: {  	[tilespmem:s13+$0xFFFFFF10] =	vst v6;
	v2 =	vbroadcast v2, $0x0  }
0x10e: {  	[tilespmem:s13+$0xFFFFFF50] =	vst v3  }
0x10f: {  	[tilespmem:s13+$0xFFFFFF70] =	vst v1;
	v1 =	vld [tilespmem:s13+$0xFFFFFFF0]  }
0x110: {  	[tilespmem:s13+$0xFFFFFF20] =	vst v0;
	v0 =	vld [tilespmem:s13+$0xFFFFFFD0]  }
0x111: {  	[tilespmem:s13+$0xFFFFFF30] =	vst v8;
	v3 =	vld [tilespmem:s13+$0xFFFFFF90]  }
0x112: {  	[tilespmem:s13+$0xFFFFFF40] =	vst v5;
	v4 =	vld [tilespmem:s13+$0xFFFFFFE0]  }
0x113: {  	v2 =	vld.idx.msk [tilespmem:v2+s24+$0x0], $0xffff  }
0x114: {  	v5 =	vld [tilespmem:s13+$0xFFFFFFB0]  }
0x115: {  	v6 =	vld [tilespmem:s13+$0xFFFFFF80]  }
0x116: {  	v7 =	vld [tilespmem:s13+$0xFFFFFFC0]  }
0x117: {  	v8 =	vld [tilespmem:s13+$0xFFFFFFA0];
	_ =	sdelay $0x1  }
0x118: {  	v4 =	vmul.f32 v4, v2;
	v5 =	vmul.f32 v5, v2  }
0x119: {  	s9 =	sadd.s32 $0x4, s10;
	v3 =	vmul.f32 v3, v2;
	v6 =	vmul.f32 v6, v2  }
0x11a: {  	v0 =	vmul.f32 v0, v2;
	[tilespmem:s13+$0xFFFFFFB0] =	vst v5;
	v5 =	vmul.f32 v7, v2;
	v7 =	vmov s9  }
0x11b: {  	v1 =	vmul.f32 v1, v2;
	v8 =	vmul.f32 v8, v2;
	[tilespmem:s13+$0xFFFFFFE0] =	vst v4;
	v2 =	vand.u32 $0xFFFFFFFC, v7  }
0x11c: {  	[tilespmem:s13+$0xFFFFFF80] =	vst v6;
	v4 =	vbroadcast v2, $0x0  }
0x11d: {  	[tilespmem:s13+$0xFFFFFFD0] =	vst v0  }
0x11e: {  	[tilespmem:s13+$0xFFFFFFF0] =	vst v1;
	v7 =	vld [tilespmem:s13+$0x0]  }
0x11f: {  	[tilespmem:s13+$0xFFFFFFA0] =	vst v8;
	v0 =	vld [tilespmem:s13+$0x70]  }
0x120: {  	[tilespmem:s13+$0xFFFFFF90] =	vst v3;
	v2 =	vld [tilespmem:s13+$0x50]  }
0x121: {  	[tilespmem:s13+$0xFFFFFFC0] =	vst v5;
	v6 =	vld [tilespmem:s13+$0x20]  }
0x122: {  	v1 =	vld.idx.msk [tilespmem:v4+s24+$0x0], $0xffff  }
0x123: {  	v9 =	vld [tilespmem:s13+$0x40]  }
.Ltmp3:
0x124: {  	v5 =	vld [tilespmem:s13+$0x30];
	(pc) =	sbr.rel @p1 .LBB2_7-.Ltmp3, $3  }
0x125: {  	v4 =	vld [tilespmem:s13+$0x10]  }
0x126: {  	v3 =	vld [tilespmem:s13+$0x60];
	_ =	sdelay $0x1  }
0x127: {  	v8 =	vmul.f32 v7, v1;
	v7 =	vmul.f32 v9, v1  }
0x128: {  	s9 =	sadd.s32 $0x5, s10  }
0x129: {  	v6 =	vmul.f32 v6, v1;
	[tilespmem:s14+$0x0] =	vst v8;
	v8 =	vmov s9  }
0x12a: {  	v2 =	vmul.f32 v2, v1;
	[tilespmem:s14+$0x40] =	vst v7;
	v7 =	vand.u32 $0xFFFFFFFD, v8  }
0x12b: {  	v0 =	vmul.f32 v0, v1;
	[tilespmem:s14+$0x20] =	vst v6;
	v6 =	vbroadcast v7, $0x0  }
0x12c: {  	v5 =	vmul.f32 v5, v1;
	[tilespmem:s14+$0x50] =	vst v2  }
0x12d: {  	v2 =	vmul.f32 v3, v1;
	[tilespmem:s14+$0x70] =	vst v0  }
0x12e: {  	v0 =	vmul.f32 v4, v1;
	[tilespmem:s14+$0x30] =	vst v5  }
0x12f: {  	[tilespmem:s14+$0x60] =	vst v2  }
0x130: {  	v1 =	vld [tilespmem:s14+$0x80];
	[tilespmem:s14+$0x10] =	vst v0  }
0x131: {  	v0 =	vld.idx.msk [tilespmem:v6+s24+$0x0], $0xffff  }
0x132: {  	v2 =	vld [tilespmem:s14+$0xA0]  }
0x133: {  	v4 =	vld [tilespmem:s14+$0xC0]  }
0x134: {  	v3 =	vld [tilespmem:s14+$0xD0];
	_ =	sdelay $0x1  }
0x135: {  	v7 =	vld [tilespmem:s14+$0x90];
	v1 =	vmul.f32 v1, v0  }
0x136: {  	v5 =	vld [tilespmem:s14+$0xF0];
	v2 =	vmul.f32 v2, v0  }
0x137: {  	s23 =	sadd.s32 $0x6, s10;
	v6 =	vld [tilespmem:s14+$0xB0];
	v4 =	vmul.f32 v4, v0;
	[tilespmem:s14+$0x80] =	vst v1  }
0x138: {  	v8 =	vld [tilespmem:s14+$0xE0];
	v1 =	vmul.f32 v3, v0;
	v3 =	vmov s23;
	[tilespmem:s14+$0xA0] =	vst v2  }
0x139: {  	[tilespmem:s14+$0xC0] =	vst v4;
	v2 =	vand.u32 $0xFFFFFFFE, v3  }
0x13a: {  	v4 =	vmul.f32 v7, v0;
	[tilespmem:s14+$0xD0] =	vst v1;
	v1 =	vbroadcast v2, $0x0  }
0x13b: {  	v3 =	vmul.f32 v5, v0  }
0x13c: {  	v2 =	vmul.f32 v6, v0;
	[tilespmem:s14+$0x90] =	vst v4  }
0x13d: {  	v0 =	vmul.f32 v8, v0;
	[tilespmem:s14+$0xF0] =	vst v3  }
0x13e: {  	[tilespmem:s14+$0xB0] =	vst v2  }
0x13f: {  	v2 =	vld [tilespmem:s14+$0x100];
	[tilespmem:s14+$0xE0] =	vst v0  }
0x140: {  	v0 =	vld.idx.msk [tilespmem:v1+s24+$0x0], $0xffff  }
0x141: {  	v1 =	vld [tilespmem:s14+$0x120]  }
0x142: {  	v3 =	vld [tilespmem:s14+$0x130]  }
0x143: {  	v4 =	vld [tilespmem:s14+$0x140]  }
0x144: {  	v5 =	vld [tilespmem:s14+$0x160]  }
0x145: {  	v6 =	vld [tilespmem:s14+$0x110];
	v2 =	vmul.f32 v2, v0  }
0x146: {  	v7 =	vld [tilespmem:s14+$0x150];
	v1 =	vmul.f32 v1, v0  }
0x147: {  	v8 =	vld [tilespmem:s14+$0x170];
	v3 =	vmul.f32 v3, v0;
	[tilespmem:s14+$0x100] =	vst v2  }
0x148: {  	v2 =	vmul.f32 v4, v0;
	[tilespmem:s14+$0x120] =	vst v1  }
0x149: {  	s13 =	sadd.s32 $0x7, s10;
	v1 =	vmul.f32 v5, v0;
	[tilespmem:s14+$0x130] =	vst v3  }
0x14a: {  	v3 =	vmul.f32 v6, v0;
	[tilespmem:s14+$0x140] =	vst v2;
	v2 =	vmov s13  }
0x14b: {  	v4 =	vmul.f32 v7, v0;
	[tilespmem:s14+$0x160] =	vst v1  }
0x14c: {  	v0 =	vmul.f32 v8, v0;
	[tilespmem:s14+$0x110] =	vst v3  }
0x14d: {  	[tilespmem:s14+$0x150] =	vst v4  }
0x14e: {  	v1 =	vld [tilespmem:s14+$0x180];
	[tilespmem:s14+$0x170] =	vst v0  }
0x14f: {  	v0 =	vld.idx.msk [tilespmem:v2+s24+$0x0], $0xffff  }
0x150: {  	v3 =	vld [tilespmem:s14+$0x190]  }
0x151: {  	v2 =	vld [tilespmem:s14+$0x1D0]  }
0x152: {  	v4 =	vld [tilespmem:s14+$0x1A0]  }
0x153: {  	v5 =	vld [tilespmem:s14+$0x1F0]  }
0x154: {  	v6 =	vld [tilespmem:s14+$0x1B0];
	v1 =	vmul.f32 v1, v0  }
0x155: {  	v7 =	vld [tilespmem:s14+$0x1E0];
	v3 =	vmul.f32 v3, v0  }
0x156: {  	v8 =	vld [tilespmem:s14+$0x1C0];
	[tilespmem:s14+$0x180] =	vst v1;
	v1 =	vmul.f32 v2, v0  }
0x157: {  	v2 =	vmul.f32 v4, v0;
	[tilespmem:s14+$0x190] =	vst v3  }
0x158: {  	v3 =	vmul.f32 v5, v0;
	[tilespmem:s14+$0x1D0] =	vst v1  }
0x159: {  	v1 =	vmul.f32 v6, v0;
	[tilespmem:s14+$0x1A0] =	vst v2  }
0x15a: {  	v2 =	vmul.f32 v7, v0;
	[tilespmem:s14+$0x1F0] =	vst v3  }
0x15b: {  	v0 =	vmul.f32 v8, v0;
	[tilespmem:s14+$0x1B0] =	vst v1  }
0x15c: {  	p1 =	seq.s32 s12, $0x0;
	[tilespmem:s14+$0x1E0] =	vst v2  }
0x15d: {  	s9 =	simm.s32 @!p1 $0x4;
	[tilespmem:s14+$0x1C0] =	vst v0  }
0x15e: {  	s13 =	smul.u32 $0x120, s12;
	_ =	swait.ge @!p1 [sflag:s9], $0x3000  }
0x15f: {  	[sflag:s9] =	ssyncset.done @!p1 $0x0  }
0x160: {  	s15 =	sadd.s32 s4, s13;
	s14 =	simm.s32 $0x16000;
	[sflag:s9] =	ssyncadd.s32 @!p1 $0xFFFFD000  }
0x161: {  	[spmem:s2] =	stream.indirect.scatter.add.f32 [tilespmem:s22], [sflag:$0x4], $0x80, s14, s25, $0xb8;
	[tilespmem:$0x1F380] =	vst v63  }
0x162: {  	s14 =	sshrl.u32 s15, $0x3  }
0x163: {  	s9 =	sadd.s32 $0x18, s14  }
0x164: {  	s15 =	simm.s32 $0x0;
	s17 =	sadd.s32 s5, s9  }
0x165: {  	[tilespmem:s0], [sflag:$0x3] =	stream.linear.gather [hbm4b:s17+s15], $0x60, $0x38;
	[tilespmem:$0x1F380] =	vst v63  }
0x166: {  	s9 =	sadd.s32 s6, s9  }
0x167: {  	[tilespmem:s21], [sflag:$0x3] =	stream.linear.gather [hbm4b:s9+s15], $0x60, $0x38;
	[tilespmem:$0x1F380] =	vst v63  }
0x168: {  	s18 =	sadd.s32 $0x13940, s13  }
0x169: {  	[tilespmem:s29], [sflag:$0x3] =	stream.indirect.gather [hbm4b:s16+s25], $0x80, s18, s25, $0xb8;
	[tilespmem:$0x1F380] =	vst v63  }
0x16a: {  	_ =	swait.ge [sflag:s1], $0x60  }
0x16b: {  	[sflag:s1] =	ssyncset.done $0x0  }
0x16c: {  	v0 =	vmov s15;
	[sflag:s1] =	ssyncadd.s32 $0xFFFFFFA0  }
0x16d: {  	v0 =	vand.u32 $0xFFFFFFF8, v0;
	_ =	swait.ge [sflag:s1], $0x60  }
0x16e: {  	v0 =	vbroadcast v0, $0x0;
	[sflag:s1] =	ssyncset.done $0x0  }
0x16f: {  	[sflag:s1] =	ssyncadd.s32 $0xFFFFFFA0  }
0x170: {  	_ =	swait.ge [sflag:s1], $0x3000  }
0x171: {  	[sflag:s1] =	ssyncset.done $0x0  }
0x172: {  	s18 =	simm.s32 $0x19500;
	[sflag:s1] =	ssyncadd.s32 $0xFFFFD000  }
0x173: {  	v2 =	vld [tilespmem:s18+$0xFFFFFE70]  }
0x174: {  	v0 =	vld.idx.msk [tilespmem:v0+s28+$0x0], $0xffff  }
0x175: {  	v3 =	vld [tilespmem:s18+$0xFFFFFE00]  }
0x176: {  	v4 =	vld [tilespmem:s18+$0xFFFFFE20]  }
0x177: {  	v5 =	vld [tilespmem:s18+$0xFFFFFE30]  }
0x178: {  	v1 =	vld [tilespmem:s18+$0xFFFFFE50]  }
0x179: {  	v7 =	vld [tilespmem:s18+$0xFFFFFE10];
	v2 =	vmul.f32 v2, v0  }
0x17a: {  	s23 =	simm.s32 $0x1;
	v6 =	vld [tilespmem:s18+$0xFFFFFE60];
	v3 =	vmul.f32 v3, v0  }
0x17b: {  	v8 =	vld [tilespmem:s18+$0xFFFFFE40];
	v4 =	vmul.f32 v4, v0;
	[tilespmem:s18+$0xFFFFFE70] =	vst v2;
	v2 =	vmov s23  }
0x17c: {  	v5 =	vmul.f32 v5, v0;
	[tilespmem:s18+$0xFFFFFE00] =	vst v3;
	v2 =	vand.u32 $0xFFFFFFF9, v2  }
0x17d: {  	v1 =	vmul.f32 v1, v0;
	[tilespmem:s18+$0xFFFFFE20] =	vst v4;
	v2 =	vbroadcast v2, $0x0  }
0x17e: {  	v3 =	vmul.f32 v7, v0;
	[tilespmem:s18+$0xFFFFFE30] =	vst v5  }
0x17f: {  	v4 =	vmul.f32 v6, v0;
	[tilespmem:s18+$0xFFFFFE50] =	vst v1  }
0x180: {  	v0 =	vmul.f32 v8, v0;
	[tilespmem:s18+$0xFFFFFE10] =	vst v3  }
0x181: {  	[tilespmem:s18+$0xFFFFFE60] =	vst v4  }
0x182: {  	[tilespmem:s18+$0xFFFFFE40] =	vst v0  }
0x183: {  	v0 =	vld.idx.msk [tilespmem:v2+s28+$0x0], $0xffff  }
0x184: {  	v2 =	vld [tilespmem:s18+$0xFFFFFE90]  }
0x185: {  	v3 =	vld [tilespmem:s18+$0xFFFFFEC0]  }
0x186: {  	v4 =	vld [tilespmem:s18+$0xFFFFFE80]  }
0x187: {  	v5 =	vld [tilespmem:s18+$0xFFFFFED0]  }
0x188: {  	v1 =	vld [tilespmem:s18+$0xFFFFFEF0]  }
0x189: {  	v6 =	vld [tilespmem:s18+$0xFFFFFEE0];
	v2 =	vmul.f32 v2, v0  }
0x18a: {  	s10 =	simm.s32 $0x2;
	v7 =	vld [tilespmem:s18+$0xFFFFFEB0];
	v3 =	vmul.f32 v3, v0  }
0x18b: {  	v8 =	vld [tilespmem:s18+$0xFFFFFEA0];
	v4 =	vmul.f32 v4, v0;
	[tilespmem:s18+$0xFFFFFE90] =	vst v2;
	v2 =	vmov s10  }
0x18c: {  	v5 =	vmul.f32 v5, v0;
	[tilespmem:s18+$0xFFFFFEC0] =	vst v3;
	v2 =	vand.u32 $0xFFFFFFFA, v2  }
0x18d: {  	v1 =	vmul.f32 v1, v0;
	[tilespmem:s18+$0xFFFFFE80] =	vst v4;
	v2 =	vbroadcast v2, $0x0  }
0x18e: {  	v3 =	vmul.f32 v6, v0;
	[tilespmem:s18+$0xFFFFFED0] =	vst v5  }
0x18f: {  	v4 =	vmul.f32 v7, v0;
	[tilespmem:s18+$0xFFFFFEF0] =	vst v1  }
0x190: {  	v0 =	vmul.f32 v8, v0;
	[tilespmem:s18+$0xFFFFFEE0] =	vst v3  }
0x191: {  	[tilespmem:s18+$0xFFFFFEB0] =	vst v4  }
0x192: {  	v1 =	vld [tilespmem:s18+$0xFFFFFF00];
	[tilespmem:s18+$0xFFFFFEA0] =	vst v0  }
0x193: {  	v0 =	vld.idx.msk [tilespmem:v2+s28+$0x0], $0xffff  }
0x194: {  	v2 =	vld [tilespmem:s18+$0xFFFFFF60]  }
0x195: {  	v3 =	vld [tilespmem:s18+$0xFFFFFF10]  }
0x196: {  	v4 =	vld [tilespmem:s18+$0xFFFFFF50]  }
0x197: {  	v5 =	vld [tilespmem:s18+$0xFFFFFF70]  }
0x198: {  	v6 =	vld [tilespmem:s18+$0xFFFFFF20];
	v1 =	vmul.f32 v1, v0  }
0x199: {  	s17 =	simm.s32 $0x3;
	v7 =	vld [tilespmem:s18+$0xFFFFFF30];
	v2 =	vmul.f32 v2, v0  }
0x19a: {  	v8 =	vld [tilespmem:s18+$0xFFFFFF40];
	v3 =	vmul.f32 v3, v0;
	[tilespmem:s18+$0xFFFFFF00] =	vst v1;
	v1 =	vmov s17  }
0x19b: {  	v4 =	vmul.f32 v4, v0;
	[tilespmem:s18+$0xFFFFFF60] =	vst v2;
	v1 =	vand.u32 $0xFFFFFFFB, v1  }
0x19c: {  	v2 =	vmul.f32 v5, v0;
	[tilespmem:s18+$0xFFFFFF10] =	vst v3;
	v1 =	vbroadcast v1, $0x0  }
0x19d: {  	v3 =	vmul.f32 v6, v0;
	[tilespmem:s18+$0xFFFFFF50] =	vst v4  }
0x19e: {  	v4 =	vmul.f32 v7, v0;
	[tilespmem:s18+$0xFFFFFF70] =	vst v2  }
0x19f: {  	v0 =	vmul.f32 v8, v0;
	[tilespmem:s18+$0xFFFFFF20] =	vst v3  }
0x1a0: {  	[tilespmem:s18+$0xFFFFFF30] =	vst v4  }
0x1a1: {  	[tilespmem:s18+$0xFFFFFF40] =	vst v0  }
0x1a2: {  	v0 =	vld.idx.msk [tilespmem:v1+s28+$0x0], $0xffff  }
0x1a3: {  	v1 =	vld [tilespmem:s18+$0xFFFFFFB0]  }
0x1a4: {  	v3 =	vld [tilespmem:s18+$0xFFFFFFE0]  }
0x1a5: {  	v4 =	vld [tilespmem:s18+$0xFFFFFF80]  }
0x1a6: {  	v5 =	vld [tilespmem:s18+$0xFFFFFFD0]  }
0x1a7: {  	v2 =	vld [tilespmem:s18+$0xFFFFFFF0]  }
0x1a8: {  	v7 =	vld [tilespmem:s18+$0xFFFFFFA0];
	v1 =	vmul.f32 v1, v0  }
0x1a9: {  	s23 =	simm.s32 $0x4;
	v6 =	vld [tilespmem:s18+$0xFFFFFF90];
	v3 =	vmul.f32 v3, v0  }
0x1aa: {  	v8 =	vld [tilespmem:s18+$0xFFFFFFC0];
	v4 =	vmul.f32 v4, v0;
	[tilespmem:s18+$0xFFFFFFB0] =	vst v1;
	v1 =	vmov s23  }
0x1ab: {  	v5 =	vmul.f32 v5, v0;
	[tilespmem:s18+$0xFFFFFFE0] =	vst v3;
	v1 =	vand.u32 $0xFFFFFFFC, v1  }
0x1ac: {  	v2 =	vmul.f32 v2, v0;
	[tilespmem:s18+$0xFFFFFF80] =	vst v4;
	v1 =	vbroadcast v1, $0x0  }
0x1ad: {  	v9 =	vld [tilespmem:s18+$0x40];
	v3 =	vmul.f32 v7, v0;
	[tilespmem:s18+$0xFFFFFFD0] =	vst v5  }
0x1ae: {  	v4 =	vmul.f32 v6, v0;
	[tilespmem:s18+$0xFFFFFFF0] =	vst v2;
	v7 =	vld [tilespmem:s18+$0x0]  }
0x1af: {  	v2 =	vmul.f32 v8, v0;
	v0 =	vld [tilespmem:s18+$0x70];
	[tilespmem:s18+$0xFFFFFFA0] =	vst v3  }
0x1b0: {  	v6 =	vld [tilespmem:s18+$0x20];
	[tilespmem:s18+$0xFFFFFF90] =	vst v4  }
0x1b1: {  	v5 =	vld [tilespmem:s18+$0x30];
	[tilespmem:s18+$0xFFFFFFC0] =	vst v2  }
0x1b2: {  	v1 =	vld.idx.msk [tilespmem:v1+s28+$0x0], $0xffff  }
0x1b3: {  	v2 =	vld [tilespmem:s18+$0x50]  }
0x1b4: {  	v4 =	vld [tilespmem:s18+$0x10]  }
0x1b5: {  	v3 =	vld [tilespmem:s18+$0x60];
	_ =	sdelay $0x1  }
0x1b6: {  	s10 =	simm.s32 $0x19500;
	s17 =	simm.s32 $0x8;
	v8 =	vmul.f32 v7, v1;
	v7 =	vmul.f32 v9, v1  }
.LBB2_9:
0x1b7: {  	p1 =	slt.u32 s17, $0x58;
	v6 =	vmul.f32 v6, v1;
	v5 =	vmul.f32 v5, v1;
	s9 =	sadd.s32 $0x5, s15;
	s18 =	sadd.s32 $0x400, s18  }
0x1b8: {  	v2 =	vmul.f32 v2, v1;
	[tilespmem:s10+$0x0] =	vst v8;
	v4 =	vmul.f32 v4, v1;
	v8 =	vmov s9;
	s9 =	smov.u32 s17;
	s17 =	sadd.s32 $0x8, s17  }
0x1b9: {  	v0 =	vmul.f32 v0, v1;
	[tilespmem:s10+$0x40] =	vst v7;
	v3 =	vmul.f32 v3, v1;
	v1 =	vand.u32 $0xFFFFFFFD, v8  }
0x1ba: {  	[tilespmem:s10+$0x20] =	vst v6;
	v1 =	vbroadcast v1, $0x0  }
0x1bb: {  	[tilespmem:s10+$0x50] =	vst v2  }
0x1bc: {  	[tilespmem:s10+$0x70] =	vst v0;
	v0 =	vld [tilespmem:s10+$0xA0]  }
0x1bd: {  	[tilespmem:s10+$0x30] =	vst v5;
	v2 =	vld [tilespmem:s10+$0x80]  }
0x1be: {  	[tilespmem:s10+$0x60] =	vst v3;
	v3 =	vld [tilespmem:s10+$0xD0]  }
0x1bf: {  	[tilespmem:s10+$0x10] =	vst v4;
	v4 =	vld [tilespmem:s10+$0xF0]  }
0x1c0: {  	v1 =	vld.idx.msk [tilespmem:v1+s28+$0x0], $0xffff  }
0x1c1: {  	v5 =	vld [tilespmem:s10+$0xC0]  }
0x1c2: {  	v6 =	vld [tilespmem:s10+$0xB0]  }
0x1c3: {  	v7 =	vld [tilespmem:s10+$0x90]  }
0x1c4: {  	v8 =	vld [tilespmem:s10+$0xE0];
	_ =	sdelay $0x1  }
0x1c5: {  	v2 =	vmul.f32 v2, v1;
	v5 =	vmul.f32 v5, v1  }
0x1c6: {  	s23 =	sadd.s32 $0x6, s15;
	v0 =	vmul.f32 v0, v1;
	v6 =	vmul.f32 v6, v1  }
0x1c7: {  	v3 =	vmul.f32 v3, v1;
	[tilespmem:s10+$0x80] =	vst v2;
	v2 =	vmul.f32 v7, v1;
	v7 =	vmov s23  }
0x1c8: {  	[tilespmem:s10+$0xA0] =	vst v0;
	v0 =	vmul.f32 v8, v1;
	v1 =	vmul.f32 v4, v1;
	v4 =	vand.u32 $0xFFFFFFFE, v7  }
0x1c9: {  	[tilespmem:s10+$0xD0] =	vst v3;
	v3 =	vbroadcast v4, $0x0  }
0x1ca: {  	[tilespmem:s10+$0xC0] =	vst v5  }
0x1cb: {  	[tilespmem:s10+$0xF0] =	vst v1;
	v1 =	vld [tilespmem:s10+$0x120]  }
0x1cc: {  	[tilespmem:s10+$0xB0] =	vst v6;
	v4 =	vld [tilespmem:s10+$0x100]  }
0x1cd: {  	[tilespmem:s10+$0x90] =	vst v2;
	v2 =	vld [tilespmem:s10+$0x140]  }
0x1ce: {  	[tilespmem:s10+$0xE0] =	vst v0;
	v0 =	vld [tilespmem:s10+$0x130]  }
0x1cf: {  	v3 =	vld.idx.msk [tilespmem:v3+s28+$0x0], $0xffff  }
0x1d0: {  	v5 =	vld [tilespmem:s10+$0x110]  }
0x1d1: {  	v6 =	vld [tilespmem:s10+$0x160]  }
0x1d2: {  	v7 =	vld [tilespmem:s10+$0x150]  }
0x1d3: {  	v8 =	vld [tilespmem:s10+$0x170];
	_ =	sdelay $0x1  }
0x1d4: {  	v4 =	vmul.f32 v4, v3;
	v5 =	vmul.f32 v5, v3  }
0x1d5: {  	v1 =	vmul.f32 v1, v3;
	v0 =	vmul.f32 v0, v3  }
0x1d6: {  	v2 =	vmul.f32 v2, v3;
	[tilespmem:s10+$0x100] =	vst v4;
	v4 =	vmul.f32 v7, v3  }
0x1d7: {  	[tilespmem:s10+$0x120] =	vst v1;
	v1 =	vmul.f32 v6, v3;
	v3 =	vmul.f32 v8, v3  }
0x1d8: {  	s23 =	sadd.s32 $0x7, s15;
	s15 =	smov.u32 s9;
	[tilespmem:s10+$0x130] =	vst v0  }
0x1d9: {  	v0 =	vmov s23;
	[tilespmem:s10+$0x140] =	vst v2  }
0x1da: {  	[tilespmem:s10+$0x160] =	vst v1;
	v1 =	vld [tilespmem:s10+$0x180]  }
0x1db: {  	[tilespmem:s10+$0x110] =	vst v5;
	v2 =	vld [tilespmem:s10+$0x1D0]  }
0x1dc: {  	[tilespmem:s10+$0x150] =	vst v4;
	v4 =	vld [tilespmem:s10+$0x190]  }
0x1dd: {  	[tilespmem:s10+$0x170] =	vst v3;
	v3 =	vld [tilespmem:s10+$0x1F0]  }
0x1de: {  	v0 =	vld.idx.msk [tilespmem:v0+s28+$0x0], $0xffff  }
0x1df: {  	v5 =	vld [tilespmem:s10+$0x1B0]  }
0x1e0: {  	v6 =	vld [tilespmem:s10+$0x1A0]  }
0x1e1: {  	v7 =	vld [tilespmem:s10+$0x1C0]  }
0x1e2: {  	v8 =	vld [tilespmem:s10+$0x1E0];
	_ =	sdelay $0x1  }
0x1e3: {  	v1 =	vmul.f32 v1, v0;
	v4 =	vmul.f32 v4, v0  }
0x1e4: {  	v5 =	vmul.f32 v5, v0;
	v6 =	vmul.f32 v6, v0  }
0x1e5: {  	v9 =	vmov s15;
	v2 =	vmul.f32 v2, v0;
	[tilespmem:s10+$0x180] =	vst v1;
	v1 =	vmul.f32 v7, v0  }
0x1e6: {  	v7 =	vand.u32 $0xFFFFFFF8, v9;
	[tilespmem:s10+$0x190] =	vst v4;
	v4 =	vmul.f32 v8, v0;
	v0 =	vmul.f32 v3, v0  }
0x1e7: {  	v3 =	vbroadcast v7, $0x0;
	[tilespmem:s10+$0x1D0] =	vst v2  }
0x1e8: {  	[tilespmem:s10+$0x1A0] =	vst v6  }
0x1e9: {  	v2 =	vld [tilespmem:s18+$0xFFFFFE50];
	[tilespmem:s10+$0x1F0] =	vst v0  }
0x1ea: {  	v0 =	vld [tilespmem:s18+$0xFFFFFE30];
	[tilespmem:s10+$0x1B0] =	vst v5  }
0x1eb: {  	v5 =	vld [tilespmem:s18+$0xFFFFFE60];
	[tilespmem:s10+$0x1E0] =	vst v4  }
0x1ec: {  	v4 =	vld [tilespmem:s18+$0xFFFFFE70];
	[tilespmem:s10+$0x1C0] =	vst v1;
	s10 =	smov.u32 s18  }
0x1ed: {  	v1 =	vld.idx.msk [tilespmem:v3+s28+$0x0], $0xffff  }
0x1ee: {  	v3 =	vld [tilespmem:s18+$0xFFFFFE00]  }
0x1ef: {  	v6 =	vld [tilespmem:s18+$0xFFFFFE20]  }
0x1f0: {  	v7 =	vld [tilespmem:s18+$0xFFFFFE10]  }
0x1f1: {  	v8 =	vld [tilespmem:s18+$0xFFFFFE40];
	_ =	sdelay $0x1  }
0x1f2: {  	v4 =	vmul.f32 v4, v1;
	v3 =	vmul.f32 v3, v1  }
0x1f3: {  	s9 =	sadd.s32 $0x1, s15;
	v5 =	vmul.f32 v5, v1;
	v6 =	vmul.f32 v6, v1  }
0x1f4: {  	v0 =	vmul.f32 v0, v1;
	v7 =	vmul.f32 v7, v1;
	[tilespmem:s18+$0xFFFFFE70] =	vst v4;
	v4 =	vmov s9  }
0x1f5: {  	[tilespmem:s18+$0xFFFFFE00] =	vst v3;
	v3 =	vmul.f32 v8, v1;
	v1 =	vmul.f32 v2, v1;
	v2 =	vand.u32 $0xFFFFFFF9, v4  }
0x1f6: {  	[tilespmem:s18+$0xFFFFFE20] =	vst v6;
	v2 =	vbroadcast v2, $0x0  }
0x1f7: {  	[tilespmem:s18+$0xFFFFFE30] =	vst v0  }
0x1f8: {  	[tilespmem:s18+$0xFFFFFE50] =	vst v1;
	v0 =	vld [tilespmem:s18+$0xFFFFFEF0]  }
0x1f9: {  	[tilespmem:s18+$0xFFFFFE10] =	vst v7;
	v1 =	vld [tilespmem:s18+$0xFFFFFED0]  }
0x1fa: {  	[tilespmem:s18+$0xFFFFFE60] =	vst v5;
	v4 =	vld [tilespmem:s18+$0xFFFFFEB0]  }
0x1fb: {  	[tilespmem:s18+$0xFFFFFE40] =	vst v3;
	v3 =	vld [tilespmem:s18+$0xFFFFFEC0]  }
0x1fc: {  	v2 =	vld.idx.msk [tilespmem:v2+s28+$0x0], $0xffff  }
0x1fd: {  	v5 =	vld [tilespmem:s18+$0xFFFFFE90]  }
0x1fe: {  	v6 =	vld [tilespmem:s18+$0xFFFFFE80]  }
0x1ff: {  	v7 =	vld [tilespmem:s18+$0xFFFFFEA0]  }
0x200: {  	v8 =	vld [tilespmem:s18+$0xFFFFFEE0];
	_ =	sdelay $0x1  }
0x201: {  	v3 =	vmul.f32 v3, v2;
	v5 =	vmul.f32 v5, v2  }
0x202: {  	s9 =	sadd.s32 $0x2, s15;
	v4 =	vmul.f32 v4, v2;
	v6 =	vmul.f32 v6, v2  }
0x203: {  	v1 =	vmul.f32 v1, v2;
	[tilespmem:s18+$0xFFFFFE90] =	vst v5;
	v5 =	vmul.f32 v7, v2;
	v7 =	vmov s9  }
0x204: {  	v0 =	vmul.f32 v0, v2;
	[tilespmem:s18+$0xFFFFFEC0] =	vst v3;
	v3 =	vmul.f32 v8, v2;
	v2 =	vand.u32 $0xFFFFFFFA, v7  }
0x205: {  	[tilespmem:s18+$0xFFFFFE80] =	vst v6;
	v2 =	vbroadcast v2, $0x0  }
0x206: {  	[tilespmem:s18+$0xFFFFFED0] =	vst v1  }
0x207: {  	[tilespmem:s18+$0xFFFFFEE0] =	vst v3;
	v1 =	vld [tilespmem:s18+$0xFFFFFF70]  }
0x208: {  	[tilespmem:s18+$0xFFFFFEB0] =	vst v4;
	v3 =	vld [tilespmem:s18+$0xFFFFFF50]  }
0x209: {  	[tilespmem:s18+$0xFFFFFEF0] =	vst v0;
	v0 =	vld [tilespmem:s18+$0xFFFFFF20]  }
0x20a: {  	[tilespmem:s18+$0xFFFFFEA0] =	vst v5;
	v4 =	vld [tilespmem:s18+$0xFFFFFF60]  }
0x20b: {  	v2 =	vld.idx.msk [tilespmem:v2+s28+$0x0], $0xffff  }
0x20c: {  	v5 =	vld [tilespmem:s18+$0xFFFFFF00]  }
0x20d: {  	v6 =	vld [tilespmem:s18+$0xFFFFFF10]  }
0x20e: {  	v7 =	vld [tilespmem:s18+$0xFFFFFF40]  }
0x20f: {  	v8 =	vld [tilespmem:s18+$0xFFFFFF30];
	_ =	sdelay $0x1  }
0x210: {  	v4 =	vmul.f32 v4, v2;
	v5 =	vmul.f32 v5, v2  }
0x211: {  	s9 =	sadd.s32 $0x3, s15;
	v0 =	vmul.f32 v0, v2;
	v6 =	vmul.f32 v6, v2  }
0x212: {  	v3 =	vmul.f32 v3, v2;
	[tilespmem:s18+$0xFFFFFF00] =	vst v5;
	v5 =	vmul.f32 v7, v2;
	v7 =	vmov s9  }
0x213: {  	v1 =	vmul.f32 v1, v2;
	v8 =	vmul.f32 v8, v2;
	[tilespmem:s18+$0xFFFFFF60] =	vst v4;
	v2 =	vand.u32 $0xFFFFFFFB, v7  }
0x214: {  	[tilespmem:s18+$0xFFFFFF10] =	vst v6;
	v2 =	vbroadcast v2, $0x0  }
0x215: {  	[tilespmem:s18+$0xFFFFFF50] =	vst v3  }
0x216: {  	[tilespmem:s18+$0xFFFFFF70] =	vst v1;
	v1 =	vld [tilespmem:s18+$0xFFFFFFF0]  }
0x217: {  	[tilespmem:s18+$0xFFFFFF20] =	vst v0;
	v0 =	vld [tilespmem:s18+$0xFFFFFFD0]  }
0x218: {  	[tilespmem:s18+$0xFFFFFF30] =	vst v8;
	v3 =	vld [tilespmem:s18+$0xFFFFFF90]  }
0x219: {  	[tilespmem:s18+$0xFFFFFF40] =	vst v5;
	v4 =	vld [tilespmem:s18+$0xFFFFFFE0]  }
0x21a: {  	v2 =	vld.idx.msk [tilespmem:v2+s28+$0x0], $0xffff  }
0x21b: {  	v5 =	vld [tilespmem:s18+$0xFFFFFFB0]  }
0x21c: {  	v6 =	vld [tilespmem:s18+$0xFFFFFF80]  }
0x21d: {  	v7 =	vld [tilespmem:s18+$0xFFFFFFC0]  }
0x21e: {  	v8 =	vld [tilespmem:s18+$0xFFFFFFA0];
	_ =	sdelay $0x1  }
0x21f: {  	v4 =	vmul.f32 v4, v2;
	v5 =	vmul.f32 v5, v2  }
0x220: {  	s9 =	sadd.s32 $0x4, s15;
	v3 =	vmul.f32 v3, v2;
	v6 =	vmul.f32 v6, v2  }
0x221: {  	v0 =	vmul.f32 v0, v2;
	[tilespmem:s18+$0xFFFFFFB0] =	vst v5;
	v5 =	vmul.f32 v7, v2;
	v7 =	vmov s9  }
0x222: {  	v1 =	vmul.f32 v1, v2;
	v8 =	vmul.f32 v8, v2;
	[tilespmem:s18+$0xFFFFFFE0] =	vst v4;
	v2 =	vand.u32 $0xFFFFFFFC, v7  }
0x223: {  	[tilespmem:s18+$0xFFFFFF80] =	vst v6;
	v4 =	vbroadcast v2, $0x0  }
0x224: {  	[tilespmem:s18+$0xFFFFFFD0] =	vst v0  }
0x225: {  	[tilespmem:s18+$0xFFFFFFF0] =	vst v1;
	v7 =	vld [tilespmem:s18+$0x0]  }
0x226: {  	[tilespmem:s18+$0xFFFFFFA0] =	vst v8;
	v0 =	vld [tilespmem:s18+$0x70]  }
0x227: {  	[tilespmem:s18+$0xFFFFFF90] =	vst v3;
	v2 =	vld [tilespmem:s18+$0x50]  }
0x228: {  	[tilespmem:s18+$0xFFFFFFC0] =	vst v5;
	v6 =	vld [tilespmem:s18+$0x20]  }
0x229: {  	v1 =	vld.idx.msk [tilespmem:v4+s28+$0x0], $0xffff  }
0x22a: {  	v9 =	vld [tilespmem:s18+$0x40]  }
.Ltmp4:
0x22b: {  	v5 =	vld [tilespmem:s18+$0x30];
	(pc) =	sbr.rel @p1 .LBB2_9-.Ltmp4, $3  }
0x22c: {  	v4 =	vld [tilespmem:s18+$0x10]  }
0x22d: {  	v3 =	vld [tilespmem:s18+$0x60];
	_ =	sdelay $0x1  }
0x22e: {  	v8 =	vmul.f32 v7, v1;
	v7 =	vmul.f32 v9, v1  }
0x22f: {  	s9 =	sadd.s32 $0x5, s15  }
0x230: {  	v6 =	vmul.f32 v6, v1;
	[tilespmem:s10+$0x0] =	vst v8;
	v8 =	vmov s9  }
0x231: {  	v2 =	vmul.f32 v2, v1;
	[tilespmem:s10+$0x40] =	vst v7;
	v7 =	vand.u32 $0xFFFFFFFD, v8  }
0x232: {  	v0 =	vmul.f32 v0, v1;
	[tilespmem:s10+$0x20] =	vst v6;
	v6 =	vbroadcast v7, $0x0  }
0x233: {  	v5 =	vmul.f32 v5, v1;
	[tilespmem:s10+$0x50] =	vst v2  }
0x234: {  	v2 =	vmul.f32 v3, v1;
	[tilespmem:s10+$0x70] =	vst v0  }
0x235: {  	v0 =	vmul.f32 v4, v1;
	[tilespmem:s10+$0x30] =	vst v5  }
0x236: {  	[tilespmem:s10+$0x60] =	vst v2  }
0x237: {  	v1 =	vld [tilespmem:s10+$0x80];
	[tilespmem:s10+$0x10] =	vst v0  }
0x238: {  	v0 =	vld.idx.msk [tilespmem:v6+s28+$0x0], $0xffff  }
0x239: {  	v2 =	vld [tilespmem:s10+$0xA0]  }
0x23a: {  	v4 =	vld [tilespmem:s10+$0xC0]  }
0x23b: {  	v3 =	vld [tilespmem:s10+$0xD0];
	_ =	sdelay $0x1  }
0x23c: {  	v7 =	vld [tilespmem:s10+$0x90];
	v1 =	vmul.f32 v1, v0  }
0x23d: {  	v5 =	vld [tilespmem:s10+$0xF0];
	v2 =	vmul.f32 v2, v0  }
0x23e: {  	s17 =	sadd.s32 $0x6, s15;
	v6 =	vld [tilespmem:s10+$0xB0];
	v4 =	vmul.f32 v4, v0;
	[tilespmem:s10+$0x80] =	vst v1  }
0x23f: {  	v8 =	vld [tilespmem:s10+$0xE0];
	v1 =	vmul.f32 v3, v0;
	v3 =	vmov s17;
	[tilespmem:s10+$0xA0] =	vst v2  }
0x240: {  	[tilespmem:s10+$0xC0] =	vst v4;
	v2 =	vand.u32 $0xFFFFFFFE, v3  }
0x241: {  	v4 =	vmul.f32 v7, v0;
	[tilespmem:s10+$0xD0] =	vst v1;
	v1 =	vbroadcast v2, $0x0  }
0x242: {  	v3 =	vmul.f32 v5, v0  }
0x243: {  	v2 =	vmul.f32 v6, v0;
	[tilespmem:s10+$0x90] =	vst v4  }
0x244: {  	v0 =	vmul.f32 v8, v0;
	[tilespmem:s10+$0xF0] =	vst v3  }
0x245: {  	[tilespmem:s10+$0xB0] =	vst v2  }
0x246: {  	v2 =	vld [tilespmem:s10+$0x100];
	[tilespmem:s10+$0xE0] =	vst v0  }
0x247: {  	v0 =	vld.idx.msk [tilespmem:v1+s28+$0x0], $0xffff  }
0x248: {  	v1 =	vld [tilespmem:s10+$0x120]  }
0x249: {  	v3 =	vld [tilespmem:s10+$0x130]  }
0x24a: {  	v4 =	vld [tilespmem:s10+$0x140]  }
0x24b: {  	v5 =	vld [tilespmem:s10+$0x160]  }
0x24c: {  	v6 =	vld [tilespmem:s10+$0x110];
	v2 =	vmul.f32 v2, v0  }
0x24d: {  	v7 =	vld [tilespmem:s10+$0x150];
	v1 =	vmul.f32 v1, v0  }
0x24e: {  	v8 =	vld [tilespmem:s10+$0x170];
	v3 =	vmul.f32 v3, v0;
	[tilespmem:s10+$0x100] =	vst v2  }
0x24f: {  	v2 =	vmul.f32 v4, v0;
	[tilespmem:s10+$0x120] =	vst v1  }
0x250: {  	s18 =	sadd.s32 $0x7, s15;
	v1 =	vmul.f32 v5, v0;
	[tilespmem:s10+$0x130] =	vst v3  }
0x251: {  	v3 =	vmul.f32 v6, v0;
	[tilespmem:s10+$0x140] =	vst v2;
	v2 =	vmov s18  }
0x252: {  	v4 =	vmul.f32 v7, v0;
	[tilespmem:s10+$0x160] =	vst v1  }
0x253: {  	v0 =	vmul.f32 v8, v0;
	[tilespmem:s10+$0x110] =	vst v3  }
0x254: {  	[tilespmem:s10+$0x150] =	vst v4  }
0x255: {  	v1 =	vld [tilespmem:s10+$0x180];
	[tilespmem:s10+$0x170] =	vst v0  }
0x256: {  	v0 =	vld.idx.msk [tilespmem:v2+s28+$0x0], $0xffff  }
0x257: {  	v3 =	vld [tilespmem:s10+$0x190]  }
0x258: {  	v2 =	vld [tilespmem:s10+$0x1D0]  }
0x259: {  	v4 =	vld [tilespmem:s10+$0x1A0]  }
0x25a: {  	v5 =	vld [tilespmem:s10+$0x1F0]  }
0x25b: {  	v6 =	vld [tilespmem:s10+$0x1B0];
	v1 =	vmul.f32 v1, v0  }
0x25c: {  	v7 =	vld [tilespmem:s10+$0x1E0];
	v3 =	vmul.f32 v3, v0  }
0x25d: {  	v8 =	vld [tilespmem:s10+$0x1C0];
	[tilespmem:s10+$0x180] =	vst v1;
	v1 =	vmul.f32 v2, v0  }
0x25e: {  	v2 =	vmul.f32 v4, v0;
	[tilespmem:s10+$0x190] =	vst v3  }
0x25f: {  	v3 =	vmul.f32 v5, v0;
	[tilespmem:s10+$0x1D0] =	vst v1  }
0x260: {  	v1 =	vmul.f32 v6, v0;
	[tilespmem:s10+$0x1A0] =	vst v2  }
0x261: {  	v2 =	vmul.f32 v7, v0;
	[tilespmem:s10+$0x1F0] =	vst v3  }
0x262: {  	v0 =	vmul.f32 v8, v0;
	[tilespmem:s10+$0x1B0] =	vst v1  }
0x263: {  	[tilespmem:s10+$0x1E0] =	vst v2  }
0x264: {  	p1 =	seq.s32 s12, $0x22;
	[tilespmem:s10+$0x1C0] =	vst v0  }
0x265: {  	s9 =	sadd.s32 @!p1 s4, s13;
	_ =	swait.ge [sflag:s19], $0x3000  }
0x266: {  	s9 =	sshrl.u32 @!p1 s9, $0x3;
	[sflag:s19] =	ssyncset.done $0x0  }
0x267: {  	s9 =	sadd.s32 @!p1 $0x24, s9;
	[sflag:s19] =	ssyncadd.s32 $0xFFFFD000  }
0x268: {  	[spmem:s2] =	stream.indirect.scatter.add.f32 [tilespmem:s30], [sflag:$0x4], $0x80, s26, s25, $0xb8;
	[tilespmem:$0x1F380] =	vst v63  }
0x269: {  	s15 =	simm.s32 @!p1 $0x0;
	s17 =	simm.s32 @!p1 $0x16000;
	s10 =	sadd.s32 @!p1 s5, s9  }
0x26a: {  	[tilespmem:s17], [sflag:$0x1] =	stream.linear.gather @!p1 [hbm4b:s10+s15], $0x60, $0x38;
	[tilespmem:$0x1F380] =	vst v63  }
0x26b: {  	s9 =	sadd.s32 @!p1 s6, s9;
	s10 =	simm.s32 @!p1 $0x16180  }
0x26c: {  	[tilespmem:s10], [sflag:$0x1] =	stream.linear.gather @!p1 [hbm4b:s9+s15], $0x60, $0x38;
	[tilespmem:$0x1F380] =	vst v63  }
0x26d: {  	s9 =	sadd.s32 @!p1 $0x139A0, s13;
	s10 =	simm.s32 @!p1 $0x60;
	s15 =	simm.s32 @!p1 $0x16300  }
0x26e: {  	[tilespmem:s15], [sflag:$0x1] =	stream.indirect.gather @!p1 [hbm4b:s16+s10], $0x80, s9, s10, $0xb8;
	[tilespmem:$0x1F380] =	vst v63  }
0x26f: {  	_ =	swait.ge [sflag:s8], $0x60  }
0x270: {  	s15 =	simm.s32 $0x0;
	[sflag:s8] =	ssyncset.done $0x0  }
0x271: {  	v0 =	vmov s15;
	[sflag:s8] =	ssyncadd.s32 $0xFFFFFFA0  }
0x272: {  	v0 =	vand.u32 $0xFFFFFFF8, v0;
	_ =	swait.ge [sflag:s8], $0x60  }
0x273: {  	v0 =	vbroadcast v0, $0x0;
	[sflag:s8] =	ssyncset.done $0x0  }
0x274: {  	[sflag:s8] =	ssyncadd.s32 $0xFFFFFFA0  }
0x275: {  	_ =	swait.ge [sflag:s8], $0x3000  }
0x276: {  	[sflag:s8] =	ssyncset.done $0x0  }
0x277: {  	s18 =	simm.s32 $0x1C500;
	[sflag:s8] =	ssyncadd.s32 $0xFFFFD000  }
0x278: {  	v2 =	vld [tilespmem:s18+$0xFFFFFE70]  }
0x279: {  	v0 =	vld.idx.msk [tilespmem:v0+s21+$0x0], $0xffff  }
0x27a: {  	v3 =	vld [tilespmem:s18+$0xFFFFFE00]  }
0x27b: {  	v4 =	vld [tilespmem:s18+$0xFFFFFE20]  }
0x27c: {  	v5 =	vld [tilespmem:s18+$0xFFFFFE30]  }
0x27d: {  	v1 =	vld [tilespmem:s18+$0xFFFFFE50]  }
0x27e: {  	v7 =	vld [tilespmem:s18+$0xFFFFFE10];
	v2 =	vmul.f32 v2, v0  }
0x27f: {  	s23 =	simm.s32 $0x1;
	v6 =	vld [tilespmem:s18+$0xFFFFFE60];
	v3 =	vmul.f32 v3, v0  }
0x280: {  	v8 =	vld [tilespmem:s18+$0xFFFFFE40];
	v4 =	vmul.f32 v4, v0;
	[tilespmem:s18+$0xFFFFFE70] =	vst v2;
	v2 =	vmov s23  }
0x281: {  	v5 =	vmul.f32 v5, v0;
	[tilespmem:s18+$0xFFFFFE00] =	vst v3;
	v2 =	vand.u32 $0xFFFFFFF9, v2  }
0x282: {  	v1 =	vmul.f32 v1, v0;
	[tilespmem:s18+$0xFFFFFE20] =	vst v4;
	v2 =	vbroadcast v2, $0x0  }
0x283: {  	v3 =	vmul.f32 v7, v0;
	[tilespmem:s18+$0xFFFFFE30] =	vst v5  }
0x284: {  	v4 =	vmul.f32 v6, v0;
	[tilespmem:s18+$0xFFFFFE50] =	vst v1  }
0x285: {  	v0 =	vmul.f32 v8, v0;
	[tilespmem:s18+$0xFFFFFE10] =	vst v3  }
0x286: {  	[tilespmem:s18+$0xFFFFFE60] =	vst v4  }
0x287: {  	[tilespmem:s18+$0xFFFFFE40] =	vst v0  }
0x288: {  	v0 =	vld.idx.msk [tilespmem:v2+s21+$0x0], $0xffff  }
0x289: {  	v2 =	vld [tilespmem:s18+$0xFFFFFE90]  }
0x28a: {  	v3 =	vld [tilespmem:s18+$0xFFFFFEC0]  }
0x28b: {  	v4 =	vld [tilespmem:s18+$0xFFFFFE80]  }
0x28c: {  	v5 =	vld [tilespmem:s18+$0xFFFFFED0]  }
0x28d: {  	v1 =	vld [tilespmem:s18+$0xFFFFFEF0]  }
0x28e: {  	v6 =	vld [tilespmem:s18+$0xFFFFFEE0];
	v2 =	vmul.f32 v2, v0  }
0x28f: {  	s10 =	simm.s32 $0x2;
	v7 =	vld [tilespmem:s18+$0xFFFFFEB0];
	v3 =	vmul.f32 v3, v0  }
0x290: {  	v8 =	vld [tilespmem:s18+$0xFFFFFEA0];
	v4 =	vmul.f32 v4, v0;
	[tilespmem:s18+$0xFFFFFE90] =	vst v2;
	v2 =	vmov s10  }
0x291: {  	v5 =	vmul.f32 v5, v0;
	[tilespmem:s18+$0xFFFFFEC0] =	vst v3;
	v2 =	vand.u32 $0xFFFFFFFA, v2  }
0x292: {  	v1 =	vmul.f32 v1, v0;
	[tilespmem:s18+$0xFFFFFE80] =	vst v4;
	v2 =	vbroadcast v2, $0x0  }
0x293: {  	v3 =	vmul.f32 v6, v0;
	[tilespmem:s18+$0xFFFFFED0] =	vst v5  }
0x294: {  	v4 =	vmul.f32 v7, v0;
	[tilespmem:s18+$0xFFFFFEF0] =	vst v1  }
0x295: {  	v0 =	vmul.f32 v8, v0;
	[tilespmem:s18+$0xFFFFFEE0] =	vst v3  }
0x296: {  	[tilespmem:s18+$0xFFFFFEB0] =	vst v4  }
0x297: {  	v1 =	vld [tilespmem:s18+$0xFFFFFF00];
	[tilespmem:s18+$0xFFFFFEA0] =	vst v0  }
0x298: {  	v0 =	vld.idx.msk [tilespmem:v2+s21+$0x0], $0xffff  }
0x299: {  	v2 =	vld [tilespmem:s18+$0xFFFFFF60]  }
0x29a: {  	v3 =	vld [tilespmem:s18+$0xFFFFFF10]  }
0x29b: {  	v4 =	vld [tilespmem:s18+$0xFFFFFF50]  }
0x29c: {  	v5 =	vld [tilespmem:s18+$0xFFFFFF70]  }
0x29d: {  	v6 =	vld [tilespmem:s18+$0xFFFFFF20];
	v1 =	vmul.f32 v1, v0  }
0x29e: {  	s17 =	simm.s32 $0x3;
	v7 =	vld [tilespmem:s18+$0xFFFFFF30];
	v2 =	vmul.f32 v2, v0  }
0x29f: {  	v8 =	vld [tilespmem:s18+$0xFFFFFF40];
	v3 =	vmul.f32 v3, v0;
	[tilespmem:s18+$0xFFFFFF00] =	vst v1;
	v1 =	vmov s17  }
0x2a0: {  	v4 =	vmul.f32 v4, v0;
	[tilespmem:s18+$0xFFFFFF60] =	vst v2;
	v1 =	vand.u32 $0xFFFFFFFB, v1  }
0x2a1: {  	v2 =	vmul.f32 v5, v0;
	[tilespmem:s18+$0xFFFFFF10] =	vst v3;
	v1 =	vbroadcast v1, $0x0  }
0x2a2: {  	v3 =	vmul.f32 v6, v0;
	[tilespmem:s18+$0xFFFFFF50] =	vst v4  }
0x2a3: {  	v4 =	vmul.f32 v7, v0;
	[tilespmem:s18+$0xFFFFFF70] =	vst v2  }
0x2a4: {  	v0 =	vmul.f32 v8, v0;
	[tilespmem:s18+$0xFFFFFF20] =	vst v3  }
0x2a5: {  	[tilespmem:s18+$0xFFFFFF30] =	vst v4  }
0x2a6: {  	[tilespmem:s18+$0xFFFFFF40] =	vst v0  }
0x2a7: {  	v0 =	vld.idx.msk [tilespmem:v1+s21+$0x0], $0xffff  }
0x2a8: {  	v1 =	vld [tilespmem:s18+$0xFFFFFFB0]  }
0x2a9: {  	v3 =	vld [tilespmem:s18+$0xFFFFFFE0]  }
0x2aa: {  	v4 =	vld [tilespmem:s18+$0xFFFFFF80]  }
0x2ab: {  	v5 =	vld [tilespmem:s18+$0xFFFFFFD0]  }
0x2ac: {  	v2 =	vld [tilespmem:s18+$0xFFFFFFF0]  }
0x2ad: {  	v7 =	vld [tilespmem:s18+$0xFFFFFFA0];
	v1 =	vmul.f32 v1, v0  }
0x2ae: {  	s23 =	simm.s32 $0x4;
	v6 =	vld [tilespmem:s18+$0xFFFFFF90];
	v3 =	vmul.f32 v3, v0  }
0x2af: {  	v8 =	vld [tilespmem:s18+$0xFFFFFFC0];
	v4 =	vmul.f32 v4, v0;
	[tilespmem:s18+$0xFFFFFFB0] =	vst v1;
	v1 =	vmov s23  }
0x2b0: {  	v5 =	vmul.f32 v5, v0;
	[tilespmem:s18+$0xFFFFFFE0] =	vst v3;
	v1 =	vand.u32 $0xFFFFFFFC, v1  }
0x2b1: {  	v2 =	vmul.f32 v2, v0;
	[tilespmem:s18+$0xFFFFFF80] =	vst v4;
	v1 =	vbroadcast v1, $0x0  }
0x2b2: {  	v9 =	vld [tilespmem:s18+$0x40];
	v3 =	vmul.f32 v7, v0;
	[tilespmem:s18+$0xFFFFFFD0] =	vst v5  }
0x2b3: {  	v4 =	vmul.f32 v6, v0;
	[tilespmem:s18+$0xFFFFFFF0] =	vst v2;
	v7 =	vld [tilespmem:s18+$0x0]  }
0x2b4: {  	v2 =	vmul.f32 v8, v0;
	v0 =	vld [tilespmem:s18+$0x70];
	[tilespmem:s18+$0xFFFFFFA0] =	vst v3  }
0x2b5: {  	v6 =	vld [tilespmem:s18+$0x20];
	[tilespmem:s18+$0xFFFFFF90] =	vst v4  }
0x2b6: {  	v5 =	vld [tilespmem:s18+$0x30];
	[tilespmem:s18+$0xFFFFFFC0] =	vst v2  }
0x2b7: {  	v1 =	vld.idx.msk [tilespmem:v1+s21+$0x0], $0xffff  }
0x2b8: {  	v2 =	vld [tilespmem:s18+$0x50]  }
0x2b9: {  	v4 =	vld [tilespmem:s18+$0x10]  }
0x2ba: {  	v3 =	vld [tilespmem:s18+$0x60];
	_ =	sdelay $0x1  }
0x2bb: {  	s10 =	simm.s32 $0x1C500;
	s17 =	simm.s32 $0x8;
	v8 =	vmul.f32 v7, v1;
	v7 =	vmul.f32 v9, v1  }
.LBB2_11:
0x2bc: {  	p2 =	slt.u32 s17, $0x58;
	v6 =	vmul.f32 v6, v1;
	v5 =	vmul.f32 v5, v1;
	s9 =	sadd.s32 $0x5, s15;
	s18 =	sadd.s32 $0x400, s18  }
0x2bd: {  	v2 =	vmul.f32 v2, v1;
	[tilespmem:s10+$0x0] =	vst v8;
	v4 =	vmul.f32 v4, v1;
	v8 =	vmov s9;
	s9 =	smov.u32 s17;
	s17 =	sadd.s32 $0x8, s17  }
0x2be: {  	v0 =	vmul.f32 v0, v1;
	[tilespmem:s10+$0x40] =	vst v7;
	v3 =	vmul.f32 v3, v1;
	v1 =	vand.u32 $0xFFFFFFFD, v8  }
0x2bf: {  	[tilespmem:s10+$0x20] =	vst v6;
	v1 =	vbroadcast v1, $0x0  }
0x2c0: {  	[tilespmem:s10+$0x50] =	vst v2  }
0x2c1: {  	[tilespmem:s10+$0x70] =	vst v0;
	v0 =	vld [tilespmem:s10+$0xA0]  }
0x2c2: {  	[tilespmem:s10+$0x30] =	vst v5;
	v2 =	vld [tilespmem:s10+$0x80]  }
0x2c3: {  	[tilespmem:s10+$0x60] =	vst v3;
	v3 =	vld [tilespmem:s10+$0xD0]  }
0x2c4: {  	[tilespmem:s10+$0x10] =	vst v4;
	v4 =	vld [tilespmem:s10+$0xF0]  }
0x2c5: {  	v1 =	vld.idx.msk [tilespmem:v1+s21+$0x0], $0xffff  }
0x2c6: {  	v5 =	vld [tilespmem:s10+$0xC0]  }
0x2c7: {  	v6 =	vld [tilespmem:s10+$0xB0]  }
0x2c8: {  	v7 =	vld [tilespmem:s10+$0x90]  }
0x2c9: {  	v8 =	vld [tilespmem:s10+$0xE0];
	_ =	sdelay $0x1  }
0x2ca: {  	v2 =	vmul.f32 v2, v1;
	v5 =	vmul.f32 v5, v1  }
0x2cb: {  	s23 =	sadd.s32 $0x6, s15;
	v0 =	vmul.f32 v0, v1;
	v6 =	vmul.f32 v6, v1  }
0x2cc: {  	v3 =	vmul.f32 v3, v1;
	[tilespmem:s10+$0x80] =	vst v2;
	v2 =	vmul.f32 v7, v1;
	v7 =	vmov s23  }
0x2cd: {  	[tilespmem:s10+$0xA0] =	vst v0;
	v0 =	vmul.f32 v8, v1;
	v1 =	vmul.f32 v4, v1;
	v4 =	vand.u32 $0xFFFFFFFE, v7  }
0x2ce: {  	[tilespmem:s10+$0xD0] =	vst v3;
	v3 =	vbroadcast v4, $0x0  }
0x2cf: {  	[tilespmem:s10+$0xC0] =	vst v5  }
0x2d0: {  	[tilespmem:s10+$0xF0] =	vst v1;
	v1 =	vld [tilespmem:s10+$0x120]  }
0x2d1: {  	[tilespmem:s10+$0xB0] =	vst v6;
	v4 =	vld [tilespmem:s10+$0x100]  }
0x2d2: {  	[tilespmem:s10+$0x90] =	vst v2;
	v2 =	vld [tilespmem:s10+$0x140]  }
0x2d3: {  	[tilespmem:s10+$0xE0] =	vst v0;
	v0 =	vld [tilespmem:s10+$0x130]  }
0x2d4: {  	v3 =	vld.idx.msk [tilespmem:v3+s21+$0x0], $0xffff  }
0x2d5: {  	v5 =	vld [tilespmem:s10+$0x110]  }
0x2d6: {  	v6 =	vld [tilespmem:s10+$0x160]  }
0x2d7: {  	v7 =	vld [tilespmem:s10+$0x150]  }
0x2d8: {  	v8 =	vld [tilespmem:s10+$0x170];
	_ =	sdelay $0x1  }
0x2d9: {  	v4 =	vmul.f32 v4, v3;
	v5 =	vmul.f32 v5, v3  }
0x2da: {  	v1 =	vmul.f32 v1, v3;
	v0 =	vmul.f32 v0, v3  }
0x2db: {  	v2 =	vmul.f32 v2, v3;
	[tilespmem:s10+$0x100] =	vst v4;
	v4 =	vmul.f32 v7, v3  }
0x2dc: {  	[tilespmem:s10+$0x120] =	vst v1;
	v1 =	vmul.f32 v6, v3;
	v3 =	vmul.f32 v8, v3  }
0x2dd: {  	s23 =	sadd.s32 $0x7, s15;
	s15 =	smov.u32 s9;
	[tilespmem:s10+$0x130] =	vst v0  }
0x2de: {  	v0 =	vmov s23;
	[tilespmem:s10+$0x140] =	vst v2  }
0x2df: {  	[tilespmem:s10+$0x160] =	vst v1;
	v1 =	vld [tilespmem:s10+$0x180]  }
0x2e0: {  	[tilespmem:s10+$0x110] =	vst v5;
	v2 =	vld [tilespmem:s10+$0x1D0]  }
0x2e1: {  	[tilespmem:s10+$0x150] =	vst v4;
	v4 =	vld [tilespmem:s10+$0x190]  }
0x2e2: {  	[tilespmem:s10+$0x170] =	vst v3;
	v3 =	vld [tilespmem:s10+$0x1F0]  }
0x2e3: {  	v0 =	vld.idx.msk [tilespmem:v0+s21+$0x0], $0xffff  }
0x2e4: {  	v5 =	vld [tilespmem:s10+$0x1B0]  }
0x2e5: {  	v6 =	vld [tilespmem:s10+$0x1A0]  }
0x2e6: {  	v7 =	vld [tilespmem:s10+$0x1C0]  }
0x2e7: {  	v8 =	vld [tilespmem:s10+$0x1E0];
	_ =	sdelay $0x1  }
0x2e8: {  	v1 =	vmul.f32 v1, v0;
	v4 =	vmul.f32 v4, v0  }
0x2e9: {  	v5 =	vmul.f32 v5, v0;
	v6 =	vmul.f32 v6, v0  }
0x2ea: {  	v9 =	vmov s15;
	v2 =	vmul.f32 v2, v0;
	[tilespmem:s10+$0x180] =	vst v1;
	v1 =	vmul.f32 v7, v0  }
0x2eb: {  	v7 =	vand.u32 $0xFFFFFFF8, v9;
	[tilespmem:s10+$0x190] =	vst v4;
	v4 =	vmul.f32 v8, v0;
	v0 =	vmul.f32 v3, v0  }
0x2ec: {  	v3 =	vbroadcast v7, $0x0;
	[tilespmem:s10+$0x1D0] =	vst v2  }
0x2ed: {  	[tilespmem:s10+$0x1A0] =	vst v6  }
0x2ee: {  	v2 =	vld [tilespmem:s18+$0xFFFFFE50];
	[tilespmem:s10+$0x1F0] =	vst v0  }
0x2ef: {  	v0 =	vld [tilespmem:s18+$0xFFFFFE30];
	[tilespmem:s10+$0x1B0] =	vst v5  }
0x2f0: {  	v5 =	vld [tilespmem:s18+$0xFFFFFE60];
	[tilespmem:s10+$0x1E0] =	vst v4  }
0x2f1: {  	v4 =	vld [tilespmem:s18+$0xFFFFFE70];
	[tilespmem:s10+$0x1C0] =	vst v1;
	s10 =	smov.u32 s18  }
0x2f2: {  	v1 =	vld.idx.msk [tilespmem:v3+s21+$0x0], $0xffff  }
0x2f3: {  	v3 =	vld [tilespmem:s18+$0xFFFFFE00]  }
0x2f4: {  	v6 =	vld [tilespmem:s18+$0xFFFFFE20]  }
0x2f5: {  	v7 =	vld [tilespmem:s18+$0xFFFFFE10]  }
0x2f6: {  	v8 =	vld [tilespmem:s18+$0xFFFFFE40];
	_ =	sdelay $0x1  }
0x2f7: {  	v4 =	vmul.f32 v4, v1;
	v3 =	vmul.f32 v3, v1  }
0x2f8: {  	s9 =	sadd.s32 $0x1, s15;
	v5 =	vmul.f32 v5, v1;
	v6 =	vmul.f32 v6, v1  }
0x2f9: {  	v0 =	vmul.f32 v0, v1;
	v7 =	vmul.f32 v7, v1;
	[tilespmem:s18+$0xFFFFFE70] =	vst v4;
	v4 =	vmov s9  }
0x2fa: {  	[tilespmem:s18+$0xFFFFFE00] =	vst v3;
	v3 =	vmul.f32 v8, v1;
	v1 =	vmul.f32 v2, v1;
	v2 =	vand.u32 $0xFFFFFFF9, v4  }
0x2fb: {  	[tilespmem:s18+$0xFFFFFE20] =	vst v6;
	v2 =	vbroadcast v2, $0x0  }
0x2fc: {  	[tilespmem:s18+$0xFFFFFE30] =	vst v0  }
0x2fd: {  	[tilespmem:s18+$0xFFFFFE50] =	vst v1;
	v0 =	vld [tilespmem:s18+$0xFFFFFEF0]  }
0x2fe: {  	[tilespmem:s18+$0xFFFFFE10] =	vst v7;
	v1 =	vld [tilespmem:s18+$0xFFFFFED0]  }
0x2ff: {  	[tilespmem:s18+$0xFFFFFE60] =	vst v5;
	v4 =	vld [tilespmem:s18+$0xFFFFFEB0]  }
0x300: {  	[tilespmem:s18+$0xFFFFFE40] =	vst v3;
	v3 =	vld [tilespmem:s18+$0xFFFFFEC0]  }
0x301: {  	v2 =	vld.idx.msk [tilespmem:v2+s21+$0x0], $0xffff  }
0x302: {  	v5 =	vld [tilespmem:s18+$0xFFFFFE90]  }
0x303: {  	v6 =	vld [tilespmem:s18+$0xFFFFFE80]  }
0x304: {  	v7 =	vld [tilespmem:s18+$0xFFFFFEA0]  }
0x305: {  	v8 =	vld [tilespmem:s18+$0xFFFFFEE0];
	_ =	sdelay $0x1  }
0x306: {  	v3 =	vmul.f32 v3, v2;
	v5 =	vmul.f32 v5, v2  }
0x307: {  	s9 =	sadd.s32 $0x2, s15;
	v4 =	vmul.f32 v4, v2;
	v6 =	vmul.f32 v6, v2  }
0x308: {  	v1 =	vmul.f32 v1, v2;
	[tilespmem:s18+$0xFFFFFE90] =	vst v5;
	v5 =	vmul.f32 v7, v2;
	v7 =	vmov s9  }
0x309: {  	v0 =	vmul.f32 v0, v2;
	[tilespmem:s18+$0xFFFFFEC0] =	vst v3;
	v3 =	vmul.f32 v8, v2;
	v2 =	vand.u32 $0xFFFFFFFA, v7  }
0x30a: {  	[tilespmem:s18+$0xFFFFFE80] =	vst v6;
	v2 =	vbroadcast v2, $0x0  }
0x30b: {  	[tilespmem:s18+$0xFFFFFED0] =	vst v1  }
0x30c: {  	[tilespmem:s18+$0xFFFFFEE0] =	vst v3;
	v1 =	vld [tilespmem:s18+$0xFFFFFF70]  }
0x30d: {  	[tilespmem:s18+$0xFFFFFEB0] =	vst v4;
	v3 =	vld [tilespmem:s18+$0xFFFFFF50]  }
0x30e: {  	[tilespmem:s18+$0xFFFFFEF0] =	vst v0;
	v0 =	vld [tilespmem:s18+$0xFFFFFF20]  }
0x30f: {  	[tilespmem:s18+$0xFFFFFEA0] =	vst v5;
	v4 =	vld [tilespmem:s18+$0xFFFFFF60]  }
0x310: {  	v2 =	vld.idx.msk [tilespmem:v2+s21+$0x0], $0xffff  }
0x311: {  	v5 =	vld [tilespmem:s18+$0xFFFFFF00]  }
0x312: {  	v6 =	vld [tilespmem:s18+$0xFFFFFF10]  }
0x313: {  	v7 =	vld [tilespmem:s18+$0xFFFFFF40]  }
0x314: {  	v8 =	vld [tilespmem:s18+$0xFFFFFF30];
	_ =	sdelay $0x1  }
0x315: {  	v4 =	vmul.f32 v4, v2;
	v5 =	vmul.f32 v5, v2  }
0x316: {  	s9 =	sadd.s32 $0x3, s15;
	v0 =	vmul.f32 v0, v2;
	v6 =	vmul.f32 v6, v2  }
0x317: {  	v3 =	vmul.f32 v3, v2;
	[tilespmem:s18+$0xFFFFFF00] =	vst v5;
	v5 =	vmul.f32 v7, v2;
	v7 =	vmov s9  }
0x318: {  	v1 =	vmul.f32 v1, v2;
	v8 =	vmul.f32 v8, v2;
	[tilespmem:s18+$0xFFFFFF60] =	vst v4;
	v2 =	vand.u32 $0xFFFFFFFB, v7  }
0x319: {  	[tilespmem:s18+$0xFFFFFF10] =	vst v6;
	v2 =	vbroadcast v2, $0x0  }
0x31a: {  	[tilespmem:s18+$0xFFFFFF50] =	vst v3  }
0x31b: {  	[tilespmem:s18+$0xFFFFFF70] =	vst v1;
	v1 =	vld [tilespmem:s18+$0xFFFFFFF0]  }
0x31c: {  	[tilespmem:s18+$0xFFFFFF20] =	vst v0;
	v0 =	vld [tilespmem:s18+$0xFFFFFFD0]  }
0x31d: {  	[tilespmem:s18+$0xFFFFFF30] =	vst v8;
	v3 =	vld [tilespmem:s18+$0xFFFFFF90]  }
0x31e: {  	[tilespmem:s18+$0xFFFFFF40] =	vst v5;
	v4 =	vld [tilespmem:s18+$0xFFFFFFE0]  }
0x31f: {  	v2 =	vld.idx.msk [tilespmem:v2+s21+$0x0], $0xffff  }
0x320: {  	v5 =	vld [tilespmem:s18+$0xFFFFFFB0]  }
0x321: {  	v6 =	vld [tilespmem:s18+$0xFFFFFF80]  }
0x322: {  	v7 =	vld [tilespmem:s18+$0xFFFFFFC0]  }
0x323: {  	v8 =	vld [tilespmem:s18+$0xFFFFFFA0];
	_ =	sdelay $0x1  }
0x324: {  	v4 =	vmul.f32 v4, v2;
	v5 =	vmul.f32 v5, v2  }
0x325: {  	s9 =	sadd.s32 $0x4, s15;
	v3 =	vmul.f32 v3, v2;
	v6 =	vmul.f32 v6, v2  }
0x326: {  	v0 =	vmul.f32 v0, v2;
	[tilespmem:s18+$0xFFFFFFB0] =	vst v5;
	v5 =	vmul.f32 v7, v2;
	v7 =	vmov s9  }
0x327: {  	v1 =	vmul.f32 v1, v2;
	v8 =	vmul.f32 v8, v2;
	[tilespmem:s18+$0xFFFFFFE0] =	vst v4;
	v2 =	vand.u32 $0xFFFFFFFC, v7  }
0x328: {  	[tilespmem:s18+$0xFFFFFF80] =	vst v6;
	v4 =	vbroadcast v2, $0x0  }
0x329: {  	[tilespmem:s18+$0xFFFFFFD0] =	vst v0  }
0x32a: {  	[tilespmem:s18+$0xFFFFFFF0] =	vst v1;
	v7 =	vld [tilespmem:s18+$0x0]  }
0x32b: {  	[tilespmem:s18+$0xFFFFFFA0] =	vst v8;
	v0 =	vld [tilespmem:s18+$0x70]  }
0x32c: {  	[tilespmem:s18+$0xFFFFFF90] =	vst v3;
	v2 =	vld [tilespmem:s18+$0x50]  }
0x32d: {  	[tilespmem:s18+$0xFFFFFFC0] =	vst v5;
	v6 =	vld [tilespmem:s18+$0x20]  }
0x32e: {  	v1 =	vld.idx.msk [tilespmem:v4+s21+$0x0], $0xffff  }
0x32f: {  	v9 =	vld [tilespmem:s18+$0x40]  }
.Ltmp5:
0x330: {  	v5 =	vld [tilespmem:s18+$0x30];
	(pc) =	sbr.rel @p2 .LBB2_11-.Ltmp5, $3  }
0x331: {  	v4 =	vld [tilespmem:s18+$0x10]  }
0x332: {  	v3 =	vld [tilespmem:s18+$0x60];
	_ =	sdelay $0x1  }
0x333: {  	v8 =	vmul.f32 v7, v1;
	v7 =	vmul.f32 v9, v1  }
0x334: {  	s9 =	sadd.s32 $0x5, s15  }
0x335: {  	v6 =	vmul.f32 v6, v1;
	[tilespmem:s10+$0x0] =	vst v8;
	v18 =	vmov s9  }
0x336: {  	v2 =	vmul.f32 v2, v1;
	[tilespmem:s10+$0x40] =	vst v7;
	v19 =	vand.u32 $0xFFFFFFFD, v18  }
0x337: {  	v0 =	vmul.f32 v0, v1;
	[tilespmem:s10+$0x20] =	vst v6;
	v20 =	vbroadcast v19, $0x0  }
0x338: {  	v5 =	vmul.f32 v5, v1;
	[tilespmem:s10+$0x50] =	vst v2  }
0x339: {  	v22 =	vmul.f32 v4, v1;
	[tilespmem:s10+$0x70] =	vst v0  }
0x33a: {  	v21 =	vmul.f32 v3, v1;
	[tilespmem:s10+$0x30] =	vst v5  }
0x33b: {  	[tilespmem:s10+$0x10] =	vst v22  }
0x33c: {  	v23 =	vld [tilespmem:s10+$0x80];
	[tilespmem:s10+$0x60] =	vst v21  }
0x33d: {  	v0 =	vld.idx.msk [tilespmem:v20+s21+$0x0], $0xffff  }
0x33e: {  	v24 =	vld [tilespmem:s10+$0xA0]  }
0x33f: {  	v25 =	vld [tilespmem:s10+$0xD0]  }
0x340: {  	v26 =	vld [tilespmem:s10+$0xC0]  }
0x341: {  	v27 =	vld [tilespmem:s10+$0xF0]  }
0x342: {  	v28 =	vld [tilespmem:s10+$0xB0];
	v1 =	vmul.f32 v23, v0  }
0x343: {  	v29 =	vld [tilespmem:s10+$0x90];
	s18 =	sadd.s32 $0x6, s15;
	v2 =	vmul.f32 v24, v0  }
0x344: {  	v30 =	vld [tilespmem:s10+$0xE0];
	v32 =	vmov s18;
	v31 =	vmul.f32 v25, v0;
	[tilespmem:s10+$0x80] =	vst v1  }
0x345: {  	v33 =	vand.u32 $0xFFFFFFFE, v32;
	v4 =	vmul.f32 v26, v0;
	[tilespmem:s10+$0xA0] =	vst v2  }
0x346: {  	v35 =	vbroadcast v33, $0x0;
	v34 =	vmul.f32 v27, v0;
	[tilespmem:s10+$0xD0] =	vst v31  }
0x347: {  	v36 =	vmul.f32 v28, v0;
	[tilespmem:s10+$0xC0] =	vst v4  }
0x348: {  	v37 =	vmul.f32 v29, v0;
	[tilespmem:s10+$0xF0] =	vst v34  }
0x349: {  	v0 =	vmul.f32 v30, v0;
	[tilespmem:s10+$0xB0] =	vst v36  }
0x34a: {  	[tilespmem:s10+$0x90] =	vst v37  }
0x34b: {  	v38 =	vld [tilespmem:s10+$0x100];
	[tilespmem:s10+$0xE0] =	vst v0  }
0x34c: {  	v0 =	vld.idx.msk [tilespmem:v35+s21+$0x0], $0xffff  }
0x34d: {  	v39 =	vld [tilespmem:s10+$0x120]  }
0x34e: {  	v40 =	vld [tilespmem:s10+$0x130]  }
0x34f: {  	v41 =	vld [tilespmem:s10+$0x140]  }
0x350: {  	v42 =	vld [tilespmem:s10+$0x160]  }
0x351: {  	v43 =	vld [tilespmem:s10+$0x110];
	v2 =	vmul.f32 v38, v0  }
0x352: {  	v44 =	vld [tilespmem:s10+$0x150];
	v1 =	vmul.f32 v39, v0  }
0x353: {  	v45 =	vld [tilespmem:s10+$0x170];
	v3 =	vmul.f32 v40, v0;
	[tilespmem:s10+$0x100] =	vst v2  }
0x354: {  	v46 =	vmul.f32 v41, v0;
	[tilespmem:s10+$0x120] =	vst v1  }
0x355: {  	s23 =	sadd.s32 $0x7, s15;
	v47 =	vmul.f32 v42, v0;
	[tilespmem:s10+$0x130] =	vst v3  }
0x356: {  	v49 =	vmov s23;
	v48 =	vmul.f32 v43, v0;
	[tilespmem:s10+$0x140] =	vst v46  }
0x357: {  	v50 =	vmul.f32 v44, v0;
	[tilespmem:s10+$0x160] =	vst v47  }
0x358: {  	v0 =	vmul.f32 v45, v0;
	[tilespmem:s10+$0x110] =	vst v48  }
0x359: {  	[tilespmem:s10+$0x150] =	vst v50  }
0x35a: {  	v51 =	vld [tilespmem:s10+$0x180];
	[tilespmem:s10+$0x170] =	vst v0  }
0x35b: {  	v0 =	vld.idx.msk [tilespmem:v49+s21+$0x0], $0xffff  }
0x35c: {  	v52 =	vld [tilespmem:s10+$0x190]  }
0x35d: {  	v53 =	vld [tilespmem:s10+$0x1D0]  }
0x35e: {  	v54 =	vld [tilespmem:s10+$0x1A0]  }
0x35f: {  	v55 =	vld [tilespmem:s10+$0x1F0]  }
0x360: {  	v56 =	vld [tilespmem:s10+$0x1B0];
	v1 =	vmul.f32 v51, v0  }
0x361: {  	v57 =	vld [tilespmem:s10+$0x1E0];
	v3 =	vmul.f32 v52, v0  }
0x362: {  	v58 =	vld [tilespmem:s10+$0x1C0];
	v59 =	vmul.f32 v53, v0;
	[tilespmem:s10+$0x180] =	vst v1  }
0x363: {  	v60 =	vmul.f32 v54, v0;
	[tilespmem:s10+$0x190] =	vst v3  }
0x364: {  	v61 =	vmul.f32 v55, v0;
	[tilespmem:s10+$0x1D0] =	vst v59  }
0x365: {  	v62 =	vmul.f32 v56, v0;
	[tilespmem:s10+$0x1A0] =	vst v60  }
0x366: {  	v63 =	vmul.f32 v57, v0;
	[tilespmem:s10+$0x1F0] =	vst v61  }
0x367: {  	v0 =	vmul.f32 v58, v0;
	[tilespmem:s10+$0x1B0] =	vst v62  }
0x368: {  	[tilespmem:s10+$0x1E0] =	vst v63  }
.Ltmp6:
0x369: {  	[tilespmem:s10+$0x1C0] =	vst v0;
	(pc) =	sbr.rel @p1 .LBB2_14-.Ltmp6, $4  }
0x36a: {  	_ =	swait.ge [sflag:s19], $0x3000  }
0x36b: {  	[sflag:s19] =	ssyncset.done $0x0  }
0x36c: {  	[sflag:s19] =	ssyncadd.s32 $0xFFFFD000  }
0x36d: {  	[spmem:s2] =	stream.indirect.scatter.add.f32 [tilespmem:s29], [sflag:$0x4], $0x80, s0, s25, $0xb8;
	[tilespmem:$0x1F380] =	vst v63  }
0x36e: {  	s9 =	sadd.s32 $0x30, s14  }
0x36f: {  	s10 =	sadd.s32 s5, s9  }
0x370: {  	[tilespmem:s26], [sflag:$0x2] =	stream.linear.gather [hbm4b:s10+s3], $0x60, $0x38;
	[tilespmem:$0x1F380] =	vst v63  }
.Ltmp7:
0x371: {  	_ = 	snop;
	(pc) =	sbr.rel .LBB2_6-.Ltmp7, $4  }
0x372: {  	s9 =	sadd.s32 s6, s9  }
0x373: {  	[tilespmem:s28], [sflag:$0x2] =	stream.linear.gather [hbm4b:s9+s3], $0x60, $0x38;
	[tilespmem:$0x1F380] =	vst v63  }
0x374: {  	s23 =	sadd.s32 $0x13A00, s13;
	s12 =	sadd.s32 $0x1, s12  }
0x375: {  	[tilespmem:s30], [sflag:$0x2] =	stream.indirect.gather [hbm4b:s16+s25], $0x80, s23, s25, $0xb8;
	[tilespmem:$0x1F380] =	vst v63  }
.LBB2_14:
0x376: {  	_ =	swait.ge [sflag:s19], $0x3000  }
0x377: {  	s9 =	rddreg [dreg:$0x6]  }
0x378: {  	s12 =	sadd.s32 $0xFFFFFFFF, s9  }
0x379: {  	p2 =	sne.s32 s12, $0x0  }
.Ltmp8:
0x37a: {  	_ = 	snop;
	(pc) =	sbr.rel @!p2 .LBB2_15-.Ltmp8, $4  }
0x37b: {  	[sflag:s19] =	ssyncset.done $0x0  }
0x37c: {  	[sflag:s19] =	ssyncadd.s32 $0xFFFFD000  }
0x37d: {  	s23 =	stileid.u32;
	[bflag:$0x0] =	sbarrier.arrive $0xFFFF  }
0x37e: {  	p1 =	por $0x0, $0x0;
	s10 =	sshll.u32 s23, $0x6;
	s9 =	simm.s32 @!p0 $0x6  }
0x37f: {  	s11 =	simm.s32 @!p0 $0x6;
	s14 =	sadd.s32 $0xFFFFFFFF, s12  }
0x380: {  	s18 =	rddreg [dreg:$0xd];
	s11 =	simm.s32 @p0 $0x5;
	p2 =	sne.s32 s14, $0x0  }
.Ltmp9:
0x381: {  	s17 =	rddreg [dreg:$0xc];
	s23 =	sadd.s32 s11, s10;
	(pc) =	sbr.rel @!p2 .LBB2_17-.Ltmp9, $4  }
0x382: {  	s13 =	sadd.s32 s18, s7;
	s15 =	sshrl.u32 s17, $0x3;
	s12 =	sadd.s32 $0x1C00, s23  }
0x383: {  	[hbm:s13], [sflag:s12] =	dma.local [spmem:s15], $0x280  }
0x384: {  	p1 =	por $0x1, $0x1;
	_ =	swait.ge [sflag:s11], $0x280  }
0x385: {  	s12 =	sadd.s32 $0x2800, s18;
	s13 =	sadd.s32 $0x14000, s17;
	[sflag:s11] =	ssyncset.done $0x0  }
.LBB2_18:
0x386: {  	[sflag:s11] =	ssyncadd.s32 $0xFFFFFD80;
	s11 =	smov.u32 s9;
	s14 =	sadd.s32 $0xFFFFFFFF, s14  }
0x387: {  	s15 =	smov.u32 s10;
	s11 =	simm.s32 @p0 $0x5;
	p2 =	sne.s32 s14, $0x0  }
.Ltmp10:
0x388: {  	s15 =	sadd.s32 s11, s15;
	(pc) =	sbr.rel @p2 .LBB2_18-.Ltmp10, $4  }
0x389: {  	s17 =	sadd.s32 s12, s7;
	s18 =	sshrl.u32 s13, $0x3;
	s15 =	sadd.s32 $0x1C00, s15  }
0x38a: {  	[hbm:s17], [sflag:s15] =	dma.local [spmem:s18], $0x280  }
0x38b: {  	s12 =	sadd.s32 $0x2800, s12;
	_ =	swait.ge [sflag:s11], $0x280  }
0x38c: {  	s13 =	sadd.s32 $0x14000, s13;
	[sflag:s11] =	ssyncset.done $0x0  }
0x38d: {  	s14 =	rddreg [dreg:$0xe]  }
.LBB2_20:
0x38e: {  	s9 =	simm.s32 @p0 $0x5  }
0x38f: {  	[sflag:s11] =	ssyncadd.s32 @p1 $0xFFFFFD80;
	s10 =	sadd.s32 s9, s10  }
0x390: {  	s17 =	sadd.s32 s12, s7;
	s18 =	sshrl.u32 s13, $0x3;
	s10 =	sadd.s32 $0x1C00, s10  }
0x391: {  	[hbm:s17], [sflag:s10] =	dma.local [spmem:s18], $0x280  }
0x392: {  	_ =	swait.ge [sflag:s9], $0x280  }
0x393: {  	s14 =	sadd.s32 $0x1, s14;
	s23 =	rddreg [dreg:$0xb]  }
0x394: {  	p1 =	sne.s32 s14, s23  }
.Ltmp11:
0x395: {  	_ = 	snop;
	(pc) =	sbr.rel @p1 .LBB2_1-.Ltmp11, $4  }
.Ltmp12:
0x396: {  	_ = 	snop;
	(pc) =	sbr.rel @!p1 .LBB2_21-.Ltmp12, $4  }
0x397: {  	_ = 	snop  }
0x398: {  	[sflag:s9] =	ssyncset.done $0x0  }
0x399: {  	s12 =	simm.s32 $0x13880;
	[sflag:s9] =	ssyncadd.s32 $0xFFFFFD80  }
0x39a: {  	_ = 	snop  }
.LBB2_15:
.Ltmp13:
0x39b: {  	(pc) =	sbr.rel .LBB2_20-.Ltmp13, $4  }
0x39c: {  	_ = 	snop  }
0x39d: {  	s12 =	rddreg [dreg:$0xd]  }
0x39e: {  	s13 =	rddreg [dreg:$0xc]  }
0x39f: {  	s14 =	rddreg [dreg:$0xe]  }
.LBB2_17:
.Ltmp14:
0x3a0: {  	(pc) =	sbr.rel .LBB2_20-.Ltmp14, $2  }
0x3a1: {  	_ =	sdelay $0x2  }
0x3a2: {  	s14 =	rddreg [dreg:$0xe]  }
.LBB2_21:
0x3a3: {  	_ =	sfence.sel $0x180000  }
0x3a4: {  	[bflag:$0x0] =	sbarrier.arrive $0xFFFF  }
0x3a5: {  	_ =	strace $0x90000047  }
0x3a6: {  	s0 =	stileid.u32;
	[bflag:$0x2] =	sbarrier.arrive $0xFFFF  }
0x3a7: {  	p0 =	sne.s32 s0, $0x0;
	s0 =	rddreg [dreg:$0x3]  }
0x3a8: {  	s0 =	sadd.s32 @!p0 $0x100000, s0  }
0x3a9: {  	[sflag:s0] =	ssyncadd.tile.s32 @!p0 $0x1;
	_ =	shalt  }
.Lfunc_end2:
_tile_overlayer_lowered:
.L_overlay_start_2:
0x3aa: {  	(tag) =	ssettag $0x2  }
0x3ab: {  	s0 =	rddreg [dreg:$0x0];
	s2 =	stileid.u32  }
0x3ac: {  	s1 =	rddreg [dreg:$0x1];
	p0 =	sne.s32 s2, $0x0  }
0x3ad: {  	s3 =	rddreg [dreg:$0x2];
	[bflag:$0x3] =	sbarrier.arrive $0xFFFF;
	s2 =	simm.s32 @!p0 $0x1C05  }
0x3ae: {  	[timem:s3], [sflag:s2] =	dma.local @!p0 [hbm:s0], s1  }
0x3af: {  	s0 =	simm.s32 @!p0 $0x5  }
0x3b0: {  	_ =	swait.ge @!p0 [sflag:s0], s1  }
0x3b1: {  	s1 =	ssub.s32 @!p0 $0x0, s1;
	[sflag:s0] =	ssyncset.done @!p0 $0x0  }
0x3b2: {  	[sflag:s0] =	ssyncadd.s32 @!p0 s1  }
0x3b3: {  	[bflag:$0x3] =	sbarrier.arrive $0xFFFF  }
0x3b4: {  	_ =	shalt  }

</sc_bundles>
